<compile_context>
chip_gen: v7x
topology: tpu7x:2x2x1
jax: 0.10.2.dev20260603
libtpu: 0.0.44.dev20260713+nightly
codegen_flags: <defaults>
</compile_context>

<pallas_src>
import dataclasses
import functools

import jax
import jax.numpy as jnp
from jax import lax
from jax.experimental import pallas as pl
from jax.experimental.pallas import tpu as pltpu
from jax.experimental.pallas import tpu_sc as plsc

S = 16384
M = 768
E = 64
TOPK = 2
CAP = 512
TBLK = 256
NBLK = S // TBLK
PAD_ROWS = S + TBLK


def _router_tc_kernel(x_ref, wg_ref, tri_ref, xpad_ref, inv1_ref, inv2_ref,
                      c1_ref, me_ref, c2_scr):
    i = pl.program_id(0)

    @pl.when(i == 0)
    def _init():
        inv1_ref[...] = jnp.zeros((E, CAP), jnp.float32)
        inv2_ref[...] = jnp.zeros((E, CAP), jnp.float32)
        c1_ref[...] = jnp.zeros((1, E), jnp.float32)
        me_ref[...] = jnp.zeros((1, E), jnp.float32)
        c2_scr[...] = jnp.zeros((1, E), jnp.float32)

    @pl.when(i < NBLK)
    def _body():
        x = x_ref[...]
        xpad_ref[...] = x
        logits = lax.dot_general(
            x, wg_ref[...], (((1,), (1,)), ((), ())),
            preferred_element_type=jnp.float32)

        mx = jnp.max(logits, axis=1, keepdims=True)
        ex = jnp.exp(logits - mx)
        gates = ex / jnp.sum(ex, axis=1, keepdims=True)
        me_ref[...] += jnp.sum(gates, axis=0, keepdims=True)

        eids = lax.broadcasted_iota(jnp.int32, (TBLK, E), 1)
        top1 = jnp.argmax(logits, axis=1)
        m1 = (eids == top1[:, None]).astype(jnp.float32)
        masked = jnp.where(m1 > 0, -jnp.inf, logits)
        top2 = jnp.argmax(masked, axis=1)
        m2 = (eids == top2[:, None]).astype(jnp.float32)

        tri = tri_ref[...]
        cum1 = lax.dot_general(tri, m1.astype(jnp.bfloat16),
                               (((1,), (0,)), ((), ())),
                               preferred_element_type=jnp.float32)
        cum2 = lax.dot_general(tri, m2.astype(jnp.bfloat16),
                               (((1,), (0,)), ((), ())),
                               preferred_element_type=jnp.float32)

        rank1 = (jnp.sum(cum1 * m1, axis=1) - 1.0
                 + jnp.sum(c1_ref[...] * m1, axis=1)).astype(jnp.int32)
        rank2 = (jnp.sum(cum2 * m2, axis=1) - 1.0
                 + jnp.sum(c2_scr[...] * m2, axis=1)).astype(jnp.int32)

        cap_iota = lax.broadcasted_iota(jnp.int32, (TBLK, CAP), 1)
        q1 = (cap_iota == rank1[:, None]).astype(jnp.bfloat16)
        q2 = (cap_iota == rank2[:, None]).astype(jnp.bfloat16)
        tokp1 = (i * TBLK + 1
                 + lax.broadcasted_iota(jnp.int32, (TBLK, 1), 0))
        hi = (tokp1 // 128).astype(jnp.float32)
        lo = (tokp1 % 128).astype(jnp.float32)
        dn = (((0,), (0,)), ((), ()))
        a1h = (m1 * hi).astype(jnp.bfloat16)
        a1l = (m1 * lo).astype(jnp.bfloat16)
        a2h = (m2 * hi).astype(jnp.bfloat16)
        a2l = (m2 * lo).astype(jnp.bfloat16)
        s1h = lax.dot_general(a1h, q1, dn,
                              preferred_element_type=jnp.float32)
        s1l = lax.dot_general(a1l, q1, dn,
                              preferred_element_type=jnp.float32)
        s2h = lax.dot_general(a2h, q2, dn,
                              preferred_element_type=jnp.float32)
        s2l = lax.dot_general(a2l, q2, dn,
                              preferred_element_type=jnp.float32)
        inv1_ref[...] += s1h * 128.0 + s1l
        inv2_ref[...] += s2h * 128.0 + s2l

        c1_ref[...] += jnp.sum(m1, axis=0, keepdims=True)
        c2_scr[...] += jnp.sum(m2, axis=0, keepdims=True)

    @pl.when(i == NBLK)
    def _pad():
        xpad_ref[...] = jnp.zeros((TBLK, M), jnp.float32)


def _run_router(x, wg):
    return pl.pallas_call(
        _router_tc_kernel,
        grid=(NBLK + 1,),
        in_specs=[
            pl.BlockSpec((TBLK, M), lambda i: (jnp.minimum(i, NBLK - 1), 0)),
            pl.BlockSpec((E, M), lambda i: (0, 0)),
            pl.BlockSpec((TBLK, TBLK), lambda i: (0, 0)),
        ],
        out_specs=[
            pl.BlockSpec((TBLK, M), lambda i: (i, 0)),
            pl.BlockSpec((E, CAP), lambda i: (0, 0)),
            pl.BlockSpec((E, CAP), lambda i: (0, 0)),
            pl.BlockSpec((1, E), lambda i: (0, 0)),
            pl.BlockSpec((1, E), lambda i: (0, 0)),
        ],
        out_shape=[
            jax.ShapeDtypeStruct((PAD_ROWS, M), jnp.float32),
            jax.ShapeDtypeStruct((E, CAP), jnp.float32),
            jax.ShapeDtypeStruct((E, CAP), jnp.float32),
            jax.ShapeDtypeStruct((1, E), jnp.float32),
            jax.ShapeDtypeStruct((1, E), jnp.float32),
        ],
        scratch_shapes=[pltpu.VMEM((1, E), jnp.float32)],
    )(x, wg, _tri_const())


@functools.lru_cache(maxsize=1)
def _tri_const():
    import numpy as np
    return jnp.asarray(np.tril(np.ones((TBLK, TBLK), np.float32)),
                       dtype=jnp.bfloat16)


NW = 32
PER_W = E * CAP // NW
CH = 64
NCH = PER_W // CH
GCH = 128


def _sc_gather_kernel(xpad_hbm, inv1_hbm, inv2_hbm, c1_hbm, out_hbm,
                      idx_v, inv1_v, inv2_v, c1_v, buf0, buf1,
                      gsem0, gsem1, osem0, osem1):
    wid = lax.axis_index("s") * 2 + lax.axis_index("c")
    base = wid * PER_W
    e0 = wid * 2

    pltpu.sync_copy(inv1_hbm.at[pl.ds(e0 * CAP, 2 * CAP)], inv1_v)
    pltpu.sync_copy(inv2_hbm.at[pl.ds(e0 * CAP, 2 * CAP)], inv2_v)
    chunk0 = (e0 // 16) * 16
    pltpu.sync_copy(c1_hbm.at[pl.ds(chunk0, 16)], c1_v)

    lane = lax.iota(jnp.int32, 16)
    for el in range(2):
        c1b = plsc.load_gather(c1_v, [jnp.full((16,), e0 % 16 + el,
                                                jnp.int32)])
        for g in range(CAP // 16):
            c_vec = lane + 16 * g
            use2 = c_vec >= c1b
            pos2 = jnp.clip(c_vec - c1b, 0, CAP - 1) + el * CAP
            v1 = inv1_v[pl.ds(el * CAP + 16 * g, 16)]
            v2 = plsc.load_gather(inv2_v, [pos2])
            tok = jnp.where(use2, v2, v1)
            idx_v[pl.ds(el * CAP + 16 * g, 16)] = jnp.where(
                tok > 0, tok - 1, S)
    bufs = (buf0, buf1)
    gsems = (gsem0, gsem1)
    osems = (osem0, osem1)

    def fire_gather(c):
        return pltpu.async_copy(
            xpad_hbm.at[idx_v.at[pl.ds(c * CH, CH)]], bufs[c % 2],
            gsems[c % 2])

    def fire_out(c):
        return pltpu.async_copy(
            bufs[c % 2], out_hbm.at[pl.ds(base + c * CH, CH)], osems[c % 2])

    g = {0: fire_gather(0)}
    o = {}
    for c in range(NCH):
        if c >= 1:
            o[c - 1].wait()
        if c + 1 < NCH:
            g[c + 1] = fire_gather(c + 1)
        g[c].wait()
        o[c] = fire_out(c)
    o[NCH - 1].wait()


def _sc_compiler_params():
    cp = pltpu.CompilerParams()
    if "needs_layout_passes" in pltpu.CompilerParams.__dataclass_fields__:
        cp = dataclasses.replace(cp, needs_layout_passes=False)
    return cp


@functools.lru_cache(maxsize=1)
def _sc_gather():
    return pl.kernel(
        _sc_gather_kernel,
        out_type=jax.ShapeDtypeStruct((E * CAP, M), jnp.float32),
        mesh=plsc.VectorSubcoreMesh(core_axis_name="c", subcore_axis_name="s"),
        compiler_params=_sc_compiler_params(),
        scratch_types=[
            pltpu.VMEM((PER_W,), jnp.int32),
            pltpu.VMEM((2 * CAP,), jnp.int32),
            pltpu.VMEM((2 * CAP,), jnp.int32),
            pltpu.VMEM((16,), jnp.int32),
            pltpu.VMEM((CH, M), jnp.float32),
            pltpu.VMEM((CH, M), jnp.float32),
            pltpu.SemaphoreType.DMA,
            pltpu.SemaphoreType.DMA,
            pltpu.SemaphoreType.DMA,
            pltpu.SemaphoreType.DMA,
        ],
    )


def kernel(input, wg_weight):
    xpad, inv1f, inv2f, c1f, me = _run_router(input, wg_weight)

    inv1 = inv1f.astype(jnp.int32)
    inv2 = inv2f.astype(jnp.int32)
    c1 = c1f.astype(jnp.int32).reshape(E)

    dispatched = _sc_gather()(xpad, inv1.reshape(-1), inv2.reshape(-1),
                              c1).reshape(E, CAP, M)

    l_loss = jnp.sum(me[0] * c1f[0]) * (E / (S * S))
    return dispatched, l_loss

# --- scband reference (transcript-rebuilt; emitter-appended) ---
"""Pipeline reference for scband-top-kgate-14783277433021 (READ-ONLY COPY).

The authoritative reference and input builder live on the scoring server;
editing this copy changes nothing except your own understanding.
"""

import jax, jax.numpy as jnp
import numpy as np

MODEL_DIM = 768
NUM_EXPERTS = 64
TOP_K = 2
CAP_FACTOR = 1.0


def setup_inputs(seed: int = 0) -> dict:
    key = jax.random.key(seed)
    k1, k2 = jax.random.split(key)
    x = jax.random.normal(k1, (16384, MODEL_DIM), dtype=jnp.float32)
    wg_weight = jax.random.normal(k2, (NUM_EXPERTS, MODEL_DIM), dtype=jnp.float32) * 0.02
    return {"input": x, "wg_weight": wg_weight}


def reference(input, wg_weight):
    S, M = input.shape
    GE = wg_weight.shape[0]
    top_k = TOP_K
    # gate projection (no bias)
    logits = input @ wg_weight.T
    # top-k expert indices per token
    _, topk_idx = jax.lax.top_k(logits, top_k)
    gates = jax.nn.softmax(logits, axis=1)
    # one-hot masks per k (int dtype like original one_hot_with_dtype)
    masks_int = [jax.nn.one_hot(topk_idx[:, k], GE, dtype=jnp.int32) for k in range(top_k)]
    gates_s = [jnp.sum(gates * m.astype(gates.dtype), axis=1) for m in masks_int]
    # load balance loss (fp32 branch since gates are float32)
    me = jnp.sum(gates, axis=0)
    ce = jnp.sum(masks_int[0].astype(jnp.float32), axis=0)
    l_loss = jnp.sum(me * ce) * (GE / (S * S))
    # locations via cumsum-minus-one (fast_cumsum_sub_one)
    locations1 = jnp.cumsum(masks_int[0], axis=0) - 1
    locations_s = [jnp.sum(locations1 * masks_int[0], axis=1).astype(jnp.int32)]
    acc_base = jnp.sum(masks_int[0], axis=0, keepdims=True)
    locations2 = jnp.cumsum(masks_int[1], axis=0) - 1 + acc_base
    locations_s.append(jnp.sum(locations2 * masks_int[1], axis=1).astype(jnp.int32))
    # renormalize top-k gate scores
    denom = jnp.maximum(gates_s[0] + gates_s[1], jnp.finfo(jnp.float32).eps)
    gates_s = [g / denom for g in gates_s]
    # capacity and dispatch encode (is_postscore=True -> raw input scattered)
    capacity = top_k * int(CAP_FACTOR * ((S + GE - 1) // GE))
    dispatched = jnp.zeros((GE * capacity, M), dtype=input.dtype)
    for k in range(top_k):
        idx = topk_idx[:, k].astype(jnp.int32) * capacity + locations_s[k]
        valid = (locations_s[k] >= 0) & (locations_s[k] < capacity)
        idx = jnp.where(valid, idx, GE * capacity)  # out-of-range -> dropped token
        dispatched = dispatched.at[idx].add(input, mode='drop')
    dispatched = dispatched.reshape(GE, capacity, M)
    return dispatched, l_loss

if __name__ == "__main__":
    import jax
    _d = setup_inputs()
    print(jax.jit(kernel)(*tuple(_d.values())))

</pallas_src>

<mosaic_0001>
#map = affine_map<(d0, d1) -> (0, 0)>
#map1 = affine_map<(d0, d1) -> (0)>
module attributes {stable_mosaic.version = 14 : i64} {
  func.func @_sc_gather_kernel(%arg0: i32, %arg1: i32, %arg2: memref<16640x768xf32, #tpu.memory_space<hbm>>, %arg3: memref<32768xi32, #tpu.memory_space<hbm>>, %arg4: memref<32768xi32, #tpu.memory_space<hbm>>, %arg5: memref<64xi32, #tpu.memory_space<hbm>>, %arg6: memref<32768x768xf32, #tpu.memory_space<hbm>>, %arg7: memref<1024xi32, #tpu.memory_space<vmem>>, %arg8: memref<1024xi32, #tpu.memory_space<vmem>>, %arg9: memref<1024xi32, #tpu.memory_space<vmem>>, %arg10: memref<16xi32, #tpu.memory_space<vmem>>, %arg11: memref<64x768xf32, #tpu.memory_space<vmem>>, %arg12: memref<64x768xf32, #tpu.memory_space<vmem>>, %arg13: memref<!tpu.dma_semaphore, #tpu.memory_space<semaphore_mem>>, %arg14: memref<!tpu.dma_semaphore, #tpu.memory_space<semaphore_mem>>, %arg15: memref<!tpu.dma_semaphore, #tpu.memory_space<semaphore_mem>>, %arg16: memref<!tpu.dma_semaphore, #tpu.memory_space<semaphore_mem>>) attributes {dimension_semantics = [#tpu.dimension_semantics<core_parallel>, #tpu.dimension_semantics<subcore_parallel>], iteration_bounds = array<i64: 2, 16>, scalar_prefetch = 0 : i64, scratch_operands = 10 : i64, tpu.core_type = #tpu.core_type<sc_vector_subcore>, window_params = [{transform_indices = #map}, {transform_indices = #map1}, {transform_indices = #map1}, {transform_indices = #map1}, {transform_indices = #map}]} {
    %mul3A = arith.constant 2 : i32
    %mul3A_0 = arith.muli %arg1, %mul3A : i32
    %add3A = arith.addi %mul3A_0, %arg0 : i32
    %mul3A_1 = arith.constant 1024 : i32
    %mul3A_2 = arith.muli %add3A, %mul3A_1 : i32
    %mul3A_3 = arith.constant 2 : i32
    %mul3A_4 = arith.muli %add3A, %mul3A_3 : i32
    %mul3A_5 = arith.constant 512 : i32
    %mul3A_6 = arith.muli %mul3A_4, %mul3A_5 : i32
    "tpu.region"() ({
      %run_scoped3A = tpu.sem_alloc : memref<!tpu.dma_semaphore, #tpu.memory_space<semaphore_mem>>
      %dma_start3A_2231 = tpu.memref_slice %arg3[%mul3A_6] : memref<32768xi32, #tpu.memory_space<hbm>> -> memref<1024xi32, #tpu.memory_space<hbm>>
      %dma_start3A_2232 = tpu.memref_slice %arg3[%mul3A_6] : memref<32768xi32, #tpu.memory_space<hbm>> -> memref<1024xi32, #tpu.memory_space<hbm>>
      tpu.enqueue_dma source(%dma_start3A_2232 : memref<1024xi32, #tpu.memory_space<hbm>>) target(%arg8 : memref<1024xi32, #tpu.memory_space<vmem>>) target_semaphore(%run_scoped3A : memref<!tpu.dma_semaphore, #tpu.memory_space<semaphore_mem>>)
      %dma_wait3A_2233 = tpu.memref_slice %arg3[%mul3A_6] : memref<32768xi32, #tpu.memory_space<hbm>> -> memref<1024xi32, #tpu.memory_space<hbm>>
      %dma_wait3A_2234 = tpu.memref_slice %arg3[%mul3A_6] : memref<32768xi32, #tpu.memory_space<hbm>> -> memref<1024xi32, #tpu.memory_space<hbm>>
      tpu.wait_dma2 semaphore(%run_scoped3A : memref<!tpu.dma_semaphore, #tpu.memory_space<semaphore_mem>>) src(%dma_wait3A_2234 : memref<1024xi32, #tpu.memory_space<hbm>>) dst(%arg8 : memref<1024xi32, #tpu.memory_space<vmem>>)
      tpu.yield
    }) : () -> ()
    %mul3A_7 = arith.constant 512 : i32
    %mul3A_8 = arith.muli %mul3A_4, %mul3A_7 : i32
    "tpu.region"() ({
      %run_scoped3A = tpu.sem_alloc : memref<!tpu.dma_semaphore, #tpu.memory_space<semaphore_mem>>
      %dma_start3A_2231 = tpu.memref_slice %arg4[%mul3A_8] : memref<32768xi32, #tpu.memory_space<hbm>> -> memref<1024xi32, #tpu.memory_space<hbm>>
      %dma_start3A_2232 = tpu.memref_slice %arg4[%mul3A_8] : memref<32768xi32, #tpu.memory_space<hbm>> -> memref<1024xi32, #tpu.memory_space<hbm>>
      tpu.enqueue_dma source(%dma_start3A_2232 : memref<1024xi32, #tpu.memory_space<hbm>>) target(%arg9 : memref<1024xi32, #tpu.memory_space<vmem>>) target_semaphore(%run_scoped3A : memref<!tpu.dma_semaphore, #tpu.memory_space<semaphore_mem>>)
      %dma_wait3A_2233 = tpu.memref_slice %arg4[%mul3A_8] : memref<32768xi32, #tpu.memory_space<hbm>> -> memref<1024xi32, #tpu.memory_space<hbm>>
      %dma_wait3A_2234 = tpu.memref_slice %arg4[%mul3A_8] : memref<32768xi32, #tpu.memory_space<hbm>> -> memref<1024xi32, #tpu.memory_space<hbm>>
      tpu.wait_dma2 semaphore(%run_scoped3A : memref<!tpu.dma_semaphore, #tpu.memory_space<semaphore_mem>>) src(%dma_wait3A_2234 : memref<1024xi32, #tpu.memory_space<hbm>>) dst(%arg9 : memref<1024xi32, #tpu.memory_space<vmem>>)
      tpu.yield
    }) : () -> ()
    %jit3A = arith.constant 16 : i32
    %div3A = arith.divsi %mul3A_4, %jit3A : i32
    %sign3A = arith.constant 0 : i32
    %sign3A_9 = arith.cmpi sgt, %mul3A_4, %sign3A : i32
    %sign3A_10 = arith.extui %sign3A_9 : i1 to i32
    %sign3A_11 = arith.constant 0 : i32
    %sign3A_12 = arith.cmpi slt, %mul3A_4, %sign3A_11 : i32
    %sign3A_13 = arith.extui %sign3A_12 : i1 to i32
    %sign3A_14 = arith.subi %sign3A_10, %sign3A_13 : i32
    %sign3A_15 = arith.constant 0 : i32
    %sign3A_16 = arith.cmpi sgt, %jit3A, %sign3A_15 : i32
    %sign3A_17 = arith.extui %sign3A_16 : i1 to i32
    %sign3A_18 = arith.constant 0 : i32
    %sign3A_19 = arith.cmpi slt, %jit3A, %sign3A_18 : i32
    %sign3A_20 = arith.extui %sign3A_19 : i1 to i32
    %sign3A_21 = arith.subi %sign3A_17, %sign3A_20 : i32
    %ne3A = arith.cmpi ne, %sign3A_14, %sign3A_21 : i32
    %rem3A = arith.remsi %mul3A_4, %jit3A : i32
    %ne3A_22 = arith.constant 0 : i32
    %ne3A_23 = arith.cmpi ne, %rem3A, %ne3A_22 : i32
    %and3A = arith.andi %ne3A, %ne3A_23 : i1
    %sub3A = arith.constant 1 : i32
    %sub3A_24 = arith.subi %div3A, %sub3A : i32
    %select_n3A = arith.select %and3A, %sub3A_24, %div3A : i32
    %mul3A_25 = arith.constant 16 : i32
    %mul3A_26 = arith.muli %select_n3A, %mul3A_25 : i32
    "tpu.region"() ({
      %run_scoped3A = tpu.sem_alloc : memref<!tpu.dma_semaphore, #tpu.memory_space<semaphore_mem>>
      %dma_start3A_2231 = tpu.memref_slice %arg5[%mul3A_26] : memref<64xi32, #tpu.memory_space<hbm>> -> memref<16xi32, #tpu.memory_space<hbm>>
      %dma_start3A_2232 = tpu.memref_slice %arg5[%mul3A_26] : memref<64xi32, #tpu.memory_space<hbm>> -> memref<16xi32, #tpu.memory_space<hbm>>
      tpu.enqueue_dma source(%dma_start3A_2232 : memref<16xi32, #tpu.memory_space<hbm>>) target(%arg10 : memref<16xi32, #tpu.memory_space<vmem>>) target_semaphore(%run_scoped3A : memref<!tpu.dma_semaphore, #tpu.memory_space<semaphore_mem>>)
      %dma_wait3A_2233 = tpu.memref_slice %arg5[%mul3A_26] : memref<64xi32, #tpu.memory_space<hbm>> -> memref<16xi32, #tpu.memory_space<hbm>>
      %dma_wait3A_2234 = tpu.memref_slice %arg5[%mul3A_26] : memref<64xi32, #tpu.memory_space<hbm>> -> memref<16xi32, #tpu.memory_space<hbm>>
      tpu.wait_dma2 semaphore(%run_scoped3A : memref<!tpu.dma_semaphore, #tpu.memory_space<semaphore_mem>>) src(%dma_wait3A_2234 : memref<16xi32, #tpu.memory_space<hbm>>) dst(%arg10 : memref<16xi32, #tpu.memory_space<vmem>>)
      tpu.yield
    }) : () -> ()
    %iota3A = tpu.iota {dimensions = array<i32: 0>} : vector<16xi32>
    %jit3A_27 = arith.constant 16 : i32
    %eq3A = arith.constant 0 : i32
    %eq3A_28 = arith.cmpi eq, %jit3A_27, %eq3A : i32
    %jit3A_29 = arith.constant 1 : i32
    %select_n3A_30 = arith.select %eq3A_28, %jit3A_29, %jit3A_27 : i32
    %rem3A_31 = arith.remsi %mul3A_4, %select_n3A_30 : i32
    %ne3A_32 = arith.constant 0 : i32
    %ne3A_33 = arith.cmpi ne, %rem3A_31, %ne3A_32 : i32
    %lt3A = arith.constant 0 : i32
    %lt3A_34 = arith.cmpi slt, %rem3A_31, %lt3A : i32
    %lt3A_35 = arith.constant 0 : i32
    %lt3A_36 = arith.cmpi slt, %select_n3A_30, %lt3A_35 : i32
    %ne3A_37 = arith.xori %lt3A_34, %lt3A_36 : i1
    %and3A_38 = arith.andi %ne3A_37, %ne3A_33 : i1
    %add3A_39 = arith.addi %rem3A_31, %select_n3A_30 : i32
    %select_n3A_40 = arith.select %and3A_38, %add3A_39, %rem3A_31 : i32
    %add3A_41 = arith.constant 0 : i32
    %add3A_42 = arith.addi %select_n3A_40, %add3A_41 : i32
    %broadcast_in_dim3A = vector.broadcast %add3A_42 : i32 to vector<16xi32>
    %gather3A = tpu.vector_load_idx %arg10[%broadcast_in_dim3A] : memref<16xi32, #tpu.memory_space<vmem>>[vector<16xi32>], vector<16xi32>,
    %add3A_43 = arith.constant 0 : i32
    %add3A_44 = vector.broadcast %add3A_43 : i32 to vector<16xi32>
    %add3A_45 = arith.addi %iota3A, %add3A_44 : vector<16xi32>
    %ge3A = arith.cmpi sge, %add3A_45, %gather3A : vector<16xi32>
    %sub3A_46 = arith.subi %add3A_45, %gather3A : vector<16xi32>
    %jit3A_47 = arith.constant 0 : i32
    %jit3A_48 = arith.constant 511 : i32
    %max3A = vector.broadcast %jit3A_47 : i32 to vector<16xi32>
    %max3A_49 = arith.maxsi %max3A, %sub3A_46 : vector<16xi32>
    %min3A = vector.broadcast %jit3A_48 : i32 to vector<16xi32>
    %min3A_50 = arith.minsi %min3A, %max3A_49 : vector<16xi32>
    %add3A_51 = arith.constant 0 : i32
    %add3A_52 = vector.broadcast %add3A_51 : i32 to vector<16xi32>
    %add3A_53 = arith.addi %min3A_50, %add3A_52 : vector<16xi32>
    %get3A = arith.constant 0 : index
    %get3A_54 = tpu.vector_load %arg8[%get3A] {strides = array<i32>} : memref<1024xi32, #tpu.memory_space<vmem>>, vector<16xi32>,
    %gather3A_55 = tpu.vector_load_idx %arg9[%add3A_53] : memref<1024xi32, #tpu.memory_space<vmem>>[vector<16xi32>], vector<16xi32>,
    %select_n3A_56 = arith.select %ge3A, %gather3A_55, %get3A_54 : vector<16xi1>, vector<16xi32>
    %gt3A = arith.constant 0 : i32
    %gt3A_57 = vector.broadcast %gt3A : i32 to vector<16xi32>
    %gt3A_58 = arith.cmpi sgt, %select_n3A_56, %gt3A_57 : vector<16xi32>
    %sub3A_59 = arith.constant 1 : i32
    %sub3A_60 = vector.broadcast %sub3A_59 : i32 to vector<16xi32>
    %sub3A_61 = arith.subi %select_n3A_56, %sub3A_60 : vector<16xi32>
    %jit3A_62 = arith.constant 16384 : i32
    %broadcast_in_dim3A_63 = vector.broadcast %jit3A_62 : i32 to vector<16xi32>
    %select_n3A_64 = arith.select %gt3A_58, %sub3A_61, %broadcast_in_dim3A_63 : vector<16xi1>, vector<16xi32>
    %swap3A = arith.constant 0 : index
    %swap3A_65 = tpu.vector_load %arg7[%swap3A] {strides = array<i32>} : memref<1024xi32, #tpu.memory_space<vmem>>, vector<16xi32>,
    tpu.vector_store %arg7[%swap3A], %select_n3A_64 {strides = array<i32>} : memref<1024xi32, #tpu.memory_space<vmem>>, vector<16xi32>,
    %add3A_66 = arith.constant 16 : i32
    %add3A_67 = vector.broadcast %add3A_66 : i32 to vector<16xi32>
    %add3A_68 = arith.addi %iota3A, %add3A_67 : vector<16xi32>
    %ge3A_69 = arith.cmpi sge, %add3A_68, %gather3A : vector<16xi32>
    %sub3A_70 = arith.subi %add3A_68, %gather3A : vector<16xi32>
    %jit3A_71 = arith.constant 0 : i32
    %jit3A_72 = arith.constant 511 : i32
    %max3A_73 = vector.broadcast %jit3A_71 : i32 to vector<16xi32>
    %max3A_74 = arith.maxsi %max3A_73, %sub3A_70 : vector<16xi32>
    %min3A_75 = vector.broadcast %jit3A_72 : i32 to vector<16xi32>
    %min3A_76 = arith.minsi %min3A_75, %max3A_74 : vector<16xi32>
    %add3A_77 = arith.constant 0 : i32
    %add3A_78 = vector.broadcast %add3A_77 : i32 to vector<16xi32>
    %add3A_79 = arith.addi %min3A_76, %add3A_78 : vector<16xi32>
    %get3A_80 = arith.constant 16 : index
    %get3A_81 = tpu.vector_load %arg8[%get3A_80] {strides = array<i32>} : memref<1024xi32, #tpu.memory_space<vmem>>, vector<16xi32>,
    %gather3A_82 = tpu.vector_load_idx %arg9[%add3A_79] : memref<1024xi32, #tpu.memory_space<vmem>>[vector<16xi32>], vector<16xi32>,
    %select_n3A_83 = arith.select %ge3A_69, %gather3A_82, %get3A_81 : vector<16xi1>, vector<16xi32>
    %gt3A_84 = arith.constant 0 : i32
    %gt3A_85 = vector.broadcast %gt3A_84 : i32 to vector<16xi32>
    %gt3A_86 = arith.cmpi sgt, %select_n3A_83, %gt3A_85 : vector<16xi32>
    %sub3A_87 = arith.constant 1 : i32
    %sub3A_88 = vector.broadcast %sub3A_87 : i32 to vector<16xi32>
    %sub3A_89 = arith.subi %select_n3A_83, %sub3A_88 : vector<16xi32>
    %jit3A_90 = arith.constant 16384 : i32
    %broadcast_in_dim3A_91 = vector.broadcast %jit3A_90 : i32 to vector<16xi32>
    %select_n3A_92 = arith.select %gt3A_86, %sub3A_89, %broadcast_in_dim3A_91 : vector<16xi1>, vector<16xi32>
    %swap3A_93 = arith.constant 16 : index
    %swap3A_94 = tpu.vector_load %arg7[%swap3A_93] {strides = array<i32>} : memref<1024xi32, #tpu.memory_space<vmem>>, vector<16xi32>,
    tpu.vector_store %arg7[%swap3A_93], %select_n3A_92 {strides = array<i32>} : memref<1024xi32, #tpu.memory_space<vmem>>, vector<16xi32>,
    %add3A_95 = arith.constant 32 : i32
    %add3A_96 = vector.broadcast %add3A_95 : i32 to vector<16xi32>
    %add3A_97 = arith.addi %iota3A, %add3A_96 : vector<16xi32>
    %ge3A_98 = arith.cmpi sge, %add3A_97, %gather3A : vector<16xi32>
    %sub3A_99 = arith.subi %add3A_97, %gather3A : vector<16xi32>
    %jit3A_100 = arith.constant 0 : i32
    %jit3A_101 = arith.constant 511 : i32
    %max3A_102 = vector.broadcast %jit3A_100 : i32 to vector<16xi32>
    %max3A_103 = arith.maxsi %max3A_102, %sub3A_99 : vector<16xi32>
    %min3A_104 = vector.broadcast %jit3A_101 : i32 to vector<16xi32>
    %min3A_105 = arith.minsi %min3A_104, %max3A_103 : vector<16xi32>
    %add3A_106 = arith.constant 0 : i32
    %add3A_107 = vector.broadcast %add3A_106 : i32 to vector<16xi32>
    %add3A_108 = arith.addi %min3A_105, %add3A_107 : vector<16xi32>
    %get3A_109 = arith.constant 32 : index
    %get3A_110 = tpu.vector_load %arg8[%get3A_109] {strides = array<i32>} : memref<1024xi32, #tpu.memory_space<vmem>>, vector<16xi32>,
    %gather3A_111 = tpu.vector_load_idx %arg9[%add3A_108] : memref<1024xi32, #tpu.memory_space<vmem>>[vector<16xi32>], vector<16xi32>,
    %select_n3A_112 = arith.select %ge3A_98, %gather3A_111, %get3A_110 : vector<16xi1>, vector<16xi32>
    %gt3A_113 = arith.constant 0 : i32
    %gt3A_114 = vector.broadcast %gt3A_113 : i32 to vector<16xi32>
    %gt3A_115 = arith.cmpi sgt, %select_n3A_112, %gt3A_114 : vector<16xi32>
    %sub3A_116 = arith.constant 1 : i32
    %sub3A_117 = vector.broadcast %sub3A_116 : i32 to vector<16xi32>
    %sub3A_118 = arith.subi %select_n3A_112, %sub3A_117 : vector<16xi32>
    %jit3A_119 = arith.constant 16384 : i32
    %broadcast_in_dim3A_120 = vector.broadcast %jit3A_119 : i32 to vector<16xi32>
    %select_n3A_121 = arith.select %gt3A_115, %sub3A_118, %broadcast_in_dim3A_120 : vector<16xi1>, vector<16xi32>
    %swap3A_122 = arith.constant 32 : index
    %swap3A_123 = tpu.vector_load %arg7[%swap3A_122] {strides = array<i32>} : memref<1024xi32, #tpu.memory_space<vmem>>, vector<16xi32>,
    tpu.vector_store %arg7[%swap3A_122], %select_n3A_121 {strides = array<i32>} : memref<1024xi32, #tpu.memory_space<vmem>>, vector<16xi32>,
    %add3A_124 = arith.constant 48 : i32
    %add3A_125 = vector.broadcast %add3A_124 : i32 to vector<16xi32>
    %add3A_126 = arith.addi %iota3A, %add3A_125 : vector<16xi32>
    %ge3A_127 = arith.cmpi sge, %add3A_126, %gather3A : vector<16xi32>
    %sub3A_128 = arith.subi %add3A_126, %gather3A : vector<16xi32>
    %jit3A_129 = arith.constant 0 : i32
    %jit3A_130 = arith.constant 511 : i32
    %max3A_131 = vector.broadcast %jit3A_129 : i32 to vector<16xi32>
    %max3A_132 = arith.maxsi %max3A_131, %sub3A_128 : vector<16xi32>
    %min3A_133 = vector.broadcast %jit3A_130 : i32 to vector<16xi32>
    %min3A_134 = arith.minsi %min3A_133, %max3A_132 : vector<16xi32>
    %add3A_135 = arith.constant 0 : i32
    %add3A_136 = vector.broadcast %add3A_135 : i32 to vector<16xi32>
    %add3A_137 = arith.addi %min3A_134, %add3A_136 : vector<16xi32>
    %get3A_138 = arith.constant 48 : index
    %get3A_139 = tpu.vector_load %arg8[%get3A_138] {strides = array<i32>} : memref<1024xi32, #tpu.memory_space<vmem>>, vector<16xi32>,
    %gather3A_140 = tpu.vector_load_idx %arg9[%add3A_137] : memref<1024xi32, #tpu.memory_space<vmem>>[vector<16xi32>], vector<16xi32>,
    %select_n3A_141 = arith.select %ge3A_127, %gather3A_140, %get3A_139 : vector<16xi1>, vector<16xi32>
    %gt3A_142 = arith.constant 0 : i32
    %gt3A_143 = vector.broadcast %gt3A_142 : i32 to vector<16xi32>
    %gt3A_144 = arith.cmpi sgt, %select_n3A_141, %gt3A_143 : vector<16xi32>
    %sub3A_145 = arith.constant 1 : i32
    %sub3A_146 = vector.broadcast %sub3A_145 : i32 to vector<16xi32>
    %sub3A_147 = arith.subi %select_n3A_141, %sub3A_146 : vector<16xi32>
    %jit3A_148 = arith.constant 16384 : i32
    %broadcast_in_dim3A_149 = vector.broadcast %jit3A_148 : i32 to vector<16xi32>
    %select_n3A_150 = arith.select %gt3A_144, %sub3A_147, %broadcast_in_dim3A_149 : vector<16xi1>, vector<16xi32>
    %swap3A_151 = arith.constant 48 : index
    %swap3A_152 = tpu.vector_load %arg7[%swap3A_151] {strides = array<i32>} : memref<1024xi32, #tpu.memory_space<vmem>>, vector<16xi32>,
    tpu.vector_store %arg7[%swap3A_151], %select_n3A_150 {strides = array<i32>} : memref<1024xi32, #tpu.memory_space<vmem>>, vector<16xi32>,
    %add3A_153 = arith.constant 64 : i32
    %add3A_154 = vector.broadcast %add3A_153 : i32 to vector<16xi32>
    %add3A_155 = arith.addi %iota3A, %add3A_154 : vector<16xi32>
    %ge3A_156 = arith.cmpi sge, %add3A_155, %gather3A : vector<16xi32>
    %sub3A_157 = arith.subi %add3A_155, %gather3A : vector<16xi32>
    %jit3A_158 = arith.constant 0 : i32
    %jit3A_159 = arith.constant 511 : i32
    %max3A_160 = vector.broadcast %jit3A_158 : i32 to vector<16xi32>
    %max3A_161 = arith.maxsi %max3A_160, %sub3A_157 : vector<16xi32>
    %min3A_162 = vector.broadcast %jit3A_159 : i32 to vector<16xi32>
    %min3A_163 = arith.minsi %min3A_162, %max3A_161 : vector<16xi32>
    %add3A_164 = arith.constant 0 : i32
    %add3A_165 = vector.broadcast %add3A_164 : i32 to vector<16xi32>
    %add3A_166 = arith.addi %min3A_163, %add3A_165 : vector<16xi32>
    %get3A_167 = arith.constant 64 : index
    %get3A_168 = tpu.vector_load %arg8[%get3A_167] {strides = array<i32>} : memref<1024xi32, #tpu.memory_space<vmem>>, vector<16xi32>,
    %gather3A_169 = tpu.vector_load_idx %arg9[%add3A_166] : memref<1024xi32, #tpu.memory_space<vmem>>[vector<16xi32>], vector<16xi32>,
    %select_n3A_170 = arith.select %ge3A_156, %gather3A_169, %get3A_168 : vector<16xi1>, vector<16xi32>
    %gt3A_171 = arith.constant 0 : i32
    %gt3A_172 = vector.broadcast %gt3A_171 : i32 to vector<16xi32>
    %gt3A_173 = arith.cmpi sgt, %select_n3A_170, %gt3A_172 : vector<16xi32>
    %sub3A_174 = arith.constant 1 : i32
    %sub3A_175 = vector.broadcast %sub3A_174 : i32 to vector<16xi32>
    %sub3A_176 = arith.subi %select_n3A_170, %sub3A_175 : vector<16xi32>
    %jit3A_177 = arith.constant 16384 : i32
    %broadcast_in_dim3A_178 = vector.broadcast %jit3A_177 : i32 to vector<16xi32>
    %select_n3A_179 = arith.select %gt3A_173, %sub3A_176, %broadcast_in_dim3A_178 : vector<16xi1>, vector<16xi32>
    %swap3A_180 = arith.constant 64 : index
    %swap3A_181 = tpu.vector_load %arg7[%swap3A_180] {strides = array<i32>} : memref<1024xi32, #tpu.memory_space<vmem>>, vector<16xi32>,
    tpu.vector_store %arg7[%swap3A_180], %select_n3A_179 {strides = array<i32>} : memref<1024xi32, #tpu.memory_space<vmem>>, vector<16xi32>,
    %add3A_182 = arith.constant 80 : i32
    %add3A_183 = vector.broadcast %add3A_182 : i32 to vector<16xi32>
    %add3A_184 = arith.addi %iota3A, %add3A_183 : vector<16xi32>
    %ge3A_185 = arith.cmpi sge, %add3A_184, %gather3A : vector<16xi32>
    %sub3A_186 = arith.subi %add3A_184, %gather3A : vector<16xi32>
    %jit3A_187 = arith.constant 0 : i32
    %jit3A_188 = arith.constant 511 : i32
    %max3A_189 = vector.broadcast %jit3A_187 : i32 to vector<16xi32>
    %max3A_190 = arith.maxsi %max3A_189, %sub3A_186 : vector<16xi32>
    %min3A_191 = vector.broadcast %jit3A_188 : i32 to vector<16xi32>
    %min3A_192 = arith.minsi %min3A_191, %max3A_190 : vector<16xi32>
    %add3A_193 = arith.constant 0 : i32
    %add3A_194 = vector.broadcast %add3A_193 : i32 to vector<16xi32>
    %add3A_195 = arith.addi %min3A_192, %add3A_194 : vector<16xi32>
    %get3A_196 = arith.constant 80 : index
    %get3A_197 = tpu.vector_load %arg8[%get3A_196] {strides = array<i32>} : memref<1024xi32, #tpu.memory_space<vmem>>, vector<16xi32>,
    %gather3A_198 = tpu.vector_load_idx %arg9[%add3A_195] : memref<1024xi32, #tpu.memory_space<vmem>>[vector<16xi32>], vector<16xi32>,
    %select_n3A_199 = arith.select %ge3A_185, %gather3A_198, %get3A_197 : vector<16xi1>, vector<16xi32>
    %gt3A_200 = arith.constant 0 : i32
    %gt3A_201 = vector.broadcast %gt3A_200 : i32 to vector<16xi32>
    %gt3A_202 = arith.cmpi sgt, %select_n3A_199, %gt3A_201 : vector<16xi32>
    %sub3A_203 = arith.constant 1 : i32
    %sub3A_204 = vector.broadcast %sub3A_203 : i32 to vector<16xi32>
    %sub3A_205 = arith.subi %select_n3A_199, %sub3A_204 : vector<16xi32>
    %jit3A_206 = arith.constant 16384 : i32
    %broadcast_in_dim3A_207 = vector.broadcast %jit3A_206 : i32 to vector<16xi32>
    %select_n3A_208 = arith.select %gt3A_202, %sub3A_205, %broadcast_in_dim3A_207 : vector<16xi1>, vector<16xi32>
    %swap3A_209 = arith.constant 80 : index
    %swap3A_210 = tpu.vector_load %arg7[%swap3A_209] {strides = array<i32>} : memref<1024xi32, #tpu.memory_space<vmem>>, vector<16xi32>,
    tpu.vector_store %arg7[%swap3A_209], %select_n3A_208 {strides = array<i32>} : memref<1024xi32, #tpu.memory_space<vmem>>, vector<16xi32>,
    %add3A_211 = arith.constant 96 : i32
    %add3A_212 = vector.broadcast %add3A_211 : i32 to vector<16xi32>
    %add3A_213 = arith.addi %iota3A, %add3A_212 : vector<16xi32>
    %ge3A_214 = arith.cmpi sge, %add3A_213, %gather3A : vector<16xi32>
    %sub3A_215 = arith.subi %add3A_213, %gather3A : vector<16xi32>
    %jit3A_216 = arith.constant 0 : i32
    %jit3A_217 = arith.constant 511 : i32
    %max3A_218 = vector.broadcast %jit3A_216 : i32 to vector<16xi32>
    %max3A_219 = arith.maxsi %max3A_218, %sub3A_215 : vector<16xi32>
    %min3A_220 = vector.broadcast %jit3A_217 : i32 to vector<16xi32>
    %min3A_221 = arith.minsi %min3A_220, %max3A_219 : vector<16xi32>
    %add3A_222 = arith.constant 0 : i32
    %add3A_223 = vector.broadcast %add3A_222 : i32 to vector<16xi32>
    %add3A_224 = arith.addi %min3A_221, %add3A_223 : vector<16xi32>
    %get3A_225 = arith.constant 96 : index
    %get3A_226 = tpu.vector_load %arg8[%get3A_225] {strides = array<i32>} : memref<1024xi32, #tpu.memory_space<vmem>>, vector<16xi32>,
    %gather3A_227 = tpu.vector_load_idx %arg9[%add3A_224] : memref<1024xi32, #tpu.memory_space<vmem>>[vector<16xi32>], vector<16xi32>,
    %select_n3A_228 = arith.select %ge3A_214, %gather3A_227, %get3A_226 : vector<16xi1>, vector<16xi32>
    %gt3A_229 = arith.constant 0 : i32
    %gt3A_230 = vector.broadcast %gt3A_229 : i32 to vector<16xi32>
    %gt3A_231 = arith.cmpi sgt, %select_n3A_228, %gt3A_230 : vector<16xi32>
    %sub3A_232 = arith.constant 1 : i32
    %sub3A_233 = vector.broadcast %sub3A_232 : i32 to vector<16xi32>
    %sub3A_234 = arith.subi %select_n3A_228, %sub3A_233 : vector<16xi32>
    %jit3A_235 = arith.constant 16384 : i32
    %broadcast_in_dim3A_236 = vector.broadcast %jit3A_235 : i32 to vector<16xi32>
    %select_n3A_237 = arith.select %gt3A_231, %sub3A_234, %broadcast_in_dim3A_236 : vector<16xi1>, vector<16xi32>
    %swap3A_238 = arith.constant 96 : index
    %swap3A_239 = tpu.vector_load %arg7[%swap3A_238] {strides = array<i32>} : memref<1024xi32, #tpu.memory_space<vmem>>, vector<16xi32>,
    tpu.vector_store %arg7[%swap3A_238], %select_n3A_237 {strides = array<i32>} : memref<1024xi32, #tpu.memory_space<vmem>>, vector<16xi32>,
    %add3A_240 = arith.constant 112 : i32
    %add3A_241 = vector.broadcast %add3A_240 : i32 to vector<16xi32>
    %add3A_242 = arith.addi %iota3A, %add3A_241 : vector<16xi32>
    %ge3A_243 = arith.cmpi sge, %add3A_242, %gather3A : vector<16xi32>
    %sub3A_244 = arith.subi %add3A_242, %gather3A : vector<16xi32>
    %jit3A_245 = arith.constant 0 : i32
    %jit3A_246 = arith.constant 511 : i32
    %max3A_247 = vector.broadcast %jit3A_245 : i32 to vector<16xi32>
    %max3A_248 = arith.maxsi %max3A_247, %sub3A_244 : vector<16xi32>
    %min3A_249 = vector.broadcast %jit3A_246 : i32 to vector<16xi32>
    %min3A_250 = arith.minsi %min3A_249, %max3A_248 : vector<16xi32>
    %add3A_251 = arith.constant 0 : i32
    %add3A_252 = vector.broadcast %add3A_251 : i32 to vector<16xi32>
    %add3A_253 = arith.addi %min3A_250, %add3A_252 : vector<16xi32>
    %get3A_254 = arith.constant 112 : index
    %get3A_255 = tpu.vector_load %arg8[%get3A_254] {strides = array<i32>} : memref<1024xi32, #tpu.memory_space<vmem>>, vector<16xi32>,
    %gather3A_256 = tpu.vector_load_idx %arg9[%add3A_253] : memref<1024xi32, #tpu.memory_space<vmem>>[vector<16xi32>], vector<16xi32>,
    %select_n3A_257 = arith.select %ge3A_243, %gather3A_256, %get3A_255 : vector<16xi1>, vector<16xi32>
    %gt3A_258 = arith.constant 0 : i32
    %gt3A_259 = vector.broadcast %gt3A_258 : i32 to vector<16xi32>
    %gt3A_260 = arith.cmpi sgt, %select_n3A_257, %gt3A_259 : vector<16xi32>
    %sub3A_261 = arith.constant 1 : i32
    %sub3A_262 = vector.broadcast %sub3A_261 : i32 to vector<16xi32>
    %sub3A_263 = arith.subi %select_n3A_257, %sub3A_262 : vector<16xi32>
    %jit3A_264 = arith.constant 16384 : i32
    %broadcast_in_dim3A_265 = vector.broadcast %jit3A_264 : i32 to vector<16xi32>
    %select_n3A_266 = arith.select %gt3A_260, %sub3A_263, %broadcast_in_dim3A_265 : vector<16xi1>, vector<16xi32>
    %swap3A_267 = arith.constant 112 : index
    %swap3A_268 = tpu.vector_load %arg7[%swap3A_267] {strides = array<i32>} : memref<1024xi32, #tpu.memory_space<vmem>>, vector<16xi32>,
    tpu.vector_store %arg7[%swap3A_267], %select_n3A_266 {strides = array<i32>} : memref<1024xi32, #tpu.memory_space<vmem>>, vector<16xi32>,
    %add3A_269 = arith.constant 128 : i32
    %add3A_270 = vector.broadcast %add3A_269 : i32 to vector<16xi32>
    %add3A_271 = arith.addi %iota3A, %add3A_270 : vector<16xi32>
    %ge3A_272 = arith.cmpi sge, %add3A_271, %gather3A : vector<16xi32>
    %sub3A_273 = arith.subi %add3A_271, %gather3A : vector<16xi32>
    %jit3A_274 = arith.constant 0 : i32
    %jit3A_275 = arith.constant 511 : i32
    %max3A_276 = vector.broadcast %jit3A_274 : i32 to vector<16xi32>
    %max3A_277 = arith.maxsi %max3A_276, %sub3A_273 : vector<16xi32>
    %min3A_278 = vector.broadcast %jit3A_275 : i32 to vector<16xi32>
    %min3A_279 = arith.minsi %min3A_278, %max3A_277 : vector<16xi32>
    %add3A_280 = arith.constant 0 : i32
    %add3A_281 = vector.broadcast %add3A_280 : i32 to vector<16xi32>
    %add3A_282 = arith.addi %min3A_279, %add3A_281 : vector<16xi32>
    %get3A_283 = arith.constant 128 : index
    %get3A_284 = tpu.vector_load %arg8[%get3A_283] {strides = array<i32>} : memref<1024xi32, #tpu.memory_space<vmem>>, vector<16xi32>,
    %gather3A_285 = tpu.vector_load_idx %arg9[%add3A_282] : memref<1024xi32, #tpu.memory_space<vmem>>[vector<16xi32>], vector<16xi32>,
    %select_n3A_286 = arith.select %ge3A_272, %gather3A_285, %get3A_284 : vector<16xi1>, vector<16xi32>
    %gt3A_287 = arith.constant 0 : i32
    %gt3A_288 = vector.broadcast %gt3A_287 : i32 to vector<16xi32>
    %gt3A_289 = arith.cmpi sgt, %select_n3A_286, %gt3A_288 : vector<16xi32>
    %sub3A_290 = arith.constant 1 : i32
    %sub3A_291 = vector.broadcast %sub3A_290 : i32 to vector<16xi32>
    %sub3A_292 = arith.subi %select_n3A_286, %sub3A_291 : vector<16xi32>
    %jit3A_293 = arith.constant 16384 : i32
    %broadcast_in_dim3A_294 = vector.broadcast %jit3A_293 : i32 to vector<16xi32>
    %select_n3A_295 = arith.select %gt3A_289, %sub3A_292, %broadcast_in_dim3A_294 : vector<16xi1>, vector<16xi32>
    %swap3A_296 = arith.constant 128 : index
    %swap3A_297 = tpu.vector_load %arg7[%swap3A_296] {strides = array<i32>} : memref<1024xi32, #tpu.memory_space<vmem>>, vector<16xi32>,
    tpu.vector_store %arg7[%swap3A_296], %select_n3A_295 {strides = array<i32>} : memref<1024xi32, #tpu.memory_space<vmem>>, vector<16xi32>,
    %add3A_298 = arith.constant 144 : i32
    %add3A_299 = vector.broadcast %add3A_298 : i32 to vector<16xi32>
    %add3A_300 = arith.addi %iota3A, %add3A_299 : vector<16xi32>
    %ge3A_301 = arith.cmpi sge, %add3A_300, %gather3A : vector<16xi32>
    %sub3A_302 = arith.subi %add3A_300, %gather3A : vector<16xi32>
    %jit3A_303 = arith.constant 0 : i32
    %jit3A_304 = arith.constant 511 : i32
    %max3A_305 = vector.broadcast %jit3A_303 : i32 to vector<16xi32>
    %max3A_306 = arith.maxsi %max3A_305, %sub3A_302 : vector<16xi32>
    %min3A_307 = vector.broadcast %jit3A_304 : i32 to vector<16xi32>
    %min3A_308 = arith.minsi %min3A_307, %max3A_306 : vector<16xi32>
    %add3A_309 = arith.constant 0 : i32
    %add3A_310 = vector.broadcast %add3A_309 : i32 to vector<16xi32>
    %add3A_311 = arith.addi %min3A_308, %add3A_310 : vector<16xi32>
    %get3A_312 = arith.constant 144 : index
    %get3A_313 = tpu.vector_load %arg8[%get3A_312] {strides = array<i32>} : memref<1024xi32, #tpu.memory_space<vmem>>, vector<16xi32>,
    %gather3A_314 = tpu.vector_load_idx %arg9[%add3A_311] : memref<1024xi32, #tpu.memory_space<vmem>>[vector<16xi32>], vector<16xi32>,
    %select_n3A_315 = arith.select %ge3A_301, %gather3A_314, %get3A_313 : vector<16xi1>, vector<16xi32>
    %gt3A_316 = arith.constant 0 : i32
    %gt3A_317 = vector.broadcast %gt3A_316 : i32 to vector<16xi32>
    %gt3A_318 = arith.cmpi sgt, %select_n3A_315, %gt3A_317 : vector<16xi32>
    %sub3A_319 = arith.constant 1 : i32
    %sub3A_320 = vector.broadcast %sub3A_319 : i32 to vector<16xi32>
    %sub3A_321 = arith.subi %select_n3A_315, %sub3A_320 : vector<16xi32>
    %jit3A_322 = arith.constant 16384 : i32
    %broadcast_in_dim3A_323 = vector.broadcast %jit3A_322 : i32 to vector<16xi32>
    %select_n3A_324 = arith.select %gt3A_318, %sub3A_321, %broadcast_in_dim3A_323 : vector<16xi1>, vector<16xi32>
    %swap3A_325 = arith.constant 144 : index
    %swap3A_326 = tpu.vector_load %arg7[%swap3A_325] {strides = array<i32>} : memref<1024xi32, #tpu.memory_space<vmem>>, vector<16xi32>,
    tpu.vector_store %arg7[%swap3A_325], %select_n3A_324 {strides = array<i32>} : memref<1024xi32, #tpu.memory_space<vmem>>, vector<16xi32>,
    %add3A_327 = arith.constant 160 : i32
    %add3A_328 = vector.broadcast %add3A_327 : i32 to vector<16xi32>
    %add3A_329 = arith.addi %iota3A, %add3A_328 : vector<16xi32>
    %ge3A_330 = arith.cmpi sge, %add3A_329, %gather3A : vector<16xi32>
    %sub3A_331 = arith.subi %add3A_329, %gather3A : vector<16xi32>
    %jit3A_332 = arith.constant 0 : i32
    %jit3A_333 = arith.constant 511 : i32
    %max3A_334 = vector.broadcast %jit3A_332 : i32 to vector<16xi32>
    %max3A_335 = arith.maxsi %max3A_334, %sub3A_331 : vector<16xi32>
    %min3A_336 = vector.broadcast %jit3A_333 : i32 to vector<16xi32>
    %min3A_337 = arith.minsi %min3A_336, %max3A_335 : vector<16xi32>
    %add3A_338 = arith.constant 0 : i32
    %add3A_339 = vector.broadcast %add3A_338 : i32 to vector<16xi32>
    %add3A_340 = arith.addi %min3A_337, %add3A_339 : vector<16xi32>
    %get3A_341 = arith.constant 160 : index
    %get3A_342 = tpu.vector_load %arg8[%get3A_341] {strides = array<i32>} : memref<1024xi32, #tpu.memory_space<vmem>>, vector<16xi32>,
    %gather3A_343 = tpu.vector_load_idx %arg9[%add3A_340] : memref<1024xi32, #tpu.memory_space<vmem>>[vector<16xi32>], vector<16xi32>,
    %select_n3A_344 = arith.select %ge3A_330, %gather3A_343, %get3A_342 : vector<16xi1>, vector<16xi32>
    %gt3A_345 = arith.constant 0 : i32
    %gt3A_346 = vector.broadcast %gt3A_345 : i32 to vector<16xi32>
    %gt3A_347 = arith.cmpi sgt, %select_n3A_344, %gt3A_346 : vector<16xi32>
    %sub3A_348 = arith.constant 1 : i32
    %sub3A_349 = vector.broadcast %sub3A_348 : i32 to vector<16xi32>
    %sub3A_350 = arith.subi %select_n3A_344, %sub3A_349 : vector<16xi32>
    %jit3A_351 = arith.constant 16384 : i32
    %broadcast_in_dim3A_352 = vector.broadcast %jit3A_351 : i32 to vector<16xi32>
    %select_n3A_353 = arith.select %gt3A_347, %sub3A_350, %broadcast_in_dim3A_352 : vector<16xi1>, vector<16xi32>
    %swap3A_354 = arith.constant 160 : index
    %swap3A_355 = tpu.vector_load %arg7[%swap3A_354] {strides = array<i32>} : memref<1024xi32, #tpu.memory_space<vmem>>, vector<16xi32>,
    tpu.vector_store %arg7[%swap3A_354], %select_n3A_353 {strides = array<i32>} : memref<1024xi32, #tpu.memory_space<vmem>>, vector<16xi32>,
    %add3A_356 = arith.constant 176 : i32
    %add3A_357 = vector.broadcast %add3A_356 : i32 to vector<16xi32>
    %add3A_358 = arith.addi %iota3A, %add3A_357 : vector<16xi32>
    %ge3A_359 = arith.cmpi sge, %add3A_358, %gather3A : vector<16xi32>
    %sub3A_360 = arith.subi %add3A_358, %gather3A : vector<16xi32>
    %jit3A_361 = arith.constant 0 : i32
    %jit3A_362 = arith.constant 511 : i32
    %max3A_363 = vector.broadcast %jit3A_361 : i32 to vector<16xi32>
    %max3A_364 = arith.maxsi %max3A_363, %sub3A_360 : vector<16xi32>
    %min3A_365 = vector.broadcast %jit3A_362 : i32 to vector<16xi32>
    %min3A_366 = arith.minsi %min3A_365, %max3A_364 : vector<16xi32>
    %add3A_367 = arith.constant 0 : i32
    %add3A_368 = vector.broadcast %add3A_367 : i32 to vector<16xi32>
    %add3A_369 = arith.addi %min3A_366, %add3A_368 : vector<16xi32>
    %get3A_370 = arith.constant 176 : index
    %get3A_371 = tpu.vector_load %arg8[%get3A_370] {strides = array<i32>} : memref<1024xi32, #tpu.memory_space<vmem>>, vector<16xi32>,
    %gather3A_372 = tpu.vector_load_idx %arg9[%add3A_369] : memref<1024xi32, #tpu.memory_space<vmem>>[vector<16xi32>], vector<16xi32>,
    %select_n3A_373 = arith.select %ge3A_359, %gather3A_372, %get3A_371 : vector<16xi1>, vector<16xi32>
    %gt3A_374 = arith.constant 0 : i32
    %gt3A_375 = vector.broadcast %gt3A_374 : i32 to vector<16xi32>
    %gt3A_376 = arith.cmpi sgt, %select_n3A_373, %gt3A_375 : vector<16xi32>
    %sub3A_377 = arith.constant 1 : i32
    %sub3A_378 = vector.broadcast %sub3A_377 : i32 to vector<16xi32>
    %sub3A_379 = arith.subi %select_n3A_373, %sub3A_378 : vector<16xi32>
    %jit3A_380 = arith.constant 16384 : i32
    %broadcast_in_dim3A_381 = vector.broadcast %jit3A_380 : i32 to vector<16xi32>
    %select_n3A_382 = arith.select %gt3A_376, %sub3A_379, %broadcast_in_dim3A_381 : vector<16xi1>, vector<16xi32>
    %swap3A_383 = arith.constant 176 : index
    %swap3A_384 = tpu.vector_load %arg7[%swap3A_383] {strides = array<i32>} : memref<1024xi32, #tpu.memory_space<vmem>>, vector<16xi32>,
    tpu.vector_store %arg7[%swap3A_383], %select_n3A_382 {strides = array<i32>} : memref<1024xi32, #tpu.memory_space<vmem>>, vector<16xi32>,
    %add3A_385 = arith.constant 192 : i32
    %add3A_386 = vector.broadcast %add3A_385 : i32 to vector<16xi32>
    %add3A_387 = arith.addi %iota3A, %add3A_386 : vector<16xi32>
    %ge3A_388 = arith.cmpi sge, %add3A_387, %gather3A : vector<16xi32>
    %sub3A_389 = arith.subi %add3A_387, %gather3A : vector<16xi32>
    %jit3A_390 = arith.constant 0 : i32
    %jit3A_391 = arith.constant 511 : i32
    %max3A_392 = vector.broadcast %jit3A_390 : i32 to vector<16xi32>
    %max3A_393 = arith.maxsi %max3A_392, %sub3A_389 : vector<16xi32>
    %min3A_394 = vector.broadcast %jit3A_391 : i32 to vector<16xi32>
    %min3A_395 = arith.minsi %min3A_394, %max3A_393 : vector<16xi32>
    %add3A_396 = arith.constant 0 : i32
    %add3A_397 = vector.broadcast %add3A_396 : i32 to vector<16xi32>
    %add3A_398 = arith.addi %min3A_395, %add3A_397 : vector<16xi32>
    %get3A_399 = arith.constant 192 : index
    %get3A_400 = tpu.vector_load %arg8[%get3A_399] {strides = array<i32>} : memref<1024xi32, #tpu.memory_space<vmem>>, vector<16xi32>,
    %gather3A_401 = tpu.vector_load_idx %arg9[%add3A_398] : memref<1024xi32, #tpu.memory_space<vmem>>[vector<16xi32>], vector<16xi32>,
    %select_n3A_402 = arith.select %ge3A_388, %gather3A_401, %get3A_400 : vector<16xi1>, vector<16xi32>
    %gt3A_403 = arith.constant 0 : i32
    %gt3A_404 = vector.broadcast %gt3A_403 : i32 to vector<16xi32>
    %gt3A_405 = arith.cmpi sgt, %select_n3A_402, %gt3A_404 : vector<16xi32>
    %sub3A_406 = arith.constant 1 : i32
    %sub3A_407 = vector.broadcast %sub3A_406 : i32 to vector<16xi32>
    %sub3A_408 = arith.subi %select_n3A_402, %sub3A_407 : vector<16xi32>
    %jit3A_409 = arith.constant 16384 : i32
    %broadcast_in_dim3A_410 = vector.broadcast %jit3A_409 : i32 to vector<16xi32>
    %select_n3A_411 = arith.select %gt3A_405, %sub3A_408, %broadcast_in_dim3A_410 : vector<16xi1>, vector<16xi32>
    %swap3A_412 = arith.constant 192 : index
    %swap3A_413 = tpu.vector_load %arg7[%swap3A_412] {strides = array<i32>} : memref<1024xi32, #tpu.memory_space<vmem>>, vector<16xi32>,
    tpu.vector_store %arg7[%swap3A_412], %select_n3A_411 {strides = array<i32>} : memref<1024xi32, #tpu.memory_space<vmem>>, vector<16xi32>,
    %add3A_414 = arith.constant 208 : i32
    %add3A_415 = vector.broadcast %add3A_414 : i32 to vector<16xi32>
    %add3A_416 = arith.addi %iota3A, %add3A_415 : vector<16xi32>
    %ge3A_417 = arith.cmpi sge, %add3A_416, %gather3A : vector<16xi32>
    %sub3A_418 = arith.subi %add3A_416, %gather3A : vector<16xi32>
    %jit3A_419 = arith.constant 0 : i32
    %jit3A_420 = arith.constant 511 : i32
    %max3A_421 = vector.broadcast %jit3A_419 : i32 to vector<16xi32>
    %max3A_422 = arith.maxsi %max3A_421, %sub3A_418 : vector<16xi32>
    %min3A_423 = vector.broadcast %jit3A_420 : i32 to vector<16xi32>
    %min3A_424 = arith.minsi %min3A_423, %max3A_422 : vector<16xi32>
    %add3A_425 = arith.constant 0 : i32
    %add3A_426 = vector.broadcast %add3A_425 : i32 to vector<16xi32>
    %add3A_427 = arith.addi %min3A_424, %add3A_426 : vector<16xi32>
    %get3A_428 = arith.constant 208 : index
    %get3A_429 = tpu.vector_load %arg8[%get3A_428] {strides = array<i32>} : memref<1024xi32, #tpu.memory_space<vmem>>, vector<16xi32>,
    %gather3A_430 = tpu.vector_load_idx %arg9[%add3A_427] : memref<1024xi32, #tpu.memory_space<vmem>>[vector<16xi32>], vector<16xi32>,
    %select_n3A_431 = arith.select %ge3A_417, %gather3A_430, %get3A_429 : vector<16xi1>, vector<16xi32>
    %gt3A_432 = arith.constant 0 : i32
    %gt3A_433 = vector.broadcast %gt3A_432 : i32 to vector<16xi32>
    %gt3A_434 = arith.cmpi sgt, %select_n3A_431, %gt3A_433 : vector<16xi32>
    %sub3A_435 = arith.constant 1 : i32
    %sub3A_436 = vector.broadcast %sub3A_435 : i32 to vector<16xi32>
    %sub3A_437 = arith.subi %select_n3A_431, %sub3A_436 : vector<16xi32>
    %jit3A_438 = arith.constant 16384 : i32
    %broadcast_in_dim3A_439 = vector.broadcast %jit3A_438 : i32 to vector<16xi32>
    %select_n3A_440 = arith.select %gt3A_434, %sub3A_437, %broadcast_in_dim3A_439 : vector<16xi1>, vector<16xi32>
    %swap3A_441 = arith.constant 208 : index
    %swap3A_442 = tpu.vector_load %arg7[%swap3A_441] {strides = array<i32>} : memref<1024xi32, #tpu.memory_space<vmem>>, vector<16xi32>,
    tpu.vector_store %arg7[%swap3A_441], %select_n3A_440 {strides = array<i32>} : memref<1024xi32, #tpu.memory_space<vmem>>, vector<16xi32>,
    %add3A_443 = arith.constant 224 : i32
    %add3A_444 = vector.broadcast %add3A_443 : i32 to vector<16xi32>
    %add3A_445 = arith.addi %iota3A, %add3A_444 : vector<16xi32>
    %ge3A_446 = arith.cmpi sge, %add3A_445, %gather3A : vector<16xi32>
    %sub3A_447 = arith.subi %add3A_445, %gather3A : vector<16xi32>
    %jit3A_448 = arith.constant 0 : i32
    %jit3A_449 = arith.constant 511 : i32
    %max3A_450 = vector.broadcast %jit3A_448 : i32 to vector<16xi32>
    %max3A_451 = arith.maxsi %max3A_450, %sub3A_447 : vector<16xi32>
    %min3A_452 = vector.broadcast %jit3A_449 : i32 to vector<16xi32>
    %min3A_453 = arith.minsi %min3A_452, %max3A_451 : vector<16xi32>
    %add3A_454 = arith.constant 0 : i32
    %add3A_455 = vector.broadcast %add3A_454 : i32 to vector<16xi32>
    %add3A_456 = arith.addi %min3A_453, %add3A_455 : vector<16xi32>
    %get3A_457 = arith.constant 224 : index
    %get3A_458 = tpu.vector_load %arg8[%get3A_457] {strides = array<i32>} : memref<1024xi32, #tpu.memory_space<vmem>>, vector<16xi32>,
    %gather3A_459 = tpu.vector_load_idx %arg9[%add3A_456] : memref<1024xi32, #tpu.memory_space<vmem>>[vector<16xi32>], vector<16xi32>,
    %select_n3A_460 = arith.select %ge3A_446, %gather3A_459, %get3A_458 : vector<16xi1>, vector<16xi32>
    %gt3A_461 = arith.constant 0 : i32
    %gt3A_462 = vector.broadcast %gt3A_461 : i32 to vector<16xi32>
    %gt3A_463 = arith.cmpi sgt, %select_n3A_460, %gt3A_462 : vector<16xi32>
    %sub3A_464 = arith.constant 1 : i32
    %sub3A_465 = vector.broadcast %sub3A_464 : i32 to vector<16xi32>
    %sub3A_466 = arith.subi %select_n3A_460, %sub3A_465 : vector<16xi32>
    %jit3A_467 = arith.constant 16384 : i32
    %broadcast_in_dim3A_468 = vector.broadcast %jit3A_467 : i32 to vector<16xi32>
    %select_n3A_469 = arith.select %gt3A_463, %sub3A_466, %broadcast_in_dim3A_468 : vector<16xi1>, vector<16xi32>
    %swap3A_470 = arith.constant 224 : index
    %swap3A_471 = tpu.vector_load %arg7[%swap3A_470] {strides = array<i32>} : memref<1024xi32, #tpu.memory_space<vmem>>, vector<16xi32>,
    tpu.vector_store %arg7[%swap3A_470], %select_n3A_469 {strides = array<i32>} : memref<1024xi32, #tpu.memory_space<vmem>>, vector<16xi32>,
    %add3A_472 = arith.constant 240 : i32
    %add3A_473 = vector.broadcast %add3A_472 : i32 to vector<16xi32>
    %add3A_474 = arith.addi %iota3A, %add3A_473 : vector<16xi32>
    %ge3A_475 = arith.cmpi sge, %add3A_474, %gather3A : vector<16xi32>
    %sub3A_476 = arith.subi %add3A_474, %gather3A : vector<16xi32>
    %jit3A_477 = arith.constant 0 : i32
    %jit3A_478 = arith.constant 511 : i32
    %max3A_479 = vector.broadcast %jit3A_477 : i32 to vector<16xi32>
    %max3A_480 = arith.maxsi %max3A_479, %sub3A_476 : vector<16xi32>
    %min3A_481 = vector.broadcast %jit3A_478 : i32 to vector<16xi32>
    %min3A_482 = arith.minsi %min3A_481, %max3A_480 : vector<16xi32>
    %add3A_483 = arith.constant 0 : i32
    %add3A_484 = vector.broadcast %add3A_483 : i32 to vector<16xi32>
    %add3A_485 = arith.addi %min3A_482, %add3A_484 : vector<16xi32>
    %get3A_486 = arith.constant 240 : index
    %get3A_487 = tpu.vector_load %arg8[%get3A_486] {strides = array<i32>} : memref<1024xi32, #tpu.memory_space<vmem>>, vector<16xi32>,
    %gather3A_488 = tpu.vector_load_idx %arg9[%add3A_485] : memref<1024xi32, #tpu.memory_space<vmem>>[vector<16xi32>], vector<16xi32>,
    %select_n3A_489 = arith.select %ge3A_475, %gather3A_488, %get3A_487 : vector<16xi1>, vector<16xi32>
    %gt3A_490 = arith.constant 0 : i32
    %gt3A_491 = vector.broadcast %gt3A_490 : i32 to vector<16xi32>
    %gt3A_492 = arith.cmpi sgt, %select_n3A_489, %gt3A_491 : vector<16xi32>
    %sub3A_493 = arith.constant 1 : i32
    %sub3A_494 = vector.broadcast %sub3A_493 : i32 to vector<16xi32>
    %sub3A_495 = arith.subi %select_n3A_489, %sub3A_494 : vector<16xi32>
    %jit3A_496 = arith.constant 16384 : i32
    %broadcast_in_dim3A_497 = vector.broadcast %jit3A_496 : i32 to vector<16xi32>
    %select_n3A_498 = arith.select %gt3A_492, %sub3A_495, %broadcast_in_dim3A_497 : vector<16xi1>, vector<16xi32>
    %swap3A_499 = arith.constant 240 : index
    %swap3A_500 = tpu.vector_load %arg7[%swap3A_499] {strides = array<i32>} : memref<1024xi32, #tpu.memory_space<vmem>>, vector<16xi32>,
    tpu.vector_store %arg7[%swap3A_499], %select_n3A_498 {strides = array<i32>} : memref<1024xi32, #tpu.memory_space<vmem>>, vector<16xi32>,
    %add3A_501 = arith.constant 256 : i32
    %add3A_502 = vector.broadcast %add3A_501 : i32 to vector<16xi32>
    %add3A_503 = arith.addi %iota3A, %add3A_502 : vector<16xi32>
    %ge3A_504 = arith.cmpi sge, %add3A_503, %gather3A : vector<16xi32>
    %sub3A_505 = arith.subi %add3A_503, %gather3A : vector<16xi32>
    %jit3A_506 = arith.constant 0 : i32
    %jit3A_507 = arith.constant 511 : i32
    %max3A_508 = vector.broadcast %jit3A_506 : i32 to vector<16xi32>
    %max3A_509 = arith.maxsi %max3A_508, %sub3A_505 : vector<16xi32>
    %min3A_510 = vector.broadcast %jit3A_507 : i32 to vector<16xi32>
    %min3A_511 = arith.minsi %min3A_510, %max3A_509 : vector<16xi32>
    %add3A_512 = arith.constant 0 : i32
    %add3A_513 = vector.broadcast %add3A_512 : i32 to vector<16xi32>
    %add3A_514 = arith.addi %min3A_511, %add3A_513 : vector<16xi32>
    %get3A_515 = arith.constant 256 : index
    %get3A_516 = tpu.vector_load %arg8[%get3A_515] {strides = array<i32>} : memref<1024xi32, #tpu.memory_space<vmem>>, vector<16xi32>,
    %gather3A_517 = tpu.vector_load_idx %arg9[%add3A_514] : memref<1024xi32, #tpu.memory_space<vmem>>[vector<16xi32>], vector<16xi32>,
    %select_n3A_518 = arith.select %ge3A_504, %gather3A_517, %get3A_516 : vector<16xi1>, vector<16xi32>
    %gt3A_519 = arith.constant 0 : i32
    %gt3A_520 = vector.broadcast %gt3A_519 : i32 to vector<16xi32>
    %gt3A_521 = arith.cmpi sgt, %select_n3A_518, %gt3A_520 : vector<16xi32>
    %sub3A_522 = arith.constant 1 : i32
    %sub3A_523 = vector.broadcast %sub3A_522 : i32 to vector<16xi32>
    %sub3A_524 = arith.subi %select_n3A_518, %sub3A_523 : vector<16xi32>
    %jit3A_525 = arith.constant 16384 : i32
    %broadcast_in_dim3A_526 = vector.broadcast %jit3A_525 : i32 to vector<16xi32>
    %select_n3A_527 = arith.select %gt3A_521, %sub3A_524, %broadcast_in_dim3A_526 : vector<16xi1>, vector<16xi32>
    %swap3A_528 = arith.constant 256 : index
    %swap3A_529 = tpu.vector_load %arg7[%swap3A_528] {strides = array<i32>} : memref<1024xi32, #tpu.memory_space<vmem>>, vector<16xi32>,
    tpu.vector_store %arg7[%swap3A_528], %select_n3A_527 {strides = array<i32>} : memref<1024xi32, #tpu.memory_space<vmem>>, vector<16xi32>,
    %add3A_530 = arith.constant 272 : i32
    %add3A_531 = vector.broadcast %add3A_530 : i32 to vector<16xi32>
    %add3A_532 = arith.addi %iota3A, %add3A_531 : vector<16xi32>
    %ge3A_533 = arith.cmpi sge, %add3A_532, %gather3A : vector<16xi32>
    %sub3A_534 = arith.subi %add3A_532, %gather3A : vector<16xi32>
    %jit3A_535 = arith.constant 0 : i32
    %jit3A_536 = arith.constant 511 : i32
    %max3A_537 = vector.broadcast %jit3A_535 : i32 to vector<16xi32>
    %max3A_538 = arith.maxsi %max3A_537, %sub3A_534 : vector<16xi32>
    %min3A_539 = vector.broadcast %jit3A_536 : i32 to vector<16xi32>
    %min3A_540 = arith.minsi %min3A_539, %max3A_538 : vector<16xi32>
    %add3A_541 = arith.constant 0 : i32
    %add3A_542 = vector.broadcast %add3A_541 : i32 to vector<16xi32>
    %add3A_543 = arith.addi %min3A_540, %add3A_542 : vector<16xi32>
    %get3A_544 = arith.constant 272 : index
    %get3A_545 = tpu.vector_load %arg8[%get3A_544] {strides = array<i32>} : memref<1024xi32, #tpu.memory_space<vmem>>, vector<16xi32>,
    %gather3A_546 = tpu.vector_load_idx %arg9[%add3A_543] : memref<1024xi32, #tpu.memory_space<vmem>>[vector<16xi32>], vector<16xi32>,
    %select_n3A_547 = arith.select %ge3A_533, %gather3A_546, %get3A_545 : vector<16xi1>, vector<16xi32>
    %gt3A_548 = arith.constant 0 : i32
    %gt3A_549 = vector.broadcast %gt3A_548 : i32 to vector<16xi32>
    %gt3A_550 = arith.cmpi sgt, %select_n3A_547, %gt3A_549 : vector<16xi32>
    %sub3A_551 = arith.constant 1 : i32
    %sub3A_552 = vector.broadcast %sub3A_551 : i32 to vector<16xi32>
    %sub3A_553 = arith.subi %select_n3A_547, %sub3A_552 : vector<16xi32>
    %jit3A_554 = arith.constant 16384 : i32
    %broadcast_in_dim3A_555 = vector.broadcast %jit3A_554 : i32 to vector<16xi32>
    %select_n3A_556 = arith.select %gt3A_550, %sub3A_553, %broadcast_in_dim3A_555 : vector<16xi1>, vector<16xi32>
    %swap3A_557 = arith.constant 272 : index
    %swap3A_558 = tpu.vector_load %arg7[%swap3A_557] {strides = array<i32>} : memref<1024xi32, #tpu.memory_space<vmem>>, vector<16xi32>,
    tpu.vector_store %arg7[%swap3A_557], %select_n3A_556 {strides = array<i32>} : memref<1024xi32, #tpu.memory_space<vmem>>, vector<16xi32>,
    %add3A_559 = arith.constant 288 : i32
    %add3A_560 = vector.broadcast %add3A_559 : i32 to vector<16xi32>
    %add3A_561 = arith.addi %iota3A, %add3A_560 : vector<16xi32>
    %ge3A_562 = arith.cmpi sge, %add3A_561, %gather3A : vector<16xi32>
    %sub3A_563 = arith.subi %add3A_561, %gather3A : vector<16xi32>
    %jit3A_564 = arith.constant 0 : i32
    %jit3A_565 = arith.constant 511 : i32
    %max3A_566 = vector.broadcast %jit3A_564 : i32 to vector<16xi32>
    %max3A_567 = arith.maxsi %max3A_566, %sub3A_563 : vector<16xi32>
    %min3A_568 = vector.broadcast %jit3A_565 : i32 to vector<16xi32>
    %min3A_569 = arith.minsi %min3A_568, %max3A_567 : vector<16xi32>
    %add3A_570 = arith.constant 0 : i32
    %add3A_571 = vector.broadcast %add3A_570 : i32 to vector<16xi32>
    %add3A_572 = arith.addi %min3A_569, %add3A_571 : vector<16xi32>
    %get3A_573 = arith.constant 288 : index
    %get3A_574 = tpu.vector_load %arg8[%get3A_573] {strides = array<i32>} : memref<1024xi32, #tpu.memory_space<vmem>>, vector<16xi32>,
    %gather3A_575 = tpu.vector_load_idx %arg9[%add3A_572] : memref<1024xi32, #tpu.memory_space<vmem>>[vector<16xi32>], vector<16xi32>,
    %select_n3A_576 = arith.select %ge3A_562, %gather3A_575, %get3A_574 : vector<16xi1>, vector<16xi32>
    %gt3A_577 = arith.constant 0 : i32
    %gt3A_578 = vector.broadcast %gt3A_577 : i32 to vector<16xi32>
    %gt3A_579 = arith.cmpi sgt, %select_n3A_576, %gt3A_578 : vector<16xi32>
    %sub3A_580 = arith.constant 1 : i32
    %sub3A_581 = vector.broadcast %sub3A_580 : i32 to vector<16xi32>
    %sub3A_582 = arith.subi %select_n3A_576, %sub3A_581 : vector<16xi32>
    %jit3A_583 = arith.constant 16384 : i32
    %broadcast_in_dim3A_584 = vector.broadcast %jit3A_583 : i32 to vector<16xi32>
    %select_n3A_585 = arith.select %gt3A_579, %sub3A_582, %broadcast_in_dim3A_584 : vector<16xi1>, vector<16xi32>
    %swap3A_586 = arith.constant 288 : index
    %swap3A_587 = tpu.vector_load %arg7[%swap3A_586] {strides = array<i32>} : memref<1024xi32, #tpu.memory_space<vmem>>, vector<16xi32>,
    tpu.vector_store %arg7[%swap3A_586], %select_n3A_585 {strides = array<i32>} : memref<1024xi32, #tpu.memory_space<vmem>>, vector<16xi32>,
    %add3A_588 = arith.constant 304 : i32
    %add3A_589 = vector.broadcast %add3A_588 : i32 to vector<16xi32>
    %add3A_590 = arith.addi %iota3A, %add3A_589 : vector<16xi32>
    %ge3A_591 = arith.cmpi sge, %add3A_590, %gather3A : vector<16xi32>
    %sub3A_592 = arith.subi %add3A_590, %gather3A : vector<16xi32>
    %jit3A_593 = arith.constant 0 : i32
    %jit3A_594 = arith.constant 511 : i32
    %max3A_595 = vector.broadcast %jit3A_593 : i32 to vector<16xi32>
    %max3A_596 = arith.maxsi %max3A_595, %sub3A_592 : vector<16xi32>
    %min3A_597 = vector.broadcast %jit3A_594 : i32 to vector<16xi32>
    %min3A_598 = arith.minsi %min3A_597, %max3A_596 : vector<16xi32>
    %add3A_599 = arith.constant 0 : i32
    %add3A_600 = vector.broadcast %add3A_599 : i32 to vector<16xi32>
    %add3A_601 = arith.addi %min3A_598, %add3A_600 : vector<16xi32>
    %get3A_602 = arith.constant 304 : index
    %get3A_603 = tpu.vector_load %arg8[%get3A_602] {strides = array<i32>} : memref<1024xi32, #tpu.memory_space<vmem>>, vector<16xi32>,
    %gather3A_604 = tpu.vector_load_idx %arg9[%add3A_601] : memref<1024xi32, #tpu.memory_space<vmem>>[vector<16xi32>], vector<16xi32>,
    %select_n3A_605 = arith.select %ge3A_591, %gather3A_604, %get3A_603 : vector<16xi1>, vector<16xi32>
    %gt3A_606 = arith.constant 0 : i32
    %gt3A_607 = vector.broadcast %gt3A_606 : i32 to vector<16xi32>
    %gt3A_608 = arith.cmpi sgt, %select_n3A_605, %gt3A_607 : vector<16xi32>
    %sub3A_609 = arith.constant 1 : i32
    %sub3A_610 = vector.broadcast %sub3A_609 : i32 to vector<16xi32>
    %sub3A_611 = arith.subi %select_n3A_605, %sub3A_610 : vector<16xi32>
    %jit3A_612 = arith.constant 16384 : i32
    %broadcast_in_dim3A_613 = vector.broadcast %jit3A_612 : i32 to vector<16xi32>
    %select_n3A_614 = arith.select %gt3A_608, %sub3A_611, %broadcast_in_dim3A_613 : vector<16xi1>, vector<16xi32>
    %swap3A_615 = arith.constant 304 : index
    %swap3A_616 = tpu.vector_load %arg7[%swap3A_615] {strides = array<i32>} : memref<1024xi32, #tpu.memory_space<vmem>>, vector<16xi32>,
    tpu.vector_store %arg7[%swap3A_615], %select_n3A_614 {strides = array<i32>} : memref<1024xi32, #tpu.memory_space<vmem>>, vector<16xi32>,
    %add3A_617 = arith.constant 320 : i32
    %add3A_618 = vector.broadcast %add3A_617 : i32 to vector<16xi32>
    %add3A_619 = arith.addi %iota3A, %add3A_618 : vector<16xi32>
    %ge3A_620 = arith.cmpi sge, %add3A_619, %gather3A : vector<16xi32>
    %sub3A_621 = arith.subi %add3A_619, %gather3A : vector<16xi32>
    %jit3A_622 = arith.constant 0 : i32
    %jit3A_623 = arith.constant 511 : i32
    %max3A_624 = vector.broadcast %jit3A_622 : i32 to vector<16xi32>
    %max3A_625 = arith.maxsi %max3A_624, %sub3A_621 : vector<16xi32>
    %min3A_626 = vector.broadcast %jit3A_623 : i32 to vector<16xi32>
    %min3A_627 = arith.minsi %min3A_626, %max3A_625 : vector<16xi32>
    %add3A_628 = arith.constant 0 : i32
    %add3A_629 = vector.broadcast %add3A_628 : i32 to vector<16xi32>
    %add3A_630 = arith.addi %min3A_627, %add3A_629 : vector<16xi32>
    %get3A_631 = arith.constant 320 : index
    %get3A_632 = tpu.vector_load %arg8[%get3A_631] {strides = array<i32>} : memref<1024xi32, #tpu.memory_space<vmem>>, vector<16xi32>,
    %gather3A_633 = tpu.vector_load_idx %arg9[%add3A_630] : memref<1024xi32, #tpu.memory_space<vmem>>[vector<16xi32>], vector<16xi32>,
    %select_n3A_634 = arith.select %ge3A_620, %gather3A_633, %get3A_632 : vector<16xi1>, vector<16xi32>
    %gt3A_635 = arith.constant 0 : i32
    %gt3A_636 = vector.broadcast %gt3A_635 : i32 to vector<16xi32>
    %gt3A_637 = arith.cmpi sgt, %select_n3A_634, %gt3A_636 : vector<16xi32>
    %sub3A_638 = arith.constant 1 : i32
    %sub3A_639 = vector.broadcast %sub3A_638 : i32 to vector<16xi32>
    %sub3A_640 = arith.subi %select_n3A_634, %sub3A_639 : vector<16xi32>
    %jit3A_641 = arith.constant 16384 : i32
    %broadcast_in_dim3A_642 = vector.broadcast %jit3A_641 : i32 to vector<16xi32>
    %select_n3A_643 = arith.select %gt3A_637, %sub3A_640, %broadcast_in_dim3A_642 : vector<16xi1>, vector<16xi32>
    %swap3A_644 = arith.constant 320 : index
    %swap3A_645 = tpu.vector_load %arg7[%swap3A_644] {strides = array<i32>} : memref<1024xi32, #tpu.memory_space<vmem>>, vector<16xi32>,
    tpu.vector_store %arg7[%swap3A_644], %select_n3A_643 {strides = array<i32>} : memref<1024xi32, #tpu.memory_space<vmem>>, vector<16xi32>,
    %add3A_646 = arith.constant 336 : i32
    %add3A_647 = vector.broadcast %add3A_646 : i32 to vector<16xi32>
    %add3A_648 = arith.addi %iota3A, %add3A_647 : vector<16xi32>
    %ge3A_649 = arith.cmpi sge, %add3A_648, %gather3A : vector<16xi32>
    %sub3A_650 = arith.subi %add3A_648, %gather3A : vector<16xi32>
    %jit3A_651 = arith.constant 0 : i32
    %jit3A_652 = arith.constant 511 : i32
    %max3A_653 = vector.broadcast %jit3A_651 : i32 to vector<16xi32>
    %max3A_654 = arith.maxsi %max3A_653, %sub3A_650 : vector<16xi32>
    %min3A_655 = vector.broadcast %jit3A_652 : i32 to vector<16xi32>
    %min3A_656 = arith.minsi %min3A_655, %max3A_654 : vector<16xi32>
    %add3A_657 = arith.constant 0 : i32
    %add3A_658 = vector.broadcast %add3A_657 : i32 to vector<16xi32>
    %add3A_659 = arith.addi %min3A_656, %add3A_658 : vector<16xi32>
    %get3A_660 = arith.constant 336 : index
    %get3A_661 = tpu.vector_load %arg8[%get3A_660] {strides = array<i32>} : memref<1024xi32, #tpu.memory_space<vmem>>, vector<16xi32>,
    %gather3A_662 = tpu.vector_load_idx %arg9[%add3A_659] : memref<1024xi32, #tpu.memory_space<vmem>>[vector<16xi32>], vector<16xi32>,
    %select_n3A_663 = arith.select %ge3A_649, %gather3A_662, %get3A_661 : vector<16xi1>, vector<16xi32>
    %gt3A_664 = arith.constant 0 : i32
    %gt3A_665 = vector.broadcast %gt3A_664 : i32 to vector<16xi32>
    %gt3A_666 = arith.cmpi sgt, %select_n3A_663, %gt3A_665 : vector<16xi32>
    %sub3A_667 = arith.constant 1 : i32
    %sub3A_668 = vector.broadcast %sub3A_667 : i32 to vector<16xi32>
    %sub3A_669 = arith.subi %select_n3A_663, %sub3A_668 : vector<16xi32>
    %jit3A_670 = arith.constant 16384 : i32
    %broadcast_in_dim3A_671 = vector.broadcast %jit3A_670 : i32 to vector<16xi32>
    %select_n3A_672 = arith.select %gt3A_666, %sub3A_669, %broadcast_in_dim3A_671 : vector<16xi1>, vector<16xi32>
    %swap3A_673 = arith.constant 336 : index
    %swap3A_674 = tpu.vector_load %arg7[%swap3A_673] {strides = array<i32>} : memref<1024xi32, #tpu.memory_space<vmem>>, vector<16xi32>,
    tpu.vector_store %arg7[%swap3A_673], %select_n3A_672 {strides = array<i32>} : memref<1024xi32, #tpu.memory_space<vmem>>, vector<16xi32>,
    %add3A_675 = arith.constant 352 : i32
    %add3A_676 = vector.broadcast %add3A_675 : i32 to vector<16xi32>
    %add3A_677 = arith.addi %iota3A, %add3A_676 : vector<16xi32>
    %ge3A_678 = arith.cmpi sge, %add3A_677, %gather3A : vector<16xi32>
    %sub3A_679 = arith.subi %add3A_677, %gather3A : vector<16xi32>
    %jit3A_680 = arith.constant 0 : i32
    %jit3A_681 = arith.constant 511 : i32
    %max3A_682 = vector.broadcast %jit3A_680 : i32 to vector<16xi32>
    %max3A_683 = arith.maxsi %max3A_682, %sub3A_679 : vector<16xi32>
    %min3A_684 = vector.broadcast %jit3A_681 : i32 to vector<16xi32>
    %min3A_685 = arith.minsi %min3A_684, %max3A_683 : vector<16xi32>
    %add3A_686 = arith.constant 0 : i32
    %add3A_687 = vector.broadcast %add3A_686 : i32 to vector<16xi32>
    %add3A_688 = arith.addi %min3A_685, %add3A_687 : vector<16xi32>
    %get3A_689 = arith.constant 352 : index
    %get3A_690 = tpu.vector_load %arg8[%get3A_689] {strides = array<i32>} : memref<1024xi32, #tpu.memory_space<vmem>>, vector<16xi32>,
    %gather3A_691 = tpu.vector_load_idx %arg9[%add3A_688] : memref<1024xi32, #tpu.memory_space<vmem>>[vector<16xi32>], vector<16xi32>,
    %select_n3A_692 = arith.select %ge3A_678, %gather3A_691, %get3A_690 : vector<16xi1>, vector<16xi32>
    %gt3A_693 = arith.constant 0 : i32
    %gt3A_694 = vector.broadcast %gt3A_693 : i32 to vector<16xi32>
    %gt3A_695 = arith.cmpi sgt, %select_n3A_692, %gt3A_694 : vector<16xi32>
    %sub3A_696 = arith.constant 1 : i32
    %sub3A_697 = vector.broadcast %sub3A_696 : i32 to vector<16xi32>
    %sub3A_698 = arith.subi %select_n3A_692, %sub3A_697 : vector<16xi32>
    %jit3A_699 = arith.constant 16384 : i32
    %broadcast_in_dim3A_700 = vector.broadcast %jit3A_699 : i32 to vector<16xi32>
    %select_n3A_701 = arith.select %gt3A_695, %sub3A_698, %broadcast_in_dim3A_700 : vector<16xi1>, vector<16xi32>
    %swap3A_702 = arith.constant 352 : index
    %swap3A_703 = tpu.vector_load %arg7[%swap3A_702] {strides = array<i32>} : memref<1024xi32, #tpu.memory_space<vmem>>, vector<16xi32>,
    tpu.vector_store %arg7[%swap3A_702], %select_n3A_701 {strides = array<i32>} : memref<1024xi32, #tpu.memory_space<vmem>>, vector<16xi32>,
    %add3A_704 = arith.constant 368 : i32
    %add3A_705 = vector.broadcast %add3A_704 : i32 to vector<16xi32>
    %add3A_706 = arith.addi %iota3A, %add3A_705 : vector<16xi32>
    %ge3A_707 = arith.cmpi sge, %add3A_706, %gather3A : vector<16xi32>
    %sub3A_708 = arith.subi %add3A_706, %gather3A : vector<16xi32>
    %jit3A_709 = arith.constant 0 : i32
    %jit3A_710 = arith.constant 511 : i32
    %max3A_711 = vector.broadcast %jit3A_709 : i32 to vector<16xi32>
    %max3A_712 = arith.maxsi %max3A_711, %sub3A_708 : vector<16xi32>
    %min3A_713 = vector.broadcast %jit3A_710 : i32 to vector<16xi32>
    %min3A_714 = arith.minsi %min3A_713, %max3A_712 : vector<16xi32>
    %add3A_715 = arith.constant 0 : i32
    %add3A_716 = vector.broadcast %add3A_715 : i32 to vector<16xi32>
    %add3A_717 = arith.addi %min3A_714, %add3A_716 : vector<16xi32>
    %get3A_718 = arith.constant 368 : index
    %get3A_719 = tpu.vector_load %arg8[%get3A_718] {strides = array<i32>} : memref<1024xi32, #tpu.memory_space<vmem>>, vector<16xi32>,
    %gather3A_720 = tpu.vector_load_idx %arg9[%add3A_717] : memref<1024xi32, #tpu.memory_space<vmem>>[vector<16xi32>], vector<16xi32>,
    %select_n3A_721 = arith.select %ge3A_707, %gather3A_720, %get3A_719 : vector<16xi1>, vector<16xi32>
    %gt3A_722 = arith.constant 0 : i32
    %gt3A_723 = vector.broadcast %gt3A_722 : i32 to vector<16xi32>
    %gt3A_724 = arith.cmpi sgt, %select_n3A_721, %gt3A_723 : vector<16xi32>
    %sub3A_725 = arith.constant 1 : i32
    %sub3A_726 = vector.broadcast %sub3A_725 : i32 to vector<16xi32>
    %sub3A_727 = arith.subi %select_n3A_721, %sub3A_726 : vector<16xi32>
    %jit3A_728 = arith.constant 16384 : i32
    %broadcast_in_dim3A_729 = vector.broadcast %jit3A_728 : i32 to vector<16xi32>
    %select_n3A_730 = arith.select %gt3A_724, %sub3A_727, %broadcast_in_dim3A_729 : vector<16xi1>, vector<16xi32>
    %swap3A_731 = arith.constant 368 : index
    %swap3A_732 = tpu.vector_load %arg7[%swap3A_731] {strides = array<i32>} : memref<1024xi32, #tpu.memory_space<vmem>>, vector<16xi32>,
    tpu.vector_store %arg7[%swap3A_731], %select_n3A_730 {strides = array<i32>} : memref<1024xi32, #tpu.memory_space<vmem>>, vector<16xi32>,
    %add3A_733 = arith.constant 384 : i32
    %add3A_734 = vector.broadcast %add3A_733 : i32 to vector<16xi32>
    %add3A_735 = arith.addi %iota3A, %add3A_734 : vector<16xi32>
    %ge3A_736 = arith.cmpi sge, %add3A_735, %gather3A : vector<16xi32>
    %sub3A_737 = arith.subi %add3A_735, %gather3A : vector<16xi32>
    %jit3A_738 = arith.constant 0 : i32
    %jit3A_739 = arith.constant 511 : i32
    %max3A_740 = vector.broadcast %jit3A_738 : i32 to vector<16xi32>
    %max3A_741 = arith.maxsi %max3A_740, %sub3A_737 : vector<16xi32>
    %min3A_742 = vector.broadcast %jit3A_739 : i32 to vector<16xi32>
    %min3A_743 = arith.minsi %min3A_742, %max3A_741 : vector<16xi32>
    %add3A_744 = arith.constant 0 : i32
    %add3A_745 = vector.broadcast %add3A_744 : i32 to vector<16xi32>
    %add3A_746 = arith.addi %min3A_743, %add3A_745 : vector<16xi32>
    %get3A_747 = arith.constant 384 : index
    %get3A_748 = tpu.vector_load %arg8[%get3A_747] {strides = array<i32>} : memref<1024xi32, #tpu.memory_space<vmem>>, vector<16xi32>,
    %gather3A_749 = tpu.vector_load_idx %arg9[%add3A_746] : memref<1024xi32, #tpu.memory_space<vmem>>[vector<16xi32>], vector<16xi32>,
    %select_n3A_750 = arith.select %ge3A_736, %gather3A_749, %get3A_748 : vector<16xi1>, vector<16xi32>
    %gt3A_751 = arith.constant 0 : i32
    %gt3A_752 = vector.broadcast %gt3A_751 : i32 to vector<16xi32>
    %gt3A_753 = arith.cmpi sgt, %select_n3A_750, %gt3A_752 : vector<16xi32>
    %sub3A_754 = arith.constant 1 : i32
    %sub3A_755 = vector.broadcast %sub3A_754 : i32 to vector<16xi32>
    %sub3A_756 = arith.subi %select_n3A_750, %sub3A_755 : vector<16xi32>
    %jit3A_757 = arith.constant 16384 : i32
    %broadcast_in_dim3A_758 = vector.broadcast %jit3A_757 : i32 to vector<16xi32>
    %select_n3A_759 = arith.select %gt3A_753, %sub3A_756, %broadcast_in_dim3A_758 : vector<16xi1>, vector<16xi32>
    %swap3A_760 = arith.constant 384 : index
    %swap3A_761 = tpu.vector_load %arg7[%swap3A_760] {strides = array<i32>} : memref<1024xi32, #tpu.memory_space<vmem>>, vector<16xi32>,
    tpu.vector_store %arg7[%swap3A_760], %select_n3A_759 {strides = array<i32>} : memref<1024xi32, #tpu.memory_space<vmem>>, vector<16xi32>,
    %add3A_762 = arith.constant 400 : i32
    %add3A_763 = vector.broadcast %add3A_762 : i32 to vector<16xi32>
    %add3A_764 = arith.addi %iota3A, %add3A_763 : vector<16xi32>
    %ge3A_765 = arith.cmpi sge, %add3A_764, %gather3A : vector<16xi32>
    %sub3A_766 = arith.subi %add3A_764, %gather3A : vector<16xi32>
    %jit3A_767 = arith.constant 0 : i32
    %jit3A_768 = arith.constant 511 : i32
    %max3A_769 = vector.broadcast %jit3A_767 : i32 to vector<16xi32>
    %max3A_770 = arith.maxsi %max3A_769, %sub3A_766 : vector<16xi32>
    %min3A_771 = vector.broadcast %jit3A_768 : i32 to vector<16xi32>
    %min3A_772 = arith.minsi %min3A_771, %max3A_770 : vector<16xi32>
    %add3A_773 = arith.constant 0 : i32
    %add3A_774 = vector.broadcast %add3A_773 : i32 to vector<16xi32>
    %add3A_775 = arith.addi %min3A_772, %add3A_774 : vector<16xi32>
    %get3A_776 = arith.constant 400 : index
    %get3A_777 = tpu.vector_load %arg8[%get3A_776] {strides = array<i32>} : memref<1024xi32, #tpu.memory_space<vmem>>, vector<16xi32>,
    %gather3A_778 = tpu.vector_load_idx %arg9[%add3A_775] : memref<1024xi32, #tpu.memory_space<vmem>>[vector<16xi32>], vector<16xi32>,
    %select_n3A_779 = arith.select %ge3A_765, %gather3A_778, %get3A_777 : vector<16xi1>, vector<16xi32>
    %gt3A_780 = arith.constant 0 : i32
    %gt3A_781 = vector.broadcast %gt3A_780 : i32 to vector<16xi32>
    %gt3A_782 = arith.cmpi sgt, %select_n3A_779, %gt3A_781 : vector<16xi32>
    %sub3A_783 = arith.constant 1 : i32
    %sub3A_784 = vector.broadcast %sub3A_783 : i32 to vector<16xi32>
    %sub3A_785 = arith.subi %select_n3A_779, %sub3A_784 : vector<16xi32>
    %jit3A_786 = arith.constant 16384 : i32
    %broadcast_in_dim3A_787 = vector.broadcast %jit3A_786 : i32 to vector<16xi32>
    %select_n3A_788 = arith.select %gt3A_782, %sub3A_785, %broadcast_in_dim3A_787 : vector<16xi1>, vector<16xi32>
    %swap3A_789 = arith.constant 400 : index
    %swap3A_790 = tpu.vector_load %arg7[%swap3A_789] {strides = array<i32>} : memref<1024xi32, #tpu.memory_space<vmem>>, vector<16xi32>,
    tpu.vector_store %arg7[%swap3A_789], %select_n3A_788 {strides = array<i32>} : memref<1024xi32, #tpu.memory_space<vmem>>, vector<16xi32>,
    %add3A_791 = arith.constant 416 : i32
    %add3A_792 = vector.broadcast %add3A_791 : i32 to vector<16xi32>
    %add3A_793 = arith.addi %iota3A, %add3A_792 : vector<16xi32>
    %ge3A_794 = arith.cmpi sge, %add3A_793, %gather3A : vector<16xi32>
    %sub3A_795 = arith.subi %add3A_793, %gather3A : vector<16xi32>
    %jit3A_796 = arith.constant 0 : i32
    %jit3A_797 = arith.constant 511 : i32
    %max3A_798 = vector.broadcast %jit3A_796 : i32 to vector<16xi32>
    %max3A_799 = arith.maxsi %max3A_798, %sub3A_795 : vector<16xi32>
    %min3A_800 = vector.broadcast %jit3A_797 : i32 to vector<16xi32>
    %min3A_801 = arith.minsi %min3A_800, %max3A_799 : vector<16xi32>
    %add3A_802 = arith.constant 0 : i32
    %add3A_803 = vector.broadcast %add3A_802 : i32 to vector<16xi32>
    %add3A_804 = arith.addi %min3A_801, %add3A_803 : vector<16xi32>
    %get3A_805 = arith.constant 416 : index
    %get3A_806 = tpu.vector_load %arg8[%get3A_805] {strides = array<i32>} : memref<1024xi32, #tpu.memory_space<vmem>>, vector<16xi32>,
    %gather3A_807 = tpu.vector_load_idx %arg9[%add3A_804] : memref<1024xi32, #tpu.memory_space<vmem>>[vector<16xi32>], vector<16xi32>,
    %select_n3A_808 = arith.select %ge3A_794, %gather3A_807, %get3A_806 : vector<16xi1>, vector<16xi32>
    %gt3A_809 = arith.constant 0 : i32
    %gt3A_810 = vector.broadcast %gt3A_809 : i32 to vector<16xi32>
    %gt3A_811 = arith.cmpi sgt, %select_n3A_808, %gt3A_810 : vector<16xi32>
    %sub3A_812 = arith.constant 1 : i32
    %sub3A_813 = vector.broadcast %sub3A_812 : i32 to vector<16xi32>
    %sub3A_814 = arith.subi %select_n3A_808, %sub3A_813 : vector<16xi32>
    %jit3A_815 = arith.constant 16384 : i32
    %broadcast_in_dim3A_816 = vector.broadcast %jit3A_815 : i32 to vector<16xi32>
    %select_n3A_817 = arith.select %gt3A_811, %sub3A_814, %broadcast_in_dim3A_816 : vector<16xi1>, vector<16xi32>
    %swap3A_818 = arith.constant 416 : index
    %swap3A_819 = tpu.vector_load %arg7[%swap3A_818] {strides = array<i32>} : memref<1024xi32, #tpu.memory_space<vmem>>, vector<16xi32>,
    tpu.vector_store %arg7[%swap3A_818], %select_n3A_817 {strides = array<i32>} : memref<1024xi32, #tpu.memory_space<vmem>>, vector<16xi32>,
    %add3A_820 = arith.constant 432 : i32
    %add3A_821 = vector.broadcast %add3A_820 : i32 to vector<16xi32>
    %add3A_822 = arith.addi %iota3A, %add3A_821 : vector<16xi32>
    %ge3A_823 = arith.cmpi sge, %add3A_822, %gather3A : vector<16xi32>
    %sub3A_824 = arith.subi %add3A_822, %gather3A : vector<16xi32>
    %jit3A_825 = arith.constant 0 : i32
    %jit3A_826 = arith.constant 511 : i32
    %max3A_827 = vector.broadcast %jit3A_825 : i32 to vector<16xi32>
    %max3A_828 = arith.maxsi %max3A_827, %sub3A_824 : vector<16xi32>
    %min3A_829 = vector.broadcast %jit3A_826 : i32 to vector<16xi32>
    %min3A_830 = arith.minsi %min3A_829, %max3A_828 : vector<16xi32>
    %add3A_831 = arith.constant 0 : i32
    %add3A_832 = vector.broadcast %add3A_831 : i32 to vector<16xi32>
    %add3A_833 = arith.addi %min3A_830, %add3A_832 : vector<16xi32>
    %get3A_834 = arith.constant 432 : index
    %get3A_835 = tpu.vector_load %arg8[%get3A_834] {strides = array<i32>} : memref<1024xi32, #tpu.memory_space<vmem>>, vector<16xi32>,
    %gather3A_836 = tpu.vector_load_idx %arg9[%add3A_833] : memref<1024xi32, #tpu.memory_space<vmem>>[vector<16xi32>], vector<16xi32>,
    %select_n3A_837 = arith.select %ge3A_823, %gather3A_836, %get3A_835 : vector<16xi1>, vector<16xi32>
    %gt3A_838 = arith.constant 0 : i32
    %gt3A_839 = vector.broadcast %gt3A_838 : i32 to vector<16xi32>
    %gt3A_840 = arith.cmpi sgt, %select_n3A_837, %gt3A_839 : vector<16xi32>
    %sub3A_841 = arith.constant 1 : i32
    %sub3A_842 = vector.broadcast %sub3A_841 : i32 to vector<16xi32>
    %sub3A_843 = arith.subi %select_n3A_837, %sub3A_842 : vector<16xi32>
    %jit3A_844 = arith.constant 16384 : i32
    %broadcast_in_dim3A_845 = vector.broadcast %jit3A_844 : i32 to vector<16xi32>
    %select_n3A_846 = arith.select %gt3A_840, %sub3A_843, %broadcast_in_dim3A_845 : vector<16xi1>, vector<16xi32>
    %swap3A_847 = arith.constant 432 : index
    %swap3A_848 = tpu.vector_load %arg7[%swap3A_847] {strides = array<i32>} : memref<1024xi32, #tpu.memory_space<vmem>>, vector<16xi32>,
    tpu.vector_store %arg7[%swap3A_847], %select_n3A_846 {strides = array<i32>} : memref<1024xi32, #tpu.memory_space<vmem>>, vector<16xi32>,
    %add3A_849 = arith.constant 448 : i32
    %add3A_850 = vector.broadcast %add3A_849 : i32 to vector<16xi32>
    %add3A_851 = arith.addi %iota3A, %add3A_850 : vector<16xi32>
    %ge3A_852 = arith.cmpi sge, %add3A_851, %gather3A : vector<16xi32>
    %sub3A_853 = arith.subi %add3A_851, %gather3A : vector<16xi32>
    %jit3A_854 = arith.constant 0 : i32
    %jit3A_855 = arith.constant 511 : i32
    %max3A_856 = vector.broadcast %jit3A_854 : i32 to vector<16xi32>
    %max3A_857 = arith.maxsi %max3A_856, %sub3A_853 : vector<16xi32>
    %min3A_858 = vector.broadcast %jit3A_855 : i32 to vector<16xi32>
    %min3A_859 = arith.minsi %min3A_858, %max3A_857 : vector<16xi32>
    %add3A_860 = arith.constant 0 : i32
    %add3A_861 = vector.broadcast %add3A_860 : i32 to vector<16xi32>
    %add3A_862 = arith.addi %min3A_859, %add3A_861 : vector<16xi32>
    %get3A_863 = arith.constant 448 : index
    %get3A_864 = tpu.vector_load %arg8[%get3A_863] {strides = array<i32>} : memref<1024xi32, #tpu.memory_space<vmem>>, vector<16xi32>,
    %gather3A_865 = tpu.vector_load_idx %arg9[%add3A_862] : memref<1024xi32, #tpu.memory_space<vmem>>[vector<16xi32>], vector<16xi32>,
    %select_n3A_866 = arith.select %ge3A_852, %gather3A_865, %get3A_864 : vector<16xi1>, vector<16xi32>
    %gt3A_867 = arith.constant 0 : i32
    %gt3A_868 = vector.broadcast %gt3A_867 : i32 to vector<16xi32>
    %gt3A_869 = arith.cmpi sgt, %select_n3A_866, %gt3A_868 : vector<16xi32>
    %sub3A_870 = arith.constant 1 : i32
    %sub3A_871 = vector.broadcast %sub3A_870 : i32 to vector<16xi32>
    %sub3A_872 = arith.subi %select_n3A_866, %sub3A_871 : vector<16xi32>
    %jit3A_873 = arith.constant 16384 : i32
    %broadcast_in_dim3A_874 = vector.broadcast %jit3A_873 : i32 to vector<16xi32>
    %select_n3A_875 = arith.select %gt3A_869, %sub3A_872, %broadcast_in_dim3A_874 : vector<16xi1>, vector<16xi32>
    %swap3A_876 = arith.constant 448 : index
    %swap3A_877 = tpu.vector_load %arg7[%swap3A_876] {strides = array<i32>} : memref<1024xi32, #tpu.memory_space<vmem>>, vector<16xi32>,
    tpu.vector_store %arg7[%swap3A_876], %select_n3A_875 {strides = array<i32>} : memref<1024xi32, #tpu.memory_space<vmem>>, vector<16xi32>,
    %add3A_878 = arith.constant 464 : i32
    %add3A_879 = vector.broadcast %add3A_878 : i32 to vector<16xi32>
    %add3A_880 = arith.addi %iota3A, %add3A_879 : vector<16xi32>
    %ge3A_881 = arith.cmpi sge, %add3A_880, %gather3A : vector<16xi32>
    %sub3A_882 = arith.subi %add3A_880, %gather3A : vector<16xi32>
    %jit3A_883 = arith.constant 0 : i32
    %jit3A_884 = arith.constant 511 : i32
    %max3A_885 = vector.broadcast %jit3A_883 : i32 to vector<16xi32>
    %max3A_886 = arith.maxsi %max3A_885, %sub3A_882 : vector<16xi32>
    %min3A_887 = vector.broadcast %jit3A_884 : i32 to vector<16xi32>
    %min3A_888 = arith.minsi %min3A_887, %max3A_886 : vector<16xi32>
    %add3A_889 = arith.constant 0 : i32
    %add3A_890 = vector.broadcast %add3A_889 : i32 to vector<16xi32>
    %add3A_891 = arith.addi %min3A_888, %add3A_890 : vector<16xi32>
    %get3A_892 = arith.constant 464 : index
    %get3A_893 = tpu.vector_load %arg8[%get3A_892] {strides = array<i32>} : memref<1024xi32, #tpu.memory_space<vmem>>, vector<16xi32>,
    %gather3A_894 = tpu.vector_load_idx %arg9[%add3A_891] : memref<1024xi32, #tpu.memory_space<vmem>>[vector<16xi32>], vector<16xi32>,
    %select_n3A_895 = arith.select %ge3A_881, %gather3A_894, %get3A_893 : vector<16xi1>, vector<16xi32>
    %gt3A_896 = arith.constant 0 : i32
    %gt3A_897 = vector.broadcast %gt3A_896 : i32 to vector<16xi32>
    %gt3A_898 = arith.cmpi sgt, %select_n3A_895, %gt3A_897 : vector<16xi32>
    %sub3A_899 = arith.constant 1 : i32
    %sub3A_900 = vector.broadcast %sub3A_899 : i32 to vector<16xi32>
    %sub3A_901 = arith.subi %select_n3A_895, %sub3A_900 : vector<16xi32>
    %jit3A_902 = arith.constant 16384 : i32
    %broadcast_in_dim3A_903 = vector.broadcast %jit3A_902 : i32 to vector<16xi32>
    %select_n3A_904 = arith.select %gt3A_898, %sub3A_901, %broadcast_in_dim3A_903 : vector<16xi1>, vector<16xi32>
    %swap3A_905 = arith.constant 464 : index
    %swap3A_906 = tpu.vector_load %arg7[%swap3A_905] {strides = array<i32>} : memref<1024xi32, #tpu.memory_space<vmem>>, vector<16xi32>,
    tpu.vector_store %arg7[%swap3A_905], %select_n3A_904 {strides = array<i32>} : memref<1024xi32, #tpu.memory_space<vmem>>, vector<16xi32>,
    %add3A_907 = arith.constant 480 : i32
    %add3A_908 = vector.broadcast %add3A_907 : i32 to vector<16xi32>
    %add3A_909 = arith.addi %iota3A, %add3A_908 : vector<16xi32>
    %ge3A_910 = arith.cmpi sge, %add3A_909, %gather3A : vector<16xi32>
    %sub3A_911 = arith.subi %add3A_909, %gather3A : vector<16xi32>
    %jit3A_912 = arith.constant 0 : i32
    %jit3A_913 = arith.constant 511 : i32
    %max3A_914 = vector.broadcast %jit3A_912 : i32 to vector<16xi32>
    %max3A_915 = arith.maxsi %max3A_914, %sub3A_911 : vector<16xi32>
    %min3A_916 = vector.broadcast %jit3A_913 : i32 to vector<16xi32>
    %min3A_917 = arith.minsi %min3A_916, %max3A_915 : vector<16xi32>
    %add3A_918 = arith.constant 0 : i32
    %add3A_919 = vector.broadcast %add3A_918 : i32 to vector<16xi32>
    %add3A_920 = arith.addi %min3A_917, %add3A_919 : vector<16xi32>
    %get3A_921 = arith.constant 480 : index
    %get3A_922 = tpu.vector_load %arg8[%get3A_921] {strides = array<i32>} : memref<1024xi32, #tpu.memory_space<vmem>>, vector<16xi32>,
    %gather3A_923 = tpu.vector_load_idx %arg9[%add3A_920] : memref<1024xi32, #tpu.memory_space<vmem>>[vector<16xi32>], vector<16xi32>,
    %select_n3A_924 = arith.select %ge3A_910, %gather3A_923, %get3A_922 : vector<16xi1>, vector<16xi32>
    %gt3A_925 = arith.constant 0 : i32
    %gt3A_926 = vector.broadcast %gt3A_925 : i32 to vector<16xi32>
    %gt3A_927 = arith.cmpi sgt, %select_n3A_924, %gt3A_926 : vector<16xi32>
    %sub3A_928 = arith.constant 1 : i32
    %sub3A_929 = vector.broadcast %sub3A_928 : i32 to vector<16xi32>
    %sub3A_930 = arith.subi %select_n3A_924, %sub3A_929 : vector<16xi32>
    %jit3A_931 = arith.constant 16384 : i32
    %broadcast_in_dim3A_932 = vector.broadcast %jit3A_931 : i32 to vector<16xi32>
    %select_n3A_933 = arith.select %gt3A_927, %sub3A_930, %broadcast_in_dim3A_932 : vector<16xi1>, vector<16xi32>
    %swap3A_934 = arith.constant 480 : index
    %swap3A_935 = tpu.vector_load %arg7[%swap3A_934] {strides = array<i32>} : memref<1024xi32, #tpu.memory_space<vmem>>, vector<16xi32>,
    tpu.vector_store %arg7[%swap3A_934], %select_n3A_933 {strides = array<i32>} : memref<1024xi32, #tpu.memory_space<vmem>>, vector<16xi32>,
    %add3A_936 = arith.constant 496 : i32
    %add3A_937 = vector.broadcast %add3A_936 : i32 to vector<16xi32>
    %add3A_938 = arith.addi %iota3A, %add3A_937 : vector<16xi32>
    %ge3A_939 = arith.cmpi sge, %add3A_938, %gather3A : vector<16xi32>
    %sub3A_940 = arith.subi %add3A_938, %gather3A : vector<16xi32>
    %jit3A_941 = arith.constant 0 : i32
    %jit3A_942 = arith.constant 511 : i32
    %max3A_943 = vector.broadcast %jit3A_941 : i32 to vector<16xi32>
    %max3A_944 = arith.maxsi %max3A_943, %sub3A_940 : vector<16xi32>
    %min3A_945 = vector.broadcast %jit3A_942 : i32 to vector<16xi32>
    %min3A_946 = arith.minsi %min3A_945, %max3A_944 : vector<16xi32>
    %add3A_947 = arith.constant 0 : i32
    %add3A_948 = vector.broadcast %add3A_947 : i32 to vector<16xi32>
    %add3A_949 = arith.addi %min3A_946, %add3A_948 : vector<16xi32>
    %get3A_950 = arith.constant 496 : index
    %get3A_951 = tpu.vector_load %arg8[%get3A_950] {strides = array<i32>} : memref<1024xi32, #tpu.memory_space<vmem>>, vector<16xi32>,
    %gather3A_952 = tpu.vector_load_idx %arg9[%add3A_949] : memref<1024xi32, #tpu.memory_space<vmem>>[vector<16xi32>], vector<16xi32>,
    %select_n3A_953 = arith.select %ge3A_939, %gather3A_952, %get3A_951 : vector<16xi1>, vector<16xi32>
    %gt3A_954 = arith.constant 0 : i32
    %gt3A_955 = vector.broadcast %gt3A_954 : i32 to vector<16xi32>
    %gt3A_956 = arith.cmpi sgt, %select_n3A_953, %gt3A_955 : vector<16xi32>
    %sub3A_957 = arith.constant 1 : i32
    %sub3A_958 = vector.broadcast %sub3A_957 : i32 to vector<16xi32>
    %sub3A_959 = arith.subi %select_n3A_953, %sub3A_958 : vector<16xi32>
    %jit3A_960 = arith.constant 16384 : i32
    %broadcast_in_dim3A_961 = vector.broadcast %jit3A_960 : i32 to vector<16xi32>
    %select_n3A_962 = arith.select %gt3A_956, %sub3A_959, %broadcast_in_dim3A_961 : vector<16xi1>, vector<16xi32>
    %swap3A_963 = arith.constant 496 : index
    %swap3A_964 = tpu.vector_load %arg7[%swap3A_963] {strides = array<i32>} : memref<1024xi32, #tpu.memory_space<vmem>>, vector<16xi32>,
    tpu.vector_store %arg7[%swap3A_963], %select_n3A_962 {strides = array<i32>} : memref<1024xi32, #tpu.memory_space<vmem>>, vector<16xi32>,
    %jit3A_965 = arith.constant 16 : i32
    %eq3A_966 = arith.constant 0 : i32
    %eq3A_967 = arith.cmpi eq, %jit3A_965, %eq3A_966 : i32
    %jit3A_968 = arith.constant 1 : i32
    %select_n3A_969 = arith.select %eq3A_967, %jit3A_968, %jit3A_965 : i32
    %rem3A_970 = arith.remsi %mul3A_4, %select_n3A_969 : i32
    %ne3A_971 = arith.constant 0 : i32
    %ne3A_972 = arith.cmpi ne, %rem3A_970, %ne3A_971 : i32
    %lt3A_973 = arith.constant 0 : i32
    %lt3A_974 = arith.cmpi slt, %rem3A_970, %lt3A_973 : i32
    %lt3A_975 = arith.constant 0 : i32
    %lt3A_976 = arith.cmpi slt, %select_n3A_969, %lt3A_975 : i32
    %ne3A_977 = arith.xori %lt3A_974, %lt3A_976 : i1
    %and3A_978 = arith.andi %ne3A_977, %ne3A_972 : i1
    %add3A_979 = arith.addi %rem3A_970, %select_n3A_969 : i32
    %select_n3A_980 = arith.select %and3A_978, %add3A_979, %rem3A_970 : i32
    %add3A_981 = arith.constant 1 : i32
    %add3A_982 = arith.addi %select_n3A_980, %add3A_981 : i32
    %broadcast_in_dim3A_983 = vector.broadcast %add3A_982 : i32 to vector<16xi32>
    %gather3A_984 = tpu.vector_load_idx %arg10[%broadcast_in_dim3A_983] : memref<16xi32, #tpu.memory_space<vmem>>[vector<16xi32>], vector<16xi32>,
    %add3A_985 = arith.constant 0 : i32
    %add3A_986 = vector.broadcast %add3A_985 : i32 to vector<16xi32>
    %add3A_987 = arith.addi %iota3A, %add3A_986 : vector<16xi32>
    %ge3A_988 = arith.cmpi sge, %add3A_987, %gather3A_984 : vector<16xi32>
    %sub3A_989 = arith.subi %add3A_987, %gather3A_984 : vector<16xi32>
    %jit3A_990 = arith.constant 0 : i32
    %jit3A_991 = arith.constant 511 : i32
    %max3A_992 = vector.broadcast %jit3A_990 : i32 to vector<16xi32>
    %max3A_993 = arith.maxsi %max3A_992, %sub3A_989 : vector<16xi32>
    %min3A_994 = vector.broadcast %jit3A_991 : i32 to vector<16xi32>
    %min3A_995 = arith.minsi %min3A_994, %max3A_993 : vector<16xi32>
    %add3A_996 = arith.constant 512 : i32
    %add3A_997 = vector.broadcast %add3A_996 : i32 to vector<16xi32>
    %add3A_998 = arith.addi %min3A_995, %add3A_997 : vector<16xi32>
    %get3A_999 = arith.constant 512 : index
    %get3A_1000 = tpu.vector_load %arg8[%get3A_999] {strides = array<i32>} : memref<1024xi32, #tpu.memory_space<vmem>>, vector<16xi32>,
    %gather3A_1001 = tpu.vector_load_idx %arg9[%add3A_998] : memref<1024xi32, #tpu.memory_space<vmem>>[vector<16xi32>], vector<16xi32>,
    %select_n3A_1002 = arith.select %ge3A_988, %gather3A_1001, %get3A_1000 : vector<16xi1>, vector<16xi32>
    %gt3A_1003 = arith.constant 0 : i32
    %gt3A_1004 = vector.broadcast %gt3A_1003 : i32 to vector<16xi32>
    %gt3A_1005 = arith.cmpi sgt, %select_n3A_1002, %gt3A_1004 : vector<16xi32>
    %sub3A_1006 = arith.constant 1 : i32
    %sub3A_1007 = vector.broadcast %sub3A_1006 : i32 to vector<16xi32>
    %sub3A_1008 = arith.subi %select_n3A_1002, %sub3A_1007 : vector<16xi32>
    %jit3A_1009 = arith.constant 16384 : i32
    %broadcast_in_dim3A_1010 = vector.broadcast %jit3A_1009 : i32 to vector<16xi32>
    %select_n3A_1011 = arith.select %gt3A_1005, %sub3A_1008, %broadcast_in_dim3A_1010 : vector<16xi1>, vector<16xi32>
    %swap3A_1012 = arith.constant 512 : index
    %swap3A_1013 = tpu.vector_load %arg7[%swap3A_1012] {strides = array<i32>} : memref<1024xi32, #tpu.memory_space<vmem>>, vector<16xi32>,
    tpu.vector_store %arg7[%swap3A_1012], %select_n3A_1011 {strides = array<i32>} : memref<1024xi32, #tpu.memory_space<vmem>>, vector<16xi32>,
    %add3A_1014 = arith.constant 16 : i32
    %add3A_1015 = vector.broadcast %add3A_1014 : i32 to vector<16xi32>
    %add3A_1016 = arith.addi %iota3A, %add3A_1015 : vector<16xi32>
    %ge3A_1017 = arith.cmpi sge, %add3A_1016, %gather3A_984 : vector<16xi32>
    %sub3A_1018 = arith.subi %add3A_1016, %gather3A_984 : vector<16xi32>
    %jit3A_1019 = arith.constant 0 : i32
    %jit3A_1020 = arith.constant 511 : i32
    %max3A_1021 = vector.broadcast %jit3A_1019 : i32 to vector<16xi32>
    %max3A_1022 = arith.maxsi %max3A_1021, %sub3A_1018 : vector<16xi32>
    %min3A_1023 = vector.broadcast %jit3A_1020 : i32 to vector<16xi32>
    %min3A_1024 = arith.minsi %min3A_1023, %max3A_1022 : vector<16xi32>
    %add3A_1025 = arith.constant 512 : i32
    %add3A_1026 = vector.broadcast %add3A_1025 : i32 to vector<16xi32>
    %add3A_1027 = arith.addi %min3A_1024, %add3A_1026 : vector<16xi32>
    %get3A_1028 = arith.constant 528 : index
    %get3A_1029 = tpu.vector_load %arg8[%get3A_1028] {strides = array<i32>} : memref<1024xi32, #tpu.memory_space<vmem>>, vector<16xi32>,
    %gather3A_1030 = tpu.vector_load_idx %arg9[%add3A_1027] : memref<1024xi32, #tpu.memory_space<vmem>>[vector<16xi32>], vector<16xi32>,
    %select_n3A_1031 = arith.select %ge3A_1017, %gather3A_1030, %get3A_1029 : vector<16xi1>, vector<16xi32>
    %gt3A_1032 = arith.constant 0 : i32
    %gt3A_1033 = vector.broadcast %gt3A_1032 : i32 to vector<16xi32>
    %gt3A_1034 = arith.cmpi sgt, %select_n3A_1031, %gt3A_1033 : vector<16xi32>
    %sub3A_1035 = arith.constant 1 : i32
    %sub3A_1036 = vector.broadcast %sub3A_1035 : i32 to vector<16xi32>
    %sub3A_1037 = arith.subi %select_n3A_1031, %sub3A_1036 : vector<16xi32>
    %jit3A_1038 = arith.constant 16384 : i32
    %broadcast_in_dim3A_1039 = vector.broadcast %jit3A_1038 : i32 to vector<16xi32>
    %select_n3A_1040 = arith.select %gt3A_1034, %sub3A_1037, %broadcast_in_dim3A_1039 : vector<16xi1>, vector<16xi32>
    %swap3A_1041 = arith.constant 528 : index
    %swap3A_1042 = tpu.vector_load %arg7[%swap3A_1041] {strides = array<i32>} : memref<1024xi32, #tpu.memory_space<vmem>>, vector<16xi32>,
    tpu.vector_store %arg7[%swap3A_1041], %select_n3A_1040 {strides = array<i32>} : memref<1024xi32, #tpu.memory_space<vmem>>, vector<16xi32>,
    %add3A_1043 = arith.constant 32 : i32
    %add3A_1044 = vector.broadcast %add3A_1043 : i32 to vector<16xi32>
    %add3A_1045 = arith.addi %iota3A, %add3A_1044 : vector<16xi32>
    %ge3A_1046 = arith.cmpi sge, %add3A_1045, %gather3A_984 : vector<16xi32>
    %sub3A_1047 = arith.subi %add3A_1045, %gather3A_984 : vector<16xi32>
    %jit3A_1048 = arith.constant 0 : i32
    %jit3A_1049 = arith.constant 511 : i32
    %max3A_1050 = vector.broadcast %jit3A_1048 : i32 to vector<16xi32>
    %max3A_1051 = arith.maxsi %max3A_1050, %sub3A_1047 : vector<16xi32>
    %min3A_1052 = vector.broadcast %jit3A_1049 : i32 to vector<16xi32>
    %min3A_1053 = arith.minsi %min3A_1052, %max3A_1051 : vector<16xi32>
    %add3A_1054 = arith.constant 512 : i32
    %add3A_1055 = vector.broadcast %add3A_1054 : i32 to vector<16xi32>
    %add3A_1056 = arith.addi %min3A_1053, %add3A_1055 : vector<16xi32>
    %get3A_1057 = arith.constant 544 : index
    %get3A_1058 = tpu.vector_load %arg8[%get3A_1057] {strides = array<i32>} : memref<1024xi32, #tpu.memory_space<vmem>>, vector<16xi32>,
    %gather3A_1059 = tpu.vector_load_idx %arg9[%add3A_1056] : memref<1024xi32, #tpu.memory_space<vmem>>[vector<16xi32>], vector<16xi32>,
    %select_n3A_1060 = arith.select %ge3A_1046, %gather3A_1059, %get3A_1058 : vector<16xi1>, vector<16xi32>
    %gt3A_1061 = arith.constant 0 : i32
    %gt3A_1062 = vector.broadcast %gt3A_1061 : i32 to vector<16xi32>
    %gt3A_1063 = arith.cmpi sgt, %select_n3A_1060, %gt3A_1062 : vector<16xi32>
    %sub3A_1064 = arith.constant 1 : i32
    %sub3A_1065 = vector.broadcast %sub3A_1064 : i32 to vector<16xi32>
    %sub3A_1066 = arith.subi %select_n3A_1060, %sub3A_1065 : vector<16xi32>
    %jit3A_1067 = arith.constant 16384 : i32
    %broadcast_in_dim3A_1068 = vector.broadcast %jit3A_1067 : i32 to vector<16xi32>
    %select_n3A_1069 = arith.select %gt3A_1063, %sub3A_1066, %broadcast_in_dim3A_1068 : vector<16xi1>, vector<16xi32>
    %swap3A_1070 = arith.constant 544 : index
    %swap3A_1071 = tpu.vector_load %arg7[%swap3A_1070] {strides = array<i32>} : memref<1024xi32, #tpu.memory_space<vmem>>, vector<16xi32>,
    tpu.vector_store %arg7[%swap3A_1070], %select_n3A_1069 {strides = array<i32>} : memref<1024xi32, #tpu.memory_space<vmem>>, vector<16xi32>,
    %add3A_1072 = arith.constant 48 : i32
    %add3A_1073 = vector.broadcast %add3A_1072 : i32 to vector<16xi32>
    %add3A_1074 = arith.addi %iota3A, %add3A_1073 : vector<16xi32>
    %ge3A_1075 = arith.cmpi sge, %add3A_1074, %gather3A_984 : vector<16xi32>
    %sub3A_1076 = arith.subi %add3A_1074, %gather3A_984 : vector<16xi32>
    %jit3A_1077 = arith.constant 0 : i32
    %jit3A_1078 = arith.constant 511 : i32
    %max3A_1079 = vector.broadcast %jit3A_1077 : i32 to vector<16xi32>
    %max3A_1080 = arith.maxsi %max3A_1079, %sub3A_1076 : vector<16xi32>
    %min3A_1081 = vector.broadcast %jit3A_1078 : i32 to vector<16xi32>
    %min3A_1082 = arith.minsi %min3A_1081, %max3A_1080 : vector<16xi32>
    %add3A_1083 = arith.constant 512 : i32
    %add3A_1084 = vector.broadcast %add3A_1083 : i32 to vector<16xi32>
    %add3A_1085 = arith.addi %min3A_1082, %add3A_1084 : vector<16xi32>
    %get3A_1086 = arith.constant 560 : index
    %get3A_1087 = tpu.vector_load %arg8[%get3A_1086] {strides = array<i32>} : memref<1024xi32, #tpu.memory_space<vmem>>, vector<16xi32>,
    %gather3A_1088 = tpu.vector_load_idx %arg9[%add3A_1085] : memref<1024xi32, #tpu.memory_space<vmem>>[vector<16xi32>], vector<16xi32>,
    %select_n3A_1089 = arith.select %ge3A_1075, %gather3A_1088, %get3A_1087 : vector<16xi1>, vector<16xi32>
    %gt3A_1090 = arith.constant 0 : i32
    %gt3A_1091 = vector.broadcast %gt3A_1090 : i32 to vector<16xi32>
    %gt3A_1092 = arith.cmpi sgt, %select_n3A_1089, %gt3A_1091 : vector<16xi32>
    %sub3A_1093 = arith.constant 1 : i32
    %sub3A_1094 = vector.broadcast %sub3A_1093 : i32 to vector<16xi32>
    %sub3A_1095 = arith.subi %select_n3A_1089, %sub3A_1094 : vector<16xi32>
    %jit3A_1096 = arith.constant 16384 : i32
    %broadcast_in_dim3A_1097 = vector.broadcast %jit3A_1096 : i32 to vector<16xi32>
    %select_n3A_1098 = arith.select %gt3A_1092, %sub3A_1095, %broadcast_in_dim3A_1097 : vector<16xi1>, vector<16xi32>
    %swap3A_1099 = arith.constant 560 : index
    %swap3A_1100 = tpu.vector_load %arg7[%swap3A_1099] {strides = array<i32>} : memref<1024xi32, #tpu.memory_space<vmem>>, vector<16xi32>,
    tpu.vector_store %arg7[%swap3A_1099], %select_n3A_1098 {strides = array<i32>} : memref<1024xi32, #tpu.memory_space<vmem>>, vector<16xi32>,
    %add3A_1101 = arith.constant 64 : i32
    %add3A_1102 = vector.broadcast %add3A_1101 : i32 to vector<16xi32>
    %add3A_1103 = arith.addi %iota3A, %add3A_1102 : vector<16xi32>
    %ge3A_1104 = arith.cmpi sge, %add3A_1103, %gather3A_984 : vector<16xi32>
    %sub3A_1105 = arith.subi %add3A_1103, %gather3A_984 : vector<16xi32>
    %jit3A_1106 = arith.constant 0 : i32
    %jit3A_1107 = arith.constant 511 : i32
    %max3A_1108 = vector.broadcast %jit3A_1106 : i32 to vector<16xi32>
    %max3A_1109 = arith.maxsi %max3A_1108, %sub3A_1105 : vector<16xi32>
    %min3A_1110 = vector.broadcast %jit3A_1107 : i32 to vector<16xi32>
    %min3A_1111 = arith.minsi %min3A_1110, %max3A_1109 : vector<16xi32>
    %add3A_1112 = arith.constant 512 : i32
    %add3A_1113 = vector.broadcast %add3A_1112 : i32 to vector<16xi32>
    %add3A_1114 = arith.addi %min3A_1111, %add3A_1113 : vector<16xi32>
    %get3A_1115 = arith.constant 576 : index
    %get3A_1116 = tpu.vector_load %arg8[%get3A_1115] {strides = array<i32>} : memref<1024xi32, #tpu.memory_space<vmem>>, vector<16xi32>,
    %gather3A_1117 = tpu.vector_load_idx %arg9[%add3A_1114] : memref<1024xi32, #tpu.memory_space<vmem>>[vector<16xi32>], vector<16xi32>,
    %select_n3A_1118 = arith.select %ge3A_1104, %gather3A_1117, %get3A_1116 : vector<16xi1>, vector<16xi32>
    %gt3A_1119 = arith.constant 0 : i32
    %gt3A_1120 = vector.broadcast %gt3A_1119 : i32 to vector<16xi32>
    %gt3A_1121 = arith.cmpi sgt, %select_n3A_1118, %gt3A_1120 : vector<16xi32>
    %sub3A_1122 = arith.constant 1 : i32
    %sub3A_1123 = vector.broadcast %sub3A_1122 : i32 to vector<16xi32>
    %sub3A_1124 = arith.subi %select_n3A_1118, %sub3A_1123 : vector<16xi32>
    %jit3A_1125 = arith.constant 16384 : i32
    %broadcast_in_dim3A_1126 = vector.broadcast %jit3A_1125 : i32 to vector<16xi32>
    %select_n3A_1127 = arith.select %gt3A_1121, %sub3A_1124, %broadcast_in_dim3A_1126 : vector<16xi1>, vector<16xi32>
    %swap3A_1128 = arith.constant 576 : index
    %swap3A_1129 = tpu.vector_load %arg7[%swap3A_1128] {strides = array<i32>} : memref<1024xi32, #tpu.memory_space<vmem>>, vector<16xi32>,
    tpu.vector_store %arg7[%swap3A_1128], %select_n3A_1127 {strides = array<i32>} : memref<1024xi32, #tpu.memory_space<vmem>>, vector<16xi32>,
    %add3A_1130 = arith.constant 80 : i32
    %add3A_1131 = vector.broadcast %add3A_1130 : i32 to vector<16xi32>
    %add3A_1132 = arith.addi %iota3A, %add3A_1131 : vector<16xi32>
    %ge3A_1133 = arith.cmpi sge, %add3A_1132, %gather3A_984 : vector<16xi32>
    %sub3A_1134 = arith.subi %add3A_1132, %gather3A_984 : vector<16xi32>
    %jit3A_1135 = arith.constant 0 : i32
    %jit3A_1136 = arith.constant 511 : i32
    %max3A_1137 = vector.broadcast %jit3A_1135 : i32 to vector<16xi32>
    %max3A_1138 = arith.maxsi %max3A_1137, %sub3A_1134 : vector<16xi32>
    %min3A_1139 = vector.broadcast %jit3A_1136 : i32 to vector<16xi32>
    %min3A_1140 = arith.minsi %min3A_1139, %max3A_1138 : vector<16xi32>
    %add3A_1141 = arith.constant 512 : i32
    %add3A_1142 = vector.broadcast %add3A_1141 : i32 to vector<16xi32>
    %add3A_1143 = arith.addi %min3A_1140, %add3A_1142 : vector<16xi32>
    %get3A_1144 = arith.constant 592 : index
    %get3A_1145 = tpu.vector_load %arg8[%get3A_1144] {strides = array<i32>} : memref<1024xi32, #tpu.memory_space<vmem>>, vector<16xi32>,
    %gather3A_1146 = tpu.vector_load_idx %arg9[%add3A_1143] : memref<1024xi32, #tpu.memory_space<vmem>>[vector<16xi32>], vector<16xi32>,
    %select_n3A_1147 = arith.select %ge3A_1133, %gather3A_1146, %get3A_1145 : vector<16xi1>, vector<16xi32>
    %gt3A_1148 = arith.constant 0 : i32
    %gt3A_1149 = vector.broadcast %gt3A_1148 : i32 to vector<16xi32>
    %gt3A_1150 = arith.cmpi sgt, %select_n3A_1147, %gt3A_1149 : vector<16xi32>
    %sub3A_1151 = arith.constant 1 : i32
    %sub3A_1152 = vector.broadcast %sub3A_1151 : i32 to vector<16xi32>
    %sub3A_1153 = arith.subi %select_n3A_1147, %sub3A_1152 : vector<16xi32>
    %jit3A_1154 = arith.constant 16384 : i32
    %broadcast_in_dim3A_1155 = vector.broadcast %jit3A_1154 : i32 to vector<16xi32>
    %select_n3A_1156 = arith.select %gt3A_1150, %sub3A_1153, %broadcast_in_dim3A_1155 : vector<16xi1>, vector<16xi32>
    %swap3A_1157 = arith.constant 592 : index
    %swap3A_1158 = tpu.vector_load %arg7[%swap3A_1157] {strides = array<i32>} : memref<1024xi32, #tpu.memory_space<vmem>>, vector<16xi32>,
    tpu.vector_store %arg7[%swap3A_1157], %select_n3A_1156 {strides = array<i32>} : memref<1024xi32, #tpu.memory_space<vmem>>, vector<16xi32>,
    %add3A_1159 = arith.constant 96 : i32
    %add3A_1160 = vector.broadcast %add3A_1159 : i32 to vector<16xi32>
    %add3A_1161 = arith.addi %iota3A, %add3A_1160 : vector<16xi32>
    %ge3A_1162 = arith.cmpi sge, %add3A_1161, %gather3A_984 : vector<16xi32>
    %sub3A_1163 = arith.subi %add3A_1161, %gather3A_984 : vector<16xi32>
    %jit3A_1164 = arith.constant 0 : i32
    %jit3A_1165 = arith.constant 511 : i32
    %max3A_1166 = vector.broadcast %jit3A_1164 : i32 to vector<16xi32>
    %max3A_1167 = arith.maxsi %max3A_1166, %sub3A_1163 : vector<16xi32>
    %min3A_1168 = vector.broadcast %jit3A_1165 : i32 to vector<16xi32>
    %min3A_1169 = arith.minsi %min3A_1168, %max3A_1167 : vector<16xi32>
    %add3A_1170 = arith.constant 512 : i32
    %add3A_1171 = vector.broadcast %add3A_1170 : i32 to vector<16xi32>
    %add3A_1172 = arith.addi %min3A_1169, %add3A_1171 : vector<16xi32>
    %get3A_1173 = arith.constant 608 : index
    %get3A_1174 = tpu.vector_load %arg8[%get3A_1173] {strides = array<i32>} : memref<1024xi32, #tpu.memory_space<vmem>>, vector<16xi32>,
    %gather3A_1175 = tpu.vector_load_idx %arg9[%add3A_1172] : memref<1024xi32, #tpu.memory_space<vmem>>[vector<16xi32>], vector<16xi32>,
    %select_n3A_1176 = arith.select %ge3A_1162, %gather3A_1175, %get3A_1174 : vector<16xi1>, vector<16xi32>
    %gt3A_1177 = arith.constant 0 : i32
    %gt3A_1178 = vector.broadcast %gt3A_1177 : i32 to vector<16xi32>
    %gt3A_1179 = arith.cmpi sgt, %select_n3A_1176, %gt3A_1178 : vector<16xi32>
    %sub3A_1180 = arith.constant 1 : i32
    %sub3A_1181 = vector.broadcast %sub3A_1180 : i32 to vector<16xi32>
    %sub3A_1182 = arith.subi %select_n3A_1176, %sub3A_1181 : vector<16xi32>
    %jit3A_1183 = arith.constant 16384 : i32
    %broadcast_in_dim3A_1184 = vector.broadcast %jit3A_1183 : i32 to vector<16xi32>
    %select_n3A_1185 = arith.select %gt3A_1179, %sub3A_1182, %broadcast_in_dim3A_1184 : vector<16xi1>, vector<16xi32>
    %swap3A_1186 = arith.constant 608 : index
    %swap3A_1187 = tpu.vector_load %arg7[%swap3A_1186] {strides = array<i32>} : memref<1024xi32, #tpu.memory_space<vmem>>, vector<16xi32>,
    tpu.vector_store %arg7[%swap3A_1186], %select_n3A_1185 {strides = array<i32>} : memref<1024xi32, #tpu.memory_space<vmem>>, vector<16xi32>,
    %add3A_1188 = arith.constant 112 : i32
    %add3A_1189 = vector.broadcast %add3A_1188 : i32 to vector<16xi32>
    %add3A_1190 = arith.addi %iota3A, %add3A_1189 : vector<16xi32>
    %ge3A_1191 = arith.cmpi sge, %add3A_1190, %gather3A_984 : vector<16xi32>
    %sub3A_1192 = arith.subi %add3A_1190, %gather3A_984 : vector<16xi32>
    %jit3A_1193 = arith.constant 0 : i32
    %jit3A_1194 = arith.constant 511 : i32
    %max3A_1195 = vector.broadcast %jit3A_1193 : i32 to vector<16xi32>
    %max3A_1196 = arith.maxsi %max3A_1195, %sub3A_1192 : vector<16xi32>
    %min3A_1197 = vector.broadcast %jit3A_1194 : i32 to vector<16xi32>
    %min3A_1198 = arith.minsi %min3A_1197, %max3A_1196 : vector<16xi32>
    %add3A_1199 = arith.constant 512 : i32
    %add3A_1200 = vector.broadcast %add3A_1199 : i32 to vector<16xi32>
    %add3A_1201 = arith.addi %min3A_1198, %add3A_1200 : vector<16xi32>
    %get3A_1202 = arith.constant 624 : index
    %get3A_1203 = tpu.vector_load %arg8[%get3A_1202] {strides = array<i32>} : memref<1024xi32, #tpu.memory_space<vmem>>, vector<16xi32>,
    %gather3A_1204 = tpu.vector_load_idx %arg9[%add3A_1201] : memref<1024xi32, #tpu.memory_space<vmem>>[vector<16xi32>], vector<16xi32>,
    %select_n3A_1205 = arith.select %ge3A_1191, %gather3A_1204, %get3A_1203 : vector<16xi1>, vector<16xi32>
    %gt3A_1206 = arith.constant 0 : i32
    %gt3A_1207 = vector.broadcast %gt3A_1206 : i32 to vector<16xi32>
    %gt3A_1208 = arith.cmpi sgt, %select_n3A_1205, %gt3A_1207 : vector<16xi32>
    %sub3A_1209 = arith.constant 1 : i32
    %sub3A_1210 = vector.broadcast %sub3A_1209 : i32 to vector<16xi32>
    %sub3A_1211 = arith.subi %select_n3A_1205, %sub3A_1210 : vector<16xi32>
    %jit3A_1212 = arith.constant 16384 : i32
    %broadcast_in_dim3A_1213 = vector.broadcast %jit3A_1212 : i32 to vector<16xi32>
    %select_n3A_1214 = arith.select %gt3A_1208, %sub3A_1211, %broadcast_in_dim3A_1213 : vector<16xi1>, vector<16xi32>
    %swap3A_1215 = arith.constant 624 : index
    %swap3A_1216 = tpu.vector_load %arg7[%swap3A_1215] {strides = array<i32>} : memref<1024xi32, #tpu.memory_space<vmem>>, vector<16xi32>,
    tpu.vector_store %arg7[%swap3A_1215], %select_n3A_1214 {strides = array<i32>} : memref<1024xi32, #tpu.memory_space<vmem>>, vector<16xi32>,
    %add3A_1217 = arith.constant 128 : i32
    %add3A_1218 = vector.broadcast %add3A_1217 : i32 to vector<16xi32>
    %add3A_1219 = arith.addi %iota3A, %add3A_1218 : vector<16xi32>
    %ge3A_1220 = arith.cmpi sge, %add3A_1219, %gather3A_984 : vector<16xi32>
    %sub3A_1221 = arith.subi %add3A_1219, %gather3A_984 : vector<16xi32>
    %jit3A_1222 = arith.constant 0 : i32
    %jit3A_1223 = arith.constant 511 : i32
    %max3A_1224 = vector.broadcast %jit3A_1222 : i32 to vector<16xi32>
    %max3A_1225 = arith.maxsi %max3A_1224, %sub3A_1221 : vector<16xi32>
    %min3A_1226 = vector.broadcast %jit3A_1223 : i32 to vector<16xi32>
    %min3A_1227 = arith.minsi %min3A_1226, %max3A_1225 : vector<16xi32>
    %add3A_1228 = arith.constant 512 : i32
    %add3A_1229 = vector.broadcast %add3A_1228 : i32 to vector<16xi32>
    %add3A_1230 = arith.addi %min3A_1227, %add3A_1229 : vector<16xi32>
    %get3A_1231 = arith.constant 640 : index
    %get3A_1232 = tpu.vector_load %arg8[%get3A_1231] {strides = array<i32>} : memref<1024xi32, #tpu.memory_space<vmem>>, vector<16xi32>,
    %gather3A_1233 = tpu.vector_load_idx %arg9[%add3A_1230] : memref<1024xi32, #tpu.memory_space<vmem>>[vector<16xi32>], vector<16xi32>,
    %select_n3A_1234 = arith.select %ge3A_1220, %gather3A_1233, %get3A_1232 : vector<16xi1>, vector<16xi32>
    %gt3A_1235 = arith.constant 0 : i32
    %gt3A_1236 = vector.broadcast %gt3A_1235 : i32 to vector<16xi32>
    %gt3A_1237 = arith.cmpi sgt, %select_n3A_1234, %gt3A_1236 : vector<16xi32>
    %sub3A_1238 = arith.constant 1 : i32
    %sub3A_1239 = vector.broadcast %sub3A_1238 : i32 to vector<16xi32>
    %sub3A_1240 = arith.subi %select_n3A_1234, %sub3A_1239 : vector<16xi32>
    %jit3A_1241 = arith.constant 16384 : i32
    %broadcast_in_dim3A_1242 = vector.broadcast %jit3A_1241 : i32 to vector<16xi32>
    %select_n3A_1243 = arith.select %gt3A_1237, %sub3A_1240, %broadcast_in_dim3A_1242 : vector<16xi1>, vector<16xi32>
    %swap3A_1244 = arith.constant 640 : index
    %swap3A_1245 = tpu.vector_load %arg7[%swap3A_1244] {strides = array<i32>} : memref<1024xi32, #tpu.memory_space<vmem>>, vector<16xi32>,
    tpu.vector_store %arg7[%swap3A_1244], %select_n3A_1243 {strides = array<i32>} : memref<1024xi32, #tpu.memory_space<vmem>>, vector<16xi32>,
    %add3A_1246 = arith.constant 144 : i32
    %add3A_1247 = vector.broadcast %add3A_1246 : i32 to vector<16xi32>
    %add3A_1248 = arith.addi %iota3A, %add3A_1247 : vector<16xi32>
    %ge3A_1249 = arith.cmpi sge, %add3A_1248, %gather3A_984 : vector<16xi32>
    %sub3A_1250 = arith.subi %add3A_1248, %gather3A_984 : vector<16xi32>
    %jit3A_1251 = arith.constant 0 : i32
    %jit3A_1252 = arith.constant 511 : i32
    %max3A_1253 = vector.broadcast %jit3A_1251 : i32 to vector<16xi32>
    %max3A_1254 = arith.maxsi %max3A_1253, %sub3A_1250 : vector<16xi32>
    %min3A_1255 = vector.broadcast %jit3A_1252 : i32 to vector<16xi32>
    %min3A_1256 = arith.minsi %min3A_1255, %max3A_1254 : vector<16xi32>
    %add3A_1257 = arith.constant 512 : i32
    %add3A_1258 = vector.broadcast %add3A_1257 : i32 to vector<16xi32>
    %add3A_1259 = arith.addi %min3A_1256, %add3A_1258 : vector<16xi32>
    %get3A_1260 = arith.constant 656 : index
    %get3A_1261 = tpu.vector_load %arg8[%get3A_1260] {strides = array<i32>} : memref<1024xi32, #tpu.memory_space<vmem>>, vector<16xi32>,
    %gather3A_1262 = tpu.vector_load_idx %arg9[%add3A_1259] : memref<1024xi32, #tpu.memory_space<vmem>>[vector<16xi32>], vector<16xi32>,
    %select_n3A_1263 = arith.select %ge3A_1249, %gather3A_1262, %get3A_1261 : vector<16xi1>, vector<16xi32>
    %gt3A_1264 = arith.constant 0 : i32
    %gt3A_1265 = vector.broadcast %gt3A_1264 : i32 to vector<16xi32>
    %gt3A_1266 = arith.cmpi sgt, %select_n3A_1263, %gt3A_1265 : vector<16xi32>
    %sub3A_1267 = arith.constant 1 : i32
    %sub3A_1268 = vector.broadcast %sub3A_1267 : i32 to vector<16xi32>
    %sub3A_1269 = arith.subi %select_n3A_1263, %sub3A_1268 : vector<16xi32>
    %jit3A_1270 = arith.constant 16384 : i32
    %broadcast_in_dim3A_1271 = vector.broadcast %jit3A_1270 : i32 to vector<16xi32>
    %select_n3A_1272 = arith.select %gt3A_1266, %sub3A_1269, %broadcast_in_dim3A_1271 : vector<16xi1>, vector<16xi32>
    %swap3A_1273 = arith.constant 656 : index
    %swap3A_1274 = tpu.vector_load %arg7[%swap3A_1273] {strides = array<i32>} : memref<1024xi32, #tpu.memory_space<vmem>>, vector<16xi32>,
    tpu.vector_store %arg7[%swap3A_1273], %select_n3A_1272 {strides = array<i32>} : memref<1024xi32, #tpu.memory_space<vmem>>, vector<16xi32>,
    %add3A_1275 = arith.constant 160 : i32
    %add3A_1276 = vector.broadcast %add3A_1275 : i32 to vector<16xi32>
    %add3A_1277 = arith.addi %iota3A, %add3A_1276 : vector<16xi32>
    %ge3A_1278 = arith.cmpi sge, %add3A_1277, %gather3A_984 : vector<16xi32>
    %sub3A_1279 = arith.subi %add3A_1277, %gather3A_984 : vector<16xi32>
    %jit3A_1280 = arith.constant 0 : i32
    %jit3A_1281 = arith.constant 511 : i32
    %max3A_1282 = vector.broadcast %jit3A_1280 : i32 to vector<16xi32>
    %max3A_1283 = arith.maxsi %max3A_1282, %sub3A_1279 : vector<16xi32>
    %min3A_1284 = vector.broadcast %jit3A_1281 : i32 to vector<16xi32>
    %min3A_1285 = arith.minsi %min3A_1284, %max3A_1283 : vector<16xi32>
    %add3A_1286 = arith.constant 512 : i32
    %add3A_1287 = vector.broadcast %add3A_1286 : i32 to vector<16xi32>
    %add3A_1288 = arith.addi %min3A_1285, %add3A_1287 : vector<16xi32>
    %get3A_1289 = arith.constant 672 : index
    %get3A_1290 = tpu.vector_load %arg8[%get3A_1289] {strides = array<i32>} : memref<1024xi32, #tpu.memory_space<vmem>>, vector<16xi32>,
    %gather3A_1291 = tpu.vector_load_idx %arg9[%add3A_1288] : memref<1024xi32, #tpu.memory_space<vmem>>[vector<16xi32>], vector<16xi32>,
    %select_n3A_1292 = arith.select %ge3A_1278, %gather3A_1291, %get3A_1290 : vector<16xi1>, vector<16xi32>
    %gt3A_1293 = arith.constant 0 : i32
    %gt3A_1294 = vector.broadcast %gt3A_1293 : i32 to vector<16xi32>
    %gt3A_1295 = arith.cmpi sgt, %select_n3A_1292, %gt3A_1294 : vector<16xi32>
    %sub3A_1296 = arith.constant 1 : i32
    %sub3A_1297 = vector.broadcast %sub3A_1296 : i32 to vector<16xi32>
    %sub3A_1298 = arith.subi %select_n3A_1292, %sub3A_1297 : vector<16xi32>
    %jit3A_1299 = arith.constant 16384 : i32
    %broadcast_in_dim3A_1300 = vector.broadcast %jit3A_1299 : i32 to vector<16xi32>
    %select_n3A_1301 = arith.select %gt3A_1295, %sub3A_1298, %broadcast_in_dim3A_1300 : vector<16xi1>, vector<16xi32>
    %swap3A_1302 = arith.constant 672 : index
    %swap3A_1303 = tpu.vector_load %arg7[%swap3A_1302] {strides = array<i32>} : memref<1024xi32, #tpu.memory_space<vmem>>, vector<16xi32>,
    tpu.vector_store %arg7[%swap3A_1302], %select_n3A_1301 {strides = array<i32>} : memref<1024xi32, #tpu.memory_space<vmem>>, vector<16xi32>,
    %add3A_1304 = arith.constant 176 : i32
    %add3A_1305 = vector.broadcast %add3A_1304 : i32 to vector<16xi32>
    %add3A_1306 = arith.addi %iota3A, %add3A_1305 : vector<16xi32>
    %ge3A_1307 = arith.cmpi sge, %add3A_1306, %gather3A_984 : vector<16xi32>
    %sub3A_1308 = arith.subi %add3A_1306, %gather3A_984 : vector<16xi32>
    %jit3A_1309 = arith.constant 0 : i32
    %jit3A_1310 = arith.constant 511 : i32
    %max3A_1311 = vector.broadcast %jit3A_1309 : i32 to vector<16xi32>
    %max3A_1312 = arith.maxsi %max3A_1311, %sub3A_1308 : vector<16xi32>
    %min3A_1313 = vector.broadcast %jit3A_1310 : i32 to vector<16xi32>
    %min3A_1314 = arith.minsi %min3A_1313, %max3A_1312 : vector<16xi32>
    %add3A_1315 = arith.constant 512 : i32
    %add3A_1316 = vector.broadcast %add3A_1315 : i32 to vector<16xi32>
    %add3A_1317 = arith.addi %min3A_1314, %add3A_1316 : vector<16xi32>
    %get3A_1318 = arith.constant 688 : index
    %get3A_1319 = tpu.vector_load %arg8[%get3A_1318] {strides = array<i32>} : memref<1024xi32, #tpu.memory_space<vmem>>, vector<16xi32>,
    %gather3A_1320 = tpu.vector_load_idx %arg9[%add3A_1317] : memref<1024xi32, #tpu.memory_space<vmem>>[vector<16xi32>], vector<16xi32>,
    %select_n3A_1321 = arith.select %ge3A_1307, %gather3A_1320, %get3A_1319 : vector<16xi1>, vector<16xi32>
    %gt3A_1322 = arith.constant 0 : i32
    %gt3A_1323 = vector.broadcast %gt3A_1322 : i32 to vector<16xi32>
    %gt3A_1324 = arith.cmpi sgt, %select_n3A_1321, %gt3A_1323 : vector<16xi32>
    %sub3A_1325 = arith.constant 1 : i32
    %sub3A_1326 = vector.broadcast %sub3A_1325 : i32 to vector<16xi32>
    %sub3A_1327 = arith.subi %select_n3A_1321, %sub3A_1326 : vector<16xi32>
    %jit3A_1328 = arith.constant 16384 : i32
    %broadcast_in_dim3A_1329 = vector.broadcast %jit3A_1328 : i32 to vector<16xi32>
    %select_n3A_1330 = arith.select %gt3A_1324, %sub3A_1327, %broadcast_in_dim3A_1329 : vector<16xi1>, vector<16xi32>
    %swap3A_1331 = arith.constant 688 : index
    %swap3A_1332 = tpu.vector_load %arg7[%swap3A_1331] {strides = array<i32>} : memref<1024xi32, #tpu.memory_space<vmem>>, vector<16xi32>,
    tpu.vector_store %arg7[%swap3A_1331], %select_n3A_1330 {strides = array<i32>} : memref<1024xi32, #tpu.memory_space<vmem>>, vector<16xi32>,
    %add3A_1333 = arith.constant 192 : i32
    %add3A_1334 = vector.broadcast %add3A_1333 : i32 to vector<16xi32>
    %add3A_1335 = arith.addi %iota3A, %add3A_1334 : vector<16xi32>
    %ge3A_1336 = arith.cmpi sge, %add3A_1335, %gather3A_984 : vector<16xi32>
    %sub3A_1337 = arith.subi %add3A_1335, %gather3A_984 : vector<16xi32>
    %jit3A_1338 = arith.constant 0 : i32
    %jit3A_1339 = arith.constant 511 : i32
    %max3A_1340 = vector.broadcast %jit3A_1338 : i32 to vector<16xi32>
    %max3A_1341 = arith.maxsi %max3A_1340, %sub3A_1337 : vector<16xi32>
    %min3A_1342 = vector.broadcast %jit3A_1339 : i32 to vector<16xi32>
    %min3A_1343 = arith.minsi %min3A_1342, %max3A_1341 : vector<16xi32>
    %add3A_1344 = arith.constant 512 : i32
    %add3A_1345 = vector.broadcast %add3A_1344 : i32 to vector<16xi32>
    %add3A_1346 = arith.addi %min3A_1343, %add3A_1345 : vector<16xi32>
    %get3A_1347 = arith.constant 704 : index
    %get3A_1348 = tpu.vector_load %arg8[%get3A_1347] {strides = array<i32>} : memref<1024xi32, #tpu.memory_space<vmem>>, vector<16xi32>,
    %gather3A_1349 = tpu.vector_load_idx %arg9[%add3A_1346] : memref<1024xi32, #tpu.memory_space<vmem>>[vector<16xi32>], vector<16xi32>,
    %select_n3A_1350 = arith.select %ge3A_1336, %gather3A_1349, %get3A_1348 : vector<16xi1>, vector<16xi32>
    %gt3A_1351 = arith.constant 0 : i32
    %gt3A_1352 = vector.broadcast %gt3A_1351 : i32 to vector<16xi32>
    %gt3A_1353 = arith.cmpi sgt, %select_n3A_1350, %gt3A_1352 : vector<16xi32>
    %sub3A_1354 = arith.constant 1 : i32
    %sub3A_1355 = vector.broadcast %sub3A_1354 : i32 to vector<16xi32>
    %sub3A_1356 = arith.subi %select_n3A_1350, %sub3A_1355 : vector<16xi32>
    %jit3A_1357 = arith.constant 16384 : i32
    %broadcast_in_dim3A_1358 = vector.broadcast %jit3A_1357 : i32 to vector<16xi32>
    %select_n3A_1359 = arith.select %gt3A_1353, %sub3A_1356, %broadcast_in_dim3A_1358 : vector<16xi1>, vector<16xi32>
    %swap3A_1360 = arith.constant 704 : index
    %swap3A_1361 = tpu.vector_load %arg7[%swap3A_1360] {strides = array<i32>} : memref<1024xi32, #tpu.memory_space<vmem>>, vector<16xi32>,
    tpu.vector_store %arg7[%swap3A_1360], %select_n3A_1359 {strides = array<i32>} : memref<1024xi32, #tpu.memory_space<vmem>>, vector<16xi32>,
    %add3A_1362 = arith.constant 208 : i32
    %add3A_1363 = vector.broadcast %add3A_1362 : i32 to vector<16xi32>
    %add3A_1364 = arith.addi %iota3A, %add3A_1363 : vector<16xi32>
    %ge3A_1365 = arith.cmpi sge, %add3A_1364, %gather3A_984 : vector<16xi32>
    %sub3A_1366 = arith.subi %add3A_1364, %gather3A_984 : vector<16xi32>
    %jit3A_1367 = arith.constant 0 : i32
    %jit3A_1368 = arith.constant 511 : i32
    %max3A_1369 = vector.broadcast %jit3A_1367 : i32 to vector<16xi32>
    %max3A_1370 = arith.maxsi %max3A_1369, %sub3A_1366 : vector<16xi32>
    %min3A_1371 = vector.broadcast %jit3A_1368 : i32 to vector<16xi32>
    %min3A_1372 = arith.minsi %min3A_1371, %max3A_1370 : vector<16xi32>
    %add3A_1373 = arith.constant 512 : i32
    %add3A_1374 = vector.broadcast %add3A_1373 : i32 to vector<16xi32>
    %add3A_1375 = arith.addi %min3A_1372, %add3A_1374 : vector<16xi32>
    %get3A_1376 = arith.constant 720 : index
    %get3A_1377 = tpu.vector_load %arg8[%get3A_1376] {strides = array<i32>} : memref<1024xi32, #tpu.memory_space<vmem>>, vector<16xi32>,
    %gather3A_1378 = tpu.vector_load_idx %arg9[%add3A_1375] : memref<1024xi32, #tpu.memory_space<vmem>>[vector<16xi32>], vector<16xi32>,
    %select_n3A_1379 = arith.select %ge3A_1365, %gather3A_1378, %get3A_1377 : vector<16xi1>, vector<16xi32>
    %gt3A_1380 = arith.constant 0 : i32
    %gt3A_1381 = vector.broadcast %gt3A_1380 : i32 to vector<16xi32>
    %gt3A_1382 = arith.cmpi sgt, %select_n3A_1379, %gt3A_1381 : vector<16xi32>
    %sub3A_1383 = arith.constant 1 : i32
    %sub3A_1384 = vector.broadcast %sub3A_1383 : i32 to vector<16xi32>
    %sub3A_1385 = arith.subi %select_n3A_1379, %sub3A_1384 : vector<16xi32>
    %jit3A_1386 = arith.constant 16384 : i32
    %broadcast_in_dim3A_1387 = vector.broadcast %jit3A_1386 : i32 to vector<16xi32>
    %select_n3A_1388 = arith.select %gt3A_1382, %sub3A_1385, %broadcast_in_dim3A_1387 : vector<16xi1>, vector<16xi32>
    %swap3A_1389 = arith.constant 720 : index
    %swap3A_1390 = tpu.vector_load %arg7[%swap3A_1389] {strides = array<i32>} : memref<1024xi32, #tpu.memory_space<vmem>>, vector<16xi32>,
    tpu.vector_store %arg7[%swap3A_1389], %select_n3A_1388 {strides = array<i32>} : memref<1024xi32, #tpu.memory_space<vmem>>, vector<16xi32>,
    %add3A_1391 = arith.constant 224 : i32
    %add3A_1392 = vector.broadcast %add3A_1391 : i32 to vector<16xi32>
    %add3A_1393 = arith.addi %iota3A, %add3A_1392 : vector<16xi32>
    %ge3A_1394 = arith.cmpi sge, %add3A_1393, %gather3A_984 : vector<16xi32>
    %sub3A_1395 = arith.subi %add3A_1393, %gather3A_984 : vector<16xi32>
    %jit3A_1396 = arith.constant 0 : i32
    %jit3A_1397 = arith.constant 511 : i32
    %max3A_1398 = vector.broadcast %jit3A_1396 : i32 to vector<16xi32>
    %max3A_1399 = arith.maxsi %max3A_1398, %sub3A_1395 : vector<16xi32>
    %min3A_1400 = vector.broadcast %jit3A_1397 : i32 to vector<16xi32>
    %min3A_1401 = arith.minsi %min3A_1400, %max3A_1399 : vector<16xi32>
    %add3A_1402 = arith.constant 512 : i32
    %add3A_1403 = vector.broadcast %add3A_1402 : i32 to vector<16xi32>
    %add3A_1404 = arith.addi %min3A_1401, %add3A_1403 : vector<16xi32>
    %get3A_1405 = arith.constant 736 : index
    %get3A_1406 = tpu.vector_load %arg8[%get3A_1405] {strides = array<i32>} : memref<1024xi32, #tpu.memory_space<vmem>>, vector<16xi32>,
    %gather3A_1407 = tpu.vector_load_idx %arg9[%add3A_1404] : memref<1024xi32, #tpu.memory_space<vmem>>[vector<16xi32>], vector<16xi32>,
    %select_n3A_1408 = arith.select %ge3A_1394, %gather3A_1407, %get3A_1406 : vector<16xi1>, vector<16xi32>
    %gt3A_1409 = arith.constant 0 : i32
    %gt3A_1410 = vector.broadcast %gt3A_1409 : i32 to vector<16xi32>
    %gt3A_1411 = arith.cmpi sgt, %select_n3A_1408, %gt3A_1410 : vector<16xi32>
    %sub3A_1412 = arith.constant 1 : i32
    %sub3A_1413 = vector.broadcast %sub3A_1412 : i32 to vector<16xi32>
    %sub3A_1414 = arith.subi %select_n3A_1408, %sub3A_1413 : vector<16xi32>
    %jit3A_1415 = arith.constant 16384 : i32
    %broadcast_in_dim3A_1416 = vector.broadcast %jit3A_1415 : i32 to vector<16xi32>
    %select_n3A_1417 = arith.select %gt3A_1411, %sub3A_1414, %broadcast_in_dim3A_1416 : vector<16xi1>, vector<16xi32>
    %swap3A_1418 = arith.constant 736 : index
    %swap3A_1419 = tpu.vector_load %arg7[%swap3A_1418] {strides = array<i32>} : memref<1024xi32, #tpu.memory_space<vmem>>, vector<16xi32>,
    tpu.vector_store %arg7[%swap3A_1418], %select_n3A_1417 {strides = array<i32>} : memref<1024xi32, #tpu.memory_space<vmem>>, vector<16xi32>,
    %add3A_1420 = arith.constant 240 : i32
    %add3A_1421 = vector.broadcast %add3A_1420 : i32 to vector<16xi32>
    %add3A_1422 = arith.addi %iota3A, %add3A_1421 : vector<16xi32>
    %ge3A_1423 = arith.cmpi sge, %add3A_1422, %gather3A_984 : vector<16xi32>
    %sub3A_1424 = arith.subi %add3A_1422, %gather3A_984 : vector<16xi32>
    %jit3A_1425 = arith.constant 0 : i32
    %jit3A_1426 = arith.constant 511 : i32
    %max3A_1427 = vector.broadcast %jit3A_1425 : i32 to vector<16xi32>
    %max3A_1428 = arith.maxsi %max3A_1427, %sub3A_1424 : vector<16xi32>
    %min3A_1429 = vector.broadcast %jit3A_1426 : i32 to vector<16xi32>
    %min3A_1430 = arith.minsi %min3A_1429, %max3A_1428 : vector<16xi32>
    %add3A_1431 = arith.constant 512 : i32
    %add3A_1432 = vector.broadcast %add3A_1431 : i32 to vector<16xi32>
    %add3A_1433 = arith.addi %min3A_1430, %add3A_1432 : vector<16xi32>
    %get3A_1434 = arith.constant 752 : index
    %get3A_1435 = tpu.vector_load %arg8[%get3A_1434] {strides = array<i32>} : memref<1024xi32, #tpu.memory_space<vmem>>, vector<16xi32>,
    %gather3A_1436 = tpu.vector_load_idx %arg9[%add3A_1433] : memref<1024xi32, #tpu.memory_space<vmem>>[vector<16xi32>], vector<16xi32>,
    %select_n3A_1437 = arith.select %ge3A_1423, %gather3A_1436, %get3A_1435 : vector<16xi1>, vector<16xi32>
    %gt3A_1438 = arith.constant 0 : i32
    %gt3A_1439 = vector.broadcast %gt3A_1438 : i32 to vector<16xi32>
    %gt3A_1440 = arith.cmpi sgt, %select_n3A_1437, %gt3A_1439 : vector<16xi32>
    %sub3A_1441 = arith.constant 1 : i32
    %sub3A_1442 = vector.broadcast %sub3A_1441 : i32 to vector<16xi32>
    %sub3A_1443 = arith.subi %select_n3A_1437, %sub3A_1442 : vector<16xi32>
    %jit3A_1444 = arith.constant 16384 : i32
    %broadcast_in_dim3A_1445 = vector.broadcast %jit3A_1444 : i32 to vector<16xi32>
    %select_n3A_1446 = arith.select %gt3A_1440, %sub3A_1443, %broadcast_in_dim3A_1445 : vector<16xi1>, vector<16xi32>
    %swap3A_1447 = arith.constant 752 : index
    %swap3A_1448 = tpu.vector_load %arg7[%swap3A_1447] {strides = array<i32>} : memref<1024xi32, #tpu.memory_space<vmem>>, vector<16xi32>,
    tpu.vector_store %arg7[%swap3A_1447], %select_n3A_1446 {strides = array<i32>} : memref<1024xi32, #tpu.memory_space<vmem>>, vector<16xi32>,
    %add3A_1449 = arith.constant 256 : i32
    %add3A_1450 = vector.broadcast %add3A_1449 : i32 to vector<16xi32>
    %add3A_1451 = arith.addi %iota3A, %add3A_1450 : vector<16xi32>
    %ge3A_1452 = arith.cmpi sge, %add3A_1451, %gather3A_984 : vector<16xi32>
    %sub3A_1453 = arith.subi %add3A_1451, %gather3A_984 : vector<16xi32>
    %jit3A_1454 = arith.constant 0 : i32
    %jit3A_1455 = arith.constant 511 : i32
    %max3A_1456 = vector.broadcast %jit3A_1454 : i32 to vector<16xi32>
    %max3A_1457 = arith.maxsi %max3A_1456, %sub3A_1453 : vector<16xi32>
    %min3A_1458 = vector.broadcast %jit3A_1455 : i32 to vector<16xi32>
    %min3A_1459 = arith.minsi %min3A_1458, %max3A_1457 : vector<16xi32>
    %add3A_1460 = arith.constant 512 : i32
    %add3A_1461 = vector.broadcast %add3A_1460 : i32 to vector<16xi32>
    %add3A_1462 = arith.addi %min3A_1459, %add3A_1461 : vector<16xi32>
    %get3A_1463 = arith.constant 768 : index
    %get3A_1464 = tpu.vector_load %arg8[%get3A_1463] {strides = array<i32>} : memref<1024xi32, #tpu.memory_space<vmem>>, vector<16xi32>,
    %gather3A_1465 = tpu.vector_load_idx %arg9[%add3A_1462] : memref<1024xi32, #tpu.memory_space<vmem>>[vector<16xi32>], vector<16xi32>,
    %select_n3A_1466 = arith.select %ge3A_1452, %gather3A_1465, %get3A_1464 : vector<16xi1>, vector<16xi32>
    %gt3A_1467 = arith.constant 0 : i32
    %gt3A_1468 = vector.broadcast %gt3A_1467 : i32 to vector<16xi32>
    %gt3A_1469 = arith.cmpi sgt, %select_n3A_1466, %gt3A_1468 : vector<16xi32>
    %sub3A_1470 = arith.constant 1 : i32
    %sub3A_1471 = vector.broadcast %sub3A_1470 : i32 to vector<16xi32>
    %sub3A_1472 = arith.subi %select_n3A_1466, %sub3A_1471 : vector<16xi32>
    %jit3A_1473 = arith.constant 16384 : i32
    %broadcast_in_dim3A_1474 = vector.broadcast %jit3A_1473 : i32 to vector<16xi32>
    %select_n3A_1475 = arith.select %gt3A_1469, %sub3A_1472, %broadcast_in_dim3A_1474 : vector<16xi1>, vector<16xi32>
    %swap3A_1476 = arith.constant 768 : index
    %swap3A_1477 = tpu.vector_load %arg7[%swap3A_1476] {strides = array<i32>} : memref<1024xi32, #tpu.memory_space<vmem>>, vector<16xi32>,
    tpu.vector_store %arg7[%swap3A_1476], %select_n3A_1475 {strides = array<i32>} : memref<1024xi32, #tpu.memory_space<vmem>>, vector<16xi32>,
    %add3A_1478 = arith.constant 272 : i32
    %add3A_1479 = vector.broadcast %add3A_1478 : i32 to vector<16xi32>
    %add3A_1480 = arith.addi %iota3A, %add3A_1479 : vector<16xi32>
    %ge3A_1481 = arith.cmpi sge, %add3A_1480, %gather3A_984 : vector<16xi32>
    %sub3A_1482 = arith.subi %add3A_1480, %gather3A_984 : vector<16xi32>
    %jit3A_1483 = arith.constant 0 : i32
    %jit3A_1484 = arith.constant 511 : i32
    %max3A_1485 = vector.broadcast %jit3A_1483 : i32 to vector<16xi32>
    %max3A_1486 = arith.maxsi %max3A_1485, %sub3A_1482 : vector<16xi32>
    %min3A_1487 = vector.broadcast %jit3A_1484 : i32 to vector<16xi32>
    %min3A_1488 = arith.minsi %min3A_1487, %max3A_1486 : vector<16xi32>
    %add3A_1489 = arith.constant 512 : i32
    %add3A_1490 = vector.broadcast %add3A_1489 : i32 to vector<16xi32>
    %add3A_1491 = arith.addi %min3A_1488, %add3A_1490 : vector<16xi32>
    %get3A_1492 = arith.constant 784 : index
    %get3A_1493 = tpu.vector_load %arg8[%get3A_1492] {strides = array<i32>} : memref<1024xi32, #tpu.memory_space<vmem>>, vector<16xi32>,
    %gather3A_1494 = tpu.vector_load_idx %arg9[%add3A_1491] : memref<1024xi32, #tpu.memory_space<vmem>>[vector<16xi32>], vector<16xi32>,
    %select_n3A_1495 = arith.select %ge3A_1481, %gather3A_1494, %get3A_1493 : vector<16xi1>, vector<16xi32>
    %gt3A_1496 = arith.constant 0 : i32
    %gt3A_1497 = vector.broadcast %gt3A_1496 : i32 to vector<16xi32>
    %gt3A_1498 = arith.cmpi sgt, %select_n3A_1495, %gt3A_1497 : vector<16xi32>
    %sub3A_1499 = arith.constant 1 : i32
    %sub3A_1500 = vector.broadcast %sub3A_1499 : i32 to vector<16xi32>
    %sub3A_1501 = arith.subi %select_n3A_1495, %sub3A_1500 : vector<16xi32>
    %jit3A_1502 = arith.constant 16384 : i32
    %broadcast_in_dim3A_1503 = vector.broadcast %jit3A_1502 : i32 to vector<16xi32>
    %select_n3A_1504 = arith.select %gt3A_1498, %sub3A_1501, %broadcast_in_dim3A_1503 : vector<16xi1>, vector<16xi32>
    %swap3A_1505 = arith.constant 784 : index
    %swap3A_1506 = tpu.vector_load %arg7[%swap3A_1505] {strides = array<i32>} : memref<1024xi32, #tpu.memory_space<vmem>>, vector<16xi32>,
    tpu.vector_store %arg7[%swap3A_1505], %select_n3A_1504 {strides = array<i32>} : memref<1024xi32, #tpu.memory_space<vmem>>, vector<16xi32>,
    %add3A_1507 = arith.constant 288 : i32
    %add3A_1508 = vector.broadcast %add3A_1507 : i32 to vector<16xi32>
    %add3A_1509 = arith.addi %iota3A, %add3A_1508 : vector<16xi32>
    %ge3A_1510 = arith.cmpi sge, %add3A_1509, %gather3A_984 : vector<16xi32>
    %sub3A_1511 = arith.subi %add3A_1509, %gather3A_984 : vector<16xi32>
    %jit3A_1512 = arith.constant 0 : i32
    %jit3A_1513 = arith.constant 511 : i32
    %max3A_1514 = vector.broadcast %jit3A_1512 : i32 to vector<16xi32>
    %max3A_1515 = arith.maxsi %max3A_1514, %sub3A_1511 : vector<16xi32>
    %min3A_1516 = vector.broadcast %jit3A_1513 : i32 to vector<16xi32>
    %min3A_1517 = arith.minsi %min3A_1516, %max3A_1515 : vector<16xi32>
    %add3A_1518 = arith.constant 512 : i32
    %add3A_1519 = vector.broadcast %add3A_1518 : i32 to vector<16xi32>
    %add3A_1520 = arith.addi %min3A_1517, %add3A_1519 : vector<16xi32>
    %get3A_1521 = arith.constant 800 : index
    %get3A_1522 = tpu.vector_load %arg8[%get3A_1521] {strides = array<i32>} : memref<1024xi32, #tpu.memory_space<vmem>>, vector<16xi32>,
    %gather3A_1523 = tpu.vector_load_idx %arg9[%add3A_1520] : memref<1024xi32, #tpu.memory_space<vmem>>[vector<16xi32>], vector<16xi32>,
    %select_n3A_1524 = arith.select %ge3A_1510, %gather3A_1523, %get3A_1522 : vector<16xi1>, vector<16xi32>
    %gt3A_1525 = arith.constant 0 : i32
    %gt3A_1526 = vector.broadcast %gt3A_1525 : i32 to vector<16xi32>
    %gt3A_1527 = arith.cmpi sgt, %select_n3A_1524, %gt3A_1526 : vector<16xi32>
    %sub3A_1528 = arith.constant 1 : i32
    %sub3A_1529 = vector.broadcast %sub3A_1528 : i32 to vector<16xi32>
    %sub3A_1530 = arith.subi %select_n3A_1524, %sub3A_1529 : vector<16xi32>
    %jit3A_1531 = arith.constant 16384 : i32
    %broadcast_in_dim3A_1532 = vector.broadcast %jit3A_1531 : i32 to vector<16xi32>
    %select_n3A_1533 = arith.select %gt3A_1527, %sub3A_1530, %broadcast_in_dim3A_1532 : vector<16xi1>, vector<16xi32>
    %swap3A_1534 = arith.constant 800 : index
    %swap3A_1535 = tpu.vector_load %arg7[%swap3A_1534] {strides = array<i32>} : memref<1024xi32, #tpu.memory_space<vmem>>, vector<16xi32>,
    tpu.vector_store %arg7[%swap3A_1534], %select_n3A_1533 {strides = array<i32>} : memref<1024xi32, #tpu.memory_space<vmem>>, vector<16xi32>,
    %add3A_1536 = arith.constant 304 : i32
    %add3A_1537 = vector.broadcast %add3A_1536 : i32 to vector<16xi32>
    %add3A_1538 = arith.addi %iota3A, %add3A_1537 : vector<16xi32>
    %ge3A_1539 = arith.cmpi sge, %add3A_1538, %gather3A_984 : vector<16xi32>
    %sub3A_1540 = arith.subi %add3A_1538, %gather3A_984 : vector<16xi32>
    %jit3A_1541 = arith.constant 0 : i32
    %jit3A_1542 = arith.constant 511 : i32
    %max3A_1543 = vector.broadcast %jit3A_1541 : i32 to vector<16xi32>
    %max3A_1544 = arith.maxsi %max3A_1543, %sub3A_1540 : vector<16xi32>
    %min3A_1545 = vector.broadcast %jit3A_1542 : i32 to vector<16xi32>
    %min3A_1546 = arith.minsi %min3A_1545, %max3A_1544 : vector<16xi32>
    %add3A_1547 = arith.constant 512 : i32
    %add3A_1548 = vector.broadcast %add3A_1547 : i32 to vector<16xi32>
    %add3A_1549 = arith.addi %min3A_1546, %add3A_1548 : vector<16xi32>
    %get3A_1550 = arith.constant 816 : index
    %get3A_1551 = tpu.vector_load %arg8[%get3A_1550] {strides = array<i32>} : memref<1024xi32, #tpu.memory_space<vmem>>, vector<16xi32>,
    %gather3A_1552 = tpu.vector_load_idx %arg9[%add3A_1549] : memref<1024xi32, #tpu.memory_space<vmem>>[vector<16xi32>], vector<16xi32>,
    %select_n3A_1553 = arith.select %ge3A_1539, %gather3A_1552, %get3A_1551 : vector<16xi1>, vector<16xi32>
    %gt3A_1554 = arith.constant 0 : i32
    %gt3A_1555 = vector.broadcast %gt3A_1554 : i32 to vector<16xi32>
    %gt3A_1556 = arith.cmpi sgt, %select_n3A_1553, %gt3A_1555 : vector<16xi32>
    %sub3A_1557 = arith.constant 1 : i32
    %sub3A_1558 = vector.broadcast %sub3A_1557 : i32 to vector<16xi32>
    %sub3A_1559 = arith.subi %select_n3A_1553, %sub3A_1558 : vector<16xi32>
    %jit3A_1560 = arith.constant 16384 : i32
    %broadcast_in_dim3A_1561 = vector.broadcast %jit3A_1560 : i32 to vector<16xi32>
    %select_n3A_1562 = arith.select %gt3A_1556, %sub3A_1559, %broadcast_in_dim3A_1561 : vector<16xi1>, vector<16xi32>
    %swap3A_1563 = arith.constant 816 : index
    %swap3A_1564 = tpu.vector_load %arg7[%swap3A_1563] {strides = array<i32>} : memref<1024xi32, #tpu.memory_space<vmem>>, vector<16xi32>,
    tpu.vector_store %arg7[%swap3A_1563], %select_n3A_1562 {strides = array<i32>} : memref<1024xi32, #tpu.memory_space<vmem>>, vector<16xi32>,
    %add3A_1565 = arith.constant 320 : i32
    %add3A_1566 = vector.broadcast %add3A_1565 : i32 to vector<16xi32>
    %add3A_1567 = arith.addi %iota3A, %add3A_1566 : vector<16xi32>
    %ge3A_1568 = arith.cmpi sge, %add3A_1567, %gather3A_984 : vector<16xi32>
    %sub3A_1569 = arith.subi %add3A_1567, %gather3A_984 : vector<16xi32>
    %jit3A_1570 = arith.constant 0 : i32
    %jit3A_1571 = arith.constant 511 : i32
    %max3A_1572 = vector.broadcast %jit3A_1570 : i32 to vector<16xi32>
    %max3A_1573 = arith.maxsi %max3A_1572, %sub3A_1569 : vector<16xi32>
    %min3A_1574 = vector.broadcast %jit3A_1571 : i32 to vector<16xi32>
    %min3A_1575 = arith.minsi %min3A_1574, %max3A_1573 : vector<16xi32>
    %add3A_1576 = arith.constant 512 : i32
    %add3A_1577 = vector.broadcast %add3A_1576 : i32 to vector<16xi32>
    %add3A_1578 = arith.addi %min3A_1575, %add3A_1577 : vector<16xi32>
    %get3A_1579 = arith.constant 832 : index
    %get3A_1580 = tpu.vector_load %arg8[%get3A_1579] {strides = array<i32>} : memref<1024xi32, #tpu.memory_space<vmem>>, vector<16xi32>,
    %gather3A_1581 = tpu.vector_load_idx %arg9[%add3A_1578] : memref<1024xi32, #tpu.memory_space<vmem>>[vector<16xi32>], vector<16xi32>,
    %select_n3A_1582 = arith.select %ge3A_1568, %gather3A_1581, %get3A_1580 : vector<16xi1>, vector<16xi32>
    %gt3A_1583 = arith.constant 0 : i32
    %gt3A_1584 = vector.broadcast %gt3A_1583 : i32 to vector<16xi32>
    %gt3A_1585 = arith.cmpi sgt, %select_n3A_1582, %gt3A_1584 : vector<16xi32>
    %sub3A_1586 = arith.constant 1 : i32
    %sub3A_1587 = vector.broadcast %sub3A_1586 : i32 to vector<16xi32>
    %sub3A_1588 = arith.subi %select_n3A_1582, %sub3A_1587 : vector<16xi32>
    %jit3A_1589 = arith.constant 16384 : i32
    %broadcast_in_dim3A_1590 = vector.broadcast %jit3A_1589 : i32 to vector<16xi32>
    %select_n3A_1591 = arith.select %gt3A_1585, %sub3A_1588, %broadcast_in_dim3A_1590 : vector<16xi1>, vector<16xi32>
    %swap3A_1592 = arith.constant 832 : index
    %swap3A_1593 = tpu.vector_load %arg7[%swap3A_1592] {strides = array<i32>} : memref<1024xi32, #tpu.memory_space<vmem>>, vector<16xi32>,
    tpu.vector_store %arg7[%swap3A_1592], %select_n3A_1591 {strides = array<i32>} : memref<1024xi32, #tpu.memory_space<vmem>>, vector<16xi32>,
    %add3A_1594 = arith.constant 336 : i32
    %add3A_1595 = vector.broadcast %add3A_1594 : i32 to vector<16xi32>
    %add3A_1596 = arith.addi %iota3A, %add3A_1595 : vector<16xi32>
    %ge3A_1597 = arith.cmpi sge, %add3A_1596, %gather3A_984 : vector<16xi32>
    %sub3A_1598 = arith.subi %add3A_1596, %gather3A_984 : vector<16xi32>
    %jit3A_1599 = arith.constant 0 : i32
    %jit3A_1600 = arith.constant 511 : i32
    %max3A_1601 = vector.broadcast %jit3A_1599 : i32 to vector<16xi32>
    %max3A_1602 = arith.maxsi %max3A_1601, %sub3A_1598 : vector<16xi32>
    %min3A_1603 = vector.broadcast %jit3A_1600 : i32 to vector<16xi32>
    %min3A_1604 = arith.minsi %min3A_1603, %max3A_1602 : vector<16xi32>
    %add3A_1605 = arith.constant 512 : i32
    %add3A_1606 = vector.broadcast %add3A_1605 : i32 to vector<16xi32>
    %add3A_1607 = arith.addi %min3A_1604, %add3A_1606 : vector<16xi32>
    %get3A_1608 = arith.constant 848 : index
    %get3A_1609 = tpu.vector_load %arg8[%get3A_1608] {strides = array<i32>} : memref<1024xi32, #tpu.memory_space<vmem>>, vector<16xi32>,
    %gather3A_1610 = tpu.vector_load_idx %arg9[%add3A_1607] : memref<1024xi32, #tpu.memory_space<vmem>>[vector<16xi32>], vector<16xi32>,
    %select_n3A_1611 = arith.select %ge3A_1597, %gather3A_1610, %get3A_1609 : vector<16xi1>, vector<16xi32>
    %gt3A_1612 = arith.constant 0 : i32
    %gt3A_1613 = vector.broadcast %gt3A_1612 : i32 to vector<16xi32>
    %gt3A_1614 = arith.cmpi sgt, %select_n3A_1611, %gt3A_1613 : vector<16xi32>
    %sub3A_1615 = arith.constant 1 : i32
    %sub3A_1616 = vector.broadcast %sub3A_1615 : i32 to vector<16xi32>
    %sub3A_1617 = arith.subi %select_n3A_1611, %sub3A_1616 : vector<16xi32>
    %jit3A_1618 = arith.constant 16384 : i32
    %broadcast_in_dim3A_1619 = vector.broadcast %jit3A_1618 : i32 to vector<16xi32>
    %select_n3A_1620 = arith.select %gt3A_1614, %sub3A_1617, %broadcast_in_dim3A_1619 : vector<16xi1>, vector<16xi32>
    %swap3A_1621 = arith.constant 848 : index
    %swap3A_1622 = tpu.vector_load %arg7[%swap3A_1621] {strides = array<i32>} : memref<1024xi32, #tpu.memory_space<vmem>>, vector<16xi32>,
    tpu.vector_store %arg7[%swap3A_1621], %select_n3A_1620 {strides = array<i32>} : memref<1024xi32, #tpu.memory_space<vmem>>, vector<16xi32>,
    %add3A_1623 = arith.constant 352 : i32
    %add3A_1624 = vector.broadcast %add3A_1623 : i32 to vector<16xi32>
    %add3A_1625 = arith.addi %iota3A, %add3A_1624 : vector<16xi32>
    %ge3A_1626 = arith.cmpi sge, %add3A_1625, %gather3A_984 : vector<16xi32>
    %sub3A_1627 = arith.subi %add3A_1625, %gather3A_984 : vector<16xi32>
    %jit3A_1628 = arith.constant 0 : i32
    %jit3A_1629 = arith.constant 511 : i32
    %max3A_1630 = vector.broadcast %jit3A_1628 : i32 to vector<16xi32>
    %max3A_1631 = arith.maxsi %max3A_1630, %sub3A_1627 : vector<16xi32>
    %min3A_1632 = vector.broadcast %jit3A_1629 : i32 to vector<16xi32>
    %min3A_1633 = arith.minsi %min3A_1632, %max3A_1631 : vector<16xi32>
    %add3A_1634 = arith.constant 512 : i32
    %add3A_1635 = vector.broadcast %add3A_1634 : i32 to vector<16xi32>
    %add3A_1636 = arith.addi %min3A_1633, %add3A_1635 : vector<16xi32>
    %get3A_1637 = arith.constant 864 : index
    %get3A_1638 = tpu.vector_load %arg8[%get3A_1637] {strides = array<i32>} : memref<1024xi32, #tpu.memory_space<vmem>>, vector<16xi32>,
    %gather3A_1639 = tpu.vector_load_idx %arg9[%add3A_1636] : memref<1024xi32, #tpu.memory_space<vmem>>[vector<16xi32>], vector<16xi32>,
    %select_n3A_1640 = arith.select %ge3A_1626, %gather3A_1639, %get3A_1638 : vector<16xi1>, vector<16xi32>
    %gt3A_1641 = arith.constant 0 : i32
    %gt3A_1642 = vector.broadcast %gt3A_1641 : i32 to vector<16xi32>
    %gt3A_1643 = arith.cmpi sgt, %select_n3A_1640, %gt3A_1642 : vector<16xi32>
    %sub3A_1644 = arith.constant 1 : i32
    %sub3A_1645 = vector.broadcast %sub3A_1644 : i32 to vector<16xi32>
    %sub3A_1646 = arith.subi %select_n3A_1640, %sub3A_1645 : vector<16xi32>
    %jit3A_1647 = arith.constant 16384 : i32
    %broadcast_in_dim3A_1648 = vector.broadcast %jit3A_1647 : i32 to vector<16xi32>
    %select_n3A_1649 = arith.select %gt3A_1643, %sub3A_1646, %broadcast_in_dim3A_1648 : vector<16xi1>, vector<16xi32>
    %swap3A_1650 = arith.constant 864 : index
    %swap3A_1651 = tpu.vector_load %arg7[%swap3A_1650] {strides = array<i32>} : memref<1024xi32, #tpu.memory_space<vmem>>, vector<16xi32>,
    tpu.vector_store %arg7[%swap3A_1650], %select_n3A_1649 {strides = array<i32>} : memref<1024xi32, #tpu.memory_space<vmem>>, vector<16xi32>,
    %add3A_1652 = arith.constant 368 : i32
    %add3A_1653 = vector.broadcast %add3A_1652 : i32 to vector<16xi32>
    %add3A_1654 = arith.addi %iota3A, %add3A_1653 : vector<16xi32>
    %ge3A_1655 = arith.cmpi sge, %add3A_1654, %gather3A_984 : vector<16xi32>
    %sub3A_1656 = arith.subi %add3A_1654, %gather3A_984 : vector<16xi32>
    %jit3A_1657 = arith.constant 0 : i32
    %jit3A_1658 = arith.constant 511 : i32
    %max3A_1659 = vector.broadcast %jit3A_1657 : i32 to vector<16xi32>
    %max3A_1660 = arith.maxsi %max3A_1659, %sub3A_1656 : vector<16xi32>
    %min3A_1661 = vector.broadcast %jit3A_1658 : i32 to vector<16xi32>
    %min3A_1662 = arith.minsi %min3A_1661, %max3A_1660 : vector<16xi32>
    %add3A_1663 = arith.constant 512 : i32
    %add3A_1664 = vector.broadcast %add3A_1663 : i32 to vector<16xi32>
    %add3A_1665 = arith.addi %min3A_1662, %add3A_1664 : vector<16xi32>
    %get3A_1666 = arith.constant 880 : index
    %get3A_1667 = tpu.vector_load %arg8[%get3A_1666] {strides = array<i32>} : memref<1024xi32, #tpu.memory_space<vmem>>, vector<16xi32>,
    %gather3A_1668 = tpu.vector_load_idx %arg9[%add3A_1665] : memref<1024xi32, #tpu.memory_space<vmem>>[vector<16xi32>], vector<16xi32>,
    %select_n3A_1669 = arith.select %ge3A_1655, %gather3A_1668, %get3A_1667 : vector<16xi1>, vector<16xi32>
    %gt3A_1670 = arith.constant 0 : i32
    %gt3A_1671 = vector.broadcast %gt3A_1670 : i32 to vector<16xi32>
    %gt3A_1672 = arith.cmpi sgt, %select_n3A_1669, %gt3A_1671 : vector<16xi32>
    %sub3A_1673 = arith.constant 1 : i32
    %sub3A_1674 = vector.broadcast %sub3A_1673 : i32 to vector<16xi32>
    %sub3A_1675 = arith.subi %select_n3A_1669, %sub3A_1674 : vector<16xi32>
    %jit3A_1676 = arith.constant 16384 : i32
    %broadcast_in_dim3A_1677 = vector.broadcast %jit3A_1676 : i32 to vector<16xi32>
    %select_n3A_1678 = arith.select %gt3A_1672, %sub3A_1675, %broadcast_in_dim3A_1677 : vector<16xi1>, vector<16xi32>
    %swap3A_1679 = arith.constant 880 : index
    %swap3A_1680 = tpu.vector_load %arg7[%swap3A_1679] {strides = array<i32>} : memref<1024xi32, #tpu.memory_space<vmem>>, vector<16xi32>,
    tpu.vector_store %arg7[%swap3A_1679], %select_n3A_1678 {strides = array<i32>} : memref<1024xi32, #tpu.memory_space<vmem>>, vector<16xi32>,
    %add3A_1681 = arith.constant 384 : i32
    %add3A_1682 = vector.broadcast %add3A_1681 : i32 to vector<16xi32>
    %add3A_1683 = arith.addi %iota3A, %add3A_1682 : vector<16xi32>
    %ge3A_1684 = arith.cmpi sge, %add3A_1683, %gather3A_984 : vector<16xi32>
    %sub3A_1685 = arith.subi %add3A_1683, %gather3A_984 : vector<16xi32>
    %jit3A_1686 = arith.constant 0 : i32
    %jit3A_1687 = arith.constant 511 : i32
    %max3A_1688 = vector.broadcast %jit3A_1686 : i32 to vector<16xi32>
    %max3A_1689 = arith.maxsi %max3A_1688, %sub3A_1685 : vector<16xi32>
    %min3A_1690 = vector.broadcast %jit3A_1687 : i32 to vector<16xi32>
    %min3A_1691 = arith.minsi %min3A_1690, %max3A_1689 : vector<16xi32>
    %add3A_1692 = arith.constant 512 : i32
    %add3A_1693 = vector.broadcast %add3A_1692 : i32 to vector<16xi32>
    %add3A_1694 = arith.addi %min3A_1691, %add3A_1693 : vector<16xi32>
    %get3A_1695 = arith.constant 896 : index
    %get3A_1696 = tpu.vector_load %arg8[%get3A_1695] {strides = array<i32>} : memref<1024xi32, #tpu.memory_space<vmem>>, vector<16xi32>,
    %gather3A_1697 = tpu.vector_load_idx %arg9[%add3A_1694] : memref<1024xi32, #tpu.memory_space<vmem>>[vector<16xi32>], vector<16xi32>,
    %select_n3A_1698 = arith.select %ge3A_1684, %gather3A_1697, %get3A_1696 : vector<16xi1>, vector<16xi32>
    %gt3A_1699 = arith.constant 0 : i32
    %gt3A_1700 = vector.broadcast %gt3A_1699 : i32 to vector<16xi32>
    %gt3A_1701 = arith.cmpi sgt, %select_n3A_1698, %gt3A_1700 : vector<16xi32>
    %sub3A_1702 = arith.constant 1 : i32
    %sub3A_1703 = vector.broadcast %sub3A_1702 : i32 to vector<16xi32>
    %sub3A_1704 = arith.subi %select_n3A_1698, %sub3A_1703 : vector<16xi32>
    %jit3A_1705 = arith.constant 16384 : i32
    %broadcast_in_dim3A_1706 = vector.broadcast %jit3A_1705 : i32 to vector<16xi32>
    %select_n3A_1707 = arith.select %gt3A_1701, %sub3A_1704, %broadcast_in_dim3A_1706 : vector<16xi1>, vector<16xi32>
    %swap3A_1708 = arith.constant 896 : index
    %swap3A_1709 = tpu.vector_load %arg7[%swap3A_1708] {strides = array<i32>} : memref<1024xi32, #tpu.memory_space<vmem>>, vector<16xi32>,
    tpu.vector_store %arg7[%swap3A_1708], %select_n3A_1707 {strides = array<i32>} : memref<1024xi32, #tpu.memory_space<vmem>>, vector<16xi32>,
    %add3A_1710 = arith.constant 400 : i32
    %add3A_1711 = vector.broadcast %add3A_1710 : i32 to vector<16xi32>
    %add3A_1712 = arith.addi %iota3A, %add3A_1711 : vector<16xi32>
    %ge3A_1713 = arith.cmpi sge, %add3A_1712, %gather3A_984 : vector<16xi32>
    %sub3A_1714 = arith.subi %add3A_1712, %gather3A_984 : vector<16xi32>
    %jit3A_1715 = arith.constant 0 : i32
    %jit3A_1716 = arith.constant 511 : i32
    %max3A_1717 = vector.broadcast %jit3A_1715 : i32 to vector<16xi32>
    %max3A_1718 = arith.maxsi %max3A_1717, %sub3A_1714 : vector<16xi32>
    %min3A_1719 = vector.broadcast %jit3A_1716 : i32 to vector<16xi32>
    %min3A_1720 = arith.minsi %min3A_1719, %max3A_1718 : vector<16xi32>
    %add3A_1721 = arith.constant 512 : i32
    %add3A_1722 = vector.broadcast %add3A_1721 : i32 to vector<16xi32>
    %add3A_1723 = arith.addi %min3A_1720, %add3A_1722 : vector<16xi32>
    %get3A_1724 = arith.constant 912 : index
    %get3A_1725 = tpu.vector_load %arg8[%get3A_1724] {strides = array<i32>} : memref<1024xi32, #tpu.memory_space<vmem>>, vector<16xi32>,
    %gather3A_1726 = tpu.vector_load_idx %arg9[%add3A_1723] : memref<1024xi32, #tpu.memory_space<vmem>>[vector<16xi32>], vector<16xi32>,
    %select_n3A_1727 = arith.select %ge3A_1713, %gather3A_1726, %get3A_1725 : vector<16xi1>, vector<16xi32>
    %gt3A_1728 = arith.constant 0 : i32
    %gt3A_1729 = vector.broadcast %gt3A_1728 : i32 to vector<16xi32>
    %gt3A_1730 = arith.cmpi sgt, %select_n3A_1727, %gt3A_1729 : vector<16xi32>
    %sub3A_1731 = arith.constant 1 : i32
    %sub3A_1732 = vector.broadcast %sub3A_1731 : i32 to vector<16xi32>
    %sub3A_1733 = arith.subi %select_n3A_1727, %sub3A_1732 : vector<16xi32>
    %jit3A_1734 = arith.constant 16384 : i32
    %broadcast_in_dim3A_1735 = vector.broadcast %jit3A_1734 : i32 to vector<16xi32>
    %select_n3A_1736 = arith.select %gt3A_1730, %sub3A_1733, %broadcast_in_dim3A_1735 : vector<16xi1>, vector<16xi32>
    %swap3A_1737 = arith.constant 912 : index
    %swap3A_1738 = tpu.vector_load %arg7[%swap3A_1737] {strides = array<i32>} : memref<1024xi32, #tpu.memory_space<vmem>>, vector<16xi32>,
    tpu.vector_store %arg7[%swap3A_1737], %select_n3A_1736 {strides = array<i32>} : memref<1024xi32, #tpu.memory_space<vmem>>, vector<16xi32>,
    %add3A_1739 = arith.constant 416 : i32
    %add3A_1740 = vector.broadcast %add3A_1739 : i32 to vector<16xi32>
    %add3A_1741 = arith.addi %iota3A, %add3A_1740 : vector<16xi32>
    %ge3A_1742 = arith.cmpi sge, %add3A_1741, %gather3A_984 : vector<16xi32>
    %sub3A_1743 = arith.subi %add3A_1741, %gather3A_984 : vector<16xi32>
    %jit3A_1744 = arith.constant 0 : i32
    %jit3A_1745 = arith.constant 511 : i32
    %max3A_1746 = vector.broadcast %jit3A_1744 : i32 to vector<16xi32>
    %max3A_1747 = arith.maxsi %max3A_1746, %sub3A_1743 : vector<16xi32>
    %min3A_1748 = vector.broadcast %jit3A_1745 : i32 to vector<16xi32>
    %min3A_1749 = arith.minsi %min3A_1748, %max3A_1747 : vector<16xi32>
    %add3A_1750 = arith.constant 512 : i32
    %add3A_1751 = vector.broadcast %add3A_1750 : i32 to vector<16xi32>
    %add3A_1752 = arith.addi %min3A_1749, %add3A_1751 : vector<16xi32>
    %get3A_1753 = arith.constant 928 : index
    %get3A_1754 = tpu.vector_load %arg8[%get3A_1753] {strides = array<i32>} : memref<1024xi32, #tpu.memory_space<vmem>>, vector<16xi32>,
    %gather3A_1755 = tpu.vector_load_idx %arg9[%add3A_1752] : memref<1024xi32, #tpu.memory_space<vmem>>[vector<16xi32>], vector<16xi32>,
    %select_n3A_1756 = arith.select %ge3A_1742, %gather3A_1755, %get3A_1754 : vector<16xi1>, vector<16xi32>
    %gt3A_1757 = arith.constant 0 : i32
    %gt3A_1758 = vector.broadcast %gt3A_1757 : i32 to vector<16xi32>
    %gt3A_1759 = arith.cmpi sgt, %select_n3A_1756, %gt3A_1758 : vector<16xi32>
    %sub3A_1760 = arith.constant 1 : i32
    %sub3A_1761 = vector.broadcast %sub3A_1760 : i32 to vector<16xi32>
    %sub3A_1762 = arith.subi %select_n3A_1756, %sub3A_1761 : vector<16xi32>
    %jit3A_1763 = arith.constant 16384 : i32
    %broadcast_in_dim3A_1764 = vector.broadcast %jit3A_1763 : i32 to vector<16xi32>
    %select_n3A_1765 = arith.select %gt3A_1759, %sub3A_1762, %broadcast_in_dim3A_1764 : vector<16xi1>, vector<16xi32>
    %swap3A_1766 = arith.constant 928 : index
    %swap3A_1767 = tpu.vector_load %arg7[%swap3A_1766] {strides = array<i32>} : memref<1024xi32, #tpu.memory_space<vmem>>, vector<16xi32>,
    tpu.vector_store %arg7[%swap3A_1766], %select_n3A_1765 {strides = array<i32>} : memref<1024xi32, #tpu.memory_space<vmem>>, vector<16xi32>,
    %add3A_1768 = arith.constant 432 : i32
    %add3A_1769 = vector.broadcast %add3A_1768 : i32 to vector<16xi32>
    %add3A_1770 = arith.addi %iota3A, %add3A_1769 : vector<16xi32>
    %ge3A_1771 = arith.cmpi sge, %add3A_1770, %gather3A_984 : vector<16xi32>
    %sub3A_1772 = arith.subi %add3A_1770, %gather3A_984 : vector<16xi32>
    %jit3A_1773 = arith.constant 0 : i32
    %jit3A_1774 = arith.constant 511 : i32
    %max3A_1775 = vector.broadcast %jit3A_1773 : i32 to vector<16xi32>
    %max3A_1776 = arith.maxsi %max3A_1775, %sub3A_1772 : vector<16xi32>
    %min3A_1777 = vector.broadcast %jit3A_1774 : i32 to vector<16xi32>
    %min3A_1778 = arith.minsi %min3A_1777, %max3A_1776 : vector<16xi32>
    %add3A_1779 = arith.constant 512 : i32
    %add3A_1780 = vector.broadcast %add3A_1779 : i32 to vector<16xi32>
    %add3A_1781 = arith.addi %min3A_1778, %add3A_1780 : vector<16xi32>
    %get3A_1782 = arith.constant 944 : index
    %get3A_1783 = tpu.vector_load %arg8[%get3A_1782] {strides = array<i32>} : memref<1024xi32, #tpu.memory_space<vmem>>, vector<16xi32>,
    %gather3A_1784 = tpu.vector_load_idx %arg9[%add3A_1781] : memref<1024xi32, #tpu.memory_space<vmem>>[vector<16xi32>], vector<16xi32>,
    %select_n3A_1785 = arith.select %ge3A_1771, %gather3A_1784, %get3A_1783 : vector<16xi1>, vector<16xi32>
    %gt3A_1786 = arith.constant 0 : i32
    %gt3A_1787 = vector.broadcast %gt3A_1786 : i32 to vector<16xi32>
    %gt3A_1788 = arith.cmpi sgt, %select_n3A_1785, %gt3A_1787 : vector<16xi32>
    %sub3A_1789 = arith.constant 1 : i32
    %sub3A_1790 = vector.broadcast %sub3A_1789 : i32 to vector<16xi32>
    %sub3A_1791 = arith.subi %select_n3A_1785, %sub3A_1790 : vector<16xi32>
    %jit3A_1792 = arith.constant 16384 : i32
    %broadcast_in_dim3A_1793 = vector.broadcast %jit3A_1792 : i32 to vector<16xi32>
    %select_n3A_1794 = arith.select %gt3A_1788, %sub3A_1791, %broadcast_in_dim3A_1793 : vector<16xi1>, vector<16xi32>
    %swap3A_1795 = arith.constant 944 : index
    %swap3A_1796 = tpu.vector_load %arg7[%swap3A_1795] {strides = array<i32>} : memref<1024xi32, #tpu.memory_space<vmem>>, vector<16xi32>,
    tpu.vector_store %arg7[%swap3A_1795], %select_n3A_1794 {strides = array<i32>} : memref<1024xi32, #tpu.memory_space<vmem>>, vector<16xi32>,
    %add3A_1797 = arith.constant 448 : i32
    %add3A_1798 = vector.broadcast %add3A_1797 : i32 to vector<16xi32>
    %add3A_1799 = arith.addi %iota3A, %add3A_1798 : vector<16xi32>
    %ge3A_1800 = arith.cmpi sge, %add3A_1799, %gather3A_984 : vector<16xi32>
    %sub3A_1801 = arith.subi %add3A_1799, %gather3A_984 : vector<16xi32>
    %jit3A_1802 = arith.constant 0 : i32
    %jit3A_1803 = arith.constant 511 : i32
    %max3A_1804 = vector.broadcast %jit3A_1802 : i32 to vector<16xi32>
    %max3A_1805 = arith.maxsi %max3A_1804, %sub3A_1801 : vector<16xi32>
    %min3A_1806 = vector.broadcast %jit3A_1803 : i32 to vector<16xi32>
    %min3A_1807 = arith.minsi %min3A_1806, %max3A_1805 : vector<16xi32>
    %add3A_1808 = arith.constant 512 : i32
    %add3A_1809 = vector.broadcast %add3A_1808 : i32 to vector<16xi32>
    %add3A_1810 = arith.addi %min3A_1807, %add3A_1809 : vector<16xi32>
    %get3A_1811 = arith.constant 960 : index
    %get3A_1812 = tpu.vector_load %arg8[%get3A_1811] {strides = array<i32>} : memref<1024xi32, #tpu.memory_space<vmem>>, vector<16xi32>,
    %gather3A_1813 = tpu.vector_load_idx %arg9[%add3A_1810] : memref<1024xi32, #tpu.memory_space<vmem>>[vector<16xi32>], vector<16xi32>,
    %select_n3A_1814 = arith.select %ge3A_1800, %gather3A_1813, %get3A_1812 : vector<16xi1>, vector<16xi32>
    %gt3A_1815 = arith.constant 0 : i32
    %gt3A_1816 = vector.broadcast %gt3A_1815 : i32 to vector<16xi32>
    %gt3A_1817 = arith.cmpi sgt, %select_n3A_1814, %gt3A_1816 : vector<16xi32>
    %sub3A_1818 = arith.constant 1 : i32
    %sub3A_1819 = vector.broadcast %sub3A_1818 : i32 to vector<16xi32>
    %sub3A_1820 = arith.subi %select_n3A_1814, %sub3A_1819 : vector<16xi32>
    %jit3A_1821 = arith.constant 16384 : i32
    %broadcast_in_dim3A_1822 = vector.broadcast %jit3A_1821 : i32 to vector<16xi32>
    %select_n3A_1823 = arith.select %gt3A_1817, %sub3A_1820, %broadcast_in_dim3A_1822 : vector<16xi1>, vector<16xi32>
    %swap3A_1824 = arith.constant 960 : index
    %swap3A_1825 = tpu.vector_load %arg7[%swap3A_1824] {strides = array<i32>} : memref<1024xi32, #tpu.memory_space<vmem>>, vector<16xi32>,
    tpu.vector_store %arg7[%swap3A_1824], %select_n3A_1823 {strides = array<i32>} : memref<1024xi32, #tpu.memory_space<vmem>>, vector<16xi32>,
    %add3A_1826 = arith.constant 464 : i32
    %add3A_1827 = vector.broadcast %add3A_1826 : i32 to vector<16xi32>
    %add3A_1828 = arith.addi %iota3A, %add3A_1827 : vector<16xi32>
    %ge3A_1829 = arith.cmpi sge, %add3A_1828, %gather3A_984 : vector<16xi32>
    %sub3A_1830 = arith.subi %add3A_1828, %gather3A_984 : vector<16xi32>
    %jit3A_1831 = arith.constant 0 : i32
    %jit3A_1832 = arith.constant 511 : i32
    %max3A_1833 = vector.broadcast %jit3A_1831 : i32 to vector<16xi32>
    %max3A_1834 = arith.maxsi %max3A_1833, %sub3A_1830 : vector<16xi32>
    %min3A_1835 = vector.broadcast %jit3A_1832 : i32 to vector<16xi32>
    %min3A_1836 = arith.minsi %min3A_1835, %max3A_1834 : vector<16xi32>
    %add3A_1837 = arith.constant 512 : i32
    %add3A_1838 = vector.broadcast %add3A_1837 : i32 to vector<16xi32>
    %add3A_1839 = arith.addi %min3A_1836, %add3A_1838 : vector<16xi32>
    %get3A_1840 = arith.constant 976 : index
    %get3A_1841 = tpu.vector_load %arg8[%get3A_1840] {strides = array<i32>} : memref<1024xi32, #tpu.memory_space<vmem>>, vector<16xi32>,
    %gather3A_1842 = tpu.vector_load_idx %arg9[%add3A_1839] : memref<1024xi32, #tpu.memory_space<vmem>>[vector<16xi32>], vector<16xi32>,
    %select_n3A_1843 = arith.select %ge3A_1829, %gather3A_1842, %get3A_1841 : vector<16xi1>, vector<16xi32>
    %gt3A_1844 = arith.constant 0 : i32
    %gt3A_1845 = vector.broadcast %gt3A_1844 : i32 to vector<16xi32>
    %gt3A_1846 = arith.cmpi sgt, %select_n3A_1843, %gt3A_1845 : vector<16xi32>
    %sub3A_1847 = arith.constant 1 : i32
    %sub3A_1848 = vector.broadcast %sub3A_1847 : i32 to vector<16xi32>
    %sub3A_1849 = arith.subi %select_n3A_1843, %sub3A_1848 : vector<16xi32>
    %jit3A_1850 = arith.constant 16384 : i32
    %broadcast_in_dim3A_1851 = vector.broadcast %jit3A_1850 : i32 to vector<16xi32>
    %select_n3A_1852 = arith.select %gt3A_1846, %sub3A_1849, %broadcast_in_dim3A_1851 : vector<16xi1>, vector<16xi32>
    %swap3A_1853 = arith.constant 976 : index
    %swap3A_1854 = tpu.vector_load %arg7[%swap3A_1853] {strides = array<i32>} : memref<1024xi32, #tpu.memory_space<vmem>>, vector<16xi32>,
    tpu.vector_store %arg7[%swap3A_1853], %select_n3A_1852 {strides = array<i32>} : memref<1024xi32, #tpu.memory_space<vmem>>, vector<16xi32>,
    %add3A_1855 = arith.constant 480 : i32
    %add3A_1856 = vector.broadcast %add3A_1855 : i32 to vector<16xi32>
    %add3A_1857 = arith.addi %iota3A, %add3A_1856 : vector<16xi32>
    %ge3A_1858 = arith.cmpi sge, %add3A_1857, %gather3A_984 : vector<16xi32>
    %sub3A_1859 = arith.subi %add3A_1857, %gather3A_984 : vector<16xi32>
    %jit3A_1860 = arith.constant 0 : i32
    %jit3A_1861 = arith.constant 511 : i32
    %max3A_1862 = vector.broadcast %jit3A_1860 : i32 to vector<16xi32>
    %max3A_1863 = arith.maxsi %max3A_1862, %sub3A_1859 : vector<16xi32>
    %min3A_1864 = vector.broadcast %jit3A_1861 : i32 to vector<16xi32>
    %min3A_1865 = arith.minsi %min3A_1864, %max3A_1863 : vector<16xi32>
    %add3A_1866 = arith.constant 512 : i32
    %add3A_1867 = vector.broadcast %add3A_1866 : i32 to vector<16xi32>
    %add3A_1868 = arith.addi %min3A_1865, %add3A_1867 : vector<16xi32>
    %get3A_1869 = arith.constant 992 : index
    %get3A_1870 = tpu.vector_load %arg8[%get3A_1869] {strides = array<i32>} : memref<1024xi32, #tpu.memory_space<vmem>>, vector<16xi32>,
    %gather3A_1871 = tpu.vector_load_idx %arg9[%add3A_1868] : memref<1024xi32, #tpu.memory_space<vmem>>[vector<16xi32>], vector<16xi32>,
    %select_n3A_1872 = arith.select %ge3A_1858, %gather3A_1871, %get3A_1870 : vector<16xi1>, vector<16xi32>
    %gt3A_1873 = arith.constant 0 : i32
    %gt3A_1874 = vector.broadcast %gt3A_1873 : i32 to vector<16xi32>
    %gt3A_1875 = arith.cmpi sgt, %select_n3A_1872, %gt3A_1874 : vector<16xi32>
    %sub3A_1876 = arith.constant 1 : i32
    %sub3A_1877 = vector.broadcast %sub3A_1876 : i32 to vector<16xi32>
    %sub3A_1878 = arith.subi %select_n3A_1872, %sub3A_1877 : vector<16xi32>
    %jit3A_1879 = arith.constant 16384 : i32
    %broadcast_in_dim3A_1880 = vector.broadcast %jit3A_1879 : i32 to vector<16xi32>
    %select_n3A_1881 = arith.select %gt3A_1875, %sub3A_1878, %broadcast_in_dim3A_1880 : vector<16xi1>, vector<16xi32>
    %swap3A_1882 = arith.constant 992 : index
    %swap3A_1883 = tpu.vector_load %arg7[%swap3A_1882] {strides = array<i32>} : memref<1024xi32, #tpu.memory_space<vmem>>, vector<16xi32>,
    tpu.vector_store %arg7[%swap3A_1882], %select_n3A_1881 {strides = array<i32>} : memref<1024xi32, #tpu.memory_space<vmem>>, vector<16xi32>,
    %add3A_1884 = arith.constant 496 : i32
    %add3A_1885 = vector.broadcast %add3A_1884 : i32 to vector<16xi32>
    %add3A_1886 = arith.addi %iota3A, %add3A_1885 : vector<16xi32>
    %ge3A_1887 = arith.cmpi sge, %add3A_1886, %gather3A_984 : vector<16xi32>
    %sub3A_1888 = arith.subi %add3A_1886, %gather3A_984 : vector<16xi32>
    %jit3A_1889 = arith.constant 0 : i32
    %jit3A_1890 = arith.constant 511 : i32
    %max3A_1891 = vector.broadcast %jit3A_1889 : i32 to vector<16xi32>
    %max3A_1892 = arith.maxsi %max3A_1891, %sub3A_1888 : vector<16xi32>
    %min3A_1893 = vector.broadcast %jit3A_1890 : i32 to vector<16xi32>
    %min3A_1894 = arith.minsi %min3A_1893, %max3A_1892 : vector<16xi32>
    %add3A_1895 = arith.constant 512 : i32
    %add3A_1896 = vector.broadcast %add3A_1895 : i32 to vector<16xi32>
    %add3A_1897 = arith.addi %min3A_1894, %add3A_1896 : vector<16xi32>
    %get3A_1898 = arith.constant 1008 : index
    %get3A_1899 = tpu.vector_load %arg8[%get3A_1898] {strides = array<i32>} : memref<1024xi32, #tpu.memory_space<vmem>>, vector<16xi32>,
    %gather3A_1900 = tpu.vector_load_idx %arg9[%add3A_1897] : memref<1024xi32, #tpu.memory_space<vmem>>[vector<16xi32>], vector<16xi32>,
    %select_n3A_1901 = arith.select %ge3A_1887, %gather3A_1900, %get3A_1899 : vector<16xi1>, vector<16xi32>
    %gt3A_1902 = arith.constant 0 : i32
    %gt3A_1903 = vector.broadcast %gt3A_1902 : i32 to vector<16xi32>
    %gt3A_1904 = arith.cmpi sgt, %select_n3A_1901, %gt3A_1903 : vector<16xi32>
    %sub3A_1905 = arith.constant 1 : i32
    %sub3A_1906 = vector.broadcast %sub3A_1905 : i32 to vector<16xi32>
    %sub3A_1907 = arith.subi %select_n3A_1901, %sub3A_1906 : vector<16xi32>
    %jit3A_1908 = arith.constant 16384 : i32
    %broadcast_in_dim3A_1909 = vector.broadcast %jit3A_1908 : i32 to vector<16xi32>
    %select_n3A_1910 = arith.select %gt3A_1904, %sub3A_1907, %broadcast_in_dim3A_1909 : vector<16xi1>, vector<16xi32>
    %swap3A_1911 = arith.constant 1008 : index
    %swap3A_1912 = tpu.vector_load %arg7[%swap3A_1911] {strides = array<i32>} : memref<1024xi32, #tpu.memory_space<vmem>>, vector<16xi32>,
    tpu.vector_store %arg7[%swap3A_1911], %select_n3A_1910 {strides = array<i32>} : memref<1024xi32, #tpu.memory_space<vmem>>, vector<16xi32>,
    %dma_start3A = arith.constant 0 : i32
    %dma_start3A_1913 = tpu.memref_slice %arg7[%dma_start3A] : memref<1024xi32, #tpu.memory_space<vmem>> -> memref<64xi32, #tpu.memory_space<vmem>>
    %dma_start3A_1914 = arith.constant 0 : i32
    %dma_start3A_1915 = arith.constant 0 : i32
    %dma_start3A_1916 = tpu.memref_slice %arg2[%dma_start3A_1914, %dma_start3A_1915] : memref<16640x768xf32, #tpu.memory_space<hbm>> -> memref<16640x768xf32, #tpu.memory_space<hbm>>
    tpu.enqueue_indirect_dma source(%dma_start3A_1916 : memref<16640x768xf32, #tpu.memory_space<hbm>>) target(%arg11 : memref<64x768xf32, #tpu.memory_space<vmem>>) offsets(%dma_start3A_1913 : memref<64xi32, #tpu.memory_space<vmem>>) semaphore(%arg13 : memref<!tpu.dma_semaphore, #tpu.memory_space<semaphore_mem>>)
    %dma_start3A_1917 = arith.constant 64 : i32
    %dma_start3A_1918 = tpu.memref_slice %arg7[%dma_start3A_1917] : memref<1024xi32, #tpu.memory_space<vmem>> -> memref<64xi32, #tpu.memory_space<vmem>>
    %dma_start3A_1919 = arith.constant 0 : i32
    %dma_start3A_1920 = arith.constant 0 : i32
    %dma_start3A_1921 = tpu.memref_slice %arg2[%dma_start3A_1919, %dma_start3A_1920] : memref<16640x768xf32, #tpu.memory_space<hbm>> -> memref<16640x768xf32, #tpu.memory_space<hbm>>
    tpu.enqueue_indirect_dma source(%dma_start3A_1921 : memref<16640x768xf32, #tpu.memory_space<hbm>>) target(%arg12 : memref<64x768xf32, #tpu.memory_space<vmem>>) offsets(%dma_start3A_1918 : memref<64xi32, #tpu.memory_space<vmem>>) semaphore(%arg14 : memref<!tpu.dma_semaphore, #tpu.memory_space<semaphore_mem>>)
    %dma_wait3A = arith.constant 0 : i32
    %dma_wait3A_1922 = tpu.memref_slice %arg7[%dma_wait3A] : memref<1024xi32, #tpu.memory_space<vmem>> -> memref<64xi32, #tpu.memory_space<vmem>>
    %dma_wait3A_1923 = arith.constant 0 : i32
    %dma_wait3A_1924 = arith.constant 0 : i32
    %dma_wait3A_1925 = tpu.memref_slice %arg2[%dma_wait3A_1923, %dma_wait3A_1924] : memref<16640x768xf32, #tpu.memory_space<hbm>> -> memref<16640x768xf32, #tpu.memory_space<hbm>>
    tpu.wait_indirect_dma semaphore(%arg13 : memref<!tpu.dma_semaphore, #tpu.memory_space<semaphore_mem>>) src(%dma_wait3A_1925 : memref<16640x768xf32, #tpu.memory_space<hbm>>) dst(%arg11 : memref<64x768xf32, #tpu.memory_space<vmem>>)
    %add3A_1926 = arith.constant 0 : i32
    %add3A_1927 = arith.addi %mul3A_2, %add3A_1926 : i32
    %dma_start3A_1928 = arith.constant 0 : i32
    %dma_start3A_1929 = tpu.memref_slice %arg6[%add3A_1927, %dma_start3A_1928] : memref<32768x768xf32, #tpu.memory_space<hbm>> -> memref<64x768xf32, #tpu.memory_space<hbm>>
    %dma_start3A_1930 = arith.constant 0 : i32
    %dma_start3A_1931 = tpu.memref_slice %arg6[%add3A_1927, %dma_start3A_1930] : memref<32768x768xf32, #tpu.memory_space<hbm>> -> memref<64x768xf32, #tpu.memory_space<hbm>>
    tpu.enqueue_dma source(%arg11 : memref<64x768xf32, #tpu.memory_space<vmem>>) target(%dma_start3A_1931 : memref<64x768xf32, #tpu.memory_space<hbm>>) target_semaphore(%arg15 : memref<!tpu.dma_semaphore, #tpu.memory_space<semaphore_mem>>)
    %dma_wait3A_1932 = arith.constant 0 : i32
    %dma_wait3A_1933 = tpu.memref_slice %arg6[%add3A_1927, %dma_wait3A_1932] : memref<32768x768xf32, #tpu.memory_space<hbm>> -> memref<64x768xf32, #tpu.memory_space<hbm>>
    %dma_wait3A_1934 = arith.constant 0 : i32
    %dma_wait3A_1935 = tpu.memref_slice %arg6[%add3A_1927, %dma_wait3A_1934] : memref<32768x768xf32, #tpu.memory_space<hbm>> -> memref<64x768xf32, #tpu.memory_space<hbm>>
    tpu.wait_dma2 semaphore(%arg15 : memref<!tpu.dma_semaphore, #tpu.memory_space<semaphore_mem>>) src(%arg11 : memref<64x768xf32, #tpu.memory_space<vmem>>) dst(%dma_wait3A_1935 : memref<64x768xf32, #tpu.memory_space<hbm>>)
    %dma_start3A_1936 = arith.constant 128 : i32
    %dma_start3A_1937 = tpu.memref_slice %arg7[%dma_start3A_1936] : memref<1024xi32, #tpu.memory_space<vmem>> -> memref<64xi32, #tpu.memory_space<vmem>>
    %dma_start3A_1938 = arith.constant 0 : i32
    %dma_start3A_1939 = arith.constant 0 : i32
    %dma_start3A_1940 = tpu.memref_slice %arg2[%dma_start3A_1938, %dma_start3A_1939] : memref<16640x768xf32, #tpu.memory_space<hbm>> -> memref<16640x768xf32, #tpu.memory_space<hbm>>
    tpu.enqueue_indirect_dma source(%dma_start3A_1940 : memref<16640x768xf32, #tpu.memory_space<hbm>>) target(%arg11 : memref<64x768xf32, #tpu.memory_space<vmem>>) offsets(%dma_start3A_1937 : memref<64xi32, #tpu.memory_space<vmem>>) semaphore(%arg13 : memref<!tpu.dma_semaphore, #tpu.memory_space<semaphore_mem>>)
    %dma_wait3A_1941 = arith.constant 64 : i32
    %dma_wait3A_1942 = tpu.memref_slice %arg7[%dma_wait3A_1941] : memref<1024xi32, #tpu.memory_space<vmem>> -> memref<64xi32, #tpu.memory_space<vmem>>
    %dma_wait3A_1943 = arith.constant 0 : i32
    %dma_wait3A_1944 = arith.constant 0 : i32
    %dma_wait3A_1945 = tpu.memref_slice %arg2[%dma_wait3A_1943, %dma_wait3A_1944] : memref<16640x768xf32, #tpu.memory_space<hbm>> -> memref<16640x768xf32, #tpu.memory_space<hbm>>
    tpu.wait_indirect_dma semaphore(%arg14 : memref<!tpu.dma_semaphore, #tpu.memory_space<semaphore_mem>>) src(%dma_wait3A_1945 : memref<16640x768xf32, #tpu.memory_space<hbm>>) dst(%arg12 : memref<64x768xf32, #tpu.memory_space<vmem>>)
    %add3A_1946 = arith.constant 64 : i32
    %add3A_1947 = arith.addi %mul3A_2, %add3A_1946 : i32
    %dma_start3A_1948 = arith.constant 0 : i32
    %dma_start3A_1949 = tpu.memref_slice %arg6[%add3A_1947, %dma_start3A_1948] : memref<32768x768xf32, #tpu.memory_space<hbm>> -> memref<64x768xf32, #tpu.memory_space<hbm>>
    %dma_start3A_1950 = arith.constant 0 : i32
    %dma_start3A_1951 = tpu.memref_slice %arg6[%add3A_1947, %dma_start3A_1950] : memref<32768x768xf32, #tpu.memory_space<hbm>> -> memref<64x768xf32, #tpu.memory_space<hbm>>
    tpu.enqueue_dma source(%arg12 : memref<64x768xf32, #tpu.memory_space<vmem>>) target(%dma_start3A_1951 : memref<64x768xf32, #tpu.memory_space<hbm>>) target_semaphore(%arg16 : memref<!tpu.dma_semaphore, #tpu.memory_space<semaphore_mem>>)
    %dma_wait3A_1952 = arith.constant 0 : i32
    %dma_wait3A_1953 = tpu.memref_slice %arg6[%add3A_1947, %dma_wait3A_1952] : memref<32768x768xf32, #tpu.memory_space<hbm>> -> memref<64x768xf32, #tpu.memory_space<hbm>>
    %dma_wait3A_1954 = arith.constant 0 : i32
    %dma_wait3A_1955 = tpu.memref_slice %arg6[%add3A_1947, %dma_wait3A_1954] : memref<32768x768xf32, #tpu.memory_space<hbm>> -> memref<64x768xf32, #tpu.memory_space<hbm>>
    tpu.wait_dma2 semaphore(%arg16 : memref<!tpu.dma_semaphore, #tpu.memory_space<semaphore_mem>>) src(%arg12 : memref<64x768xf32, #tpu.memory_space<vmem>>) dst(%dma_wait3A_1955 : memref<64x768xf32, #tpu.memory_space<hbm>>)
    %dma_start3A_1956 = arith.constant 192 : i32
    %dma_start3A_1957 = tpu.memref_slice %arg7[%dma_start3A_1956] : memref<1024xi32, #tpu.memory_space<vmem>> -> memref<64xi32, #tpu.memory_space<vmem>>
    %dma_start3A_1958 = arith.constant 0 : i32
    %dma_start3A_1959 = arith.constant 0 : i32
    %dma_start3A_1960 = tpu.memref_slice %arg2[%dma_start3A_1958, %dma_start3A_1959] : memref<16640x768xf32, #tpu.memory_space<hbm>> -> memref<16640x768xf32, #tpu.memory_space<hbm>>
    tpu.enqueue_indirect_dma source(%dma_start3A_1960 : memref<16640x768xf32, #tpu.memory_space<hbm>>) target(%arg12 : memref<64x768xf32, #tpu.memory_space<vmem>>) offsets(%dma_start3A_1957 : memref<64xi32, #tpu.memory_space<vmem>>) semaphore(%arg14 : memref<!tpu.dma_semaphore, #tpu.memory_space<semaphore_mem>>)
    %dma_wait3A_1961 = arith.constant 128 : i32
    %dma_wait3A_1962 = tpu.memref_slice %arg7[%dma_wait3A_1961] : memref<1024xi32, #tpu.memory_space<vmem>> -> memref<64xi32, #tpu.memory_space<vmem>>
    %dma_wait3A_1963 = arith.constant 0 : i32
    %dma_wait3A_1964 = arith.constant 0 : i32
    %dma_wait3A_1965 = tpu.memref_slice %arg2[%dma_wait3A_1963, %dma_wait3A_1964] : memref<16640x768xf32, #tpu.memory_space<hbm>> -> memref<16640x768xf32, #tpu.memory_space<hbm>>
    tpu.wait_indirect_dma semaphore(%arg13 : memref<!tpu.dma_semaphore, #tpu.memory_space<semaphore_mem>>) src(%dma_wait3A_1965 : memref<16640x768xf32, #tpu.memory_space<hbm>>) dst(%arg11 : memref<64x768xf32, #tpu.memory_space<vmem>>)
    %add3A_1966 = arith.constant 128 : i32
    %add3A_1967 = arith.addi %mul3A_2, %add3A_1966 : i32
    %dma_start3A_1968 = arith.constant 0 : i32
    %dma_start3A_1969 = tpu.memref_slice %arg6[%add3A_1967, %dma_start3A_1968] : memref<32768x768xf32, #tpu.memory_space<hbm>> -> memref<64x768xf32, #tpu.memory_space<hbm>>
    %dma_start3A_1970 = arith.constant 0 : i32
    %dma_start3A_1971 = tpu.memref_slice %arg6[%add3A_1967, %dma_start3A_1970] : memref<32768x768xf32, #tpu.memory_space<hbm>> -> memref<64x768xf32, #tpu.memory_space<hbm>>
    tpu.enqueue_dma source(%arg11 : memref<64x768xf32, #tpu.memory_space<vmem>>) target(%dma_start3A_1971 : memref<64x768xf32, #tpu.memory_space<hbm>>) target_semaphore(%arg15 : memref<!tpu.dma_semaphore, #tpu.memory_space<semaphore_mem>>)
    %dma_wait3A_1972 = arith.constant 0 : i32
    %dma_wait3A_1973 = tpu.memref_slice %arg6[%add3A_1967, %dma_wait3A_1972] : memref<32768x768xf32, #tpu.memory_space<hbm>> -> memref<64x768xf32, #tpu.memory_space<hbm>>
    %dma_wait3A_1974 = arith.constant 0 : i32
    %dma_wait3A_1975 = tpu.memref_slice %arg6[%add3A_1967, %dma_wait3A_1974] : memref<32768x768xf32, #tpu.memory_space<hbm>> -> memref<64x768xf32, #tpu.memory_space<hbm>>
    tpu.wait_dma2 semaphore(%arg15 : memref<!tpu.dma_semaphore, #tpu.memory_space<semaphore_mem>>) src(%arg11 : memref<64x768xf32, #tpu.memory_space<vmem>>) dst(%dma_wait3A_1975 : memref<64x768xf32, #tpu.memory_space<hbm>>)
    %dma_start3A_1976 = arith.constant 256 : i32
    %dma_start3A_1977 = tpu.memref_slice %arg7[%dma_start3A_1976] : memref<1024xi32, #tpu.memory_space<vmem>> -> memref<64xi32, #tpu.memory_space<vmem>>
    %dma_start3A_1978 = arith.constant 0 : i32
    %dma_start3A_1979 = arith.constant 0 : i32
    %dma_start3A_1980 = tpu.memref_slice %arg2[%dma_start3A_1978, %dma_start3A_1979] : memref<16640x768xf32, #tpu.memory_space<hbm>> -> memref<16640x768xf32, #tpu.memory_space<hbm>>
    tpu.enqueue_indirect_dma source(%dma_start3A_1980 : memref<16640x768xf32, #tpu.memory_space<hbm>>) target(%arg11 : memref<64x768xf32, #tpu.memory_space<vmem>>) offsets(%dma_start3A_1977 : memref<64xi32, #tpu.memory_space<vmem>>) semaphore(%arg13 : memref<!tpu.dma_semaphore, #tpu.memory_space<semaphore_mem>>)
    %dma_wait3A_1981 = arith.constant 192 : i32
    %dma_wait3A_1982 = tpu.memref_slice %arg7[%dma_wait3A_1981] : memref<1024xi32, #tpu.memory_space<vmem>> -> memref<64xi32, #tpu.memory_space<vmem>>
    %dma_wait3A_1983 = arith.constant 0 : i32
    %dma_wait3A_1984 = arith.constant 0 : i32
    %dma_wait3A_1985 = tpu.memref_slice %arg2[%dma_wait3A_1983, %dma_wait3A_1984] : memref<16640x768xf32, #tpu.memory_space<hbm>> -> memref<16640x768xf32, #tpu.memory_space<hbm>>
    tpu.wait_indirect_dma semaphore(%arg14 : memref<!tpu.dma_semaphore, #tpu.memory_space<semaphore_mem>>) src(%dma_wait3A_1985 : memref<16640x768xf32, #tpu.memory_space<hbm>>) dst(%arg12 : memref<64x768xf32, #tpu.memory_space<vmem>>)
    %add3A_1986 = arith.constant 192 : i32
    %add3A_1987 = arith.addi %mul3A_2, %add3A_1986 : i32
    %dma_start3A_1988 = arith.constant 0 : i32
    %dma_start3A_1989 = tpu.memref_slice %arg6[%add3A_1987, %dma_start3A_1988] : memref<32768x768xf32, #tpu.memory_space<hbm>> -> memref<64x768xf32, #tpu.memory_space<hbm>>
    %dma_start3A_1990 = arith.constant 0 : i32
    %dma_start3A_1991 = tpu.memref_slice %arg6[%add3A_1987, %dma_start3A_1990] : memref<32768x768xf32, #tpu.memory_space<hbm>> -> memref<64x768xf32, #tpu.memory_space<hbm>>
    tpu.enqueue_dma source(%arg12 : memref<64x768xf32, #tpu.memory_space<vmem>>) target(%dma_start3A_1991 : memref<64x768xf32, #tpu.memory_space<hbm>>) target_semaphore(%arg16 : memref<!tpu.dma_semaphore, #tpu.memory_space<semaphore_mem>>)
    %dma_wait3A_1992 = arith.constant 0 : i32
    %dma_wait3A_1993 = tpu.memref_slice %arg6[%add3A_1987, %dma_wait3A_1992] : memref<32768x768xf32, #tpu.memory_space<hbm>> -> memref<64x768xf32, #tpu.memory_space<hbm>>
    %dma_wait3A_1994 = arith.constant 0 : i32
    %dma_wait3A_1995 = tpu.memref_slice %arg6[%add3A_1987, %dma_wait3A_1994] : memref<32768x768xf32, #tpu.memory_space<hbm>> -> memref<64x768xf32, #tpu.memory_space<hbm>>
    tpu.wait_dma2 semaphore(%arg16 : memref<!tpu.dma_semaphore, #tpu.memory_space<semaphore_mem>>) src(%arg12 : memref<64x768xf32, #tpu.memory_space<vmem>>) dst(%dma_wait3A_1995 : memref<64x768xf32, #tpu.memory_space<hbm>>)
    %dma_start3A_1996 = arith.constant 320 : i32
    %dma_start3A_1997 = tpu.memref_slice %arg7[%dma_start3A_1996] : memref<1024xi32, #tpu.memory_space<vmem>> -> memref<64xi32, #tpu.memory_space<vmem>>
    %dma_start3A_1998 = arith.constant 0 : i32
    %dma_start3A_1999 = arith.constant 0 : i32
    %dma_start3A_2000 = tpu.memref_slice %arg2[%dma_start3A_1998, %dma_start3A_1999] : memref<16640x768xf32, #tpu.memory_space<hbm>> -> memref<16640x768xf32, #tpu.memory_space<hbm>>
    tpu.enqueue_indirect_dma source(%dma_start3A_2000 : memref<16640x768xf32, #tpu.memory_space<hbm>>) target(%arg12 : memref<64x768xf32, #tpu.memory_space<vmem>>) offsets(%dma_start3A_1997 : memref<64xi32, #tpu.memory_space<vmem>>) semaphore(%arg14 : memref<!tpu.dma_semaphore, #tpu.memory_space<semaphore_mem>>)
    %dma_wait3A_2001 = arith.constant 256 : i32
    %dma_wait3A_2002 = tpu.memref_slice %arg7[%dma_wait3A_2001] : memref<1024xi32, #tpu.memory_space<vmem>> -> memref<64xi32, #tpu.memory_space<vmem>>
    %dma_wait3A_2003 = arith.constant 0 : i32
    %dma_wait3A_2004 = arith.constant 0 : i32
    %dma_wait3A_2005 = tpu.memref_slice %arg2[%dma_wait3A_2003, %dma_wait3A_2004] : memref<16640x768xf32, #tpu.memory_space<hbm>> -> memref<16640x768xf32, #tpu.memory_space<hbm>>
    tpu.wait_indirect_dma semaphore(%arg13 : memref<!tpu.dma_semaphore, #tpu.memory_space<semaphore_mem>>) src(%dma_wait3A_2005 : memref<16640x768xf32, #tpu.memory_space<hbm>>) dst(%arg11 : memref<64x768xf32, #tpu.memory_space<vmem>>)
    %add3A_2006 = arith.constant 256 : i32
    %add3A_2007 = arith.addi %mul3A_2, %add3A_2006 : i32
    %dma_start3A_2008 = arith.constant 0 : i32
    %dma_start3A_2009 = tpu.memref_slice %arg6[%add3A_2007, %dma_start3A_2008] : memref<32768x768xf32, #tpu.memory_space<hbm>> -> memref<64x768xf32, #tpu.memory_space<hbm>>
    %dma_start3A_2010 = arith.constant 0 : i32
    %dma_start3A_2011 = tpu.memref_slice %arg6[%add3A_2007, %dma_start3A_2010] : memref<32768x768xf32, #tpu.memory_space<hbm>> -> memref<64x768xf32, #tpu.memory_space<hbm>>
    tpu.enqueue_dma source(%arg11 : memref<64x768xf32, #tpu.memory_space<vmem>>) target(%dma_start3A_2011 : memref<64x768xf32, #tpu.memory_space<hbm>>) target_semaphore(%arg15 : memref<!tpu.dma_semaphore, #tpu.memory_space<semaphore_mem>>)
    %dma_wait3A_2012 = arith.constant 0 : i32
    %dma_wait3A_2013 = tpu.memref_slice %arg6[%add3A_2007, %dma_wait3A_2012] : memref<32768x768xf32, #tpu.memory_space<hbm>> -> memref<64x768xf32, #tpu.memory_space<hbm>>
    %dma_wait3A_2014 = arith.constant 0 : i32
    %dma_wait3A_2015 = tpu.memref_slice %arg6[%add3A_2007, %dma_wait3A_2014] : memref<32768x768xf32, #tpu.memory_space<hbm>> -> memref<64x768xf32, #tpu.memory_space<hbm>>
    tpu.wait_dma2 semaphore(%arg15 : memref<!tpu.dma_semaphore, #tpu.memory_space<semaphore_mem>>) src(%arg11 : memref<64x768xf32, #tpu.memory_space<vmem>>) dst(%dma_wait3A_2015 : memref<64x768xf32, #tpu.memory_space<hbm>>)
    %dma_start3A_2016 = arith.constant 384 : i32
    %dma_start3A_2017 = tpu.memref_slice %arg7[%dma_start3A_2016] : memref<1024xi32, #tpu.memory_space<vmem>> -> memref<64xi32, #tpu.memory_space<vmem>>
    %dma_start3A_2018 = arith.constant 0 : i32
    %dma_start3A_2019 = arith.constant 0 : i32
    %dma_start3A_2020 = tpu.memref_slice %arg2[%dma_start3A_2018, %dma_start3A_2019] : memref<16640x768xf32, #tpu.memory_space<hbm>> -> memref<16640x768xf32, #tpu.memory_space<hbm>>
    tpu.enqueue_indirect_dma source(%dma_start3A_2020 : memref<16640x768xf32, #tpu.memory_space<hbm>>) target(%arg11 : memref<64x768xf32, #tpu.memory_space<vmem>>) offsets(%dma_start3A_2017 : memref<64xi32, #tpu.memory_space<vmem>>) semaphore(%arg13 : memref<!tpu.dma_semaphore, #tpu.memory_space<semaphore_mem>>)
    %dma_wait3A_2021 = arith.constant 320 : i32
    %dma_wait3A_2022 = tpu.memref_slice %arg7[%dma_wait3A_2021] : memref<1024xi32, #tpu.memory_space<vmem>> -> memref<64xi32, #tpu.memory_space<vmem>>
    %dma_wait3A_2023 = arith.constant 0 : i32
    %dma_wait3A_2024 = arith.constant 0 : i32
    %dma_wait3A_2025 = tpu.memref_slice %arg2[%dma_wait3A_2023, %dma_wait3A_2024] : memref<16640x768xf32, #tpu.memory_space<hbm>> -> memref<16640x768xf32, #tpu.memory_space<hbm>>
    tpu.wait_indirect_dma semaphore(%arg14 : memref<!tpu.dma_semaphore, #tpu.memory_space<semaphore_mem>>) src(%dma_wait3A_2025 : memref<16640x768xf32, #tpu.memory_space<hbm>>) dst(%arg12 : memref<64x768xf32, #tpu.memory_space<vmem>>)
    %add3A_2026 = arith.constant 320 : i32
    %add3A_2027 = arith.addi %mul3A_2, %add3A_2026 : i32
    %dma_start3A_2028 = arith.constant 0 : i32
    %dma_start3A_2029 = tpu.memref_slice %arg6[%add3A_2027, %dma_start3A_2028] : memref<32768x768xf32, #tpu.memory_space<hbm>> -> memref<64x768xf32, #tpu.memory_space<hbm>>
    %dma_start3A_2030 = arith.constant 0 : i32
    %dma_start3A_2031 = tpu.memref_slice %arg6[%add3A_2027, %dma_start3A_2030] : memref<32768x768xf32, #tpu.memory_space<hbm>> -> memref<64x768xf32, #tpu.memory_space<hbm>>
    tpu.enqueue_dma source(%arg12 : memref<64x768xf32, #tpu.memory_space<vmem>>) target(%dma_start3A_2031 : memref<64x768xf32, #tpu.memory_space<hbm>>) target_semaphore(%arg16 : memref<!tpu.dma_semaphore, #tpu.memory_space<semaphore_mem>>)
    %dma_wait3A_2032 = arith.constant 0 : i32
    %dma_wait3A_2033 = tpu.memref_slice %arg6[%add3A_2027, %dma_wait3A_2032] : memref<32768x768xf32, #tpu.memory_space<hbm>> -> memref<64x768xf32, #tpu.memory_space<hbm>>
    %dma_wait3A_2034 = arith.constant 0 : i32
    %dma_wait3A_2035 = tpu.memref_slice %arg6[%add3A_2027, %dma_wait3A_2034] : memref<32768x768xf32, #tpu.memory_space<hbm>> -> memref<64x768xf32, #tpu.memory_space<hbm>>
    tpu.wait_dma2 semaphore(%arg16 : memref<!tpu.dma_semaphore, #tpu.memory_space<semaphore_mem>>) src(%arg12 : memref<64x768xf32, #tpu.memory_space<vmem>>) dst(%dma_wait3A_2035 : memref<64x768xf32, #tpu.memory_space<hbm>>)
    %dma_start3A_2036 = arith.constant 448 : i32
    %dma_start3A_2037 = tpu.memref_slice %arg7[%dma_start3A_2036] : memref<1024xi32, #tpu.memory_space<vmem>> -> memref<64xi32, #tpu.memory_space<vmem>>
    %dma_start3A_2038 = arith.constant 0 : i32
    %dma_start3A_2039 = arith.constant 0 : i32
    %dma_start3A_2040 = tpu.memref_slice %arg2[%dma_start3A_2038, %dma_start3A_2039] : memref<16640x768xf32, #tpu.memory_space<hbm>> -> memref<16640x768xf32, #tpu.memory_space<hbm>>
    tpu.enqueue_indirect_dma source(%dma_start3A_2040 : memref<16640x768xf32, #tpu.memory_space<hbm>>) target(%arg12 : memref<64x768xf32, #tpu.memory_space<vmem>>) offsets(%dma_start3A_2037 : memref<64xi32, #tpu.memory_space<vmem>>) semaphore(%arg14 : memref<!tpu.dma_semaphore, #tpu.memory_space<semaphore_mem>>)
    %dma_wait3A_2041 = arith.constant 384 : i32
    %dma_wait3A_2042 = tpu.memref_slice %arg7[%dma_wait3A_2041] : memref<1024xi32, #tpu.memory_space<vmem>> -> memref<64xi32, #tpu.memory_space<vmem>>
    %dma_wait3A_2043 = arith.constant 0 : i32
    %dma_wait3A_2044 = arith.constant 0 : i32
    %dma_wait3A_2045 = tpu.memref_slice %arg2[%dma_wait3A_2043, %dma_wait3A_2044] : memref<16640x768xf32, #tpu.memory_space<hbm>> -> memref<16640x768xf32, #tpu.memory_space<hbm>>
    tpu.wait_indirect_dma semaphore(%arg13 : memref<!tpu.dma_semaphore, #tpu.memory_space<semaphore_mem>>) src(%dma_wait3A_2045 : memref<16640x768xf32, #tpu.memory_space<hbm>>) dst(%arg11 : memref<64x768xf32, #tpu.memory_space<vmem>>)
    %add3A_2046 = arith.constant 384 : i32
    %add3A_2047 = arith.addi %mul3A_2, %add3A_2046 : i32
    %dma_start3A_2048 = arith.constant 0 : i32
    %dma_start3A_2049 = tpu.memref_slice %arg6[%add3A_2047, %dma_start3A_2048] : memref<32768x768xf32, #tpu.memory_space<hbm>> -> memref<64x768xf32, #tpu.memory_space<hbm>>
    %dma_start3A_2050 = arith.constant 0 : i32
    %dma_start3A_2051 = tpu.memref_slice %arg6[%add3A_2047, %dma_start3A_2050] : memref<32768x768xf32, #tpu.memory_space<hbm>> -> memref<64x768xf32, #tpu.memory_space<hbm>>
    tpu.enqueue_dma source(%arg11 : memref<64x768xf32, #tpu.memory_space<vmem>>) target(%dma_start3A_2051 : memref<64x768xf32, #tpu.memory_space<hbm>>) target_semaphore(%arg15 : memref<!tpu.dma_semaphore, #tpu.memory_space<semaphore_mem>>)
    %dma_wait3A_2052 = arith.constant 0 : i32
    %dma_wait3A_2053 = tpu.memref_slice %arg6[%add3A_2047, %dma_wait3A_2052] : memref<32768x768xf32, #tpu.memory_space<hbm>> -> memref<64x768xf32, #tpu.memory_space<hbm>>
    %dma_wait3A_2054 = arith.constant 0 : i32
    %dma_wait3A_2055 = tpu.memref_slice %arg6[%add3A_2047, %dma_wait3A_2054] : memref<32768x768xf32, #tpu.memory_space<hbm>> -> memref<64x768xf32, #tpu.memory_space<hbm>>
    tpu.wait_dma2 semaphore(%arg15 : memref<!tpu.dma_semaphore, #tpu.memory_space<semaphore_mem>>) src(%arg11 : memref<64x768xf32, #tpu.memory_space<vmem>>) dst(%dma_wait3A_2055 : memref<64x768xf32, #tpu.memory_space<hbm>>)
    %dma_start3A_2056 = arith.constant 512 : i32
    %dma_start3A_2057 = tpu.memref_slice %arg7[%dma_start3A_2056] : memref<1024xi32, #tpu.memory_space<vmem>> -> memref<64xi32, #tpu.memory_space<vmem>>
    %dma_start3A_2058 = arith.constant 0 : i32
    %dma_start3A_2059 = arith.constant 0 : i32
    %dma_start3A_2060 = tpu.memref_slice %arg2[%dma_start3A_2058, %dma_start3A_2059] : memref<16640x768xf32, #tpu.memory_space<hbm>> -> memref<16640x768xf32, #tpu.memory_space<hbm>>
    tpu.enqueue_indirect_dma source(%dma_start3A_2060 : memref<16640x768xf32, #tpu.memory_space<hbm>>) target(%arg11 : memref<64x768xf32, #tpu.memory_space<vmem>>) offsets(%dma_start3A_2057 : memref<64xi32, #tpu.memory_space<vmem>>) semaphore(%arg13 : memref<!tpu.dma_semaphore, #tpu.memory_space<semaphore_mem>>)
    %dma_wait3A_2061 = arith.constant 448 : i32
    %dma_wait3A_2062 = tpu.memref_slice %arg7[%dma_wait3A_2061] : memref<1024xi32, #tpu.memory_space<vmem>> -> memref<64xi32, #tpu.memory_space<vmem>>
    %dma_wait3A_2063 = arith.constant 0 : i32
    %dma_wait3A_2064 = arith.constant 0 : i32
    %dma_wait3A_2065 = tpu.memref_slice %arg2[%dma_wait3A_2063, %dma_wait3A_2064] : memref<16640x768xf32, #tpu.memory_space<hbm>> -> memref<16640x768xf32, #tpu.memory_space<hbm>>
    tpu.wait_indirect_dma semaphore(%arg14 : memref<!tpu.dma_semaphore, #tpu.memory_space<semaphore_mem>>) src(%dma_wait3A_2065 : memref<16640x768xf32, #tpu.memory_space<hbm>>) dst(%arg12 : memref<64x768xf32, #tpu.memory_space<vmem>>)
    %add3A_2066 = arith.constant 448 : i32
    %add3A_2067 = arith.addi %mul3A_2, %add3A_2066 : i32
    %dma_start3A_2068 = arith.constant 0 : i32
    %dma_start3A_2069 = tpu.memref_slice %arg6[%add3A_2067, %dma_start3A_2068] : memref<32768x768xf32, #tpu.memory_space<hbm>> -> memref<64x768xf32, #tpu.memory_space<hbm>>
    %dma_start3A_2070 = arith.constant 0 : i32
    %dma_start3A_2071 = tpu.memref_slice %arg6[%add3A_2067, %dma_start3A_2070] : memref<32768x768xf32, #tpu.memory_space<hbm>> -> memref<64x768xf32, #tpu.memory_space<hbm>>
    tpu.enqueue_dma source(%arg12 : memref<64x768xf32, #tpu.memory_space<vmem>>) target(%dma_start3A_2071 : memref<64x768xf32, #tpu.memory_space<hbm>>) target_semaphore(%arg16 : memref<!tpu.dma_semaphore, #tpu.memory_space<semaphore_mem>>)
    %dma_wait3A_2072 = arith.constant 0 : i32
    %dma_wait3A_2073 = tpu.memref_slice %arg6[%add3A_2067, %dma_wait3A_2072] : memref<32768x768xf32, #tpu.memory_space<hbm>> -> memref<64x768xf32, #tpu.memory_space<hbm>>
    %dma_wait3A_2074 = arith.constant 0 : i32
    %dma_wait3A_2075 = tpu.memref_slice %arg6[%add3A_2067, %dma_wait3A_2074] : memref<32768x768xf32, #tpu.memory_space<hbm>> -> memref<64x768xf32, #tpu.memory_space<hbm>>
    tpu.wait_dma2 semaphore(%arg16 : memref<!tpu.dma_semaphore, #tpu.memory_space<semaphore_mem>>) src(%arg12 : memref<64x768xf32, #tpu.memory_space<vmem>>) dst(%dma_wait3A_2075 : memref<64x768xf32, #tpu.memory_space<hbm>>)
    %dma_start3A_2076 = arith.constant 576 : i32
    %dma_start3A_2077 = tpu.memref_slice %arg7[%dma_start3A_2076] : memref<1024xi32, #tpu.memory_space<vmem>> -> memref<64xi32, #tpu.memory_space<vmem>>
    %dma_start3A_2078 = arith.constant 0 : i32
    %dma_start3A_2079 = arith.constant 0 : i32
    %dma_start3A_2080 = tpu.memref_slice %arg2[%dma_start3A_2078, %dma_start3A_2079] : memref<16640x768xf32, #tpu.memory_space<hbm>> -> memref<16640x768xf32, #tpu.memory_space<hbm>>
    tpu.enqueue_indirect_dma source(%dma_start3A_2080 : memref<16640x768xf32, #tpu.memory_space<hbm>>) target(%arg12 : memref<64x768xf32, #tpu.memory_space<vmem>>) offsets(%dma_start3A_2077 : memref<64xi32, #tpu.memory_space<vmem>>) semaphore(%arg14 : memref<!tpu.dma_semaphore, #tpu.memory_space<semaphore_mem>>)
    %dma_wait3A_2081 = arith.constant 512 : i32
    %dma_wait3A_2082 = tpu.memref_slice %arg7[%dma_wait3A_2081] : memref<1024xi32, #tpu.memory_space<vmem>> -> memref<64xi32, #tpu.memory_space<vmem>>
    %dma_wait3A_2083 = arith.constant 0 : i32
    %dma_wait3A_2084 = arith.constant 0 : i32
    %dma_wait3A_2085 = tpu.memref_slice %arg2[%dma_wait3A_2083, %dma_wait3A_2084] : memref<16640x768xf32, #tpu.memory_space<hbm>> -> memref<16640x768xf32, #tpu.memory_space<hbm>>
    tpu.wait_indirect_dma semaphore(%arg13 : memref<!tpu.dma_semaphore, #tpu.memory_space<semaphore_mem>>) src(%dma_wait3A_2085 : memref<16640x768xf32, #tpu.memory_space<hbm>>) dst(%arg11 : memref<64x768xf32, #tpu.memory_space<vmem>>)
    %add3A_2086 = arith.constant 512 : i32
    %add3A_2087 = arith.addi %mul3A_2, %add3A_2086 : i32
    %dma_start3A_2088 = arith.constant 0 : i32
    %dma_start3A_2089 = tpu.memref_slice %arg6[%add3A_2087, %dma_start3A_2088] : memref<32768x768xf32, #tpu.memory_space<hbm>> -> memref<64x768xf32, #tpu.memory_space<hbm>>
    %dma_start3A_2090 = arith.constant 0 : i32
    %dma_start3A_2091 = tpu.memref_slice %arg6[%add3A_2087, %dma_start3A_2090] : memref<32768x768xf32, #tpu.memory_space<hbm>> -> memref<64x768xf32, #tpu.memory_space<hbm>>
    tpu.enqueue_dma source(%arg11 : memref<64x768xf32, #tpu.memory_space<vmem>>) target(%dma_start3A_2091 : memref<64x768xf32, #tpu.memory_space<hbm>>) target_semaphore(%arg15 : memref<!tpu.dma_semaphore, #tpu.memory_space<semaphore_mem>>)
    %dma_wait3A_2092 = arith.constant 0 : i32
    %dma_wait3A_2093 = tpu.memref_slice %arg6[%add3A_2087, %dma_wait3A_2092] : memref<32768x768xf32, #tpu.memory_space<hbm>> -> memref<64x768xf32, #tpu.memory_space<hbm>>
    %dma_wait3A_2094 = arith.constant 0 : i32
    %dma_wait3A_2095 = tpu.memref_slice %arg6[%add3A_2087, %dma_wait3A_2094] : memref<32768x768xf32, #tpu.memory_space<hbm>> -> memref<64x768xf32, #tpu.memory_space<hbm>>
    tpu.wait_dma2 semaphore(%arg15 : memref<!tpu.dma_semaphore, #tpu.memory_space<semaphore_mem>>) src(%arg11 : memref<64x768xf32, #tpu.memory_space<vmem>>) dst(%dma_wait3A_2095 : memref<64x768xf32, #tpu.memory_space<hbm>>)
    %dma_start3A_2096 = arith.constant 640 : i32
    %dma_start3A_2097 = tpu.memref_slice %arg7[%dma_start3A_2096] : memref<1024xi32, #tpu.memory_space<vmem>> -> memref<64xi32, #tpu.memory_space<vmem>>
    %dma_start3A_2098 = arith.constant 0 : i32
    %dma_start3A_2099 = arith.constant 0 : i32
    %dma_start3A_2100 = tpu.memref_slice %arg2[%dma_start3A_2098, %dma_start3A_2099] : memref<16640x768xf32, #tpu.memory_space<hbm>> -> memref<16640x768xf32, #tpu.memory_space<hbm>>
    tpu.enqueue_indirect_dma source(%dma_start3A_2100 : memref<16640x768xf32, #tpu.memory_space<hbm>>) target(%arg11 : memref<64x768xf32, #tpu.memory_space<vmem>>) offsets(%dma_start3A_2097 : memref<64xi32, #tpu.memory_space<vmem>>) semaphore(%arg13 : memref<!tpu.dma_semaphore, #tpu.memory_space<semaphore_mem>>)
    %dma_wait3A_2101 = arith.constant 576 : i32
    %dma_wait3A_2102 = tpu.memref_slice %arg7[%dma_wait3A_2101] : memref<1024xi32, #tpu.memory_space<vmem>> -> memref<64xi32, #tpu.memory_space<vmem>>
    %dma_wait3A_2103 = arith.constant 0 : i32
    %dma_wait3A_2104 = arith.constant 0 : i32
    %dma_wait3A_2105 = tpu.memref_slice %arg2[%dma_wait3A_2103, %dma_wait3A_2104] : memref<16640x768xf32, #tpu.memory_space<hbm>> -> memref<16640x768xf32, #tpu.memory_space<hbm>>
    tpu.wait_indirect_dma semaphore(%arg14 : memref<!tpu.dma_semaphore, #tpu.memory_space<semaphore_mem>>) src(%dma_wait3A_2105 : memref<16640x768xf32, #tpu.memory_space<hbm>>) dst(%arg12 : memref<64x768xf32, #tpu.memory_space<vmem>>)
    %add3A_2106 = arith.constant 576 : i32
    %add3A_2107 = arith.addi %mul3A_2, %add3A_2106 : i32
    %dma_start3A_2108 = arith.constant 0 : i32
    %dma_start3A_2109 = tpu.memref_slice %arg6[%add3A_2107, %dma_start3A_2108] : memref<32768x768xf32, #tpu.memory_space<hbm>> -> memref<64x768xf32, #tpu.memory_space<hbm>>
    %dma_start3A_2110 = arith.constant 0 : i32
    %dma_start3A_2111 = tpu.memref_slice %arg6[%add3A_2107, %dma_start3A_2110] : memref<32768x768xf32, #tpu.memory_space<hbm>> -> memref<64x768xf32, #tpu.memory_space<hbm>>
    tpu.enqueue_dma source(%arg12 : memref<64x768xf32, #tpu.memory_space<vmem>>) target(%dma_start3A_2111 : memref<64x768xf32, #tpu.memory_space<hbm>>) target_semaphore(%arg16 : memref<!tpu.dma_semaphore, #tpu.memory_space<semaphore_mem>>)
    %dma_wait3A_2112 = arith.constant 0 : i32
    %dma_wait3A_2113 = tpu.memref_slice %arg6[%add3A_2107, %dma_wait3A_2112] : memref<32768x768xf32, #tpu.memory_space<hbm>> -> memref<64x768xf32, #tpu.memory_space<hbm>>
    %dma_wait3A_2114 = arith.constant 0 : i32
    %dma_wait3A_2115 = tpu.memref_slice %arg6[%add3A_2107, %dma_wait3A_2114] : memref<32768x768xf32, #tpu.memory_space<hbm>> -> memref<64x768xf32, #tpu.memory_space<hbm>>
    tpu.wait_dma2 semaphore(%arg16 : memref<!tpu.dma_semaphore, #tpu.memory_space<semaphore_mem>>) src(%arg12 : memref<64x768xf32, #tpu.memory_space<vmem>>) dst(%dma_wait3A_2115 : memref<64x768xf32, #tpu.memory_space<hbm>>)
    %dma_start3A_2116 = arith.constant 704 : i32
    %dma_start3A_2117 = tpu.memref_slice %arg7[%dma_start3A_2116] : memref<1024xi32, #tpu.memory_space<vmem>> -> memref<64xi32, #tpu.memory_space<vmem>>
    %dma_start3A_2118 = arith.constant 0 : i32
    %dma_start3A_2119 = arith.constant 0 : i32
    %dma_start3A_2120 = tpu.memref_slice %arg2[%dma_start3A_2118, %dma_start3A_2119] : memref<16640x768xf32, #tpu.memory_space<hbm>> -> memref<16640x768xf32, #tpu.memory_space<hbm>>
    tpu.enqueue_indirect_dma source(%dma_start3A_2120 : memref<16640x768xf32, #tpu.memory_space<hbm>>) target(%arg12 : memref<64x768xf32, #tpu.memory_space<vmem>>) offsets(%dma_start3A_2117 : memref<64xi32, #tpu.memory_space<vmem>>) semaphore(%arg14 : memref<!tpu.dma_semaphore, #tpu.memory_space<semaphore_mem>>)
    %dma_wait3A_2121 = arith.constant 640 : i32
    %dma_wait3A_2122 = tpu.memref_slice %arg7[%dma_wait3A_2121] : memref<1024xi32, #tpu.memory_space<vmem>> -> memref<64xi32, #tpu.memory_space<vmem>>
    %dma_wait3A_2123 = arith.constant 0 : i32
    %dma_wait3A_2124 = arith.constant 0 : i32
    %dma_wait3A_2125 = tpu.memref_slice %arg2[%dma_wait3A_2123, %dma_wait3A_2124] : memref<16640x768xf32, #tpu.memory_space<hbm>> -> memref<16640x768xf32, #tpu.memory_space<hbm>>
    tpu.wait_indirect_dma semaphore(%arg13 : memref<!tpu.dma_semaphore, #tpu.memory_space<semaphore_mem>>) src(%dma_wait3A_2125 : memref<16640x768xf32, #tpu.memory_space<hbm>>) dst(%arg11 : memref<64x768xf32, #tpu.memory_space<vmem>>)
    %add3A_2126 = arith.constant 640 : i32
    %add3A_2127 = arith.addi %mul3A_2, %add3A_2126 : i32
    %dma_start3A_2128 = arith.constant 0 : i32
    %dma_start3A_2129 = tpu.memref_slice %arg6[%add3A_2127, %dma_start3A_2128] : memref<32768x768xf32, #tpu.memory_space<hbm>> -> memref<64x768xf32, #tpu.memory_space<hbm>>
    %dma_start3A_2130 = arith.constant 0 : i32
    %dma_start3A_2131 = tpu.memref_slice %arg6[%add3A_2127, %dma_start3A_2130] : memref<32768x768xf32, #tpu.memory_space<hbm>> -> memref<64x768xf32, #tpu.memory_space<hbm>>
    tpu.enqueue_dma source(%arg11 : memref<64x768xf32, #tpu.memory_space<vmem>>) target(%dma_start3A_2131 : memref<64x768xf32, #tpu.memory_space<hbm>>) target_semaphore(%arg15 : memref<!tpu.dma_semaphore, #tpu.memory_space<semaphore_mem>>)
    %dma_wait3A_2132 = arith.constant 0 : i32
    %dma_wait3A_2133 = tpu.memref_slice %arg6[%add3A_2127, %dma_wait3A_2132] : memref<32768x768xf32, #tpu.memory_space<hbm>> -> memref<64x768xf32, #tpu.memory_space<hbm>>
    %dma_wait3A_2134 = arith.constant 0 : i32
    %dma_wait3A_2135 = tpu.memref_slice %arg6[%add3A_2127, %dma_wait3A_2134] : memref<32768x768xf32, #tpu.memory_space<hbm>> -> memref<64x768xf32, #tpu.memory_space<hbm>>
    tpu.wait_dma2 semaphore(%arg15 : memref<!tpu.dma_semaphore, #tpu.memory_space<semaphore_mem>>) src(%arg11 : memref<64x768xf32, #tpu.memory_space<vmem>>) dst(%dma_wait3A_2135 : memref<64x768xf32, #tpu.memory_space<hbm>>)
    %dma_start3A_2136 = arith.constant 768 : i32
    %dma_start3A_2137 = tpu.memref_slice %arg7[%dma_start3A_2136] : memref<1024xi32, #tpu.memory_space<vmem>> -> memref<64xi32, #tpu.memory_space<vmem>>
    %dma_start3A_2138 = arith.constant 0 : i32
    %dma_start3A_2139 = arith.constant 0 : i32
    %dma_start3A_2140 = tpu.memref_slice %arg2[%dma_start3A_2138, %dma_start3A_2139] : memref<16640x768xf32, #tpu.memory_space<hbm>> -> memref<16640x768xf32, #tpu.memory_space<hbm>>
    tpu.enqueue_indirect_dma source(%dma_start3A_2140 : memref<16640x768xf32, #tpu.memory_space<hbm>>) target(%arg11 : memref<64x768xf32, #tpu.memory_space<vmem>>) offsets(%dma_start3A_2137 : memref<64xi32, #tpu.memory_space<vmem>>) semaphore(%arg13 : memref<!tpu.dma_semaphore, #tpu.memory_space<semaphore_mem>>)
    %dma_wait3A_2141 = arith.constant 704 : i32
    %dma_wait3A_2142 = tpu.memref_slice %arg7[%dma_wait3A_2141] : memref<1024xi32, #tpu.memory_space<vmem>> -> memref<64xi32, #tpu.memory_space<vmem>>
    %dma_wait3A_2143 = arith.constant 0 : i32
    %dma_wait3A_2144 = arith.constant 0 : i32
    %dma_wait3A_2145 = tpu.memref_slice %arg2[%dma_wait3A_2143, %dma_wait3A_2144] : memref<16640x768xf32, #tpu.memory_space<hbm>> -> memref<16640x768xf32, #tpu.memory_space<hbm>>
    tpu.wait_indirect_dma semaphore(%arg14 : memref<!tpu.dma_semaphore, #tpu.memory_space<semaphore_mem>>) src(%dma_wait3A_2145 : memref<16640x768xf32, #tpu.memory_space<hbm>>) dst(%arg12 : memref<64x768xf32, #tpu.memory_space<vmem>>)
    %add3A_2146 = arith.constant 704 : i32
    %add3A_2147 = arith.addi %mul3A_2, %add3A_2146 : i32
    %dma_start3A_2148 = arith.constant 0 : i32
    %dma_start3A_2149 = tpu.memref_slice %arg6[%add3A_2147, %dma_start3A_2148] : memref<32768x768xf32, #tpu.memory_space<hbm>> -> memref<64x768xf32, #tpu.memory_space<hbm>>
    %dma_start3A_2150 = arith.constant 0 : i32
    %dma_start3A_2151 = tpu.memref_slice %arg6[%add3A_2147, %dma_start3A_2150] : memref<32768x768xf32, #tpu.memory_space<hbm>> -> memref<64x768xf32, #tpu.memory_space<hbm>>
    tpu.enqueue_dma source(%arg12 : memref<64x768xf32, #tpu.memory_space<vmem>>) target(%dma_start3A_2151 : memref<64x768xf32, #tpu.memory_space<hbm>>) target_semaphore(%arg16 : memref<!tpu.dma_semaphore, #tpu.memory_space<semaphore_mem>>)
    %dma_wait3A_2152 = arith.constant 0 : i32
    %dma_wait3A_2153 = tpu.memref_slice %arg6[%add3A_2147, %dma_wait3A_2152] : memref<32768x768xf32, #tpu.memory_space<hbm>> -> memref<64x768xf32, #tpu.memory_space<hbm>>
    %dma_wait3A_2154 = arith.constant 0 : i32
    %dma_wait3A_2155 = tpu.memref_slice %arg6[%add3A_2147, %dma_wait3A_2154] : memref<32768x768xf32, #tpu.memory_space<hbm>> -> memref<64x768xf32, #tpu.memory_space<hbm>>
    tpu.wait_dma2 semaphore(%arg16 : memref<!tpu.dma_semaphore, #tpu.memory_space<semaphore_mem>>) src(%arg12 : memref<64x768xf32, #tpu.memory_space<vmem>>) dst(%dma_wait3A_2155 : memref<64x768xf32, #tpu.memory_space<hbm>>)
    %dma_start3A_2156 = arith.constant 832 : i32
    %dma_start3A_2157 = tpu.memref_slice %arg7[%dma_start3A_2156] : memref<1024xi32, #tpu.memory_space<vmem>> -> memref<64xi32, #tpu.memory_space<vmem>>
    %dma_start3A_2158 = arith.constant 0 : i32
    %dma_start3A_2159 = arith.constant 0 : i32
    %dma_start3A_2160 = tpu.memref_slice %arg2[%dma_start3A_2158, %dma_start3A_2159] : memref<16640x768xf32, #tpu.memory_space<hbm>> -> memref<16640x768xf32, #tpu.memory_space<hbm>>
    tpu.enqueue_indirect_dma source(%dma_start3A_2160 : memref<16640x768xf32, #tpu.memory_space<hbm>>) target(%arg12 : memref<64x768xf32, #tpu.memory_space<vmem>>) offsets(%dma_start3A_2157 : memref<64xi32, #tpu.memory_space<vmem>>) semaphore(%arg14 : memref<!tpu.dma_semaphore, #tpu.memory_space<semaphore_mem>>)
    %dma_wait3A_2161 = arith.constant 768 : i32
    %dma_wait3A_2162 = tpu.memref_slice %arg7[%dma_wait3A_2161] : memref<1024xi32, #tpu.memory_space<vmem>> -> memref<64xi32, #tpu.memory_space<vmem>>
    %dma_wait3A_2163 = arith.constant 0 : i32
    %dma_wait3A_2164 = arith.constant 0 : i32
    %dma_wait3A_2165 = tpu.memref_slice %arg2[%dma_wait3A_2163, %dma_wait3A_2164] : memref<16640x768xf32, #tpu.memory_space<hbm>> -> memref<16640x768xf32, #tpu.memory_space<hbm>>
    tpu.wait_indirect_dma semaphore(%arg13 : memref<!tpu.dma_semaphore, #tpu.memory_space<semaphore_mem>>) src(%dma_wait3A_2165 : memref<16640x768xf32, #tpu.memory_space<hbm>>) dst(%arg11 : memref<64x768xf32, #tpu.memory_space<vmem>>)
    %add3A_2166 = arith.constant 768 : i32
    %add3A_2167 = arith.addi %mul3A_2, %add3A_2166 : i32
    %dma_start3A_2168 = arith.constant 0 : i32
    %dma_start3A_2169 = tpu.memref_slice %arg6[%add3A_2167, %dma_start3A_2168] : memref<32768x768xf32, #tpu.memory_space<hbm>> -> memref<64x768xf32, #tpu.memory_space<hbm>>
    %dma_start3A_2170 = arith.constant 0 : i32
    %dma_start3A_2171 = tpu.memref_slice %arg6[%add3A_2167, %dma_start3A_2170] : memref<32768x768xf32, #tpu.memory_space<hbm>> -> memref<64x768xf32, #tpu.memory_space<hbm>>
    tpu.enqueue_dma source(%arg11 : memref<64x768xf32, #tpu.memory_space<vmem>>) target(%dma_start3A_2171 : memref<64x768xf32, #tpu.memory_space<hbm>>) target_semaphore(%arg15 : memref<!tpu.dma_semaphore, #tpu.memory_space<semaphore_mem>>)
    %dma_wait3A_2172 = arith.constant 0 : i32
    %dma_wait3A_2173 = tpu.memref_slice %arg6[%add3A_2167, %dma_wait3A_2172] : memref<32768x768xf32, #tpu.memory_space<hbm>> -> memref<64x768xf32, #tpu.memory_space<hbm>>
    %dma_wait3A_2174 = arith.constant 0 : i32
    %dma_wait3A_2175 = tpu.memref_slice %arg6[%add3A_2167, %dma_wait3A_2174] : memref<32768x768xf32, #tpu.memory_space<hbm>> -> memref<64x768xf32, #tpu.memory_space<hbm>>
    tpu.wait_dma2 semaphore(%arg15 : memref<!tpu.dma_semaphore, #tpu.memory_space<semaphore_mem>>) src(%arg11 : memref<64x768xf32, #tpu.memory_space<vmem>>) dst(%dma_wait3A_2175 : memref<64x768xf32, #tpu.memory_space<hbm>>)
    %dma_start3A_2176 = arith.constant 896 : i32
    %dma_start3A_2177 = tpu.memref_slice %arg7[%dma_start3A_2176] : memref<1024xi32, #tpu.memory_space<vmem>> -> memref<64xi32, #tpu.memory_space<vmem>>
    %dma_start3A_2178 = arith.constant 0 : i32
    %dma_start3A_2179 = arith.constant 0 : i32
    %dma_start3A_2180 = tpu.memref_slice %arg2[%dma_start3A_2178, %dma_start3A_2179] : memref<16640x768xf32, #tpu.memory_space<hbm>> -> memref<16640x768xf32, #tpu.memory_space<hbm>>
    tpu.enqueue_indirect_dma source(%dma_start3A_2180 : memref<16640x768xf32, #tpu.memory_space<hbm>>) target(%arg11 : memref<64x768xf32, #tpu.memory_space<vmem>>) offsets(%dma_start3A_2177 : memref<64xi32, #tpu.memory_space<vmem>>) semaphore(%arg13 : memref<!tpu.dma_semaphore, #tpu.memory_space<semaphore_mem>>)
    %dma_wait3A_2181 = arith.constant 832 : i32
    %dma_wait3A_2182 = tpu.memref_slice %arg7[%dma_wait3A_2181] : memref<1024xi32, #tpu.memory_space<vmem>> -> memref<64xi32, #tpu.memory_space<vmem>>
    %dma_wait3A_2183 = arith.constant 0 : i32
    %dma_wait3A_2184 = arith.constant 0 : i32
    %dma_wait3A_2185 = tpu.memref_slice %arg2[%dma_wait3A_2183, %dma_wait3A_2184] : memref<16640x768xf32, #tpu.memory_space<hbm>> -> memref<16640x768xf32, #tpu.memory_space<hbm>>
    tpu.wait_indirect_dma semaphore(%arg14 : memref<!tpu.dma_semaphore, #tpu.memory_space<semaphore_mem>>) src(%dma_wait3A_2185 : memref<16640x768xf32, #tpu.memory_space<hbm>>) dst(%arg12 : memref<64x768xf32, #tpu.memory_space<vmem>>)
    %add3A_2186 = arith.constant 832 : i32
    %add3A_2187 = arith.addi %mul3A_2, %add3A_2186 : i32
    %dma_start3A_2188 = arith.constant 0 : i32
    %dma_start3A_2189 = tpu.memref_slice %arg6[%add3A_2187, %dma_start3A_2188] : memref<32768x768xf32, #tpu.memory_space<hbm>> -> memref<64x768xf32, #tpu.memory_space<hbm>>
    %dma_start3A_2190 = arith.constant 0 : i32
    %dma_start3A_2191 = tpu.memref_slice %arg6[%add3A_2187, %dma_start3A_2190] : memref<32768x768xf32, #tpu.memory_space<hbm>> -> memref<64x768xf32, #tpu.memory_space<hbm>>
    tpu.enqueue_dma source(%arg12 : memref<64x768xf32, #tpu.memory_space<vmem>>) target(%dma_start3A_2191 : memref<64x768xf32, #tpu.memory_space<hbm>>) target_semaphore(%arg16 : memref<!tpu.dma_semaphore, #tpu.memory_space<semaphore_mem>>)
    %dma_wait3A_2192 = arith.constant 0 : i32
    %dma_wait3A_2193 = tpu.memref_slice %arg6[%add3A_2187, %dma_wait3A_2192] : memref<32768x768xf32, #tpu.memory_space<hbm>> -> memref<64x768xf32, #tpu.memory_space<hbm>>
    %dma_wait3A_2194 = arith.constant 0 : i32
    %dma_wait3A_2195 = tpu.memref_slice %arg6[%add3A_2187, %dma_wait3A_2194] : memref<32768x768xf32, #tpu.memory_space<hbm>> -> memref<64x768xf32, #tpu.memory_space<hbm>>
    tpu.wait_dma2 semaphore(%arg16 : memref<!tpu.dma_semaphore, #tpu.memory_space<semaphore_mem>>) src(%arg12 : memref<64x768xf32, #tpu.memory_space<vmem>>) dst(%dma_wait3A_2195 : memref<64x768xf32, #tpu.memory_space<hbm>>)
    %dma_start3A_2196 = arith.constant 960 : i32
    %dma_start3A_2197 = tpu.memref_slice %arg7[%dma_start3A_2196] : memref<1024xi32, #tpu.memory_space<vmem>> -> memref<64xi32, #tpu.memory_space<vmem>>
    %dma_start3A_2198 = arith.constant 0 : i32
    %dma_start3A_2199 = arith.constant 0 : i32
    %dma_start3A_2200 = tpu.memref_slice %arg2[%dma_start3A_2198, %dma_start3A_2199] : memref<16640x768xf32, #tpu.memory_space<hbm>> -> memref<16640x768xf32, #tpu.memory_space<hbm>>
    tpu.enqueue_indirect_dma source(%dma_start3A_2200 : memref<16640x768xf32, #tpu.memory_space<hbm>>) target(%arg12 : memref<64x768xf32, #tpu.memory_space<vmem>>) offsets(%dma_start3A_2197 : memref<64xi32, #tpu.memory_space<vmem>>) semaphore(%arg14 : memref<!tpu.dma_semaphore, #tpu.memory_space<semaphore_mem>>)
    %dma_wait3A_2201 = arith.constant 896 : i32
    %dma_wait3A_2202 = tpu.memref_slice %arg7[%dma_wait3A_2201] : memref<1024xi32, #tpu.memory_space<vmem>> -> memref<64xi32, #tpu.memory_space<vmem>>
    %dma_wait3A_2203 = arith.constant 0 : i32
    %dma_wait3A_2204 = arith.constant 0 : i32
    %dma_wait3A_2205 = tpu.memref_slice %arg2[%dma_wait3A_2203, %dma_wait3A_2204] : memref<16640x768xf32, #tpu.memory_space<hbm>> -> memref<16640x768xf32, #tpu.memory_space<hbm>>
    tpu.wait_indirect_dma semaphore(%arg13 : memref<!tpu.dma_semaphore, #tpu.memory_space<semaphore_mem>>) src(%dma_wait3A_2205 : memref<16640x768xf32, #tpu.memory_space<hbm>>) dst(%arg11 : memref<64x768xf32, #tpu.memory_space<vmem>>)
    %add3A_2206 = arith.constant 896 : i32
    %add3A_2207 = arith.addi %mul3A_2, %add3A_2206 : i32
    %dma_start3A_2208 = arith.constant 0 : i32
    %dma_start3A_2209 = tpu.memref_slice %arg6[%add3A_2207, %dma_start3A_2208] : memref<32768x768xf32, #tpu.memory_space<hbm>> -> memref<64x768xf32, #tpu.memory_space<hbm>>
    %dma_start3A_2210 = arith.constant 0 : i32
    %dma_start3A_2211 = tpu.memref_slice %arg6[%add3A_2207, %dma_start3A_2210] : memref<32768x768xf32, #tpu.memory_space<hbm>> -> memref<64x768xf32, #tpu.memory_space<hbm>>
    tpu.enqueue_dma source(%arg11 : memref<64x768xf32, #tpu.memory_space<vmem>>) target(%dma_start3A_2211 : memref<64x768xf32, #tpu.memory_space<hbm>>) target_semaphore(%arg15 : memref<!tpu.dma_semaphore, #tpu.memory_space<semaphore_mem>>)
    %dma_wait3A_2212 = arith.constant 0 : i32
    %dma_wait3A_2213 = tpu.memref_slice %arg6[%add3A_2207, %dma_wait3A_2212] : memref<32768x768xf32, #tpu.memory_space<hbm>> -> memref<64x768xf32, #tpu.memory_space<hbm>>
    %dma_wait3A_2214 = arith.constant 0 : i32
    %dma_wait3A_2215 = tpu.memref_slice %arg6[%add3A_2207, %dma_wait3A_2214] : memref<32768x768xf32, #tpu.memory_space<hbm>> -> memref<64x768xf32, #tpu.memory_space<hbm>>
    tpu.wait_dma2 semaphore(%arg15 : memref<!tpu.dma_semaphore, #tpu.memory_space<semaphore_mem>>) src(%arg11 : memref<64x768xf32, #tpu.memory_space<vmem>>) dst(%dma_wait3A_2215 : memref<64x768xf32, #tpu.memory_space<hbm>>)
    %dma_wait3A_2216 = arith.constant 960 : i32
    %dma_wait3A_2217 = tpu.memref_slice %arg7[%dma_wait3A_2216] : memref<1024xi32, #tpu.memory_space<vmem>> -> memref<64xi32, #tpu.memory_space<vmem>>
    %dma_wait3A_2218 = arith.constant 0 : i32
    %dma_wait3A_2219 = arith.constant 0 : i32
    %dma_wait3A_2220 = tpu.memref_slice %arg2[%dma_wait3A_2218, %dma_wait3A_2219] : memref<16640x768xf32, #tpu.memory_space<hbm>> -> memref<16640x768xf32, #tpu.memory_space<hbm>>
    tpu.wait_indirect_dma semaphore(%arg14 : memref<!tpu.dma_semaphore, #tpu.memory_space<semaphore_mem>>) src(%dma_wait3A_2220 : memref<16640x768xf32, #tpu.memory_space<hbm>>) dst(%arg12 : memref<64x768xf32, #tpu.memory_space<vmem>>)
    %add3A_2221 = arith.constant 960 : i32
    %add3A_2222 = arith.addi %mul3A_2, %add3A_2221 : i32
    %dma_start3A_2223 = arith.constant 0 : i32
    %dma_start3A_2224 = tpu.memref_slice %arg6[%add3A_2222, %dma_start3A_2223] : memref<32768x768xf32, #tpu.memory_space<hbm>> -> memref<64x768xf32, #tpu.memory_space<hbm>>
    %dma_start3A_2225 = arith.constant 0 : i32
    %dma_start3A_2226 = tpu.memref_slice %arg6[%add3A_2222, %dma_start3A_2225] : memref<32768x768xf32, #tpu.memory_space<hbm>> -> memref<64x768xf32, #tpu.memory_space<hbm>>
    tpu.enqueue_dma source(%arg12 : memref<64x768xf32, #tpu.memory_space<vmem>>) target(%dma_start3A_2226 : memref<64x768xf32, #tpu.memory_space<hbm>>) target_semaphore(%arg16 : memref<!tpu.dma_semaphore, #tpu.memory_space<semaphore_mem>>)
    %dma_wait3A_2227 = arith.constant 0 : i32
    %dma_wait3A_2228 = tpu.memref_slice %arg6[%add3A_2222, %dma_wait3A_2227] : memref<32768x768xf32, #tpu.memory_space<hbm>> -> memref<64x768xf32, #tpu.memory_space<hbm>>
    %dma_wait3A_2229 = arith.constant 0 : i32
    %dma_wait3A_2230 = tpu.memref_slice %arg6[%add3A_2222, %dma_wait3A_2229] : memref<32768x768xf32, #tpu.memory_space<hbm>> -> memref<64x768xf32, #tpu.memory_space<hbm>>
    tpu.wait_dma2 semaphore(%arg16 : memref<!tpu.dma_semaphore, #tpu.memory_space<semaphore_mem>>) src(%arg12 : memref<64x768xf32, #tpu.memory_space<vmem>>) dst(%dma_wait3A_2230 : memref<64x768xf32, #tpu.memory_space<hbm>>)
    return
  }
}

module attributes {stable_mosaic.version = 14 : i64} {
  func.func @_router_tc_kernel(%arg0: i32, %arg1: memref<256x768xf32, #tpu.memory_space<vmem>>, %arg2: memref<64x768xf32, #tpu.memory_space<vmem>>, %arg3: memref<256x256xbf16, #tpu.memory_space<vmem>>, %arg4: memref<256x768xf32, #tpu.memory_space<vmem>>, %arg5: memref<64x512xf32, #tpu.memory_space<vmem>>, %arg6: memref<64x512xf32, #tpu.memory_space<vmem>>, %arg7: memref<1x64xf32, #tpu.memory_space<vmem>>, %arg8: memref<1x64xf32, #tpu.memory_space<vmem>>, %arg9: memref<1x64xf32, #tpu.memory_space<vmem>>) attributes {dimension_semantics = [#tpu.dimension_semantics<arbitrary>], iteration_bounds = array<i64: 65>, scalar_prefetch = 0 : i64, scratch_operands = 1 : i64, tpu.core_type = #tpu.core_type<tc>, window_params = [{transform_indices = @transform_0, window_bounds = array<i64: 256, 768>}, {pipeline_mode = #tpu.pipeline_mode<synchronous>, transform_indices = @transform_1, window_bounds = array<i64: 64, 768>}, {pipeline_mode = #tpu.pipeline_mode<synchronous>, transform_indices = @transform_2, window_bounds = array<i64: 256, 256>}, {transform_indices = @transform_3, window_bounds = array<i64: 256, 768>}, {pipeline_mode = #tpu.pipeline_mode<synchronous>, transform_indices = @transform_4, window_bounds = array<i64: 64, 512>}, {pipeline_mode = #tpu.pipeline_mode<synchronous>, transform_indices = @transform_5, window_bounds = array<i64: 64, 512>}, {pipeline_mode = #tpu.pipeline_mode<synchronous>, transform_indices = @transform_6, window_bounds = array<i64: 1, 64>}, {pipeline_mode = #tpu.pipeline_mode<synchronous>, transform_indices = @transform_7, window_bounds = array<i64: 1, 64>}]} {
    %eq3A = arith.constant 0 : i32
    %eq3A_0 = arith.cmpi eq, %arg0, %eq3A : i32
    %convert_element_type3A = arith.extui %eq3A_0 : i1 to i32
    %cond3A = arith.constant 0 : i32
    %cond3A_1 = arith.cmpi ne, %convert_element_type3A, %cond3A : i32
    scf.if %cond3A_1 {
      %broadcast_in_dim3A = arith.constant 0.000000e+00 : f32
      %broadcast_in_dim3A_11 = vector.broadcast %broadcast_in_dim3A : f32 to vector<64x512xf32>
      %swap3A = arith.constant 0 : index
      %swap3A_12 = arith.constant 0 : index
      %swap3A_13 = vector.load %arg5[%swap3A, %swap3A_12] : memref<64x512xf32, #tpu.memory_space<vmem>>, vector<64x512xf32>
      tpu.vector_store %arg5[%swap3A, %swap3A_12], %broadcast_in_dim3A_11 {strides = array<i32>} : memref<64x512xf32, #tpu.memory_space<vmem>>, vector<64x512xf32>,
      %broadcast_in_dim3A_14 = arith.constant 0.000000e+00 : f32
      %broadcast_in_dim3A_15 = vector.broadcast %broadcast_in_dim3A_14 : f32 to vector<64x512xf32>
      %swap3A_16 = arith.constant 0 : index
      %swap3A_17 = arith.constant 0 : index
      %swap3A_18 = vector.load %arg6[%swap3A_16, %swap3A_17] : memref<64x512xf32, #tpu.memory_space<vmem>>, vector<64x512xf32>
      tpu.vector_store %arg6[%swap3A_16, %swap3A_17], %broadcast_in_dim3A_15 {strides = array<i32>} : memref<64x512xf32, #tpu.memory_space<vmem>>, vector<64x512xf32>,
      %broadcast_in_dim3A_19 = arith.constant 0.000000e+00 : f32
      %broadcast_in_dim3A_20 = vector.broadcast %broadcast_in_dim3A_19 : f32 to vector<1x64xf32>
      %swap3A_21 = arith.constant 0 : index
      %swap3A_22 = arith.constant 0 : index
      %swap3A_23 = vector.load %arg7[%swap3A_21, %swap3A_22] : memref<1x64xf32, #tpu.memory_space<vmem>>, vector<1x64xf32>
      tpu.vector_store %arg7[%swap3A_21, %swap3A_22], %broadcast_in_dim3A_20 {strides = array<i32>} : memref<1x64xf32, #tpu.memory_space<vmem>>, vector<1x64xf32>,
      %broadcast_in_dim3A_24 = arith.constant 0.000000e+00 : f32
      %broadcast_in_dim3A_25 = vector.broadcast %broadcast_in_dim3A_24 : f32 to vector<1x64xf32>
      %swap3A_26 = arith.constant 0 : index
      %swap3A_27 = arith.constant 0 : index
      %swap3A_28 = vector.load %arg8[%swap3A_26, %swap3A_27] : memref<1x64xf32, #tpu.memory_space<vmem>>, vector<1x64xf32>
      tpu.vector_store %arg8[%swap3A_26, %swap3A_27], %broadcast_in_dim3A_25 {strides = array<i32>} : memref<1x64xf32, #tpu.memory_space<vmem>>, vector<1x64xf32>,
      %broadcast_in_dim3A_29 = arith.constant 0.000000e+00 : f32
      %broadcast_in_dim3A_30 = vector.broadcast %broadcast_in_dim3A_29 : f32 to vector<1x64xf32>
      %swap3A_31 = arith.constant 0 : index
      %swap3A_32 = arith.constant 0 : index
      %swap3A_33 = vector.load %arg9[%swap3A_31, %swap3A_32] : memref<1x64xf32, #tpu.memory_space<vmem>>, vector<1x64xf32>
      tpu.vector_store %arg9[%swap3A_31, %swap3A_32], %broadcast_in_dim3A_30 {strides = array<i32>} : memref<1x64xf32, #tpu.memory_space<vmem>>, vector<1x64xf32>,
    } else {
    }
    %lt3A = arith.constant 64 : i32
    %lt3A_2 = arith.cmpi slt, %arg0, %lt3A : i32
    %convert_element_type3A_3 = arith.extui %lt3A_2 : i1 to i32
    %cond3A_4 = arith.constant 0 : i32
    %cond3A_5 = arith.cmpi ne, %convert_element_type3A_3, %cond3A_4 : i32
    scf.if %cond3A_5 {
      %get3A = arith.constant 0 : index
      %get3A_11 = arith.constant 0 : index
      %get3A_12 = vector.load %arg1[%get3A, %get3A_11] : memref<256x768xf32, #tpu.memory_space<vmem>>, vector<256x768xf32>
      %swap3A = arith.constant 0 : index
      %swap3A_13 = arith.constant 0 : index
      %swap3A_14 = vector.load %arg4[%swap3A, %swap3A_13] : memref<256x768xf32, #tpu.memory_space<vmem>>, vector<256x768xf32>
      tpu.vector_store %arg4[%swap3A, %swap3A_13], %get3A_12 {strides = array<i32>} : memref<256x768xf32, #tpu.memory_space<vmem>>, vector<256x768xf32>,
      %get3A_15 = arith.constant 0 : index
      %get3A_16 = arith.constant 0 : index
      %get3A_17 = vector.load %arg2[%get3A_15, %get3A_16] : memref<64x768xf32, #tpu.memory_space<vmem>>, vector<64x768xf32>
      %dot_general3A = arith.constant dense<0.000000e+00> : vector<256x64xf32>
      %dot_general3A_18 = tpu.matmul %get3A_12, %get3A_17, %dot_general3A {dimension_numbers = #tpu.dot_dimension_numbers<[1], [1], [0], [0], [0, 0, 1, 0], [], []>, transpose_lhs_hint = false} : vector<256x768xf32>, vector<64x768xf32>, vector<256x64xf32> -> vector<256x64xf32>
      %reduce_max3A = arith.constant dense<0xFF800000> : vector<256xf32>
      %reduce_max3A_19 = vector.multi_reduction <maximumf>, %dot_general3A_18, %reduce_max3A [1] : vector<256x64xf32> to vector<256xf32>
      %broadcast_in_dim3A = vector.shape_cast %reduce_max3A_19 : vector<256xf32> to vector<256x1xf32>
      %sub3A = vector.broadcast %broadcast_in_dim3A : vector<256x1xf32> to vector<256x64xf32>
      %sub3A_20 = arith.subf %dot_general3A_18, %sub3A : vector<256x64xf32>
      %exp3A = math.exp %sub3A_20 : vector<256x64xf32>
      %reduce_sum3A = arith.constant dense<0.000000e+00> : vector<256xf32>
      %reduce_sum3A_21 = vector.multi_reduction <add>, %exp3A, %reduce_sum3A [1] : vector<256x64xf32> to vector<256xf32>
      %broadcast_in_dim3A_22 = vector.shape_cast %reduce_sum3A_21 : vector<256xf32> to vector<256x1xf32>
      %div3A = vector.broadcast %broadcast_in_dim3A_22 : vector<256x1xf32> to vector<256x64xf32>
      %div3A_23 = arith.divf %exp3A, %div3A : vector<256x64xf32>
      %get3A_24 = arith.constant 0 : index
      %get3A_25 = arith.constant 0 : index
      %get3A_26 = vector.load %arg8[%get3A_24, %get3A_25] : memref<1x64xf32, #tpu.memory_space<vmem>>, vector<1x64xf32>
      %reduce_sum3A_27 = arith.constant dense<0.000000e+00> : vector<64xf32>
      %reduce_sum3A_28 = vector.multi_reduction <add>, %div3A_23, %reduce_sum3A_27 [0] : vector<256x64xf32> to vector<64xf32>
      %broadcast_in_dim3A_29 = vector.shape_cast %reduce_sum3A_28 : vector<64xf32> to vector<1x64xf32>
      %add3A = arith.addf %get3A_26, %broadcast_in_dim3A_29 : vector<1x64xf32>
      %swap3A_30 = arith.constant 0 : index
      %swap3A_31 = arith.constant 0 : index
      %swap3A_32 = vector.load %arg8[%swap3A_30, %swap3A_31] : memref<1x64xf32, #tpu.memory_space<vmem>>, vector<1x64xf32>
      tpu.vector_store %arg8[%swap3A_30, %swap3A_31], %add3A {strides = array<i32>} : memref<1x64xf32, #tpu.memory_space<vmem>>, vector<1x64xf32>,
      %iota3A = tpu.iota {dimensions = array<i32: 1>} : vector<256x64xi32>
      %argmax3A = tpu.reduce_index %dot_general3A_18 {axis = 1 : i32, kind = #tpu.reduction_kind<arg_max>} : vector<256x64xf32> -> vector<256xi32>
      %broadcast_in_dim3A_33 = vector.shape_cast %argmax3A : vector<256xi32> to vector<256x1xi32>
      %eq3A_34 = vector.broadcast %broadcast_in_dim3A_33 : vector<256x1xi32> to vector<256x64xi32>
      %eq3A_35 = arith.cmpi eq, %iota3A, %eq3A_34 : vector<256x64xi32>
      %convert_element_type3A_36 = arith.extui %eq3A_35 : vector<256x64xi1> to vector<256x64xi32>
      %convert_element_type3A_37 = arith.sitofp %convert_element_type3A_36 : vector<256x64xi32> to vector<256x64xf32>
      %gt3A = arith.constant 0.000000e+00 : f32
      %gt3A_38 = vector.broadcast %gt3A : f32 to vector<256x64xf32>
      %gt3A_39 = arith.cmpf ogt, %convert_element_type3A_37, %gt3A_38 : vector<256x64xf32>
      %jit3A = arith.constant 0xFF800000 : f32
      %broadcast_in_dim3A_40 = vector.broadcast %jit3A : f32 to vector<256x64xf32>
      %select_n3A = arith.select %gt3A_39, %broadcast_in_dim3A_40, %dot_general3A_18 : vector<256x64xi1>, vector<256x64xf32>
      %argmax3A_41 = tpu.reduce_index %select_n3A {axis = 1 : i32, kind = #tpu.reduction_kind<arg_max>} : vector<256x64xf32> -> vector<256xi32>
      %broadcast_in_dim3A_42 = vector.shape_cast %argmax3A_41 : vector<256xi32> to vector<256x1xi32>
      %eq3A_43 = vector.broadcast %broadcast_in_dim3A_42 : vector<256x1xi32> to vector<256x64xi32>
      %eq3A_44 = arith.cmpi eq, %iota3A, %eq3A_43 : vector<256x64xi32>
      %convert_element_type3A_45 = arith.extui %eq3A_44 : vector<256x64xi1> to vector<256x64xi32>
      %convert_element_type3A_46 = arith.sitofp %convert_element_type3A_45 : vector<256x64xi32> to vector<256x64xf32>
      %get3A_47 = arith.constant 0 : index
      %get3A_48 = arith.constant 0 : index
      %get3A_49 = vector.load %arg3[%get3A_47, %get3A_48] : memref<256x256xbf16, #tpu.memory_space<vmem>>, vector<256x256xbf16>
      %convert_element_type3A_50 = arith.truncf %convert_element_type3A_37 : vector<256x64xf32> to vector<256x64xbf16>
      %dot_general3A_51 = arith.constant dense<0.000000e+00> : vector<256x64xf32>
      %dot_general3A_52 = tpu.matmul %get3A_49, %convert_element_type3A_50, %dot_general3A_51 {dimension_numbers = #tpu.dot_dimension_numbers<[1], [0], [0], [1], [0, 0, 1, 1], [], []>, transpose_lhs_hint = false} : vector<256x256xbf16>, vector<256x64xbf16>, vector<256x64xf32> -> vector<256x64xf32>
      %convert_element_type3A_53 = arith.truncf %convert_element_type3A_46 : vector<256x64xf32> to vector<256x64xbf16>
      %dot_general3A_54 = arith.constant dense<0.000000e+00> : vector<256x64xf32>
      %dot_general3A_55 = tpu.matmul %get3A_49, %convert_element_type3A_53, %dot_general3A_54 {dimension_numbers = #tpu.dot_dimension_numbers<[1], [0], [0], [1], [0, 0, 1, 1], [], []>, transpose_lhs_hint = false} : vector<256x256xbf16>, vector<256x64xbf16>, vector<256x64xf32> -> vector<256x64xf32>
      %mul3A = arith.mulf %dot_general3A_52, %convert_element_type3A_37 : vector<256x64xf32>
      %reduce_sum3A_56 = arith.constant dense<0.000000e+00> : vector<256xf32>
      %reduce_sum3A_57 = vector.multi_reduction <add>, %mul3A, %reduce_sum3A_56 [1] : vector<256x64xf32> to vector<256xf32>
      %sub3A_58 = arith.constant 1.000000e+00 : f32
      %sub3A_59 = vector.broadcast %sub3A_58 : f32 to vector<256xf32>
      %sub3A_60 = arith.subf %reduce_sum3A_57, %sub3A_59 : vector<256xf32>
      %get3A_61 = arith.constant 0 : index
      %get3A_62 = arith.constant 0 : index
      %get3A_63 = vector.load %arg7[%get3A_61, %get3A_62] : memref<1x64xf32, #tpu.memory_space<vmem>>, vector<1x64xf32>
      %mul3A_64 = vector.broadcast %get3A_63 : vector<1x64xf32> to vector<256x64xf32>
      %mul3A_65 = arith.mulf %mul3A_64, %convert_element_type3A_37 : vector<256x64xf32>
      %reduce_sum3A_66 = arith.constant dense<0.000000e+00> : vector<256xf32>
      %reduce_sum3A_67 = vector.multi_reduction <add>, %mul3A_65, %reduce_sum3A_66 [1] : vector<256x64xf32> to vector<256xf32>
      %add3A_68 = arith.addf %sub3A_60, %reduce_sum3A_67 : vector<256xf32>
      %convert_element_type3A_69 = arith.fptosi %add3A_68 : vector<256xf32> to vector<256xi32>
      %mul3A_70 = arith.mulf %dot_general3A_55, %convert_element_type3A_46 : vector<256x64xf32>
      %reduce_sum3A_71 = arith.constant dense<0.000000e+00> : vector<256xf32>
      %reduce_sum3A_72 = vector.multi_reduction <add>, %mul3A_70, %reduce_sum3A_71 [1] : vector<256x64xf32> to vector<256xf32>
      %sub3A_73 = arith.constant 1.000000e+00 : f32
      %sub3A_74 = vector.broadcast %sub3A_73 : f32 to vector<256xf32>
      %sub3A_75 = arith.subf %reduce_sum3A_72, %sub3A_74 : vector<256xf32>
      %get3A_76 = arith.constant 0 : index
      %get3A_77 = arith.constant 0 : index
      %get3A_78 = vector.load %arg9[%get3A_76, %get3A_77] : memref<1x64xf32, #tpu.memory_space<vmem>>, vector<1x64xf32>
      %mul3A_79 = vector.broadcast %get3A_78 : vector<1x64xf32> to vector<256x64xf32>
      %mul3A_80 = arith.mulf %mul3A_79, %convert_element_type3A_46 : vector<256x64xf32>
      %reduce_sum3A_81 = arith.constant dense<0.000000e+00> : vector<256xf32>
      %reduce_sum3A_82 = vector.multi_reduction <add>, %mul3A_80, %reduce_sum3A_81 [1] : vector<256x64xf32> to vector<256xf32>
      %add3A_83 = arith.addf %sub3A_75, %reduce_sum3A_82 : vector<256xf32>
      %convert_element_type3A_84 = arith.fptosi %add3A_83 : vector<256xf32> to vector<256xi32>
      %iota3A_85 = tpu.iota {dimensions = array<i32: 1>} : vector<256x512xi32>
      %broadcast_in_dim3A_86 = vector.shape_cast %convert_element_type3A_69 : vector<256xi32> to vector<256x1xi32>
      %eq3A_87 = vector.broadcast %broadcast_in_dim3A_86 : vector<256x1xi32> to vector<256x512xi32>
      %eq3A_88 = arith.cmpi eq, %iota3A_85, %eq3A_87 : vector<256x512xi32>
      %convert_element_type3A_89 = arith.extui %eq3A_88 : vector<256x512xi1> to vector<256x512xi32>
      %convert_element_type3A_90 = arith.sitofp %convert_element_type3A_89 : vector<256x512xi32> to vector<256x512xf32>
      %convert_element_type3A_91 = arith.truncf %convert_element_type3A_90 : vector<256x512xf32> to vector<256x512xbf16>
      %broadcast_in_dim3A_92 = vector.shape_cast %convert_element_type3A_84 : vector<256xi32> to vector<256x1xi32>
      %eq3A_93 = vector.broadcast %broadcast_in_dim3A_92 : vector<256x1xi32> to vector<256x512xi32>
      %eq3A_94 = arith.cmpi eq, %iota3A_85, %eq3A_93 : vector<256x512xi32>
      %convert_element_type3A_95 = arith.extui %eq3A_94 : vector<256x512xi1> to vector<256x512xi32>
      %convert_element_type3A_96 = arith.sitofp %convert_element_type3A_95 : vector<256x512xi32> to vector<256x512xf32>
      %convert_element_type3A_97 = arith.truncf %convert_element_type3A_96 : vector<256x512xf32> to vector<256x512xbf16>
      %mul3A_98 = arith.constant 256 : i32
      %mul3A_99 = arith.muli %arg0, %mul3A_98 : i32
      %add3A_100 = arith.constant 1 : i32
      %add3A_101 = arith.addi %mul3A_99, %add3A_100 : i32
      %iota3A_102 = tpu.iota {dimensions = array<i32: 0>} : vector<256x1xi32>
      %add3A_103 = vector.broadcast %add3A_101 : i32 to vector<256x1xi32>
      %add3A_104 = arith.addi %add3A_103, %iota3A_102 : vector<256x1xi32>
      %jit3A_105 = arith.constant 128 : i32
      %div3A_106 = vector.broadcast %jit3A_105 : i32 to vector<256x1xi32>
      %div3A_107 = arith.divsi %add3A_104, %div3A_106 : vector<256x1xi32>
      %sign3A = arith.constant 0 : i32
      %sign3A_108 = vector.broadcast %sign3A : i32 to vector<256x1xi32>
      %sign3A_109 = arith.cmpi sgt, %add3A_104, %sign3A_108 : vector<256x1xi32>
      %sign3A_110 = arith.extui %sign3A_109 : vector<256x1xi1> to vector<256x1xi32>
      %sign3A_111 = arith.constant 0 : i32
      %sign3A_112 = vector.broadcast %sign3A_111 : i32 to vector<256x1xi32>
      %sign3A_113 = arith.cmpi slt, %add3A_104, %sign3A_112 : vector<256x1xi32>
      %sign3A_114 = arith.extui %sign3A_113 : vector<256x1xi1> to vector<256x1xi32>
      %sign3A_115 = arith.subi %sign3A_110, %sign3A_114 : vector<256x1xi32>
      %sign3A_116 = arith.constant 0 : i32
      %sign3A_117 = arith.cmpi sgt, %jit3A_105, %sign3A_116 : i32
      %sign3A_118 = arith.extui %sign3A_117 : i1 to i32
      %sign3A_119 = arith.constant 0 : i32
      %sign3A_120 = arith.cmpi slt, %jit3A_105, %sign3A_119 : i32
      %sign3A_121 = arith.extui %sign3A_120 : i1 to i32
      %sign3A_122 = arith.subi %sign3A_118, %sign3A_121 : i32
      %ne3A = vector.broadcast %sign3A_122 : i32 to vector<256x1xi32>
      %ne3A_123 = arith.cmpi ne, %sign3A_115, %ne3A : vector<256x1xi32>
      %rem3A = vector.broadcast %jit3A_105 : i32 to vector<256x1xi32>
      %rem3A_124 = arith.remsi %add3A_104, %rem3A : vector<256x1xi32>
      %ne3A_125 = arith.constant 0 : i32
      %ne3A_126 = vector.broadcast %ne3A_125 : i32 to vector<256x1xi32>
      %ne3A_127 = arith.cmpi ne, %rem3A_124, %ne3A_126 : vector<256x1xi32>
      %and3A = arith.andi %ne3A_123, %ne3A_127 : vector<256x1xi1>
      %sub3A_128 = arith.constant 1 : i32
      %sub3A_129 = vector.broadcast %sub3A_128 : i32 to vector<256x1xi32>
      %sub3A_130 = arith.subi %div3A_107, %sub3A_129 : vector<256x1xi32>
      %select_n3A_131 = arith.select %and3A, %sub3A_130, %div3A_107 : vector<256x1xi1>, vector<256x1xi32>
      %convert_element_type3A_132 = arith.sitofp %select_n3A_131 : vector<256x1xi32> to vector<256x1xf32>
      %jit3A_133 = arith.constant 128 : i32
      %eq3A_134 = arith.constant 0 : i32
      %eq3A_135 = arith.cmpi eq, %jit3A_133, %eq3A_134 : i32
      %jit3A_136 = arith.constant 1 : i32
      %select_n3A_137 = arith.select %eq3A_135, %jit3A_136, %jit3A_133 : i32
      %rem3A_138 = vector.broadcast %select_n3A_137 : i32 to vector<256x1xi32>
      %rem3A_139 = arith.remsi %add3A_104, %rem3A_138 : vector<256x1xi32>
      %ne3A_140 = arith.constant 0 : i32
      %ne3A_141 = vector.broadcast %ne3A_140 : i32 to vector<256x1xi32>
      %ne3A_142 = arith.cmpi ne, %rem3A_139, %ne3A_141 : vector<256x1xi32>
      %lt3A_143 = arith.constant 0 : i32
      %lt3A_144 = vector.broadcast %lt3A_143 : i32 to vector<256x1xi32>
      %lt3A_145 = arith.cmpi slt, %rem3A_139, %lt3A_144 : vector<256x1xi32>
      %lt3A_146 = arith.constant 0 : i32
      %lt3A_147 = arith.cmpi slt, %select_n3A_137, %lt3A_146 : i32
      %ne3A_148 = vector.broadcast %lt3A_147 : i1 to vector<256x1xi1>
      %ne3A_149 = vector.broadcast %ne3A_148 : vector<256x1xi1> to vector<256x1xi1>
      %ne3A_150 = arith.xori %lt3A_145, %ne3A_149 : vector<256x1xi1>
      %and3A_151 = arith.andi %ne3A_150, %ne3A_142 : vector<256x1xi1>
      %add3A_152 = vector.broadcast %select_n3A_137 : i32 to vector<256x1xi32>
      %add3A_153 = arith.addi %rem3A_139, %add3A_152 : vector<256x1xi32>
      %select_n3A_154 = arith.select %and3A_151, %add3A_153, %rem3A_139 : vector<256x1xi1>, vector<256x1xi32>
      %convert_element_type3A_155 = arith.sitofp %select_n3A_154 : vector<256x1xi32> to vector<256x1xf32>
      %mul3A_156 = vector.broadcast %convert_element_type3A_132 : vector<256x1xf32> to vector<256x64xf32>
      %mul3A_157 = arith.mulf %convert_element_type3A_37, %mul3A_156 : vector<256x64xf32>
      %convert_element_type3A_158 = arith.truncf %mul3A_157 : vector<256x64xf32> to vector<256x64xbf16>
      %mul3A_159 = vector.broadcast %convert_element_type3A_155 : vector<256x1xf32> to vector<256x64xf32>
      %mul3A_160 = arith.mulf %convert_element_type3A_37, %mul3A_159 : vector<256x64xf32>
      %convert_element_type3A_161 = arith.truncf %mul3A_160 : vector<256x64xf32> to vector<256x64xbf16>
      %mul3A_162 = vector.broadcast %convert_element_type3A_132 : vector<256x1xf32> to vector<256x64xf32>
      %mul3A_163 = arith.mulf %convert_element_type3A_46, %mul3A_162 : vector<256x64xf32>
      %convert_element_type3A_164 = arith.truncf %mul3A_163 : vector<256x64xf32> to vector<256x64xbf16>
      %mul3A_165 = vector.broadcast %convert_element_type3A_155 : vector<256x1xf32> to vector<256x64xf32>
      %mul3A_166 = arith.mulf %convert_element_type3A_46, %mul3A_165 : vector<256x64xf32>
      %convert_element_type3A_167 = arith.truncf %mul3A_166 : vector<256x64xf32> to vector<256x64xbf16>
      %dot_general3A_168 = arith.constant dense<0.000000e+00> : vector<64x512xf32>
      %dot_general3A_169 = tpu.matmul %convert_element_type3A_158, %convert_element_type3A_91, %dot_general3A_168 {dimension_numbers = #tpu.dot_dimension_numbers<[0], [0], [1], [1], [0, 1, 1, 1], [], []>, transpose_lhs_hint = false} : vector<256x64xbf16>, vector<256x512xbf16>, vector<64x512xf32> -> vector<64x512xf32>
      %dot_general3A_170 = arith.constant dense<0.000000e+00> : vector<64x512xf32>
      %dot_general3A_171 = tpu.matmul %convert_element_type3A_161, %convert_element_type3A_91, %dot_general3A_170 {dimension_numbers = #tpu.dot_dimension_numbers<[0], [0], [1], [1], [0, 1, 1, 1], [], []>, transpose_lhs_hint = false} : vector<256x64xbf16>, vector<256x512xbf16>, vector<64x512xf32> -> vector<64x512xf32>
      %dot_general3A_172 = arith.constant dense<0.000000e+00> : vector<64x512xf32>
      %dot_general3A_173 = tpu.matmul %convert_element_type3A_164, %convert_element_type3A_97, %dot_general3A_172 {dimension_numbers = #tpu.dot_dimension_numbers<[0], [0], [1], [1], [0, 1, 1, 1], [], []>, transpose_lhs_hint = false} : vector<256x64xbf16>, vector<256x512xbf16>, vector<64x512xf32> -> vector<64x512xf32>
      %dot_general3A_174 = arith.constant dense<0.000000e+00> : vector<64x512xf32>
      %dot_general3A_175 = tpu.matmul %convert_element_type3A_167, %convert_element_type3A_97, %dot_general3A_174 {dimension_numbers = #tpu.dot_dimension_numbers<[0], [0], [1], [1], [0, 1, 1, 1], [], []>, transpose_lhs_hint = false} : vector<256x64xbf16>, vector<256x512xbf16>, vector<64x512xf32> -> vector<64x512xf32>
      %get3A_176 = arith.constant 0 : index
      %get3A_177 = arith.constant 0 : index
      %get3A_178 = vector.load %arg5[%get3A_176, %get3A_177] : memref<64x512xf32, #tpu.memory_space<vmem>>, vector<64x512xf32>
      %mul3A_179 = arith.constant 1.280000e+02 : f32
      %mul3A_180 = vector.broadcast %mul3A_179 : f32 to vector<64x512xf32>
      %mul3A_181 = arith.mulf %dot_general3A_169, %mul3A_180 : vector<64x512xf32>
      %add3A_182 = arith.addf %mul3A_181, %dot_general3A_171 : vector<64x512xf32>
      %add3A_183 = arith.addf %get3A_178, %add3A_182 : vector<64x512xf32>
      %swap3A_184 = arith.constant 0 : index
      %swap3A_185 = arith.constant 0 : index
      %swap3A_186 = vector.load %arg5[%swap3A_184, %swap3A_185] : memref<64x512xf32, #tpu.memory_space<vmem>>, vector<64x512xf32>
      tpu.vector_store %arg5[%swap3A_184, %swap3A_185], %add3A_183 {strides = array<i32>} : memref<64x512xf32, #tpu.memory_space<vmem>>, vector<64x512xf32>,
      %get3A_187 = arith.constant 0 : index
      %get3A_188 = arith.constant 0 : index
      %get3A_189 = vector.load %arg6[%get3A_187, %get3A_188] : memref<64x512xf32, #tpu.memory_space<vmem>>, vector<64x512xf32>
      %mul3A_190 = arith.constant 1.280000e+02 : f32
      %mul3A_191 = vector.broadcast %mul3A_190 : f32 to vector<64x512xf32>
      %mul3A_192 = arith.mulf %dot_general3A_173, %mul3A_191 : vector<64x512xf32>
      %add3A_193 = arith.addf %mul3A_192, %dot_general3A_175 : vector<64x512xf32>
      %add3A_194 = arith.addf %get3A_189, %add3A_193 : vector<64x512xf32>
      %swap3A_195 = arith.constant 0 : index
      %swap3A_196 = arith.constant 0 : index
      %swap3A_197 = vector.load %arg6[%swap3A_195, %swap3A_196] : memref<64x512xf32, #tpu.memory_space<vmem>>, vector<64x512xf32>
      tpu.vector_store %arg6[%swap3A_195, %swap3A_196], %add3A_194 {strides = array<i32>} : memref<64x512xf32, #tpu.memory_space<vmem>>, vector<64x512xf32>,
      %get3A_198 = arith.constant 0 : index
      %get3A_199 = arith.constant 0 : index
      %get3A_200 = vector.load %arg7[%get3A_198, %get3A_199] : memref<1x64xf32, #tpu.memory_space<vmem>>, vector<1x64xf32>
      %reduce_sum3A_201 = arith.constant dense<0.000000e+00> : vector<64xf32>
      %reduce_sum3A_202 = vector.multi_reduction <add>, %convert_element_type3A_37, %reduce_sum3A_201 [0] : vector<256x64xf32> to vector<64xf32>
      %broadcast_in_dim3A_203 = vector.shape_cast %reduce_sum3A_202 : vector<64xf32> to vector<1x64xf32>
      %add3A_204 = arith.addf %get3A_200, %broadcast_in_dim3A_203 : vector<1x64xf32>
      %swap3A_205 = arith.constant 0 : index
      %swap3A_206 = arith.constant 0 : index
      %swap3A_207 = vector.load %arg7[%swap3A_205, %swap3A_206] : memref<1x64xf32, #tpu.memory_space<vmem>>, vector<1x64xf32>
      tpu.vector_store %arg7[%swap3A_205, %swap3A_206], %add3A_204 {strides = array<i32>} : memref<1x64xf32, #tpu.memory_space<vmem>>, vector<1x64xf32>,
      %get3A_208 = arith.constant 0 : index
      %get3A_209 = arith.constant 0 : index
      %get3A_210 = vector.load %arg9[%get3A_208, %get3A_209] : memref<1x64xf32, #tpu.memory_space<vmem>>, vector<1x64xf32>
      %reduce_sum3A_211 = arith.constant dense<0.000000e+00> : vector<64xf32>
      %reduce_sum3A_212 = vector.multi_reduction <add>, %convert_element_type3A_46, %reduce_sum3A_211 [0] : vector<256x64xf32> to vector<64xf32>
      %broadcast_in_dim3A_213 = vector.shape_cast %reduce_sum3A_212 : vector<64xf32> to vector<1x64xf32>
      %add3A_214 = arith.addf %get3A_210, %broadcast_in_dim3A_213 : vector<1x64xf32>
      %swap3A_215 = arith.constant 0 : index
      %swap3A_216 = arith.constant 0 : index
      %swap3A_217 = vector.load %arg9[%swap3A_215, %swap3A_216] : memref<1x64xf32, #tpu.memory_space<vmem>>, vector<1x64xf32>
      tpu.vector_store %arg9[%swap3A_215, %swap3A_216], %add3A_214 {strides = array<i32>} : memref<1x64xf32, #tpu.memory_space<vmem>>, vector<1x64xf32>,
    } else {
    }
    %eq3A_6 = arith.constant 64 : i32
    %eq3A_7 = arith.cmpi eq, %arg0, %eq3A_6 : i32
    %convert_element_type3A_8 = arith.extui %eq3A_7 : i1 to i32
    %cond3A_9 = arith.constant 0 : i32
    %cond3A_10 = arith.cmpi ne, %convert_element_type3A_8, %cond3A_9 : i32
    scf.if %cond3A_10 {
      %broadcast_in_dim3A = arith.constant 0.000000e+00 : f32
      %broadcast_in_dim3A_11 = vector.broadcast %broadcast_in_dim3A : f32 to vector<256x768xf32>
      %swap3A = arith.constant 0 : index
      %swap3A_12 = arith.constant 0 : index
      %swap3A_13 = vector.load %arg4[%swap3A, %swap3A_12] : memref<256x768xf32, #tpu.memory_space<vmem>>, vector<256x768xf32>
      tpu.vector_store %arg4[%swap3A, %swap3A_12], %broadcast_in_dim3A_11 {strides = array<i32>} : memref<256x768xf32, #tpu.memory_space<vmem>>, vector<256x768xf32>,
    } else {
    }
    return
  }
  func.func @transform_0(%arg0: i32) -> (i32, i32) {
    %min3A = arith.constant 63 : i32
    %min3A_0 = arith.minsi %arg0, %min3A : i32
    %c0_i32 = arith.constant 0 : i32
    %c0_i32_1 = arith.constant 0 : i32
    return %min3A_0, %c0_i32 : i32, i32
  }
  func.func @transform_1(%arg0: i32) -> (i32, i32) {
    %c0_i32 = arith.constant 0 : i32
    %c0_i32_0 = arith.constant 0 : i32
    %c0_i32_1 = arith.constant 0 : i32
    return %c0_i32, %c0_i32_0 : i32, i32
  }
  func.func @transform_2(%arg0: i32) -> (i32, i32) {
    %c0_i32 = arith.constant 0 : i32
    %c0_i32_0 = arith.constant 0 : i32
    %c0_i32_1 = arith.constant 0 : i32
    return %c0_i32, %c0_i32_0 : i32, i32
  }
  func.func @transform_3(%arg0: i32) -> (i32, i32) {
    %c0_i32 = arith.constant 0 : i32
    %c0_i32_0 = arith.constant 0 : i32
    return %arg0, %c0_i32 : i32, i32
  }
  func.func @transform_4(%arg0: i32) -> (i32, i32) {
    %c0_i32 = arith.constant 0 : i32
    %c0_i32_0 = arith.constant 0 : i32
    %c0_i32_1 = arith.constant 0 : i32
    return %c0_i32, %c0_i32_0 : i32, i32
  }
  func.func @transform_5(%arg0: i32) -> (i32, i32) {
    %c0_i32 = arith.constant 0 : i32
    %c0_i32_0 = arith.constant 0 : i32
    %c0_i32_1 = arith.constant 0 : i32
    return %c0_i32, %c0_i32_0 : i32, i32
  }
  func.func @transform_6(%arg0: i32) -> (i32, i32) {
    %c0_i32 = arith.constant 0 : i32
    %c0_i32_0 = arith.constant 0 : i32
    %c0_i32_1 = arith.constant 0 : i32
    return %c0_i32, %c0_i32_0 : i32, i32
  }
  func.func @transform_7(%arg0: i32) -> (i32, i32) {
    %c0_i32 = arith.constant 0 : i32
    %c0_i32_0 = arith.constant 0 : i32
    %c0_i32_1 = arith.constant 0 : i32
    return %c0_i32, %c0_i32_0 : i32, i32
  }
}

</mosaic_0001>

<sc_bundles>
// kernel: kernel.4.cloned.1.call-start
scs
__scs_entry_jumppad:
0x0: {  	(pc) =	sbr.rel $0x88, $3  }
0x1: {  	(tag) =	ssettag $0x0;
	lr =	simm.s32 $0x1  }
0x2: {  	[smem:$0x3F9F] =	sst lr;
	_ =	strace $0xD0000000  }
0x3: {  	_ = 	snop  }
0x4: {  	_ = 	snop  }
0x5: {  	_ = 	snop  }
0x6: {  	_ = 	snop  }
0x7: {  	_ = 	snop  }
__scs_overlays_trampoline_lowered:
0x8: {  	[smem:$0x3FAE] =	sst s0  }
0x9: {  	[smem:$0x3FAF] =	sst s1  }
0xa: {  	[smem:$0x3FB0] =	sst s2  }
0xb: {  	[smem:$0x3FB1] =	sst s3  }
0xc: {  	[smem:$0x3FB2] =	sst s4  }
0xd: {  	[smem:$0x3FB3] =	sst s5  }
0xe: {  	[smem:$0x3FB4] =	sst s6  }
0xf: {  	[smem:$0x3FB5] =	sst s7  }
0x10: {  	[smem:$0x3FB6] =	sst s8  }
0x11: {  	[smem:$0x3FB7] =	sst s9;
	s0 =	simm.s32 @!p0 $0x0  }
0x12: {  	s1 =	sld [smem:$0x3F9D];
	s0 =	simm.s32 @p0 $0x1  }
0x13: {  	[smem:$0x3FB8] =	sst s0;
	s0 =	simm.s32 @!p1 $0x0  }
0x14: {  	s2 =	sld [smem:$0x3F9C];
	s0 =	simm.s32 @p1 $0x1  }
0x15: {  	[smem:$0x3FB9] =	sst s0;
	s0 =	simm.s32 @!p2 $0x0  }
0x16: {  	s3 =	sld [smem:$0x3FDB];
	s0 =	simm.s32 @p2 $0x1  }
0x17: {  	s4 =	simm.s32 $0x1BF5;
	[smem:$0x3FBB] =	sst s0  }
0x18: {  	s0 =	sld [smem:$0x3F9E];
	_ =	swait.ge [sflag:s4], $0x0  }
0x19: {  	s7 =	sld [smem:$0x3F9F]  }
0x1a: {  	s8 =	sadd.s32 $0xFFFFE003, lr  }
0x1b: {  	s9 =	sadd.s32 $0xFFFFFEF7, lr;
	s5 =	simm.s32 $0xFFFFFFFF;
	p2 =	slt.u32 s8, $0xFFFFF086  }
0x1c: {  	p1 =	slt.u32 s9, $0xF7A;
	s5 =	simm.s32 @!p2 $0x0  }
0x1d: {  	s5 =	simm.s32 @p1 $0x1;
	p0 =	seq.s32 s7, s2  }
0x1e: {  	s7 =	smul.u32 @!p0 $0xF7A, s2;
	p2 =	seq.s32 @!p0 s5, $0x0  }
0x1f: {  	s9 =	smul.u32 $0xF7A, s1;
	s8 =	simm.s32 @!p0 $0x1BF5;
	p2 =	por !p2, p0  }
0x20: {  	[sflag:s8] =	ssyncset.s32 @!p0 $0xFFFFF086;
	s6 =	sadd.s32 @!p0 s3, s7;
	s7 =	simm.s32 @!p0 $0x108  }
0x21: {  	s3 =	sadd.s32 s3, s9;
	s6 =	sadd.s32 @!p0 $0x88, s6;
	s7 =	simm.s32 @p2 $0x1082  }
0x22: {  	[simem:s7], [sflag:s8] =	dma.local @!p0 [hbm:s6], $0xF7A  }
0x23: {  	s9 =	sor.u32 $0xD0000000, s2;
	s6 =	simm.s32 $0x108;
	_ =	swait.ge @!p0 [sflag:s8], $0x0  }
0x24: {  	s3 =	sadd.s32 $0x88, s3;
	s6 =	simm.s32 @!p1 $0x1082;
	[sflag:s4] =	ssyncset.s32 $0xFFFFF086  }
0x25: {  	[simem:s6], [sflag:s4] =	dma.local [hbm:s3], $0xF7A  }
0x26: {  	[smem:$0x3F9F] =	sst s1;
	(tag) =	ssettag s2;
	_ =	strace s9  }
0x27: {  	s1 =	sld [smem:$0x3FAF]  }
0x28: {  	s2 =	sld [smem:$0x3FB0]  }
0x29: {  	s4 =	sld [smem:$0x3FB2]  }
0x2a: {  	p0 =	seq.s32 s5, $0x0;
	s5 =	sld [smem:$0x3FB3]  }
0x2b: {  	s6 =	sld [smem:$0x3FB4]  }
0x2c: {  	s7 =	sld [smem:$0x3FB5]  }
0x2d: {  	s3 =	simm.s32 $0x108;
	s8 =	sld [smem:$0x3FB6]  }
0x2e: {  	s3 =	simm.s32 @!p0 $0x1082;
	s9 =	sld [smem:$0x3FB7]  }
0x2f: {  	lr =	sadd.s32 s0, s3;
	s0 =	sld [smem:$0x3FAE]  }
0x30: {  	s3 =	sld [smem:$0x3FB1]  }
0x31: {  	[smem:$0x3FBA] =	sst s10  }
0x32: {  	s10 =	sld [smem:$0x3FB8];
	_ =	sdelay $0x3  }
0x33: {  	p0 =	seq.s32 s10, $0x1;
	s10 =	sld [smem:$0x3FBA];
	_ =	sdelay $0x3  }
0x34: {  	[smem:$0x3FBA] =	sst s10  }
0x35: {  	s10 =	sld [smem:$0x3FB9];
	_ =	sdelay $0x3  }
0x36: {  	p1 =	seq.s32 s10, $0x1;
	s10 =	sld [smem:$0x3FBA];
	_ =	sdelay $0x3  }
0x37: {  	[smem:$0x3FBA] =	sst s10  }
0x38: {  	s10 =	sld [smem:$0x3FBB]  }
0x39: {  	_ = 	snop;
	(pc) =	sbr.ind lr, $3  }
0x3a: {  	_ = 	snop  }
0x3b: {  	_ = 	snop  }
0x3c: {  	p2 =	seq.s32 s10, $0x1;
	s10 =	sld [smem:$0x3FBA]  }
0x3d: {  	_ =	shalt  }
0x3e: {  	_ =	shalt  }
0x3f: {  	_ =	shalt  }
0x40: {  	_ =	shalt  }
0x41: {  	_ =	shalt  }
0x42: {  	_ =	shalt  }
0x43: {  	_ =	shalt  }
0x44: {  	_ =	shalt  }
0x45: {  	_ =	shalt  }
0x46: {  	_ =	shalt  }
0x47: {  	_ =	shalt  }
0x48: {  	_ =	shalt  }
0x49: {  	_ =	shalt  }
0x4a: {  	_ =	shalt  }
0x4b: {  	_ =	shalt  }
0x4c: {  	_ =	shalt  }
0x4d: {  	_ =	shalt  }
0x4e: {  	_ =	shalt  }
0x4f: {  	_ =	shalt  }
0x50: {  	_ =	shalt  }
0x51: {  	_ =	shalt  }
0x52: {  	_ =	shalt  }
0x53: {  	_ =	shalt  }
0x54: {  	_ =	shalt  }
0x55: {  	_ =	shalt  }
0x56: {  	_ =	shalt  }
0x57: {  	_ =	shalt  }
0x58: {  	_ =	shalt  }
0x59: {  	_ =	shalt  }
0x5a: {  	_ =	shalt  }
0x5b: {  	_ =	shalt  }
0x5c: {  	_ =	shalt  }
0x5d: {  	_ =	shalt  }
0x5e: {  	_ =	shalt  }
0x5f: {  	_ =	shalt  }
0x60: {  	_ =	shalt  }
0x61: {  	_ =	shalt  }
0x62: {  	_ =	shalt  }
0x63: {  	_ =	shalt  }
0x64: {  	_ =	shalt  }
0x65: {  	_ =	shalt  }
0x66: {  	_ =	shalt  }
0x67: {  	_ =	shalt  }
0x68: {  	_ =	shalt  }
0x69: {  	_ =	shalt  }
0x6a: {  	_ =	shalt  }
0x6b: {  	_ =	shalt  }
0x6c: {  	_ =	shalt  }
0x6d: {  	_ =	shalt  }
0x6e: {  	_ =	shalt  }
0x6f: {  	_ =	shalt  }
0x70: {  	_ =	shalt  }
0x71: {  	_ =	shalt  }
0x72: {  	_ =	shalt  }
0x73: {  	_ =	shalt  }
0x74: {  	_ =	shalt  }
0x75: {  	_ =	shalt  }
0x76: {  	_ =	shalt  }
0x77: {  	_ =	shalt  }
0x78: {  	_ =	shalt  }
0x79: {  	_ =	shalt  }
0x7a: {  	_ =	shalt  }
0x7b: {  	_ =	shalt  }
0x7c: {  	_ =	shalt  }
0x7d: {  	_ =	shalt  }
0x7e: {  	_ =	shalt  }
0x7f: {  	_ =	shalt  }
0x80: {  	_ =	shalt  }
0x81: {  	_ =	shalt  }
0x82: {  	_ =	shalt  }
0x83: {  	_ =	shalt  }
0x84: {  	_ =	shalt  }
0x85: {  	_ =	shalt  }
0x86: {  	_ =	shalt  }
0x87: {  	_ =	shalt  }
.Lfunc_end0:
.L_simem_size_0:
called_computation_lowered:
.L_overlay_start_0:
0x88: {  	s2 =	sld [smem:$0x3FD9]  }
0x89: {  	s3 =	sld [smem:$0x3FFE];
	_ =	sdelay $0x1  }
0x8a: {  	s1 =	srdreg.scid  }
0x8b: {  	s0 =	sand.u32 $0x1, s1  }
0x8c: {  	s14 =	sshll.u32 s0, $0xA;
	s2 =	sadd.s32 s3, s2  }
0x8d: {  	s2 =	sadd.s32 s2, s14  }
0x8e: {  	[smem:$0x3FC6] =	sst s2  }
0x8f: {  	_ = 	snop  }
0x90: {  	s2 =	sld [smem:$0x3FD0];
	_ =	sdelay $0x2  }
0x91: {  	s15 =	simm.s32 $0xA;
	s4 =	simm.s32 $0x10  }
0x92: {  	[smem:s4], [sflag:s15] =	dma.local [hbm:s2], $0x1  }
0x93: {  	_ =	swait.eq [sflag:s15], $0x1  }
0x94: {  	[sflag:s15] =	ssyncset.done $0x0  }
0x95: {  	[sflag:s15] =	ssyncadd.s32 $0xFFFFFFFF  }
0x96: {  	s16 =	sld [smem:$0x10];
	(tm) =	ssettm $0x1  }
0x97: {  	s17 =	sld [smem:$0x3FFB];
	_ =	sdelay $0x3  }
0x98: {  	_ =	strace s17  }
0x99: {  	s3 =	sld [smem:$0x3FFC];
	_ =	sdelay $0x3  }
0x9a: {  	_ =	strace s3  }
0x9b: {  	s3 =	sld [smem:$0x3FFD];
	_ =	sdelay $0x3  }
0x9c: {  	_ =	strace s3  }
0x9d: {  	_ =	strace $0x8FFFFFFF  }
0x9e: {  	s18 =	sld [smem:$0x3FDB];
	_ =	sdelay $0x1  }
0x9f: {  	s19 =	simm.s32 $_scs_section_size  }
0xa0: {  	s5 =	simm.s32 $_size__tile_overlayer_lowered;
	s6 =	simm.s32 $_tile_overlayer_lowered  }
0xa1: {  	s22 =	simm.s32 $0x1BFF;
	s21 =	sshll.u32 s6, $0x1;
	s3 =	sadd.s32 s19, s18  }
0xa2: {  	s7 =	simm.s32 $0x0;
	s20 =	sshll.u32 s5, $0x1;
	s5 =	sadd.s32 s21, s3  }
0xa3: {  	[timem:s7], [sflag:s22] =	dma.local [hbm:s5], s20  }
0xa4: {  	_ =	swait.ge [sflag:s22], s20  }
0xa5: {  	s4 =	ssub.s32 $0x0, s20;
	[sflag:s22] =	ssyncset.done $0x0  }
0xa6: {  	[sflag:s22] =	ssyncadd.s32 s4;
	_ =	sdelay $0x1  }
0xa7: {  	s23 =	simm.s32 $0x1B8B  }
0xa8: {  	_ =	swait.ge [sflag:s23], $0x1  }
0xa9: {  	[sflag:s23] =	ssyncset.done $0x0  }
0xaa: {  	s25 =	simm.s32 $0x1B8E;
	s24 =	sld [smem:$0x3FFE];
	[sflag:s23] =	ssyncadd.s32 $0xFFFFFFFF  }
0xab: {  	s26 =	simm.s32 $execute0_lowered;
	[smem:$0x3FD2] =	sst s25  }
0xac: {  	s5 =	sshll.u32 s26, $0x1;
	_ =	strace $0x80000046;
	[dreg:$0x1] =	wrdreg $0xFFFFFFFF  }
0xad: {  	s28 =	simm.s32 $_size_execute0_lowered;
	s3 =	sadd.s32 s3, s5;
	[dreg:$0x0] =	wrdreg $0x0  }
0xae: {  	s5 =	sshll.u32 s28, $0x1;
	[dreg:$0x2] =	wrdreg s3  }
0xaf: {  	[dreg:$0x3] =	wrdreg s5  }
0xb0: {  	[dreg:$0x4] =	wrdreg $0xC0  }
0xb1: {  	_ =	task [dreg:s7], $0x5FFFF  }
0xb2: {  	[dreg:$0x1] =	wrdreg $0xFFFFFFFF  }
0xb3: {  	[dreg:$0x0] =	wrdreg $0x60  }
0xb4: {  	[dreg:$0x2] =	wrdreg s24  }
0xb5: {  	[dreg:$0x3] =	wrdreg s16  }
0xb6: {  	[dreg:$0x4] =	wrdreg $0x9  }
0xb7: {  	_ =	task.clear_ibuf [dreg:s7], $0x5FFFF;
	_ =	strace $0x90000046  }
0xb8: {  	s29 =	simm.s32 $0x9;
	_ =	strace $0x80000048  }
0xb9: {  	_ =	swait.ge [sflag:s29], $0x1  }
0xba: {  	[sflag:s29] =	ssyncadd.s32 $0xFFFFFFFF  }
0xbb: {  	_ =	strace $0x90000048  }
0xbc: {  	_ =	sfence  }
0xbd: {  	s30 =	sld [smem:$0x0];
	_ =	sdelay $0x2  }
0xbe: {  	s31 =	sshll.u32 s1, $0xD;
	s1 =	sshrl.u32 s1, $0x2  }
0xbf: {  	s3 =	sand.u32 $0x4000, s31;
	s1 =	sadd.s32 s1, s30  }
0xc0: {  	s0 =	sor.u32 s3, s0;
	s1 =	sshll.u32 s1, $0x11  }
0xc1: {  	s0 =	sor.u32 s1, s0  }
0xc2: {  	s0 =	sadd.s32 $0x8F2B, s0  }
0xc3: {  	[sflag:s0] =	ssyncadd.remote.s32 $0x1  }
0xc4: {  	_ =	sfence.sel $0xFFFF  }
0xc5: {  	[dreg:$0x0] =	wrdreg $0xFFFFFFFF;
	(pc) =	sbr.abs _section_cstart, $3  }
0xc6: {  	[dreg:$0x1] =	wrdreg $0xFFFFFFFF  }
0xc7: {  	_ =	task.clear_ibuf [dreg:s7], $0x2FFFF;
	_ =	strace $0x9FFFFFFF  }
0xc8: {  	(tm) =	ssettm $0x7FFFFFFF  }
0xc9: {  	_ =	shalt  }
tec
execute0_lowered:
.L_overlay_start_1:
0x0: {  	(tag) =	ssettag $0x1  }
0x1: {  	s0 =	rddreg [dreg:$0x0];
	s2 =	simm.s32 $0x0;
	v1 =	vlaneseq.u32  }
0x2: {  	[smem:$0x7FF] =	sst s2;
	v63 =	vadd.s32 $0x1, v1  }
0x3: {  	s3 =	rddreg [dreg:$0x1];
	v4 =	vadd.s32 $0x11, v1;
	_ =	strace $0x80000047;
	[tilespmem:$0x1FC30] =	vst v63  }
0x4: {  	v5 =	vor.u32 $0x10, v1;
	[tilespmem:$0x1FC40] =	vst v4  }
0x5: {  	v6 =	vadd.s32 $0x21, v1;
	[tilespmem:$0x1FC50] =	vst v5  }
0x6: {  	v7 =	vor.u32 $0x20, v1;
	[tilespmem:$0x1FC60] =	vst v6  }
0x7: {  	v8 =	vadd.s32 $0x31, v1;
	[tilespmem:$0x1FC70] =	vst v7  }
0x8: {  	v9 =	vor.u32 $0x30, v1;
	[tilespmem:$0x1FC80] =	vst v8  }
0x9: {  	v10 =	vadd.s32 $0x41, v1;
	[tilespmem:$0x1FC90] =	vst v9  }
0xa: {  	v11 =	vor.u32 $0x40, v1;
	[tilespmem:$0x1FCA0] =	vst v10  }
0xb: {  	v12 =	vadd.s32 $0x51, v1;
	[tilespmem:$0x1FCB0] =	vst v11  }
0xc: {  	v13 =	vor.u32 $0x50, v1;
	[tilespmem:$0x1FCC0] =	vst v12  }
0xd: {  	v14 =	vadd.s32 $0x61, v1;
	[tilespmem:$0x1FCD0] =	vst v13  }
0xe: {  	v15 =	vor.u32 $0x60, v1;
	[tilespmem:$0x1FCE0] =	vst v14  }
0xf: {  	v16 =	vadd.s32 $0x71, v1;
	[tilespmem:$0x1FCF0] =	vst v15  }
0x10: {  	v17 =	vor.u32 $0x70, v1;
	[tilespmem:$0x1FD00] =	vst v16  }
0x11: {  	v18 =	vadd.s32 $0x81, v1;
	[tilespmem:$0x1FD10] =	vst v17  }
0x12: {  	v19 =	vor.u32 $0x80, v1;
	[tilespmem:$0x1FD20] =	vst v18  }
0x13: {  	v20 =	vadd.s32 $0x91, v1;
	[tilespmem:$0x1FD30] =	vst v19  }
0x14: {  	v21 =	vor.u32 $0x90, v1;
	[tilespmem:$0x1FD40] =	vst v20  }
0x15: {  	v22 =	vadd.s32 $0xA1, v1;
	[tilespmem:$0x1FD50] =	vst v21  }
0x16: {  	v23 =	vor.u32 $0xA0, v1;
	[tilespmem:$0x1FD60] =	vst v22  }
0x17: {  	v24 =	vadd.s32 $0xB1, v1;
	[tilespmem:$0x1FD70] =	vst v23  }
0x18: {  	v25 =	vor.u32 $0xB0, v1;
	[tilespmem:$0x1FD80] =	vst v24  }
0x19: {  	v26 =	vadd.s32 $0xC1, v1;
	[tilespmem:$0x1FD90] =	vst v25  }
0x1a: {  	v27 =	vor.u32 $0xC0, v1;
	[tilespmem:$0x1FDA0] =	vst v26  }
0x1b: {  	v28 =	vadd.s32 $0xD1, v1;
	[tilespmem:$0x1FDB0] =	vst v27  }
0x1c: {  	v29 =	vor.u32 $0xD0, v1;
	[tilespmem:$0x1FDC0] =	vst v28  }
0x1d: {  	v30 =	vadd.s32 $0xE1, v1;
	[tilespmem:$0x1FDD0] =	vst v29  }
0x1e: {  	v31 =	vor.u32 $0xE0, v1;
	[tilespmem:$0x1FDE0] =	vst v30  }
0x1f: {  	v32 =	vadd.s32 $0xF1, v1;
	[tilespmem:$0x1FDF0] =	vst v31  }
0x20: {  	v33 =	vor.u32 $0xF0, v1;
	[tilespmem:$0x1FE00] =	vst v32  }
0x21: {  	v34 =	vadd.s32 $0x101, v1;
	[tilespmem:$0x1FE10] =	vst v33  }
0x22: {  	v35 =	vor.u32 $0x100, v1;
	[tilespmem:$0x1FE20] =	vst v34  }
0x23: {  	v36 =	vadd.s32 $0x111, v1;
	[tilespmem:$0x1FE30] =	vst v35  }
0x24: {  	v37 =	vor.u32 $0x110, v1;
	[tilespmem:$0x1FE40] =	vst v36  }
0x25: {  	v38 =	vadd.s32 $0x121, v1;
	[tilespmem:$0x1FE50] =	vst v37  }
0x26: {  	v39 =	vor.u32 $0x120, v1;
	[tilespmem:$0x1FE60] =	vst v38  }
0x27: {  	v40 =	vadd.s32 $0x131, v1;
	[tilespmem:$0x1FE70] =	vst v39  }
0x28: {  	v41 =	vor.u32 $0x130, v1;
	[tilespmem:$0x1FE80] =	vst v40  }
0x29: {  	v42 =	vadd.s32 $0x141, v1;
	[tilespmem:$0x1FE90] =	vst v41  }
0x2a: {  	s1 =	srdreg.scid;
	s6 =	stileid.u32;
	v43 =	vor.u32 $0x140, v1;
	[tilespmem:$0x1FEA0] =	vst v42  }
0x2b: {  	s1 =	sand.u32 $0x1, s1;
	s4 =	sshll.u32 s6, $0x1;
	s6 =	sshrl.u32 s6, $0x1;
	v44 =	vadd.s32 $0x151, v1;
	[tilespmem:$0x1FEB0] =	vst v43  }
0x2c: {  	v45 =	vor.u32 $0x150, v1;
	s5 =	sor.u32 s1, s4;
	s6 =	sand.u32 $0x6, s6;
	[tilespmem:$0x1FEC0] =	vst v44  }
0x2d: {  	s31 =	simm.s32 $0x400;
	v46 =	vadd.s32 $0x161, v1;
	[tilespmem:$0x1FED0] =	vst v45;
	s4 =	sshll.u32 s5, $0x7;
	s6 =	sadd.s32 s6, s0  }
0x2e: {  	v47 =	vor.u32 $0x160, v1;
	[dreg:$0x15] =	wrdreg s31;
	[tilespmem:$0x1FEE0] =	vst v46;
	s4 =	sadd.s32 s4, s0;
	s13 =	sadd.s32 $0x188800, s6  }
0x2f: {  	v48 =	vadd.s32 $0x171, v1;
	[tilespmem:$0x1FEF0] =	vst v47;
	s8 =	smul.u32 $0x18000, s5;
	s7 =	sadd.s32 $0x187800, s4;
	[dreg:$0x5] =	wrdreg s13  }
0x30: {  	v49 =	vor.u32 $0x170, v1;
	[tilespmem:$0x1FF00] =	vst v48;
	s4 =	sadd.s32 $0x186800, s4;
	[dreg:$0x3] =	wrdreg s7  }
0x31: {  	s9 =	simm.s32 $0x800;
	v50 =	vadd.s32 $0x181, v1;
	[tilespmem:$0x1FF10] =	vst v49;
	s14 =	sadd.s32 s3, s8;
	[dreg:$0x4] =	wrdreg s4  }
0x32: {  	s12 =	simm.s32 $0xC80;
	v51 =	vor.u32 $0x180, v1;
	[tilespmem:$0x1FF20] =	vst v50;
	s15 =	sadd.s32 $0x1800, s14;
	[dreg:$0x16] =	wrdreg s14  }
0x33: {  	v52 =	vadd.s32 $0x191, v1;
	[tilespmem:$0x1FF30] =	vst v51;
	s17 =	smul.u32 $0xC0000, s5;
	s16 =	sadd.s32 $0x3000, s14;
	[dreg:$0x6] =	wrdreg s15  }
0x34: {  	v53 =	vor.u32 $0x190, v1;
	s1 =	ssub.s32 $0x2, s1;
	[tilespmem:$0x1FF40] =	vst v52;
	s18 =	sadd.s32 $0x4800, s14;
	[dreg:$0x7] =	wrdreg s16  }
0x35: {  	v54 =	vadd.s32 $0x1A1, v1;
	[tilespmem:$0x1FF50] =	vst v53;
	s6 =	sshrl.u32 s17, $0x3;
	s19 =	sadd.s32 $0x6000, s14;
	[dreg:$0x8] =	wrdreg s18  }
0x36: {  	v55 =	vor.u32 $0x1A0, v1;
	[tilespmem:$0x1FF60] =	vst v54;
	s20 =	sadd.s32 $0x7800, s14;
	s3 =	sadd.s32 s3, s6;
	[dreg:$0x9] =	wrdreg s19  }
0x37: {  	v56 =	vadd.s32 $0x1B1, v1;
	[tilespmem:$0x1FF70] =	vst v55;
	s24 =	sshrl.u32 s1, $0x1;
	[dreg:$0xa] =	wrdreg s20;
	s21 =	sadd.s32 $0x9000, s3  }
0x38: {  	v57 =	vor.u32 $0x1B0, v1;
	[tilespmem:$0x1FF80] =	vst v56;
	s5 =	sshll.u32 s5, $0x1;
	s6 =	sadd.s32 $0xA800, s3;
	[dreg:$0xb] =	wrdreg s21  }
0x39: {  	v58 =	vadd.s32 $0x1C1, v1;
	[tilespmem:$0x1FF90] =	vst v57;
	s1 =	ssub.s32 s1, s24;
	s22 =	sadd.s32 $0xC000, s3;
	[dreg:$0xc] =	wrdreg s6  }
0x3a: {  	v59 =	vor.u32 $0x1C0, v1;
	[tilespmem:$0x1FFA0] =	vst v58;
	s5 =	sand.u32 $0xE, s5;
	s23 =	sadd.s32 $0xD800, s3;
	[dreg:$0xd] =	wrdreg s22  }
0x3b: {  	v60 =	vadd.s32 $0x1D1, v1;
	[tilespmem:$0x1FFB0] =	vst v59;
	v0 =	vmov s5;
	s5 =	sor.u32 $0x1, s5;
	s25 =	sadd.s32 $0xF000, s3;
	[dreg:$0xe] =	wrdreg s23  }
0x3c: {  	v61 =	vor.u32 $0x1D0, v1;
	[tilespmem:$0x1FFC0] =	vst v60;
	s1 =	smax.u32 s1, $0x1;
	s26 =	sadd.s32 $0x10800, s3;
	[dreg:$0xf] =	wrdreg s25  }
0x3d: {  	[tilespmem:$0x1FFD0] =	vst v61;
	v63 =	vor.u32 $0x1E0, v1;
	s4 =	sadd.s32 $0x800, s0;
	s28 =	sadd.s32 $0x12000, s3;
	[dreg:$0x10] =	wrdreg s26  }
0x3e: {  	[tilespmem:$0x1FFF0] =	vst v63;
	v62 =	vmov s5;
	s5 =	sadd.s32 $0x900, s0;
	s29 =	sadd.s32 $0x13800, s3;
	[dreg:$0x11] =	wrdreg s28  }
0x3f: {  	[tilespmem:$0x1FC10] =	vst v0;
	s30 =	sadd.s32 $0x15000, s3;
	s3 =	sadd.s32 $0x16800, s3;
	[dreg:$0x12] =	wrdreg s29  }
0x40: {  	[tilespmem:$0x1FC20] =	vst v62;
	v62 =	vadd.s32 $0x1E1, v1;
	s15 =	simm.s32 $0x1;
	s16 =	simm.s32 $0x3;
	[dreg:$0x13] =	wrdreg s30  }
0x41: {  	vm0 =	vmmov $0xffff;
	s6 =	sadd.s32 $0xA00, s0;
	[dreg:$0x14] =	wrdreg s3;
	[tilespmem:$0x1FFE0] =	vst v62;
	s3 =	simm.s32 $0xCC80  }
.LBB2_1:
0x42: {  	[dreg:$0x17] =	wrdreg s1  }
0x43: {  	s18 =	rddreg [dreg:$0x3]  }
0x44: {  	s19 =	rddreg [dreg:$0x15];
	s0 =	simm.s32 $0x5  }
0x45: {  	[tilespmem:s19], [sflag:$0x5] =	stream.linear.gather [hbm4b:s18+s2], $0x400, $0x38;
	[tilespmem:$0x18C80] =	vst v63  }
0x46: {  	_ =	swait.ge [sflag:s0], $0x400  }
0x47: {  	[sflag:s0] =	ssyncset.done $0x0  }
0x48: {  	s30 =	rddreg [dreg:$0x4];
	[sflag:s0] =	ssyncadd.s32 $0xFFFFFC00  }
0x49: {  	[tilespmem:s9], [sflag:$0x5] =	stream.linear.gather [hbm4b:s30+s2], $0x400, $0x38;
	[tilespmem:$0x18C80] =	vst v63  }
0x4a: {  	_ =	swait.ge [sflag:s0], $0x400  }
0x4b: {  	[sflag:s0] =	ssyncset.done $0x0  }
0x4c: {  	s1 =	simm.s32 $0xC00;
	s31 =	rddreg [dreg:$0x5];
	[sflag:s0] =	ssyncadd.s32 $0xFFFFFC00  }
0x4d: {  	[tilespmem:s1], [sflag:$0x5] =	stream.linear.gather [hbm4b:s31+s2], $0x10, $0x38;
	[tilespmem:$0x18C80] =	vst v63  }
0x4e: {  	_ =	swait.ge [sflag:s0], $0x10  }
0x4f: {  	v0 =	vld [tilespmem:$0x1FC10];
	_ =	sdelay $0x5  }
0x50: {  	[sflag:s0] =	ssyncset.done $0x0  }
0x51: {  	[sflag:s0] =	ssyncadd.s32 $0xFFFFFFF0  }
0x52: {  	v4 =	vld.idx.msk [tilespmem:v0+s1+$0x0], $0xffff;
	_ =	sdelay $0x3  }
0x53: {  	v43 =	vlaneseq.u32  }
0x54: {  	v0 =	vsub.s32 v43, v4  }
0x55: {  	vm1 =	vgt.s32 v0, $0x0  }
0x56: {  	v0 =	vnsel vm1, $0x0, v0  }
0x57: {  	v0 =	vmin.u32 v0, $0x1FF  }
0x58: {  	v7 =	vld [tilespmem:$0x1FC50];
	_ =	sdelay $0x1  }
0x59: {  	v8 =	vld [tilespmem:$0x1FC30]  }
0x5a: {  	v2 =	vld [tilespmem:$0x400]  }
0x5b: {  	v0 =	vld.idx.msk [tilespmem:v0+s9+$0x0], $0xffff  }
0x5c: {  	v3 =	vsub.s32 v7, v4  }
0x5d: {  	vm1 =	vgt.s32 v3, $0x0  }
0x5e: {  	v3 =	vnsel vm1, $0x0, v3  }
0x5f: {  	vm1 =	vlt.s32 v4, v8;
	v3 =	vmin.u32 v3, $0x1FF  }
0x60: {  	v11 =	vld [tilespmem:$0x1FC70];
	v0 =	vsel vm1, v0, v2  }
0x61: {  	vm1 =	vgt.s32 v0, $0x0;
	v0 =	vadd.s32 $0xFFFFFFFF, v0  }
0x62: {  	v9 =	vld [tilespmem:$0x1FC40];
	v0 =	vnsel vm1, $0x4000, v0  }
0x63: {  	v44 =	vld [tilespmem:$0x410];
	[tilespmem:$0x0] =	vst v0  }
0x64: {  	v3 =	vld.idx.msk [tilespmem:v3+s9+$0x0], $0xffff  }
0x65: {  	v5 =	vsub.s32 v11, v4  }
0x66: {  	vm1 =	vgt.s32 v5, $0x0  }
0x67: {  	v5 =	vnsel vm1, $0x0, v5  }
0x68: {  	vm1 =	vlt.s32 v4, v9;
	v5 =	vmin.u32 v5, $0x1FF  }
0x69: {  	v13 =	vld [tilespmem:$0x1FC90];
	v2 =	vsel vm1, v3, v44  }
0x6a: {  	vm1 =	vgt.s32 v2, $0x0;
	v2 =	vadd.s32 $0xFFFFFFFF, v2  }
0x6b: {  	v10 =	vld [tilespmem:$0x1FC60];
	v2 =	vnsel vm1, $0x4000, v2  }
0x6c: {  	v45 =	vld [tilespmem:$0x420];
	[tilespmem:$0x10] =	vst v2  }
0x6d: {  	v46 =	vld.idx.msk [tilespmem:v5+s9+$0x0], $0xffff  }
0x6e: {  	v47 =	vsub.s32 v13, v4  }
0x6f: {  	vm1 =	vgt.s32 v47, $0x0  }
0x70: {  	v5 =	vnsel vm1, $0x0, v47  }
0x71: {  	vm1 =	vlt.s32 v4, v10;
	v5 =	vmin.u32 v5, $0x1FF  }
0x72: {  	v15 =	vld [tilespmem:$0x1FCB0];
	v2 =	vsel vm1, v46, v45  }
0x73: {  	vm1 =	vgt.s32 v2, $0x0;
	v2 =	vadd.s32 $0xFFFFFFFF, v2  }
0x74: {  	v12 =	vld [tilespmem:$0x1FC80];
	v2 =	vnsel vm1, $0x4000, v2  }
0x75: {  	v48 =	vld [tilespmem:$0x430];
	[tilespmem:$0x20] =	vst v2  }
0x76: {  	v49 =	vld.idx.msk [tilespmem:v5+s9+$0x0], $0xffff  }
0x77: {  	v50 =	vsub.s32 v15, v4  }
0x78: {  	vm1 =	vgt.s32 v50, $0x0  }
0x79: {  	v5 =	vnsel vm1, $0x0, v50  }
0x7a: {  	vm1 =	vlt.s32 v4, v12;
	v5 =	vmin.u32 v5, $0x1FF  }
0x7b: {  	v17 =	vld [tilespmem:$0x1FCD0];
	v2 =	vsel vm1, v49, v48  }
0x7c: {  	vm1 =	vgt.s32 v2, $0x0;
	v2 =	vadd.s32 $0xFFFFFFFF, v2  }
0x7d: {  	v14 =	vld [tilespmem:$0x1FCA0];
	v2 =	vnsel vm1, $0x4000, v2  }
0x7e: {  	v51 =	vld [tilespmem:$0x440];
	[tilespmem:$0x30] =	vst v2  }
0x7f: {  	v52 =	vld.idx.msk [tilespmem:v5+s9+$0x0], $0xffff  }
0x80: {  	v53 =	vsub.s32 v17, v4  }
0x81: {  	vm1 =	vgt.s32 v53, $0x0  }
0x82: {  	v5 =	vnsel vm1, $0x0, v53  }
0x83: {  	vm1 =	vlt.s32 v4, v14;
	v5 =	vmin.u32 v5, $0x1FF  }
0x84: {  	v19 =	vld [tilespmem:$0x1FCF0];
	v2 =	vsel vm1, v52, v51  }
0x85: {  	vm1 =	vgt.s32 v2, $0x0;
	v2 =	vadd.s32 $0xFFFFFFFF, v2  }
0x86: {  	v16 =	vld [tilespmem:$0x1FCC0];
	v2 =	vnsel vm1, $0x4000, v2  }
0x87: {  	v54 =	vld [tilespmem:$0x450];
	[tilespmem:$0x40] =	vst v2  }
0x88: {  	v55 =	vld.idx.msk [tilespmem:v5+s9+$0x0], $0xffff  }
0x89: {  	v56 =	vsub.s32 v19, v4  }
0x8a: {  	vm1 =	vgt.s32 v56, $0x0  }
0x8b: {  	v5 =	vnsel vm1, $0x0, v56  }
0x8c: {  	vm1 =	vlt.s32 v4, v16;
	v5 =	vmin.u32 v5, $0x1FF  }
0x8d: {  	v21 =	vld [tilespmem:$0x1FD10];
	v2 =	vsel vm1, v55, v54  }
0x8e: {  	vm1 =	vgt.s32 v2, $0x0;
	v2 =	vadd.s32 $0xFFFFFFFF, v2  }
0x8f: {  	v18 =	vld [tilespmem:$0x1FCE0];
	v2 =	vnsel vm1, $0x4000, v2  }
0x90: {  	v57 =	vld [tilespmem:$0x460];
	[tilespmem:$0x50] =	vst v2  }
0x91: {  	v58 =	vld.idx.msk [tilespmem:v5+s9+$0x0], $0xffff  }
0x92: {  	v59 =	vsub.s32 v21, v4  }
0x93: {  	vm1 =	vgt.s32 v59, $0x0  }
0x94: {  	v5 =	vnsel vm1, $0x0, v59  }
0x95: {  	vm1 =	vlt.s32 v4, v18;
	v5 =	vmin.u32 v5, $0x1FF  }
0x96: {  	v23 =	vld [tilespmem:$0x1FD30];
	v2 =	vsel vm1, v58, v57  }
0x97: {  	vm1 =	vgt.s32 v2, $0x0;
	v2 =	vadd.s32 $0xFFFFFFFF, v2  }
0x98: {  	v20 =	vld [tilespmem:$0x1FD00];
	v2 =	vnsel vm1, $0x4000, v2  }
0x99: {  	v60 =	vld [tilespmem:$0x470];
	[tilespmem:$0x60] =	vst v2  }
0x9a: {  	v61 =	vld.idx.msk [tilespmem:v5+s9+$0x0], $0xffff  }
0x9b: {  	v62 =	vsub.s32 v23, v4  }
0x9c: {  	vm1 =	vgt.s32 v62, $0x0  }
0x9d: {  	v5 =	vnsel vm1, $0x0, v62  }
0x9e: {  	vm1 =	vlt.s32 v4, v20;
	v5 =	vmin.u32 v5, $0x1FF  }
0x9f: {  	v25 =	vld [tilespmem:$0x1FD50];
	v2 =	vsel vm1, v61, v60  }
0xa0: {  	vm1 =	vgt.s32 v2, $0x0;
	v2 =	vadd.s32 $0xFFFFFFFF, v2  }
0xa1: {  	v22 =	vld [tilespmem:$0x1FD20];
	v2 =	vnsel vm1, $0x4000, v2  }
0xa2: {  	v63 =	vld [tilespmem:$0x480];
	[tilespmem:$0x70] =	vst v2  }
0xa3: {  	v28 =	vld.idx.msk [tilespmem:v5+s9+$0x0], $0xffff  }
0xa4: {  	v29 =	vsub.s32 v25, v4  }
0xa5: {  	vm1 =	vgt.s32 v29, $0x0  }
0xa6: {  	v5 =	vnsel vm1, $0x0, v29  }
0xa7: {  	vm1 =	vlt.s32 v4, v22;
	v5 =	vmin.u32 v5, $0x1FF  }
0xa8: {  	v27 =	vld [tilespmem:$0x1FD70];
	v2 =	vsel vm1, v28, v63  }
0xa9: {  	vm1 =	vgt.s32 v2, $0x0;
	v2 =	vadd.s32 $0xFFFFFFFF, v2  }
0xaa: {  	v24 =	vld [tilespmem:$0x1FD40];
	v2 =	vnsel vm1, $0x4000, v2  }
0xab: {  	v30 =	vld [tilespmem:$0x490];
	[tilespmem:$0x80] =	vst v2  }
0xac: {  	v31 =	vld.idx.msk [tilespmem:v5+s9+$0x0], $0xffff  }
0xad: {  	v32 =	vsub.s32 v27, v4  }
0xae: {  	vm1 =	vgt.s32 v32, $0x0  }
0xaf: {  	v5 =	vnsel vm1, $0x0, v32  }
0xb0: {  	vm1 =	vlt.s32 v4, v24;
	v5 =	vmin.u32 v5, $0x1FF  }
0xb1: {  	v29 =	vld [tilespmem:$0x1FD90];
	v2 =	vsel vm1, v31, v30  }
0xb2: {  	vm1 =	vgt.s32 v2, $0x0;
	v2 =	vadd.s32 $0xFFFFFFFF, v2  }
0xb3: {  	v26 =	vld [tilespmem:$0x1FD60];
	v2 =	vnsel vm1, $0x4000, v2  }
0xb4: {  	v33 =	vld [tilespmem:$0x4A0];
	[tilespmem:$0x90] =	vst v2  }
0xb5: {  	v34 =	vld.idx.msk [tilespmem:v5+s9+$0x0], $0xffff  }
0xb6: {  	v35 =	vsub.s32 v29, v4  }
0xb7: {  	vm1 =	vgt.s32 v35, $0x0  }
0xb8: {  	v5 =	vnsel vm1, $0x0, v35  }
0xb9: {  	vm1 =	vlt.s32 v4, v26;
	v5 =	vmin.u32 v5, $0x1FF  }
0xba: {  	v31 =	vld [tilespmem:$0x1FDB0];
	v2 =	vsel vm1, v34, v33  }
0xbb: {  	vm1 =	vgt.s32 v2, $0x0;
	v2 =	vadd.s32 $0xFFFFFFFF, v2  }
0xbc: {  	v36 =	vld [tilespmem:$0x4B0];
	v2 =	vnsel vm1, $0x4000, v2  }
0xbd: {  	v28 =	vld [tilespmem:$0x1FD80];
	[tilespmem:$0xA0] =	vst v2  }
0xbe: {  	v37 =	vld.idx.msk [tilespmem:v5+s9+$0x0], $0xffff  }
0xbf: {  	v38 =	vsub.s32 v31, v4  }
0xc0: {  	vm1 =	vgt.s32 v38, $0x0  }
0xc1: {  	v5 =	vnsel vm1, $0x0, v38  }
0xc2: {  	vm1 =	vlt.s32 v4, v28;
	v5 =	vmin.u32 v5, $0x1FF  }
0xc3: {  	v33 =	vld [tilespmem:$0x1FDD0];
	v2 =	vsel vm1, v37, v36  }
0xc4: {  	vm1 =	vgt.s32 v2, $0x0;
	v2 =	vadd.s32 $0xFFFFFFFF, v2  }
0xc5: {  	v39 =	vld [tilespmem:$0x4C0];
	v2 =	vnsel vm1, $0x4000, v2  }
0xc6: {  	v30 =	vld [tilespmem:$0x1FDA0];
	[tilespmem:$0xB0] =	vst v2  }
0xc7: {  	v40 =	vld.idx.msk [tilespmem:v5+s9+$0x0], $0xffff  }
0xc8: {  	v41 =	vsub.s32 v33, v4  }
0xc9: {  	vm1 =	vgt.s32 v41, $0x0  }
0xca: {  	v5 =	vnsel vm1, $0x0, v41  }
0xcb: {  	vm1 =	vlt.s32 v4, v30;
	v5 =	vmin.u32 v5, $0x1FF  }
0xcc: {  	v35 =	vld [tilespmem:$0x1FDF0];
	v2 =	vsel vm1, v40, v39  }
0xcd: {  	vm1 =	vgt.s32 v2, $0x0;
	v2 =	vadd.s32 $0xFFFFFFFF, v2  }
0xce: {  	v42 =	vld [tilespmem:$0x4D0];
	v2 =	vnsel vm1, $0x4000, v2  }
0xcf: {  	v32 =	vld [tilespmem:$0x1FDC0];
	[tilespmem:$0xC0] =	vst v2  }
0xd0: {  	v43 =	vld.idx.msk [tilespmem:v5+s9+$0x0], $0xffff  }
0xd1: {  	v44 =	vsub.s32 v35, v4  }
0xd2: {  	vm1 =	vgt.s32 v44, $0x0  }
0xd3: {  	v5 =	vnsel vm1, $0x0, v44  }
0xd4: {  	vm1 =	vlt.s32 v4, v32;
	v5 =	vmin.u32 v5, $0x1FF  }
0xd5: {  	v37 =	vld [tilespmem:$0x1FE10];
	v2 =	vsel vm1, v43, v42  }
0xd6: {  	vm1 =	vgt.s32 v2, $0x0;
	v2 =	vadd.s32 $0xFFFFFFFF, v2  }
0xd7: {  	v45 =	vld [tilespmem:$0x4E0];
	v2 =	vnsel vm1, $0x4000, v2  }
0xd8: {  	v34 =	vld [tilespmem:$0x1FDE0];
	[tilespmem:$0xD0] =	vst v2  }
0xd9: {  	v46 =	vld.idx.msk [tilespmem:v5+s9+$0x0], $0xffff  }
0xda: {  	v47 =	vsub.s32 v37, v4  }
0xdb: {  	vm1 =	vgt.s32 v47, $0x0  }
0xdc: {  	v5 =	vnsel vm1, $0x0, v47  }
0xdd: {  	vm1 =	vlt.s32 v4, v34;
	v5 =	vmin.u32 v5, $0x1FF  }
0xde: {  	v39 =	vld [tilespmem:$0x1FE30];
	v2 =	vsel vm1, v46, v45  }
0xdf: {  	vm1 =	vgt.s32 v2, $0x0;
	v2 =	vadd.s32 $0xFFFFFFFF, v2  }
0xe0: {  	v48 =	vld [tilespmem:$0x4F0];
	v2 =	vnsel vm1, $0x4000, v2  }
0xe1: {  	v36 =	vld [tilespmem:$0x1FE00];
	[tilespmem:$0xE0] =	vst v2  }
0xe2: {  	v49 =	vld.idx.msk [tilespmem:v5+s9+$0x0], $0xffff  }
0xe3: {  	v50 =	vsub.s32 v39, v4  }
0xe4: {  	vm1 =	vgt.s32 v50, $0x0  }
0xe5: {  	v5 =	vnsel vm1, $0x0, v50  }
0xe6: {  	vm1 =	vlt.s32 v4, v36;
	v5 =	vmin.u32 v5, $0x1FF  }
0xe7: {  	v41 =	vld [tilespmem:$0x1FE50];
	v2 =	vsel vm1, v49, v48  }
0xe8: {  	vm1 =	vgt.s32 v2, $0x0;
	v2 =	vadd.s32 $0xFFFFFFFF, v2  }
0xe9: {  	v51 =	vld [tilespmem:$0x500];
	v2 =	vnsel vm1, $0x4000, v2  }
0xea: {  	v38 =	vld [tilespmem:$0x1FE20];
	[tilespmem:$0xF0] =	vst v2  }
0xeb: {  	v52 =	vld.idx.msk [tilespmem:v5+s9+$0x0], $0xffff  }
0xec: {  	v53 =	vsub.s32 v41, v4  }
0xed: {  	vm1 =	vgt.s32 v53, $0x0  }
0xee: {  	v5 =	vnsel vm1, $0x0, v53  }
0xef: {  	vm1 =	vlt.s32 v4, v38;
	v5 =	vmin.u32 v5, $0x1FF  }
0xf0: {  	v43 =	vld [tilespmem:$0x1FE70];
	v2 =	vsel vm1, v52, v51  }
0xf1: {  	vm1 =	vgt.s32 v2, $0x0;
	v2 =	vadd.s32 $0xFFFFFFFF, v2  }
0xf2: {  	v54 =	vld [tilespmem:$0x510];
	v2 =	vnsel vm1, $0x4000, v2  }
0xf3: {  	v40 =	vld [tilespmem:$0x1FE40];
	[tilespmem:$0x100] =	vst v2  }
0xf4: {  	v55 =	vld.idx.msk [tilespmem:v5+s9+$0x0], $0xffff  }
0xf5: {  	v56 =	vsub.s32 v43, v4  }
0xf6: {  	vm1 =	vgt.s32 v56, $0x0  }
0xf7: {  	v5 =	vnsel vm1, $0x0, v56  }
0xf8: {  	vm1 =	vlt.s32 v4, v40;
	v5 =	vmin.u32 v5, $0x1FF  }
0xf9: {  	v45 =	vld [tilespmem:$0x1FE90];
	v2 =	vsel vm1, v55, v54  }
0xfa: {  	vm1 =	vgt.s32 v2, $0x0;
	v2 =	vadd.s32 $0xFFFFFFFF, v2  }
0xfb: {  	v57 =	vld [tilespmem:$0x520];
	v2 =	vnsel vm1, $0x4000, v2  }
0xfc: {  	v42 =	vld [tilespmem:$0x1FE60];
	[tilespmem:$0x110] =	vst v2  }
0xfd: {  	v58 =	vld.idx.msk [tilespmem:v5+s9+$0x0], $0xffff  }
0xfe: {  	v59 =	vsub.s32 v45, v4  }
0xff: {  	vm1 =	vgt.s32 v59, $0x0  }
0x100: {  	v5 =	vnsel vm1, $0x0, v59  }
0x101: {  	vm1 =	vlt.s32 v4, v42;
	v5 =	vmin.u32 v5, $0x1FF  }
0x102: {  	v47 =	vld [tilespmem:$0x1FEB0];
	v2 =	vsel vm1, v58, v57  }
0x103: {  	vm1 =	vgt.s32 v2, $0x0;
	v2 =	vadd.s32 $0xFFFFFFFF, v2  }
0x104: {  	v60 =	vld [tilespmem:$0x530];
	v2 =	vnsel vm1, $0x4000, v2  }
0x105: {  	v44 =	vld [tilespmem:$0x1FE80];
	[tilespmem:$0x120] =	vst v2  }
0x106: {  	v61 =	vld.idx.msk [tilespmem:v5+s9+$0x0], $0xffff  }
0x107: {  	v62 =	vsub.s32 v47, v4  }
0x108: {  	vm1 =	vgt.s32 v62, $0x0  }
0x109: {  	v5 =	vnsel vm1, $0x0, v62  }
0x10a: {  	vm1 =	vlt.s32 v4, v44;
	v5 =	vmin.u32 v5, $0x1FF  }
0x10b: {  	v49 =	vld [tilespmem:$0x1FED0];
	v2 =	vsel vm1, v61, v60  }
0x10c: {  	vm1 =	vgt.s32 v2, $0x0;
	v2 =	vadd.s32 $0xFFFFFFFF, v2  }
0x10d: {  	v63 =	vld [tilespmem:$0x540];
	v2 =	vnsel vm1, $0x4000, v2  }
0x10e: {  	v46 =	vld [tilespmem:$0x1FEA0];
	[tilespmem:$0x130] =	vst v2  }
0x10f: {  	v52 =	vld.idx.msk [tilespmem:v5+s9+$0x0], $0xffff  }
0x110: {  	v53 =	vsub.s32 v49, v4  }
0x111: {  	vm1 =	vgt.s32 v53, $0x0  }
0x112: {  	v5 =	vnsel vm1, $0x0, v53  }
0x113: {  	vm1 =	vlt.s32 v4, v46;
	v5 =	vmin.u32 v5, $0x1FF  }
0x114: {  	v51 =	vld [tilespmem:$0x1FEF0];
	v2 =	vsel vm1, v52, v63  }
0x115: {  	vm1 =	vgt.s32 v2, $0x0;
	v2 =	vadd.s32 $0xFFFFFFFF, v2  }
0x116: {  	v48 =	vld [tilespmem:$0x1FEC0];
	v2 =	vnsel vm1, $0x4000, v2  }
0x117: {  	v54 =	vld [tilespmem:$0x550];
	[tilespmem:$0x140] =	vst v2  }
0x118: {  	v55 =	vld.idx.msk [tilespmem:v5+s9+$0x0], $0xffff  }
0x119: {  	v56 =	vsub.s32 v51, v4  }
0x11a: {  	vm1 =	vgt.s32 v56, $0x0  }
0x11b: {  	v5 =	vnsel vm1, $0x0, v56  }
0x11c: {  	vm1 =	vlt.s32 v4, v48;
	v5 =	vmin.u32 v5, $0x1FF  }
0x11d: {  	v53 =	vld [tilespmem:$0x1FF10];
	v2 =	vsel vm1, v55, v54  }
0x11e: {  	vm1 =	vgt.s32 v2, $0x0;
	v2 =	vadd.s32 $0xFFFFFFFF, v2  }
0x11f: {  	v50 =	vld [tilespmem:$0x1FEE0];
	v2 =	vnsel vm1, $0x4000, v2  }
0x120: {  	v57 =	vld [tilespmem:$0x560];
	[tilespmem:$0x150] =	vst v2  }
0x121: {  	v58 =	vld.idx.msk [tilespmem:v5+s9+$0x0], $0xffff  }
0x122: {  	v59 =	vsub.s32 v53, v4  }
0x123: {  	vm1 =	vgt.s32 v59, $0x0  }
0x124: {  	v5 =	vnsel vm1, $0x0, v59  }
0x125: {  	vm1 =	vlt.s32 v4, v50;
	v5 =	vmin.u32 v5, $0x1FF  }
0x126: {  	v55 =	vld [tilespmem:$0x1FF30];
	v2 =	vsel vm1, v58, v57  }
0x127: {  	vm1 =	vgt.s32 v2, $0x0;
	v2 =	vadd.s32 $0xFFFFFFFF, v2  }
0x128: {  	v60 =	vld [tilespmem:$0x570];
	v2 =	vnsel vm1, $0x4000, v2  }
0x129: {  	v52 =	vld [tilespmem:$0x1FF00];
	[tilespmem:$0x160] =	vst v2  }
0x12a: {  	v61 =	vld.idx.msk [tilespmem:v5+s9+$0x0], $0xffff  }
0x12b: {  	v62 =	vsub.s32 v55, v4  }
0x12c: {  	vm1 =	vgt.s32 v62, $0x0  }
0x12d: {  	v5 =	vnsel vm1, $0x0, v62  }
0x12e: {  	vm1 =	vlt.s32 v4, v52;
	v5 =	vmin.u32 v5, $0x1FF  }
0x12f: {  	v57 =	vld [tilespmem:$0x1FF50];
	v2 =	vsel vm1, v61, v60  }
0x130: {  	vm1 =	vgt.s32 v2, $0x0;
	v2 =	vadd.s32 $0xFFFFFFFF, v2  }
0x131: {  	v63 =	vld [tilespmem:$0x580];
	v2 =	vnsel vm1, $0x4000, v2  }
0x132: {  	v54 =	vld [tilespmem:$0x1FF20];
	[tilespmem:$0x170] =	vst v2  }
0x133: {  	v60 =	vld.idx.msk [tilespmem:v5+s9+$0x0], $0xffff  }
0x134: {  	v61 =	vsub.s32 v57, v4  }
0x135: {  	vm1 =	vgt.s32 v61, $0x0  }
0x136: {  	v5 =	vnsel vm1, $0x0, v61  }
0x137: {  	vm1 =	vlt.s32 v4, v54;
	v5 =	vmin.u32 v5, $0x1FF  }
0x138: {  	v59 =	vld [tilespmem:$0x1FF70];
	v2 =	vsel vm1, v60, v63  }
0x139: {  	vm1 =	vgt.s32 v2, $0x0;
	v2 =	vadd.s32 $0xFFFFFFFF, v2  }
0x13a: {  	v56 =	vld [tilespmem:$0x1FF40];
	v2 =	vnsel vm1, $0x4000, v2  }
0x13b: {  	v62 =	vld [tilespmem:$0x590];
	[tilespmem:$0x180] =	vst v2  }
0x13c: {  	v63 =	vld.idx.msk [tilespmem:v5+s9+$0x0], $0xffff  }
0x13d: {  	v58 =	vsub.s32 v59, v4  }
0x13e: {  	vm1 =	vgt.s32 v58, $0x0  }
0x13f: {  	v5 =	vnsel vm1, $0x0, v58  }
0x140: {  	vm1 =	vlt.s32 v4, v56;
	v5 =	vmin.u32 v5, $0x1FF  }
0x141: {  	v61 =	vld [tilespmem:$0x1FF90];
	v2 =	vsel vm1, v63, v62  }
0x142: {  	vm1 =	vgt.s32 v2, $0x0;
	v2 =	vadd.s32 $0xFFFFFFFF, v2  }
0x143: {  	v58 =	vld [tilespmem:$0x1FF60];
	v2 =	vnsel vm1, $0x4000, v2  }
0x144: {  	[tilespmem:$0x190] =	vst v2;
	v2 =	vld [tilespmem:$0x5A0]  }
0x145: {  	v3 =	vld.idx.msk [tilespmem:v5+s9+$0x0], $0xffff  }
0x146: {  	v60 =	vsub.s32 v61, v4  }
0x147: {  	vm1 =	vgt.s32 v60, $0x0  }
0x148: {  	v5 =	vnsel vm1, $0x0, v60  }
0x149: {  	vm1 =	vlt.s32 v4, v58;
	v5 =	vmin.u32 v5, $0x1FF  }
0x14a: {  	v63 =	vld [tilespmem:$0x1FFB0];
	v2 =	vsel vm1, v3, v2  }
0x14b: {  	vm1 =	vgt.s32 v2, $0x0;
	v2 =	vadd.s32 $0xFFFFFFFF, v2  }
0x14c: {  	v60 =	vld [tilespmem:$0x1FF80];
	v2 =	vnsel vm1, $0x4000, v2  }
0x14d: {  	[tilespmem:$0x1A0] =	vst v2;
	v2 =	vld [tilespmem:$0x5B0]  }
0x14e: {  	v3 =	vld.idx.msk [tilespmem:v5+s9+$0x0], $0xffff  }
0x14f: {  	v62 =	vsub.s32 v63, v4  }
0x150: {  	vm1 =	vgt.s32 v62, $0x0  }
0x151: {  	v5 =	vnsel vm1, $0x0, v62  }
0x152: {  	vm1 =	vlt.s32 v4, v60;
	v5 =	vmin.u32 v5, $0x1FF  }
0x153: {  	v1 =	vld [tilespmem:$0x1FFD0];
	v2 =	vsel vm1, v3, v2  }
0x154: {  	vm1 =	vgt.s32 v2, $0x0;
	v2 =	vadd.s32 $0xFFFFFFFF, v2  }
0x155: {  	v62 =	vld [tilespmem:$0x1FFA0];
	v2 =	vnsel vm1, $0x4000, v2  }
0x156: {  	[tilespmem:$0x1B0] =	vst v2;
	v2 =	vld [tilespmem:$0x5C0]  }
0x157: {  	v3 =	vld.idx.msk [tilespmem:v5+s9+$0x0], $0xffff  }
0x158: {  	[tilespmem:$0x1FC00] =	vst v0;
	v0 =	vsub.s32 v1, v4  }
0x159: {  	vm1 =	vgt.s32 v0, $0x0  }
0x15a: {  	v5 =	vnsel vm1, $0x0, v0  }
0x15b: {  	vm1 =	vlt.s32 v4, v62;
	v5 =	vmin.u32 v5, $0x1FF  }
0x15c: {  	v2 =	vsel vm1, v3, v2  }
0x15d: {  	vm1 =	vgt.s32 v2, $0x0;
	v2 =	vadd.s32 $0xFFFFFFFF, v2  }
0x15e: {  	v2 =	vnsel vm1, $0x4000, v2  }
0x15f: {  	[tilespmem:$0x1C0] =	vst v2  }
0x160: {  	v3 =	vld.idx.msk [tilespmem:v5+s9+$0x0], $0xffff  }
0x161: {  	v5 =	vld [tilespmem:$0x1FFF0];
	_ =	sdelay $0x4  }
0x162: {  	v0 =	vsub.s32 v5, v4  }
0x163: {  	vm1 =	vgt.s32 v0, $0x0  }
0x164: {  	v5 =	vnsel vm1, $0x0, v0;
	v0 =	vld [tilespmem:$0x1FFC0]  }
0x165: {  	v2 =	vld [tilespmem:$0x5D0];
	_ =	sdelay $0x3  }
0x166: {  	v5 =	vmin.u32 v5, $0x1FF;
	vm1 =	vlt.s32 v4, v0  }
0x167: {  	v2 =	vsel vm1, v3, v2  }
0x168: {  	vm1 =	vgt.s32 v2, $0x0;
	v2 =	vadd.s32 $0xFFFFFFFF, v2  }
0x169: {  	v0 =	vld [tilespmem:$0x1FFE0];
	v2 =	vnsel vm1, $0x4000, v2  }
0x16a: {  	v6 =	vlaneseq.u32;
	v3 =	vld [tilespmem:$0x5E0];
	[tilespmem:$0x1D0] =	vst v2  }
0x16b: {  	v2 =	vor.u32 $0x1F0, v6;
	v5 =	vld.idx.msk [tilespmem:v5+s9+$0x0], $0xffff  }
0x16c: {  	v6 =	vsub.s32 v2, v4  }
0x16d: {  	vm1 =	vgt.s32 v6, $0x0  }
0x16e: {  	v6 =	vnsel vm1, $0x0, v6  }
0x16f: {  	vm1 =	vlt.s32 v4, v0;
	v6 =	vmin.u32 v6, $0x1FF  }
0x170: {  	v3 =	vsel vm1, v5, v3  }
0x171: {  	vm1 =	vgt.s32 v3, $0x0;
	v3 =	vadd.s32 $0xFFFFFFFF, v3  }
0x172: {  	v3 =	vnsel vm1, $0x4000, v3  }
0x173: {  	v5 =	vld [tilespmem:$0x5F0];
	[tilespmem:$0x1E0] =	vst v3  }
0x174: {  	v6 =	vld.idx.msk [tilespmem:v6+s9+$0x0], $0xffff;
	_ =	sdelay $0x1  }
0x175: {  	v0 =	vlaneseq.u32  }
0x176: {  	v3 =	vadd.s32 $0x1F1, v0  }
0x177: {  	vm1 =	vlt.s32 v4, v3  }
0x178: {  	v4 =	vsel vm1, v6, v5  }
0x179: {  	vm1 =	vgt.s32 v4, $0x0;
	v4 =	vadd.s32 $0xFFFFFFFF, v4  }
0x17a: {  	v4 =	vnsel vm1, $0x4000, v4  }
0x17b: {  	[tilespmem:$0x1F0] =	vst v4;
	v4 =	vld [tilespmem:$0x1FC20];
	_ =	sdelay $0x7  }
0x17c: {  	v4 =	vld.idx.msk [tilespmem:v4+s1+$0x0], $0xffff;
	_ =	sdelay $0x4  }
0x17d: {  	v0 =	vsub.s32 v0, v4  }
0x17e: {  	vm1 =	vgt.s32 v0, $0x0  }
0x17f: {  	v5 =	vnsel vm1, $0x0, v0  }
0x180: {  	v5 =	vmin.u32 v5, $0x1FF  }
0x181: {  	v5 =	vor.u32 $0x200, v5;
	_ =	sdelay $0x3  }
0x182: {  	v0 =	vld [tilespmem:$0x600]  }
0x183: {  	v7 =	vsub.s32 v7, v4;
	v5 =	vld.idx.msk [tilespmem:v5+s9+$0x0], $0xffff  }
0x184: {  	vm1 =	vgt.s32 v7, $0x0  }
0x185: {  	v7 =	vnsel vm1, $0x0, v7  }
0x186: {  	v7 =	vmin.u32 v7, $0x1FF  }
0x187: {  	vm1 =	vlt.s32 v4, v8;
	v7 =	vor.u32 $0x200, v7  }
0x188: {  	v5 =	vsel vm1, v5, v0  }
0x189: {  	vm1 =	vgt.s32 v5, $0x0;
	v5 =	vadd.s32 $0xFFFFFFFF, v5  }
0x18a: {  	v5 =	vnsel vm1, $0x4000, v5  }
0x18b: {  	[tilespmem:$0x200] =	vst v5;
	v5 =	vld [tilespmem:$0x610]  }
0x18c: {  	v0 =	vsub.s32 v11, v4;
	v6 =	vld.idx.msk [tilespmem:v7+s9+$0x0], $0xffff  }
0x18d: {  	vm1 =	vgt.s32 v0, $0x0  }
0x18e: {  	v7 =	vnsel vm1, $0x0, v0  }
0x18f: {  	v7 =	vmin.u32 v7, $0x1FF  }
0x190: {  	vm1 =	vlt.s32 v4, v9;
	v7 =	vor.u32 $0x200, v7  }
0x191: {  	v5 =	vsel vm1, v6, v5  }
0x192: {  	vm1 =	vgt.s32 v5, $0x0;
	v5 =	vadd.s32 $0xFFFFFFFF, v5  }
0x193: {  	v5 =	vnsel vm1, $0x4000, v5  }
0x194: {  	v11 =	vld [tilespmem:$0x620];
	[tilespmem:$0x210] =	vst v5  }
0x195: {  	v9 =	vsub.s32 v13, v4;
	v0 =	vld.idx.msk [tilespmem:v7+s9+$0x0], $0xffff  }
0x196: {  	vm1 =	vgt.s32 v9, $0x0  }
0x197: {  	v7 =	vnsel vm1, $0x0, v9  }
0x198: {  	v7 =	vmin.u32 v7, $0x1FF  }
0x199: {  	vm1 =	vlt.s32 v4, v10;
	v7 =	vor.u32 $0x200, v7  }
0x19a: {  	v5 =	vsel vm1, v0, v11  }
0x19b: {  	vm1 =	vgt.s32 v5, $0x0;
	v5 =	vadd.s32 $0xFFFFFFFF, v5  }
0x19c: {  	v5 =	vnsel vm1, $0x4000, v5  }
0x19d: {  	v11 =	vld [tilespmem:$0x630];
	[tilespmem:$0x220] =	vst v5  }
0x19e: {  	v15 =	vsub.s32 v15, v4;
	v13 =	vld.idx.msk [tilespmem:v7+s9+$0x0], $0xffff  }
0x19f: {  	vm1 =	vgt.s32 v15, $0x0  }
0x1a0: {  	v7 =	vnsel vm1, $0x0, v15  }
0x1a1: {  	v7 =	vmin.u32 v7, $0x1FF  }
0x1a2: {  	vm1 =	vlt.s32 v4, v12;
	v7 =	vor.u32 $0x200, v7  }
0x1a3: {  	v5 =	vsel vm1, v13, v11  }
0x1a4: {  	vm1 =	vgt.s32 v5, $0x0;
	v5 =	vadd.s32 $0xFFFFFFFF, v5  }
0x1a5: {  	v5 =	vnsel vm1, $0x4000, v5  }
0x1a6: {  	v0 =	vld [tilespmem:$0x640];
	[tilespmem:$0x230] =	vst v5  }
0x1a7: {  	v10 =	vsub.s32 v17, v4;
	v9 =	vld.idx.msk [tilespmem:v7+s9+$0x0], $0xffff  }
0x1a8: {  	vm1 =	vgt.s32 v10, $0x0  }
0x1a9: {  	v7 =	vnsel vm1, $0x0, v10  }
0x1aa: {  	v7 =	vmin.u32 v7, $0x1FF  }
0x1ab: {  	vm1 =	vlt.s32 v4, v14;
	v7 =	vor.u32 $0x200, v7  }
0x1ac: {  	v5 =	vsel vm1, v9, v0  }
0x1ad: {  	vm1 =	vgt.s32 v5, $0x0;
	v5 =	vadd.s32 $0xFFFFFFFF, v5  }
0x1ae: {  	v5 =	vnsel vm1, $0x4000, v5  }
0x1af: {  	v11 =	vld [tilespmem:$0x650];
	[tilespmem:$0x240] =	vst v5  }
0x1b0: {  	v13 =	vsub.s32 v19, v4;
	v12 =	vld.idx.msk [tilespmem:v7+s9+$0x0], $0xffff  }
0x1b1: {  	vm1 =	vgt.s32 v13, $0x0  }
0x1b2: {  	v7 =	vnsel vm1, $0x0, v13  }
0x1b3: {  	v7 =	vmin.u32 v7, $0x1FF  }
0x1b4: {  	vm1 =	vlt.s32 v4, v16;
	v7 =	vor.u32 $0x200, v7  }
0x1b5: {  	v5 =	vsel vm1, v12, v11  }
0x1b6: {  	vm1 =	vgt.s32 v5, $0x0;
	v5 =	vadd.s32 $0xFFFFFFFF, v5  }
0x1b7: {  	v5 =	vnsel vm1, $0x4000, v5  }
0x1b8: {  	v14 =	vld [tilespmem:$0x660];
	[tilespmem:$0x250] =	vst v5  }
0x1b9: {  	v16 =	vsub.s32 v21, v4;
	v15 =	vld.idx.msk [tilespmem:v7+s9+$0x0], $0xffff  }
0x1ba: {  	vm1 =	vgt.s32 v16, $0x0  }
0x1bb: {  	v7 =	vnsel vm1, $0x0, v16  }
0x1bc: {  	v7 =	vmin.u32 v7, $0x1FF  }
0x1bd: {  	vm1 =	vlt.s32 v4, v18;
	v7 =	vor.u32 $0x200, v7  }
0x1be: {  	v5 =	vsel vm1, v15, v14  }
0x1bf: {  	vm1 =	vgt.s32 v5, $0x0;
	v5 =	vadd.s32 $0xFFFFFFFF, v5  }
0x1c0: {  	v5 =	vnsel vm1, $0x4000, v5  }
0x1c1: {  	v17 =	vld [tilespmem:$0x670];
	[tilespmem:$0x260] =	vst v5  }
0x1c2: {  	v19 =	vsub.s32 v23, v4;
	v18 =	vld.idx.msk [tilespmem:v7+s9+$0x0], $0xffff  }
0x1c3: {  	vm1 =	vgt.s32 v19, $0x0  }
0x1c4: {  	v7 =	vnsel vm1, $0x0, v19  }
0x1c5: {  	v7 =	vmin.u32 v7, $0x1FF  }
0x1c6: {  	vm1 =	vlt.s32 v4, v20;
	v7 =	vor.u32 $0x200, v7  }
0x1c7: {  	v5 =	vsel vm1, v18, v17  }
0x1c8: {  	vm1 =	vgt.s32 v5, $0x0;
	v5 =	vadd.s32 $0xFFFFFFFF, v5  }
0x1c9: {  	v5 =	vnsel vm1, $0x4000, v5  }
0x1ca: {  	v21 =	vld [tilespmem:$0x680];
	[tilespmem:$0x270] =	vst v5  }
0x1cb: {  	v0 =	vsub.s32 v25, v4;
	v23 =	vld.idx.msk [tilespmem:v7+s9+$0x0], $0xffff  }
0x1cc: {  	vm1 =	vgt.s32 v0, $0x0  }
0x1cd: {  	v7 =	vnsel vm1, $0x0, v0  }
0x1ce: {  	v7 =	vmin.u32 v7, $0x1FF  }
0x1cf: {  	vm1 =	vlt.s32 v4, v22;
	v7 =	vor.u32 $0x200, v7  }
0x1d0: {  	v5 =	vsel vm1, v23, v21  }
0x1d1: {  	vm1 =	vgt.s32 v5, $0x0;
	v5 =	vadd.s32 $0xFFFFFFFF, v5  }
0x1d2: {  	v5 =	vnsel vm1, $0x4000, v5  }
0x1d3: {  	v9 =	vld [tilespmem:$0x690];
	[tilespmem:$0x280] =	vst v5  }
0x1d4: {  	v11 =	vsub.s32 v27, v4;
	v10 =	vld.idx.msk [tilespmem:v7+s9+$0x0], $0xffff  }
0x1d5: {  	vm1 =	vgt.s32 v11, $0x0  }
0x1d6: {  	v7 =	vnsel vm1, $0x0, v11  }
0x1d7: {  	v7 =	vmin.u32 v7, $0x1FF  }
0x1d8: {  	vm1 =	vlt.s32 v4, v24;
	v7 =	vor.u32 $0x200, v7  }
0x1d9: {  	v5 =	vsel vm1, v10, v9  }
0x1da: {  	vm1 =	vgt.s32 v5, $0x0;
	v5 =	vadd.s32 $0xFFFFFFFF, v5  }
0x1db: {  	v5 =	vnsel vm1, $0x4000, v5  }
0x1dc: {  	v12 =	vld [tilespmem:$0x6A0];
	[tilespmem:$0x290] =	vst v5  }
0x1dd: {  	v14 =	vsub.s32 v29, v4;
	v13 =	vld.idx.msk [tilespmem:v7+s9+$0x0], $0xffff  }
0x1de: {  	vm1 =	vgt.s32 v14, $0x0  }
0x1df: {  	v7 =	vnsel vm1, $0x0, v14  }
0x1e0: {  	v7 =	vmin.u32 v7, $0x1FF  }
0x1e1: {  	vm1 =	vlt.s32 v4, v26;
	v7 =	vor.u32 $0x200, v7  }
0x1e2: {  	v5 =	vsel vm1, v13, v12  }
0x1e3: {  	vm1 =	vgt.s32 v5, $0x0;
	v5 =	vadd.s32 $0xFFFFFFFF, v5  }
0x1e4: {  	v5 =	vnsel vm1, $0x4000, v5  }
0x1e5: {  	v15 =	vld [tilespmem:$0x6B0];
	[tilespmem:$0x2A0] =	vst v5  }
0x1e6: {  	v17 =	vsub.s32 v31, v4;
	v16 =	vld.idx.msk [tilespmem:v7+s9+$0x0], $0xffff  }
0x1e7: {  	vm1 =	vgt.s32 v17, $0x0  }
0x1e8: {  	v7 =	vnsel vm1, $0x0, v17  }
0x1e9: {  	v7 =	vmin.u32 v7, $0x1FF  }
0x1ea: {  	vm1 =	vlt.s32 v4, v28;
	v7 =	vor.u32 $0x200, v7  }
0x1eb: {  	v5 =	vsel vm1, v16, v15  }
0x1ec: {  	vm1 =	vgt.s32 v5, $0x0;
	v5 =	vadd.s32 $0xFFFFFFFF, v5  }
0x1ed: {  	v5 =	vnsel vm1, $0x4000, v5  }
0x1ee: {  	v18 =	vld [tilespmem:$0x6C0];
	[tilespmem:$0x2B0] =	vst v5  }
0x1ef: {  	v20 =	vsub.s32 v33, v4;
	v19 =	vld.idx.msk [tilespmem:v7+s9+$0x0], $0xffff  }
0x1f0: {  	vm1 =	vgt.s32 v20, $0x0  }
0x1f1: {  	v7 =	vnsel vm1, $0x0, v20  }
0x1f2: {  	v7 =	vmin.u32 v7, $0x1FF  }
0x1f3: {  	vm1 =	vlt.s32 v4, v30;
	v7 =	vor.u32 $0x200, v7  }
0x1f4: {  	v5 =	vsel vm1, v19, v18  }
0x1f5: {  	vm1 =	vgt.s32 v5, $0x0;
	v5 =	vadd.s32 $0xFFFFFFFF, v5  }
0x1f6: {  	v5 =	vnsel vm1, $0x4000, v5  }
0x1f7: {  	v21 =	vld [tilespmem:$0x6D0];
	[tilespmem:$0x2C0] =	vst v5  }
0x1f8: {  	v23 =	vsub.s32 v35, v4;
	v22 =	vld.idx.msk [tilespmem:v7+s9+$0x0], $0xffff  }
0x1f9: {  	vm1 =	vgt.s32 v23, $0x0  }
0x1fa: {  	v7 =	vnsel vm1, $0x0, v23  }
0x1fb: {  	v7 =	vmin.u32 v7, $0x1FF  }
0x1fc: {  	vm1 =	vlt.s32 v4, v32;
	v7 =	vor.u32 $0x200, v7  }
0x1fd: {  	v5 =	vsel vm1, v22, v21  }
0x1fe: {  	vm1 =	vgt.s32 v5, $0x0;
	v5 =	vadd.s32 $0xFFFFFFFF, v5  }
0x1ff: {  	v5 =	vnsel vm1, $0x4000, v5  }
0x200: {  	v24 =	vld [tilespmem:$0x6E0];
	[tilespmem:$0x2D0] =	vst v5  }
0x201: {  	v26 =	vsub.s32 v37, v4;
	v25 =	vld.idx.msk [tilespmem:v7+s9+$0x0], $0xffff  }
0x202: {  	vm1 =	vgt.s32 v26, $0x0  }
0x203: {  	v7 =	vnsel vm1, $0x0, v26  }
0x204: {  	v7 =	vmin.u32 v7, $0x1FF  }
0x205: {  	vm1 =	vlt.s32 v4, v34;
	v7 =	vor.u32 $0x200, v7  }
0x206: {  	v5 =	vsel vm1, v25, v24  }
0x207: {  	vm1 =	vgt.s32 v5, $0x0;
	v5 =	vadd.s32 $0xFFFFFFFF, v5  }
0x208: {  	v5 =	vnsel vm1, $0x4000, v5  }
0x209: {  	v27 =	vld [tilespmem:$0x6F0];
	[tilespmem:$0x2E0] =	vst v5  }
0x20a: {  	v29 =	vsub.s32 v39, v4;
	v28 =	vld.idx.msk [tilespmem:v7+s9+$0x0], $0xffff  }
0x20b: {  	vm1 =	vgt.s32 v29, $0x0  }
0x20c: {  	v7 =	vnsel vm1, $0x0, v29  }
0x20d: {  	v7 =	vmin.u32 v7, $0x1FF  }
0x20e: {  	vm1 =	vlt.s32 v4, v36;
	v7 =	vor.u32 $0x200, v7  }
0x20f: {  	v5 =	vsel vm1, v28, v27  }
0x210: {  	vm1 =	vgt.s32 v5, $0x0;
	v5 =	vadd.s32 $0xFFFFFFFF, v5  }
0x211: {  	v5 =	vnsel vm1, $0x4000, v5  }
0x212: {  	v30 =	vld [tilespmem:$0x700];
	[tilespmem:$0x2F0] =	vst v5  }
0x213: {  	v32 =	vsub.s32 v41, v4;
	v31 =	vld.idx.msk [tilespmem:v7+s9+$0x0], $0xffff  }
0x214: {  	vm1 =	vgt.s32 v32, $0x0  }
0x215: {  	v7 =	vnsel vm1, $0x0, v32  }
0x216: {  	v7 =	vmin.u32 v7, $0x1FF  }
0x217: {  	vm1 =	vlt.s32 v4, v38;
	v7 =	vor.u32 $0x200, v7  }
0x218: {  	v5 =	vsel vm1, v31, v30  }
0x219: {  	vm1 =	vgt.s32 v5, $0x0;
	v5 =	vadd.s32 $0xFFFFFFFF, v5  }
0x21a: {  	v5 =	vnsel vm1, $0x4000, v5  }
0x21b: {  	v33 =	vld [tilespmem:$0x710];
	[tilespmem:$0x300] =	vst v5  }
0x21c: {  	v35 =	vsub.s32 v43, v4;
	v34 =	vld.idx.msk [tilespmem:v7+s9+$0x0], $0xffff  }
0x21d: {  	vm1 =	vgt.s32 v35, $0x0  }
0x21e: {  	v7 =	vnsel vm1, $0x0, v35  }
0x21f: {  	v7 =	vmin.u32 v7, $0x1FF  }
0x220: {  	vm1 =	vlt.s32 v4, v40;
	v7 =	vor.u32 $0x200, v7  }
0x221: {  	v5 =	vsel vm1, v34, v33  }
0x222: {  	vm1 =	vgt.s32 v5, $0x0;
	v5 =	vadd.s32 $0xFFFFFFFF, v5  }
0x223: {  	v5 =	vnsel vm1, $0x4000, v5  }
0x224: {  	v36 =	vld [tilespmem:$0x720];
	[tilespmem:$0x310] =	vst v5  }
0x225: {  	v38 =	vsub.s32 v45, v4;
	v37 =	vld.idx.msk [tilespmem:v7+s9+$0x0], $0xffff  }
0x226: {  	vm1 =	vgt.s32 v38, $0x0  }
0x227: {  	v7 =	vnsel vm1, $0x0, v38  }
0x228: {  	v7 =	vmin.u32 v7, $0x1FF  }
0x229: {  	vm1 =	vlt.s32 v4, v42;
	v7 =	vor.u32 $0x200, v7  }
0x22a: {  	v5 =	vsel vm1, v37, v36  }
0x22b: {  	vm1 =	vgt.s32 v5, $0x0;
	v5 =	vadd.s32 $0xFFFFFFFF, v5  }
0x22c: {  	v5 =	vnsel vm1, $0x4000, v5  }
0x22d: {  	v39 =	vld [tilespmem:$0x730];
	[tilespmem:$0x320] =	vst v5  }
0x22e: {  	v41 =	vsub.s32 v47, v4;
	v40 =	vld.idx.msk [tilespmem:v7+s9+$0x0], $0xffff  }
0x22f: {  	vm1 =	vgt.s32 v41, $0x0  }
0x230: {  	v7 =	vnsel vm1, $0x0, v41  }
0x231: {  	v7 =	vmin.u32 v7, $0x1FF  }
0x232: {  	vm1 =	vlt.s32 v4, v44;
	v7 =	vor.u32 $0x200, v7  }
0x233: {  	v5 =	vsel vm1, v40, v39  }
0x234: {  	vm1 =	vgt.s32 v5, $0x0;
	v5 =	vadd.s32 $0xFFFFFFFF, v5  }
0x235: {  	v5 =	vnsel vm1, $0x4000, v5  }
0x236: {  	v42 =	vld [tilespmem:$0x740];
	[tilespmem:$0x330] =	vst v5  }
0x237: {  	v44 =	vsub.s32 v49, v4;
	v43 =	vld.idx.msk [tilespmem:v7+s9+$0x0], $0xffff  }
0x238: {  	vm1 =	vgt.s32 v44, $0x0  }
0x239: {  	v7 =	vnsel vm1, $0x0, v44  }
0x23a: {  	v7 =	vmin.u32 v7, $0x1FF  }
0x23b: {  	vm1 =	vlt.s32 v4, v46;
	v7 =	vor.u32 $0x200, v7  }
0x23c: {  	v5 =	vsel vm1, v43, v42  }
0x23d: {  	vm1 =	vgt.s32 v5, $0x0;
	v5 =	vadd.s32 $0xFFFFFFFF, v5  }
0x23e: {  	v5 =	vnsel vm1, $0x4000, v5  }
0x23f: {  	v45 =	vld [tilespmem:$0x750];
	[tilespmem:$0x340] =	vst v5  }
0x240: {  	v47 =	vsub.s32 v51, v4;
	v46 =	vld.idx.msk [tilespmem:v7+s9+$0x0], $0xffff  }
0x241: {  	vm1 =	vgt.s32 v47, $0x0  }
0x242: {  	v7 =	vnsel vm1, $0x0, v47  }
0x243: {  	v7 =	vmin.u32 v7, $0x1FF  }
0x244: {  	vm1 =	vlt.s32 v4, v48;
	v7 =	vor.u32 $0x200, v7  }
0x245: {  	v5 =	vsel vm1, v46, v45  }
0x246: {  	vm1 =	vgt.s32 v5, $0x0;
	v5 =	vadd.s32 $0xFFFFFFFF, v5  }
0x247: {  	v5 =	vnsel vm1, $0x4000, v5  }
0x248: {  	v49 =	vld [tilespmem:$0x760];
	[tilespmem:$0x350] =	vst v5  }
0x249: {  	v53 =	vsub.s32 v53, v4;
	v51 =	vld.idx.msk [tilespmem:v7+s9+$0x0], $0xffff  }
0x24a: {  	vm1 =	vgt.s32 v53, $0x0  }
0x24b: {  	v7 =	vnsel vm1, $0x0, v53  }
0x24c: {  	v7 =	vmin.u32 v7, $0x1FF  }
0x24d: {  	vm1 =	vlt.s32 v4, v50;
	v7 =	vor.u32 $0x200, v7  }
0x24e: {  	v5 =	vsel vm1, v51, v49  }
0x24f: {  	vm1 =	vgt.s32 v5, $0x0;
	v5 =	vadd.s32 $0xFFFFFFFF, v5  }
0x250: {  	v5 =	vnsel vm1, $0x4000, v5  }
0x251: {  	v0 =	vld [tilespmem:$0x770];
	[tilespmem:$0x360] =	vst v5  }
0x252: {  	v10 =	vsub.s32 v55, v4;
	v9 =	vld.idx.msk [tilespmem:v7+s9+$0x0], $0xffff  }
0x253: {  	vm1 =	vgt.s32 v10, $0x0  }
0x254: {  	v7 =	vnsel vm1, $0x0, v10  }
0x255: {  	v7 =	vmin.u32 v7, $0x1FF  }
0x256: {  	vm1 =	vlt.s32 v4, v52;
	v7 =	vor.u32 $0x200, v7  }
0x257: {  	v5 =	vsel vm1, v9, v0  }
0x258: {  	vm1 =	vgt.s32 v5, $0x0;
	v5 =	vadd.s32 $0xFFFFFFFF, v5  }
0x259: {  	v5 =	vnsel vm1, $0x4000, v5  }
0x25a: {  	v11 =	vld [tilespmem:$0x780];
	[tilespmem:$0x370] =	vst v5  }
0x25b: {  	v13 =	vsub.s32 v57, v4;
	v12 =	vld.idx.msk [tilespmem:v7+s9+$0x0], $0xffff  }
0x25c: {  	vm1 =	vgt.s32 v13, $0x0  }
0x25d: {  	v7 =	vnsel vm1, $0x0, v13  }
0x25e: {  	v7 =	vmin.u32 v7, $0x1FF  }
0x25f: {  	vm1 =	vlt.s32 v4, v54;
	v7 =	vor.u32 $0x200, v7  }
0x260: {  	v5 =	vsel vm1, v12, v11  }
0x261: {  	vm1 =	vgt.s32 v5, $0x0;
	v5 =	vadd.s32 $0xFFFFFFFF, v5  }
0x262: {  	v5 =	vnsel vm1, $0x4000, v5  }
0x263: {  	v14 =	vld [tilespmem:$0x790];
	[tilespmem:$0x380] =	vst v5  }
0x264: {  	v16 =	vsub.s32 v59, v4;
	v15 =	vld.idx.msk [tilespmem:v7+s9+$0x0], $0xffff  }
0x265: {  	vm1 =	vgt.s32 v16, $0x0  }
0x266: {  	v7 =	vnsel vm1, $0x0, v16  }
0x267: {  	v7 =	vmin.u32 v7, $0x1FF  }
0x268: {  	vm1 =	vlt.s32 v4, v56;
	v7 =	vor.u32 $0x200, v7  }
0x269: {  	v5 =	vsel vm1, v15, v14  }
0x26a: {  	vm1 =	vgt.s32 v5, $0x0;
	v5 =	vadd.s32 $0xFFFFFFFF, v5  }
0x26b: {  	v5 =	vnsel vm1, $0x4000, v5  }
0x26c: {  	v17 =	vld [tilespmem:$0x7A0];
	[tilespmem:$0x390] =	vst v5  }
0x26d: {  	v19 =	vsub.s32 v61, v4;
	v18 =	vld.idx.msk [tilespmem:v7+s9+$0x0], $0xffff  }
0x26e: {  	vm1 =	vgt.s32 v19, $0x0  }
0x26f: {  	v7 =	vnsel vm1, $0x0, v19  }
0x270: {  	v7 =	vmin.u32 v7, $0x1FF  }
0x271: {  	vm1 =	vlt.s32 v4, v58;
	v7 =	vor.u32 $0x200, v7  }
0x272: {  	v5 =	vsel vm1, v18, v17  }
0x273: {  	vm1 =	vgt.s32 v5, $0x0;
	v5 =	vadd.s32 $0xFFFFFFFF, v5  }
0x274: {  	v5 =	vnsel vm1, $0x4000, v5  }
0x275: {  	v20 =	vld [tilespmem:$0x7B0];
	[tilespmem:$0x3A0] =	vst v5  }
0x276: {  	v22 =	vsub.s32 v63, v4;
	v21 =	vld.idx.msk [tilespmem:v7+s9+$0x0], $0xffff  }
0x277: {  	vm1 =	vgt.s32 v22, $0x0  }
0x278: {  	v7 =	vnsel vm1, $0x0, v22  }
0x279: {  	v7 =	vmin.u32 v7, $0x1FF  }
0x27a: {  	vm1 =	vlt.s32 v4, v60;
	v7 =	vor.u32 $0x200, v7  }
0x27b: {  	v5 =	vsel vm1, v21, v20  }
0x27c: {  	vm1 =	vgt.s32 v5, $0x0;
	v5 =	vadd.s32 $0xFFFFFFFF, v5  }
0x27d: {  	v5 =	vnsel vm1, $0x4000, v5  }
0x27e: {  	v23 =	vld [tilespmem:$0x7C0];
	[tilespmem:$0x3B0] =	vst v5  }
0x27f: {  	v25 =	vsub.s32 v1, v4;
	v24 =	vld.idx.msk [tilespmem:v7+s9+$0x0], $0xffff  }
0x280: {  	vm1 =	vgt.s32 v25, $0x0  }
0x281: {  	v7 =	vnsel vm1, $0x0, v25  }
0x282: {  	v7 =	vmin.u32 v7, $0x1FF  }
0x283: {  	v28 =	vld [tilespmem:$0x1FFF0];
	vm1 =	vlt.s32 v4, v62;
	v7 =	vor.u32 $0x200, v7  }
0x284: {  	v5 =	vsel vm1, v24, v23  }
0x285: {  	vm1 =	vgt.s32 v5, $0x0;
	v5 =	vadd.s32 $0xFFFFFFFF, v5  }
0x286: {  	v26 =	vld [tilespmem:$0x7D0];
	v5 =	vnsel vm1, $0x4000, v5  }
0x287: {  	v30 =	vld [tilespmem:$0x1FFC0];
	[tilespmem:$0x3C0] =	vst v5  }
0x288: {  	v29 =	vsub.s32 v28, v4;
	v27 =	vld.idx.msk [tilespmem:v7+s9+$0x0], $0xffff  }
0x289: {  	vm1 =	vgt.s32 v29, $0x0  }
0x28a: {  	v7 =	vnsel vm1, $0x0, v29  }
0x28b: {  	v7 =	vmin.u32 v7, $0x1FF  }
0x28c: {  	vm1 =	vlt.s32 v4, v30;
	v7 =	vor.u32 $0x200, v7  }
0x28d: {  	v5 =	vsel vm1, v27, v26  }
0x28e: {  	vm1 =	vgt.s32 v5, $0x0;
	v5 =	vadd.s32 $0xFFFFFFFF, v5  }
0x28f: {  	v31 =	vld [tilespmem:$0x7E0];
	v5 =	vnsel vm1, $0x4000, v5  }
0x290: {  	v33 =	vld [tilespmem:$0x1FFE0];
	[tilespmem:$0x3D0] =	vst v5  }
0x291: {  	v2 =	vsub.s32 v2, v4;
	v32 =	vld.idx.msk [tilespmem:v7+s9+$0x0], $0xffff  }
0x292: {  	vm1 =	vgt.s32 v2, $0x0  }
0x293: {  	v34 =	vld [tilespmem:$0x1FC00];
	v2 =	vnsel vm1, $0x0, v2  }
0x294: {  	v2 =	vmin.u32 v2, $0x1FF  }
0x295: {  	vm1 =	vlt.s32 v4, v33;
	v2 =	vor.u32 $0x200, v2  }
0x296: {  	v5 =	vsel vm1, v32, v31  }
0x297: {  	vm1 =	vgt.s32 v5, $0x0;
	v5 =	vadd.s32 $0xFFFFFFFF, v5  }
0x298: {  	v35 =	vshrl.u32 v34, $0x3;
	v5 =	vnsel vm1, $0x4000, v5  }
0x299: {  	v6 =	vmul.u32 $0x30, v35;
	v36 =	vld [tilespmem:$0x7F0];
	[tilespmem:$0x3E0] =	vst v5  }
0x29a: {  	v38 =	vlaneseq.u32;
	v0 =	vand.u32 $0x7, v34;
	v37 =	vld.idx.msk [tilespmem:v2+s9+$0x0], $0xffff  }
0x29b: {  	v6 =	vor.u32 v0, v6;
	v0 =	vshrl.u32 v38, $0x3;
	v2 =	vand.u32 $0x7, v38  }
0x29c: {  	v0 =	vmul.u32 $0x8, v0;
	v40 =	vperm.xlane v6, v2;
	_ =	sdelay $0x1  }
0x29d: {  	vm1 =	vlt.s32 v4, v3;
	v41 =	vadd.s32 v0, v40  }
0x29e: {  	v3 =	vsel vm1, v37, v36  }
0x29f: {  	v39 =	vlaneseq.u32;
	vm1 =	vgt.s32 v3, $0x0;
	v3 =	vadd.s32 $0xFFFFFFFF, v3  }
0x2a0: {  	v42 =	vnsel vm1, $0x4000, v3;
	v3 =	vor.u32 $0x8, v39  }
0x2a1: {  	[tilespmem:$0x3F0] =	vst v42;
	v43 =	vperm.xlane v6, v3  }
0x2a2: {  	[tilespmem:s12], [sflag:$0x1] =	stream.indirect_vreg.gather [hbm4b:s4+s2], $0x80, v41, vm0, $0xb8;
	[tilespmem:$0x18C80] =	vst v63  }
0x2a3: {  	s7 =	simm.s32 $0x1480;
	v5 =	vadd.s32 v0, v43  }
0x2a4: {  	[tilespmem:s7], [sflag:$0x1] =	stream.indirect_vreg.gather [hbm4b:s5+s2], $0x80, v41, vm0, $0xb8;
	[tilespmem:$0x18C80] =	vst v63  }
0x2a5: {  	s8 =	simm.s32 $0x1C80  }
0x2a6: {  	[tilespmem:s8], [sflag:$0x1] =	stream.indirect_vreg.gather [hbm4b:s6+s2], $0x80, v41, vm0, $0xb8;
	[tilespmem:$0x18C80] =	vst v63  }
0x2a7: {  	s10 =	simm.s32 $0x2480  }
0x2a8: {  	[tilespmem:s10], [sflag:$0x1] =	stream.indirect_vreg.gather [hbm4b:s4+s2], $0x80, v5, vm0, $0xb8;
	[tilespmem:$0x18C80] =	vst v63  }
0x2a9: {  	s11 =	simm.s32 $0x2C80  }
0x2aa: {  	[tilespmem:s11], [sflag:$0x1] =	stream.indirect_vreg.gather [hbm4b:s5+s2], $0x80, v5, vm0, $0xb8;
	[tilespmem:$0x18C80] =	vst v63  }
0x2ab: {  	s13 =	simm.s32 $0x3480  }
0x2ac: {  	[tilespmem:s13], [sflag:$0x1] =	stream.indirect_vreg.gather [hbm4b:s6+s2], $0x80, v5, vm0, $0xb8;
	[tilespmem:$0x18C80] =	vst v63  }
0x2ad: {  	v4 =	vld [tilespmem:$0x10];
	_ =	sdelay $0x4  }
0x2ae: {  	v44 =	vshrl.u32 v4, $0x3  }
0x2af: {  	v5 =	vmul.u32 $0x30, v44  }
0x2b0: {  	v4 =	vand.u32 $0x7, v4  }
0x2b1: {  	v4 =	vor.u32 v4, v5  }
0x2b2: {  	v5 =	vperm.xlane v4, v2;
	_ =	sdelay $0x1  }
0x2b3: {  	v5 =	vadd.s32 v0, v5;
	_ =	sdelay $0x3  }
0x2b4: {  	s14 =	simm.s32 $0x3C80;
	v4 =	vperm.xlane v4, v3  }
0x2b5: {  	[tilespmem:s14], [sflag:$0x1] =	stream.indirect_vreg.gather [hbm4b:s4+s2], $0x80, v5, vm0, $0xb8;
	[tilespmem:$0x18C80] =	vst v63  }
0x2b6: {  	s18 =	simm.s32 $0x4480;
	v4 =	vadd.s32 v0, v4  }
0x2b7: {  	[tilespmem:s18], [sflag:$0x1] =	stream.indirect_vreg.gather [hbm4b:s5+s2], $0x80, v5, vm0, $0xb8;
	[tilespmem:$0x18C80] =	vst v63  }
0x2b8: {  	s19 =	simm.s32 $0x4C80  }
0x2b9: {  	[tilespmem:s19], [sflag:$0x1] =	stream.indirect_vreg.gather [hbm4b:s6+s2], $0x80, v5, vm0, $0xb8;
	[tilespmem:$0x18C80] =	vst v63  }
0x2ba: {  	s20 =	simm.s32 $0x5480  }
0x2bb: {  	[tilespmem:s20], [sflag:$0x1] =	stream.indirect_vreg.gather [hbm4b:s4+s2], $0x80, v4, vm0, $0xb8;
	[tilespmem:$0x18C80] =	vst v63  }
0x2bc: {  	s21 =	simm.s32 $0x5C80  }
0x2bd: {  	[tilespmem:s21], [sflag:$0x1] =	stream.indirect_vreg.gather [hbm4b:s5+s2], $0x80, v4, vm0, $0xb8;
	[tilespmem:$0x18C80] =	vst v63  }
0x2be: {  	s22 =	simm.s32 $0x6480  }
0x2bf: {  	[tilespmem:s22], [sflag:$0x1] =	stream.indirect_vreg.gather [hbm4b:s6+s2], $0x80, v4, vm0, $0xb8;
	[tilespmem:$0x18C80] =	vst v63  }
0x2c0: {  	v4 =	vld [tilespmem:$0x20];
	_ =	sdelay $0x4  }
0x2c1: {  	v45 =	vshrl.u32 v4, $0x3  }
0x2c2: {  	v5 =	vmul.u32 $0x30, v45  }
0x2c3: {  	v4 =	vand.u32 $0x7, v4  }
0x2c4: {  	v4 =	vor.u32 v4, v5  }
0x2c5: {  	v5 =	vperm.xlane v4, v2;
	_ =	sdelay $0x1  }
0x2c6: {  	v5 =	vadd.s32 v0, v5;
	_ =	sdelay $0x3  }
0x2c7: {  	s23 =	simm.s32 $0x6C80;
	v4 =	vperm.xlane v4, v3  }
0x2c8: {  	[tilespmem:s23], [sflag:$0x1] =	stream.indirect_vreg.gather [hbm4b:s4+s2], $0x80, v5, vm0, $0xb8;
	[tilespmem:$0x18C80] =	vst v63  }
0x2c9: {  	s24 =	simm.s32 $0x7480;
	v4 =	vadd.s32 v0, v4  }
0x2ca: {  	[tilespmem:s24], [sflag:$0x1] =	stream.indirect_vreg.gather [hbm4b:s5+s2], $0x80, v5, vm0, $0xb8;
	[tilespmem:$0x18C80] =	vst v63  }
0x2cb: {  	s25 =	simm.s32 $0x7C80  }
0x2cc: {  	[tilespmem:s25], [sflag:$0x1] =	stream.indirect_vreg.gather [hbm4b:s6+s2], $0x80, v5, vm0, $0xb8;
	[tilespmem:$0x18C80] =	vst v63  }
0x2cd: {  	s26 =	simm.s32 $0x8480  }
0x2ce: {  	[tilespmem:s26], [sflag:$0x1] =	stream.indirect_vreg.gather [hbm4b:s4+s2], $0x80, v4, vm0, $0xb8;
	[tilespmem:$0x18C80] =	vst v63  }
0x2cf: {  	s11 =	simm.s32 $0x8C80  }
0x2d0: {  	[tilespmem:s11], [sflag:$0x1] =	stream.indirect_vreg.gather [hbm4b:s5+s2], $0x80, v4, vm0, $0xb8;
	[tilespmem:$0x18C80] =	vst v63  }
0x2d1: {  	s13 =	simm.s32 $0x9480  }
0x2d2: {  	[tilespmem:s13], [sflag:$0x1] =	stream.indirect_vreg.gather [hbm4b:s6+s2], $0x80, v4, vm0, $0xb8;
	[tilespmem:$0x18C80] =	vst v63  }
0x2d3: {  	v4 =	vld [tilespmem:$0x30];
	_ =	sdelay $0x4  }
0x2d4: {  	v46 =	vshrl.u32 v4, $0x3  }
0x2d5: {  	v5 =	vmul.u32 $0x30, v46  }
0x2d6: {  	v4 =	vand.u32 $0x7, v4  }
0x2d7: {  	v4 =	vor.u32 v4, v5  }
0x2d8: {  	v5 =	vperm.xlane v4, v2;
	_ =	sdelay $0x1  }
0x2d9: {  	v5 =	vadd.s32 v0, v5;
	_ =	sdelay $0x3  }
0x2da: {  	s18 =	simm.s32 $0x9C80;
	v4 =	vperm.xlane v4, v3  }
0x2db: {  	[tilespmem:s18], [sflag:$0x1] =	stream.indirect_vreg.gather [hbm4b:s4+s2], $0x80, v5, vm0, $0xb8;
	[tilespmem:$0x18C80] =	vst v63  }
0x2dc: {  	s23 =	simm.s32 $0xA480;
	v4 =	vadd.s32 v0, v4  }
0x2dd: {  	[tilespmem:s23], [sflag:$0x1] =	stream.indirect_vreg.gather [hbm4b:s5+s2], $0x80, v5, vm0, $0xb8;
	[tilespmem:$0x18C80] =	vst v63  }
0x2de: {  	s24 =	simm.s32 $0xAC80  }
0x2df: {  	[tilespmem:s24], [sflag:$0x1] =	stream.indirect_vreg.gather [hbm4b:s6+s2], $0x80, v5, vm0, $0xb8;
	[tilespmem:$0x18C80] =	vst v63  }
0x2e0: {  	s25 =	simm.s32 $0xB480  }
0x2e1: {  	[tilespmem:s25], [sflag:$0x1] =	stream.indirect_vreg.gather [hbm4b:s4+s2], $0x80, v4, vm0, $0xb8;
	[tilespmem:$0x18C80] =	vst v63  }
0x2e2: {  	s26 =	simm.s32 $0xBC80  }
0x2e3: {  	[tilespmem:s26], [sflag:$0x1] =	stream.indirect_vreg.gather [hbm4b:s5+s2], $0x80, v4, vm0, $0xb8;
	[tilespmem:$0x18C80] =	vst v63  }
0x2e4: {  	s18 =	simm.s32 $0xC480  }
0x2e5: {  	[tilespmem:s18], [sflag:$0x1] =	stream.indirect_vreg.gather [hbm4b:s6+s2], $0x80, v4, vm0, $0xb8;
	[tilespmem:$0x18C80] =	vst v63  }
0x2e6: {  	v4 =	vld [tilespmem:$0x40];
	_ =	sdelay $0x4  }
0x2e7: {  	v47 =	vshrl.u32 v4, $0x3  }
0x2e8: {  	v5 =	vmul.u32 $0x30, v47  }
0x2e9: {  	v4 =	vand.u32 $0x7, v4  }
0x2ea: {  	v4 =	vor.u32 v4, v5  }
0x2eb: {  	v5 =	vperm.xlane v4, v2;
	_ =	sdelay $0x1  }
0x2ec: {  	v5 =	vadd.s32 v0, v5;
	_ =	sdelay $0x3  }
0x2ed: {  	v4 =	vperm.xlane v4, v3  }
0x2ee: {  	[tilespmem:s3], [sflag:$0x2] =	stream.indirect_vreg.gather [hbm4b:s4+s2], $0x80, v5, vm0, $0xb8;
	[tilespmem:$0x18C80] =	vst v63  }
0x2ef: {  	s18 =	simm.s32 $0xD480;
	v4 =	vadd.s32 v0, v4  }
0x2f0: {  	[tilespmem:s18], [sflag:$0x2] =	stream.indirect_vreg.gather [hbm4b:s5+s2], $0x80, v5, vm0, $0xb8;
	[tilespmem:$0x18C80] =	vst v63  }
0x2f1: {  	s18 =	simm.s32 $0xDC80  }
0x2f2: {  	[tilespmem:s18], [sflag:$0x2] =	stream.indirect_vreg.gather [hbm4b:s6+s2], $0x80, v5, vm0, $0xb8;
	[tilespmem:$0x18C80] =	vst v63  }
0x2f3: {  	s18 =	simm.s32 $0xE480  }
0x2f4: {  	[tilespmem:s18], [sflag:$0x2] =	stream.indirect_vreg.gather [hbm4b:s4+s2], $0x80, v4, vm0, $0xb8;
	[tilespmem:$0x18C80] =	vst v63  }
0x2f5: {  	s18 =	simm.s32 $0xEC80  }
0x2f6: {  	[tilespmem:s18], [sflag:$0x2] =	stream.indirect_vreg.gather [hbm4b:s5+s2], $0x80, v4, vm0, $0xb8;
	[tilespmem:$0x18C80] =	vst v63  }
0x2f7: {  	s18 =	simm.s32 $0xF480  }
0x2f8: {  	[tilespmem:s18], [sflag:$0x2] =	stream.indirect_vreg.gather [hbm4b:s6+s2], $0x80, v4, vm0, $0xb8;
	[tilespmem:$0x18C80] =	vst v63  }
0x2f9: {  	v4 =	vld [tilespmem:$0x50];
	_ =	sdelay $0x4  }
0x2fa: {  	v48 =	vshrl.u32 v4, $0x3  }
0x2fb: {  	v5 =	vmul.u32 $0x30, v48  }
0x2fc: {  	v4 =	vand.u32 $0x7, v4  }
0x2fd: {  	v4 =	vor.u32 v4, v5  }
0x2fe: {  	v5 =	vperm.xlane v4, v2;
	_ =	sdelay $0x1  }
0x2ff: {  	v5 =	vadd.s32 v0, v5;
	_ =	sdelay $0x3  }
0x300: {  	s18 =	simm.s32 $0xFC80;
	v4 =	vperm.xlane v4, v3  }
0x301: {  	[tilespmem:s18], [sflag:$0x2] =	stream.indirect_vreg.gather [hbm4b:s4+s2], $0x80, v5, vm0, $0xb8;
	[tilespmem:$0x18C80] =	vst v63  }
0x302: {  	v4 =	vadd.s32 v0, v4;
	s18 =	simm.s32 $0x10480  }
0x303: {  	[tilespmem:s18], [sflag:$0x2] =	stream.indirect_vreg.gather [hbm4b:s5+s2], $0x80, v5, vm0, $0xb8;
	[tilespmem:$0x18C80] =	vst v63  }
0x304: {  	s18 =	simm.s32 $0x10C80  }
0x305: {  	[tilespmem:s18], [sflag:$0x2] =	stream.indirect_vreg.gather [hbm4b:s6+s2], $0x80, v5, vm0, $0xb8;
	[tilespmem:$0x18C80] =	vst v63  }
0x306: {  	s18 =	simm.s32 $0x11480  }
0x307: {  	[tilespmem:s18], [sflag:$0x2] =	stream.indirect_vreg.gather [hbm4b:s4+s2], $0x80, v4, vm0, $0xb8;
	[tilespmem:$0x18C80] =	vst v63  }
0x308: {  	s18 =	simm.s32 $0x11C80  }
0x309: {  	[tilespmem:s18], [sflag:$0x2] =	stream.indirect_vreg.gather [hbm4b:s5+s2], $0x80, v4, vm0, $0xb8;
	[tilespmem:$0x18C80] =	vst v63  }
0x30a: {  	s18 =	simm.s32 $0x12480  }
0x30b: {  	[tilespmem:s18], [sflag:$0x2] =	stream.indirect_vreg.gather [hbm4b:s6+s2], $0x80, v4, vm0, $0xb8;
	[tilespmem:$0x18C80] =	vst v63  }
0x30c: {  	v4 =	vld [tilespmem:$0x60];
	_ =	sdelay $0x4  }
0x30d: {  	v49 =	vshrl.u32 v4, $0x3  }
0x30e: {  	v5 =	vmul.u32 $0x30, v49  }
0x30f: {  	v4 =	vand.u32 $0x7, v4  }
0x310: {  	v4 =	vor.u32 v4, v5  }
0x311: {  	v5 =	vperm.xlane v4, v2;
	_ =	sdelay $0x1  }
0x312: {  	v5 =	vadd.s32 v0, v5;
	_ =	sdelay $0x3  }
0x313: {  	s18 =	simm.s32 $0x12C80;
	v4 =	vperm.xlane v4, v3  }
0x314: {  	[tilespmem:s18], [sflag:$0x2] =	stream.indirect_vreg.gather [hbm4b:s4+s2], $0x80, v5, vm0, $0xb8;
	[tilespmem:$0x18C80] =	vst v63  }
0x315: {  	v4 =	vadd.s32 v0, v4;
	s18 =	simm.s32 $0x13480  }
0x316: {  	[tilespmem:s18], [sflag:$0x2] =	stream.indirect_vreg.gather [hbm4b:s5+s2], $0x80, v5, vm0, $0xb8;
	[tilespmem:$0x18C80] =	vst v63  }
0x317: {  	s18 =	simm.s32 $0x13C80  }
0x318: {  	[tilespmem:s18], [sflag:$0x2] =	stream.indirect_vreg.gather [hbm4b:s6+s2], $0x80, v5, vm0, $0xb8;
	[tilespmem:$0x18C80] =	vst v63  }
0x319: {  	s18 =	simm.s32 $0x14480  }
0x31a: {  	[tilespmem:s18], [sflag:$0x2] =	stream.indirect_vreg.gather [hbm4b:s4+s2], $0x80, v4, vm0, $0xb8;
	[tilespmem:$0x18C80] =	vst v63  }
0x31b: {  	s18 =	simm.s32 $0x14C80  }
0x31c: {  	[tilespmem:s18], [sflag:$0x2] =	stream.indirect_vreg.gather [hbm4b:s5+s2], $0x80, v4, vm0, $0xb8;
	[tilespmem:$0x18C80] =	vst v63  }
0x31d: {  	s18 =	simm.s32 $0x15480  }
0x31e: {  	[tilespmem:s18], [sflag:$0x2] =	stream.indirect_vreg.gather [hbm4b:s6+s2], $0x80, v4, vm0, $0xb8;
	[tilespmem:$0x18C80] =	vst v63  }
0x31f: {  	v4 =	vld [tilespmem:$0x70];
	_ =	sdelay $0x4  }
0x320: {  	v50 =	vshrl.u32 v4, $0x3  }
0x321: {  	v5 =	vmul.u32 $0x30, v50  }
0x322: {  	v4 =	vand.u32 $0x7, v4  }
0x323: {  	v4 =	vor.u32 v4, v5  }
0x324: {  	v5 =	vperm.xlane v4, v2;
	_ =	sdelay $0x1  }
0x325: {  	v5 =	vadd.s32 v0, v5;
	_ =	sdelay $0x3  }
0x326: {  	s18 =	simm.s32 $0x15C80;
	v4 =	vperm.xlane v4, v3  }
0x327: {  	[tilespmem:s18], [sflag:$0x2] =	stream.indirect_vreg.gather [hbm4b:s4+s2], $0x80, v5, vm0, $0xb8;
	[tilespmem:$0x18C80] =	vst v63  }
0x328: {  	v4 =	vadd.s32 v0, v4;
	s18 =	simm.s32 $0x16480  }
0x329: {  	[tilespmem:s18], [sflag:$0x2] =	stream.indirect_vreg.gather [hbm4b:s5+s2], $0x80, v5, vm0, $0xb8;
	[tilespmem:$0x18C80] =	vst v63  }
0x32a: {  	s18 =	simm.s32 $0x16C80  }
0x32b: {  	[tilespmem:s18], [sflag:$0x2] =	stream.indirect_vreg.gather [hbm4b:s6+s2], $0x80, v5, vm0, $0xb8;
	[tilespmem:$0x18C80] =	vst v63  }
0x32c: {  	s18 =	simm.s32 $0x17480  }
0x32d: {  	[tilespmem:s18], [sflag:$0x2] =	stream.indirect_vreg.gather [hbm4b:s4+s2], $0x80, v4, vm0, $0xb8;
	[tilespmem:$0x18C80] =	vst v63  }
0x32e: {  	s18 =	simm.s32 $0x17C80  }
0x32f: {  	[tilespmem:s18], [sflag:$0x2] =	stream.indirect_vreg.gather [hbm4b:s5+s2], $0x80, v4, vm0, $0xb8;
	[tilespmem:$0x18C80] =	vst v63  }
0x330: {  	s18 =	simm.s32 $0x18480  }
0x331: {  	[tilespmem:s18], [sflag:$0x2] =	stream.indirect_vreg.gather [hbm4b:s6+s2], $0x80, v4, vm0, $0xb8;
	[tilespmem:$0x18C80] =	vst v63  }
0x332: {  	_ =	swait.ge [sflag:s15], $0xC000  }
0x333: {  	[sflag:s15] =	ssyncset.done $0x0  }
0x334: {  	s18 =	rddreg [dreg:$0x16];
	[sflag:s15] =	ssyncadd.s32 $0xFFFF4000  }
0x335: {  	[hbm4b:s18+s2] =	stream.linear.scatter [tilespmem:s12], [sflag:$0x3], $0xC000, $0x38;
	[tilespmem:$0x18C80] =	vst v63  }
0x336: {  	_ =	swait.ge [sflag:s16], $0xC000  }
0x337: {  	[sflag:s16] =	ssyncset.done $0x0  }
0x338: {  	[sflag:s16] =	ssyncadd.s32 $0xFFFF4000  }
0x339: {  	v51 =	vld [tilespmem:$0x80];
	_ =	sdelay $0x4  }
0x33a: {  	v52 =	vshrl.u32 v51, $0x3  }
0x33b: {  	v5 =	vmul.u32 $0x30, v52  }
0x33c: {  	v4 =	vand.u32 $0x7, v51  }
0x33d: {  	v4 =	vor.u32 v4, v5  }
0x33e: {  	v5 =	vperm.xlane v4, v2;
	_ =	sdelay $0x1  }
0x33f: {  	v5 =	vadd.s32 v0, v5;
	_ =	sdelay $0x3  }
0x340: {  	v4 =	vperm.xlane v4, v3  }
0x341: {  	[tilespmem:s12], [sflag:$0x1] =	stream.indirect_vreg.gather [hbm4b:s4+s2], $0x80, v5, vm0, $0xb8;
	[tilespmem:$0x18C80] =	vst v63  }
0x342: {  	s17 =	simm.s32 $0x1480;
	v4 =	vadd.s32 v0, v4  }
0x343: {  	[tilespmem:s17], [sflag:$0x1] =	stream.indirect_vreg.gather [hbm4b:s5+s2], $0x80, v5, vm0, $0xb8;
	[tilespmem:$0x18C80] =	vst v63  }
0x344: {  	s28 =	simm.s32 $0x1C80  }
0x345: {  	[tilespmem:s28], [sflag:$0x1] =	stream.indirect_vreg.gather [hbm4b:s6+s2], $0x80, v5, vm0, $0xb8;
	[tilespmem:$0x18C80] =	vst v63  }
0x346: {  	s29 =	simm.s32 $0x2480  }
0x347: {  	[tilespmem:s29], [sflag:$0x1] =	stream.indirect_vreg.gather [hbm4b:s4+s2], $0x80, v4, vm0, $0xb8;
	[tilespmem:$0x18C80] =	vst v63  }
0x348: {  	s30 =	simm.s32 $0x2C80  }
0x349: {  	[tilespmem:s30], [sflag:$0x1] =	stream.indirect_vreg.gather [hbm4b:s5+s2], $0x80, v4, vm0, $0xb8;
	[tilespmem:$0x18C80] =	vst v63  }
0x34a: {  	s1 =	simm.s32 $0x3480  }
0x34b: {  	[tilespmem:s1], [sflag:$0x1] =	stream.indirect_vreg.gather [hbm4b:s6+s2], $0x80, v4, vm0, $0xb8;
	[tilespmem:$0x18C80] =	vst v63  }
0x34c: {  	v4 =	vld [tilespmem:$0x90];
	_ =	sdelay $0x4  }
0x34d: {  	v53 =	vshrl.u32 v4, $0x3  }
0x34e: {  	v5 =	vmul.u32 $0x30, v53  }
0x34f: {  	v4 =	vand.u32 $0x7, v4  }
0x350: {  	v4 =	vor.u32 v4, v5  }
0x351: {  	v5 =	vperm.xlane v4, v2;
	_ =	sdelay $0x1  }
0x352: {  	v5 =	vadd.s32 v0, v5;
	_ =	sdelay $0x3  }
0x353: {  	s7 =	simm.s32 $0x3C80;
	v4 =	vperm.xlane v4, v3  }
0x354: {  	[tilespmem:s7], [sflag:$0x1] =	stream.indirect_vreg.gather [hbm4b:s4+s2], $0x80, v5, vm0, $0xb8;
	[tilespmem:$0x18C80] =	vst v63  }
0x355: {  	s31 =	simm.s32 $0x4480;
	v4 =	vadd.s32 v0, v4  }
0x356: {  	[tilespmem:s31], [sflag:$0x1] =	stream.indirect_vreg.gather [hbm4b:s5+s2], $0x80, v5, vm0, $0xb8;
	[tilespmem:$0x18C80] =	vst v63  }
0x357: {  	s17 =	simm.s32 $0x4C80  }
0x358: {  	[tilespmem:s17], [sflag:$0x1] =	stream.indirect_vreg.gather [hbm4b:s6+s2], $0x80, v5, vm0, $0xb8;
	[tilespmem:$0x18C80] =	vst v63  }
0x359: {  	s18 =	simm.s32 $0x5480  }
0x35a: {  	[tilespmem:s18], [sflag:$0x1] =	stream.indirect_vreg.gather [hbm4b:s4+s2], $0x80, v4, vm0, $0xb8;
	[tilespmem:$0x18C80] =	vst v63  }
0x35b: {  	s14 =	simm.s32 $0x5C80  }
0x35c: {  	[tilespmem:s14], [sflag:$0x1] =	stream.indirect_vreg.gather [hbm4b:s5+s2], $0x80, v4, vm0, $0xb8;
	[tilespmem:$0x18C80] =	vst v63  }
0x35d: {  	s8 =	simm.s32 $0x6480  }
0x35e: {  	[tilespmem:s8], [sflag:$0x1] =	stream.indirect_vreg.gather [hbm4b:s6+s2], $0x80, v4, vm0, $0xb8;
	[tilespmem:$0x18C80] =	vst v63  }
0x35f: {  	v4 =	vld [tilespmem:$0xA0];
	_ =	sdelay $0x4  }
0x360: {  	v54 =	vshrl.u32 v4, $0x3  }
0x361: {  	v5 =	vmul.u32 $0x30, v54  }
0x362: {  	v4 =	vand.u32 $0x7, v4  }
0x363: {  	v4 =	vor.u32 v4, v5  }
0x364: {  	v5 =	vperm.xlane v4, v2;
	_ =	sdelay $0x1  }
0x365: {  	v5 =	vadd.s32 v0, v5;
	_ =	sdelay $0x3  }
0x366: {  	s10 =	simm.s32 $0x6C80;
	v4 =	vperm.xlane v4, v3  }
0x367: {  	[tilespmem:s10], [sflag:$0x1] =	stream.indirect_vreg.gather [hbm4b:s4+s2], $0x80, v5, vm0, $0xb8;
	[tilespmem:$0x18C80] =	vst v63  }
0x368: {  	s19 =	simm.s32 $0x7480;
	v4 =	vadd.s32 v0, v4  }
0x369: {  	[tilespmem:s19], [sflag:$0x1] =	stream.indirect_vreg.gather [hbm4b:s5+s2], $0x80, v5, vm0, $0xb8;
	[tilespmem:$0x18C80] =	vst v63  }
0x36a: {  	s20 =	simm.s32 $0x7C80  }
0x36b: {  	[tilespmem:s20], [sflag:$0x1] =	stream.indirect_vreg.gather [hbm4b:s6+s2], $0x80, v5, vm0, $0xb8;
	[tilespmem:$0x18C80] =	vst v63  }
0x36c: {  	s21 =	simm.s32 $0x8480  }
0x36d: {  	[tilespmem:s21], [sflag:$0x1] =	stream.indirect_vreg.gather [hbm4b:s4+s2], $0x80, v4, vm0, $0xb8;
	[tilespmem:$0x18C80] =	vst v63  }
0x36e: {  	s22 =	simm.s32 $0x8C80  }
0x36f: {  	[tilespmem:s22], [sflag:$0x1] =	stream.indirect_vreg.gather [hbm4b:s5+s2], $0x80, v4, vm0, $0xb8;
	[tilespmem:$0x18C80] =	vst v63  }
0x370: {  	s11 =	simm.s32 $0x9480  }
0x371: {  	[tilespmem:s11], [sflag:$0x1] =	stream.indirect_vreg.gather [hbm4b:s6+s2], $0x80, v4, vm0, $0xb8;
	[tilespmem:$0x18C80] =	vst v63  }
0x372: {  	v4 =	vld [tilespmem:$0xB0];
	_ =	sdelay $0x4  }
0x373: {  	v55 =	vshrl.u32 v4, $0x3  }
0x374: {  	v5 =	vmul.u32 $0x30, v55  }
0x375: {  	v4 =	vand.u32 $0x7, v4  }
0x376: {  	v4 =	vor.u32 v4, v5  }
0x377: {  	v5 =	vperm.xlane v4, v2;
	_ =	sdelay $0x1  }
0x378: {  	v5 =	vadd.s32 v0, v5;
	_ =	sdelay $0x3  }
0x379: {  	s13 =	simm.s32 $0x9C80;
	v4 =	vperm.xlane v4, v3  }
0x37a: {  	[tilespmem:s13], [sflag:$0x1] =	stream.indirect_vreg.gather [hbm4b:s4+s2], $0x80, v5, vm0, $0xb8;
	[tilespmem:$0x18C80] =	vst v63  }
0x37b: {  	s23 =	simm.s32 $0xA480;
	v4 =	vadd.s32 v0, v4  }
0x37c: {  	[tilespmem:s23], [sflag:$0x1] =	stream.indirect_vreg.gather [hbm4b:s5+s2], $0x80, v5, vm0, $0xb8;
	[tilespmem:$0x18C80] =	vst v63  }
0x37d: {  	s24 =	simm.s32 $0xAC80  }
0x37e: {  	[tilespmem:s24], [sflag:$0x1] =	stream.indirect_vreg.gather [hbm4b:s6+s2], $0x80, v5, vm0, $0xb8;
	[tilespmem:$0x18C80] =	vst v63  }
0x37f: {  	s25 =	simm.s32 $0xB480  }
0x380: {  	[tilespmem:s25], [sflag:$0x1] =	stream.indirect_vreg.gather [hbm4b:s4+s2], $0x80, v4, vm0, $0xb8;
	[tilespmem:$0x18C80] =	vst v63  }
0x381: {  	s26 =	simm.s32 $0xBC80  }
0x382: {  	[tilespmem:s26], [sflag:$0x1] =	stream.indirect_vreg.gather [hbm4b:s5+s2], $0x80, v4, vm0, $0xb8;
	[tilespmem:$0x18C80] =	vst v63  }
0x383: {  	s0 =	simm.s32 $0xC480;
	s17 =	simm.s32 $0x2  }
0x384: {  	[tilespmem:s0], [sflag:$0x1] =	stream.indirect_vreg.gather [hbm4b:s6+s2], $0x80, v4, vm0, $0xb8;
	[tilespmem:$0x18C80] =	vst v63  }
0x385: {  	_ =	swait.ge [sflag:s17], $0xC000  }
0x386: {  	[sflag:s17] =	ssyncset.done $0x0  }
0x387: {  	s0 =	simm.s32 $0x4;
	s26 =	rddreg [dreg:$0x6];
	[sflag:s17] =	ssyncadd.s32 $0xFFFF4000  }
0x388: {  	[hbm4b:s26+s2] =	stream.linear.scatter [tilespmem:s3], [sflag:$0x4], $0xC000, $0x38;
	[tilespmem:$0x18C80] =	vst v63  }
0x389: {  	_ =	swait.ge [sflag:s0], $0xC000  }
0x38a: {  	[sflag:s0] =	ssyncset.done $0x0  }
0x38b: {  	[sflag:s0] =	ssyncadd.s32 $0xFFFF4000  }
0x38c: {  	v56 =	vld [tilespmem:$0xC0];
	_ =	sdelay $0x4  }
0x38d: {  	v57 =	vshrl.u32 v56, $0x3  }
0x38e: {  	v5 =	vmul.u32 $0x30, v57  }
0x38f: {  	v4 =	vand.u32 $0x7, v56  }
0x390: {  	v4 =	vor.u32 v4, v5  }
0x391: {  	v5 =	vperm.xlane v4, v2;
	_ =	sdelay $0x1  }
0x392: {  	v5 =	vadd.s32 v0, v5;
	_ =	sdelay $0x3  }
0x393: {  	v4 =	vperm.xlane v4, v3  }
0x394: {  	[tilespmem:s3], [sflag:$0x2] =	stream.indirect_vreg.gather [hbm4b:s4+s2], $0x80, v5, vm0, $0xb8;
	[tilespmem:$0x18C80] =	vst v63  }
0x395: {  	s28 =	simm.s32 $0xD480;
	v4 =	vadd.s32 v0, v4  }
0x396: {  	[tilespmem:s28], [sflag:$0x2] =	stream.indirect_vreg.gather [hbm4b:s5+s2], $0x80, v5, vm0, $0xb8;
	[tilespmem:$0x18C80] =	vst v63  }
0x397: {  	s29 =	simm.s32 $0xDC80  }
0x398: {  	[tilespmem:s29], [sflag:$0x2] =	stream.indirect_vreg.gather [hbm4b:s6+s2], $0x80, v5, vm0, $0xb8;
	[tilespmem:$0x18C80] =	vst v63  }
0x399: {  	s30 =	simm.s32 $0xE480  }
0x39a: {  	[tilespmem:s30], [sflag:$0x2] =	stream.indirect_vreg.gather [hbm4b:s4+s2], $0x80, v4, vm0, $0xb8;
	[tilespmem:$0x18C80] =	vst v63  }
0x39b: {  	s31 =	simm.s32 $0xEC80  }
0x39c: {  	[tilespmem:s31], [sflag:$0x2] =	stream.indirect_vreg.gather [hbm4b:s5+s2], $0x80, v4, vm0, $0xb8;
	[tilespmem:$0x18C80] =	vst v63  }
0x39d: {  	s7 =	simm.s32 $0xF480  }
0x39e: {  	[tilespmem:s7], [sflag:$0x2] =	stream.indirect_vreg.gather [hbm4b:s6+s2], $0x80, v4, vm0, $0xb8;
	[tilespmem:$0x18C80] =	vst v63  }
0x39f: {  	v4 =	vld [tilespmem:$0xD0];
	_ =	sdelay $0x4  }
0x3a0: {  	v58 =	vshrl.u32 v4, $0x3  }
0x3a1: {  	v5 =	vmul.u32 $0x30, v58  }
0x3a2: {  	v4 =	vand.u32 $0x7, v4  }
0x3a3: {  	v4 =	vor.u32 v4, v5  }
0x3a4: {  	v5 =	vperm.xlane v4, v2;
	_ =	sdelay $0x1  }
0x3a5: {  	v5 =	vadd.s32 v0, v5;
	_ =	sdelay $0x3  }
0x3a6: {  	s14 =	simm.s32 $0xFC80;
	v4 =	vperm.xlane v4, v3  }
0x3a7: {  	[tilespmem:s14], [sflag:$0x2] =	stream.indirect_vreg.gather [hbm4b:s4+s2], $0x80, v5, vm0, $0xb8;
	[tilespmem:$0x18C80] =	vst v63  }
0x3a8: {  	s18 =	simm.s32 $0x10480;
	v4 =	vadd.s32 v0, v4  }
0x3a9: {  	[tilespmem:s18], [sflag:$0x2] =	stream.indirect_vreg.gather [hbm4b:s5+s2], $0x80, v5, vm0, $0xb8;
	[tilespmem:$0x18C80] =	vst v63  }
0x3aa: {  	s19 =	simm.s32 $0x10C80  }
0x3ab: {  	[tilespmem:s19], [sflag:$0x2] =	stream.indirect_vreg.gather [hbm4b:s6+s2], $0x80, v5, vm0, $0xb8;
	[tilespmem:$0x18C80] =	vst v63  }
0x3ac: {  	s20 =	simm.s32 $0x11480  }
0x3ad: {  	[tilespmem:s20], [sflag:$0x2] =	stream.indirect_vreg.gather [hbm4b:s4+s2], $0x80, v4, vm0, $0xb8;
	[tilespmem:$0x18C80] =	vst v63  }
0x3ae: {  	s21 =	simm.s32 $0x11C80  }
0x3af: {  	[tilespmem:s21], [sflag:$0x2] =	stream.indirect_vreg.gather [hbm4b:s5+s2], $0x80, v4, vm0, $0xb8;
	[tilespmem:$0x18C80] =	vst v63  }
0x3b0: {  	s22 =	simm.s32 $0x12480  }
0x3b1: {  	[tilespmem:s22], [sflag:$0x2] =	stream.indirect_vreg.gather [hbm4b:s6+s2], $0x80, v4, vm0, $0xb8;
	[tilespmem:$0x18C80] =	vst v63  }
0x3b2: {  	v4 =	vld [tilespmem:$0xE0];
	_ =	sdelay $0x4  }
0x3b3: {  	v59 =	vshrl.u32 v4, $0x3  }
0x3b4: {  	v5 =	vmul.u32 $0x30, v59  }
0x3b5: {  	v4 =	vand.u32 $0x7, v4  }
0x3b6: {  	v4 =	vor.u32 v4, v5  }
0x3b7: {  	v5 =	vperm.xlane v4, v2;
	_ =	sdelay $0x1  }
0x3b8: {  	v5 =	vadd.s32 v0, v5;
	_ =	sdelay $0x3  }
0x3b9: {  	s23 =	simm.s32 $0x12C80;
	v4 =	vperm.xlane v4, v3  }
0x3ba: {  	[tilespmem:s23], [sflag:$0x2] =	stream.indirect_vreg.gather [hbm4b:s4+s2], $0x80, v5, vm0, $0xb8;
	[tilespmem:$0x18C80] =	vst v63  }
0x3bb: {  	s24 =	simm.s32 $0x13480;
	v4 =	vadd.s32 v0, v4  }
0x3bc: {  	[tilespmem:s24], [sflag:$0x2] =	stream.indirect_vreg.gather [hbm4b:s5+s2], $0x80, v5, vm0, $0xb8;
	[tilespmem:$0x18C80] =	vst v63  }
0x3bd: {  	s25 =	simm.s32 $0x13C80  }
0x3be: {  	[tilespmem:s25], [sflag:$0x2] =	stream.indirect_vreg.gather [hbm4b:s6+s2], $0x80, v5, vm0, $0xb8;
	[tilespmem:$0x18C80] =	vst v63  }
0x3bf: {  	s26 =	simm.s32 $0x14480  }
0x3c0: {  	[tilespmem:s26], [sflag:$0x2] =	stream.indirect_vreg.gather [hbm4b:s4+s2], $0x80, v4, vm0, $0xb8;
	[tilespmem:$0x18C80] =	vst v63  }
0x3c1: {  	s28 =	simm.s32 $0x14C80  }
0x3c2: {  	[tilespmem:s28], [sflag:$0x2] =	stream.indirect_vreg.gather [hbm4b:s5+s2], $0x80, v4, vm0, $0xb8;
	[tilespmem:$0x18C80] =	vst v63  }
0x3c3: {  	s29 =	simm.s32 $0x15480  }
0x3c4: {  	[tilespmem:s29], [sflag:$0x2] =	stream.indirect_vreg.gather [hbm4b:s6+s2], $0x80, v4, vm0, $0xb8;
	[tilespmem:$0x18C80] =	vst v63  }
0x3c5: {  	v4 =	vld [tilespmem:$0xF0];
	_ =	sdelay $0x4  }
0x3c6: {  	v60 =	vshrl.u32 v4, $0x3  }
0x3c7: {  	v5 =	vmul.u32 $0x30, v60  }
0x3c8: {  	v4 =	vand.u32 $0x7, v4  }
0x3c9: {  	v4 =	vor.u32 v4, v5  }
0x3ca: {  	v5 =	vperm.xlane v4, v2;
	_ =	sdelay $0x1  }
0x3cb: {  	v5 =	vadd.s32 v0, v5;
	_ =	sdelay $0x3  }
0x3cc: {  	s30 =	simm.s32 $0x15C80;
	v4 =	vperm.xlane v4, v3  }
0x3cd: {  	[tilespmem:s30], [sflag:$0x2] =	stream.indirect_vreg.gather [hbm4b:s4+s2], $0x80, v5, vm0, $0xb8;
	[tilespmem:$0x18C80] =	vst v63  }
0x3ce: {  	s26 =	simm.s32 $0x16480;
	v4 =	vadd.s32 v0, v4  }
0x3cf: {  	[tilespmem:s26], [sflag:$0x2] =	stream.indirect_vreg.gather [hbm4b:s5+s2], $0x80, v5, vm0, $0xb8;
	[tilespmem:$0x18C80] =	vst v63  }
0x3d0: {  	s28 =	simm.s32 $0x16C80  }
0x3d1: {  	[tilespmem:s28], [sflag:$0x2] =	stream.indirect_vreg.gather [hbm4b:s6+s2], $0x80, v5, vm0, $0xb8;
	[tilespmem:$0x18C80] =	vst v63  }
0x3d2: {  	s29 =	simm.s32 $0x17480  }
0x3d3: {  	[tilespmem:s29], [sflag:$0x2] =	stream.indirect_vreg.gather [hbm4b:s4+s2], $0x80, v4, vm0, $0xb8;
	[tilespmem:$0x18C80] =	vst v63  }
0x3d4: {  	s30 =	simm.s32 $0x17C80  }
0x3d5: {  	[tilespmem:s30], [sflag:$0x2] =	stream.indirect_vreg.gather [hbm4b:s5+s2], $0x80, v4, vm0, $0xb8;
	[tilespmem:$0x18C80] =	vst v63  }
0x3d6: {  	s18 =	simm.s32 $0x18480  }
0x3d7: {  	[tilespmem:s18], [sflag:$0x2] =	stream.indirect_vreg.gather [hbm4b:s6+s2], $0x80, v4, vm0, $0xb8;
	[tilespmem:$0x18C80] =	vst v63  }
0x3d8: {  	_ =	swait.ge [sflag:s15], $0xC000  }
0x3d9: {  	[sflag:s15] =	ssyncset.done $0x0  }
0x3da: {  	s18 =	rddreg [dreg:$0x7];
	[sflag:s15] =	ssyncadd.s32 $0xFFFF4000  }
0x3db: {  	[hbm4b:s18+s2] =	stream.linear.scatter [tilespmem:s12], [sflag:$0x3], $0xC000, $0x38;
	[tilespmem:$0x18C80] =	vst v63  }
0x3dc: {  	_ =	swait.ge [sflag:s16], $0xC000  }
0x3dd: {  	[sflag:s16] =	ssyncset.done $0x0  }
0x3de: {  	[sflag:s16] =	ssyncadd.s32 $0xFFFF4000  }
0x3df: {  	v61 =	vld [tilespmem:$0x100];
	_ =	sdelay $0x4  }
0x3e0: {  	v62 =	vshrl.u32 v61, $0x3  }
0x3e1: {  	v5 =	vmul.u32 $0x30, v62  }
0x3e2: {  	v4 =	vand.u32 $0x7, v61  }
0x3e3: {  	v4 =	vor.u32 v4, v5  }
0x3e4: {  	v5 =	vperm.xlane v4, v2;
	_ =	sdelay $0x1  }
0x3e5: {  	v5 =	vadd.s32 v0, v5;
	_ =	sdelay $0x3  }
0x3e6: {  	v4 =	vperm.xlane v4, v3  }
0x3e7: {  	[tilespmem:s12], [sflag:$0x1] =	stream.indirect_vreg.gather [hbm4b:s4+s2], $0x80, v5, vm0, $0xb8;
	[tilespmem:$0x18C80] =	vst v63  }
0x3e8: {  	s18 =	simm.s32 $0x1480;
	v4 =	vadd.s32 v0, v4  }
0x3e9: {  	[tilespmem:s18], [sflag:$0x1] =	stream.indirect_vreg.gather [hbm4b:s5+s2], $0x80, v5, vm0, $0xb8;
	[tilespmem:$0x18C80] =	vst v63  }
0x3ea: {  	s18 =	simm.s32 $0x1C80  }
0x3eb: {  	[tilespmem:s18], [sflag:$0x1] =	stream.indirect_vreg.gather [hbm4b:s6+s2], $0x80, v5, vm0, $0xb8;
	[tilespmem:$0x18C80] =	vst v63  }
0x3ec: {  	s18 =	simm.s32 $0x2480  }
0x3ed: {  	[tilespmem:s18], [sflag:$0x1] =	stream.indirect_vreg.gather [hbm4b:s4+s2], $0x80, v4, vm0, $0xb8;
	[tilespmem:$0x18C80] =	vst v63  }
0x3ee: {  	s18 =	simm.s32 $0x2C80  }
0x3ef: {  	[tilespmem:s18], [sflag:$0x1] =	stream.indirect_vreg.gather [hbm4b:s5+s2], $0x80, v4, vm0, $0xb8;
	[tilespmem:$0x18C80] =	vst v63  }
0x3f0: {  	s18 =	simm.s32 $0x3480  }
0x3f1: {  	[tilespmem:s18], [sflag:$0x1] =	stream.indirect_vreg.gather [hbm4b:s6+s2], $0x80, v4, vm0, $0xb8;
	[tilespmem:$0x18C80] =	vst v63  }
0x3f2: {  	v4 =	vld [tilespmem:$0x110];
	_ =	sdelay $0x4  }
0x3f3: {  	v63 =	vshrl.u32 v4, $0x3  }
0x3f4: {  	v5 =	vmul.u32 $0x30, v63  }
0x3f5: {  	v4 =	vand.u32 $0x7, v4  }
0x3f6: {  	v4 =	vor.u32 v4, v5  }
0x3f7: {  	v5 =	vperm.xlane v4, v2;
	_ =	sdelay $0x1  }
0x3f8: {  	v5 =	vadd.s32 v0, v5;
	_ =	sdelay $0x3  }
0x3f9: {  	s18 =	simm.s32 $0x3C80;
	v4 =	vperm.xlane v4, v3  }
0x3fa: {  	[tilespmem:s18], [sflag:$0x1] =	stream.indirect_vreg.gather [hbm4b:s4+s2], $0x80, v5, vm0, $0xb8;
	[tilespmem:$0x18C80] =	vst v63  }
0x3fb: {  	v4 =	vadd.s32 v0, v4;
	s18 =	simm.s32 $0x4480  }
0x3fc: {  	[tilespmem:s18], [sflag:$0x1] =	stream.indirect_vreg.gather [hbm4b:s5+s2], $0x80, v5, vm0, $0xb8;
	[tilespmem:$0x18C80] =	vst v63  }
0x3fd: {  	s18 =	simm.s32 $0x4C80  }
0x3fe: {  	[tilespmem:s18], [sflag:$0x1] =	stream.indirect_vreg.gather [hbm4b:s6+s2], $0x80, v5, vm0, $0xb8;
	[tilespmem:$0x18C80] =	vst v63  }
0x3ff: {  	s18 =	simm.s32 $0x5480  }
0x400: {  	[tilespmem:s18], [sflag:$0x1] =	stream.indirect_vreg.gather [hbm4b:s4+s2], $0x80, v4, vm0, $0xb8;
	[tilespmem:$0x18C80] =	vst v63  }
0x401: {  	s18 =	simm.s32 $0x5C80  }
0x402: {  	[tilespmem:s18], [sflag:$0x1] =	stream.indirect_vreg.gather [hbm4b:s5+s2], $0x80, v4, vm0, $0xb8;
	[tilespmem:$0x18C80] =	vst v63  }
0x403: {  	s18 =	simm.s32 $0x6480  }
0x404: {  	[tilespmem:s18], [sflag:$0x1] =	stream.indirect_vreg.gather [hbm4b:s6+s2], $0x80, v4, vm0, $0xb8;
	[tilespmem:$0x18C80] =	vst v63  }
0x405: {  	v4 =	vld [tilespmem:$0x120];
	_ =	sdelay $0x4  }
0x406: {  	v1 =	vshrl.u32 v4, $0x3  }
0x407: {  	v5 =	vmul.u32 $0x30, v1  }
0x408: {  	v4 =	vand.u32 $0x7, v4  }
0x409: {  	v4 =	vor.u32 v4, v5  }
0x40a: {  	v5 =	vperm.xlane v4, v2;
	_ =	sdelay $0x1  }
0x40b: {  	v5 =	vadd.s32 v0, v5;
	_ =	sdelay $0x3  }
0x40c: {  	s18 =	simm.s32 $0x6C80;
	v4 =	vperm.xlane v4, v3  }
0x40d: {  	[tilespmem:s18], [sflag:$0x1] =	stream.indirect_vreg.gather [hbm4b:s4+s2], $0x80, v5, vm0, $0xb8;
	[tilespmem:$0x18C80] =	vst v63  }
0x40e: {  	v4 =	vadd.s32 v0, v4;
	s18 =	simm.s32 $0x7480  }
0x40f: {  	[tilespmem:s18], [sflag:$0x1] =	stream.indirect_vreg.gather [hbm4b:s5+s2], $0x80, v5, vm0, $0xb8;
	[tilespmem:$0x18C80] =	vst v63  }
0x410: {  	s18 =	simm.s32 $0x7C80  }
0x411: {  	[tilespmem:s18], [sflag:$0x1] =	stream.indirect_vreg.gather [hbm4b:s6+s2], $0x80, v5, vm0, $0xb8;
	[tilespmem:$0x18C80] =	vst v63  }
0x412: {  	s18 =	simm.s32 $0x8480  }
0x413: {  	[tilespmem:s18], [sflag:$0x1] =	stream.indirect_vreg.gather [hbm4b:s4+s2], $0x80, v4, vm0, $0xb8;
	[tilespmem:$0x18C80] =	vst v63  }
0x414: {  	s18 =	simm.s32 $0x8C80  }
0x415: {  	[tilespmem:s18], [sflag:$0x1] =	stream.indirect_vreg.gather [hbm4b:s5+s2], $0x80, v4, vm0, $0xb8;
	[tilespmem:$0x18C80] =	vst v63  }
0x416: {  	s18 =	simm.s32 $0x9480  }
0x417: {  	[tilespmem:s18], [sflag:$0x1] =	stream.indirect_vreg.gather [hbm4b:s6+s2], $0x80, v4, vm0, $0xb8;
	[tilespmem:$0x18C80] =	vst v63  }
0x418: {  	v4 =	vld [tilespmem:$0x130];
	_ =	sdelay $0x4  }
0x419: {  	v8 =	vshrl.u32 v4, $0x3  }
0x41a: {  	v5 =	vmul.u32 $0x30, v8  }
0x41b: {  	v4 =	vand.u32 $0x7, v4  }
0x41c: {  	v4 =	vor.u32 v4, v5  }
0x41d: {  	v5 =	vperm.xlane v4, v2;
	_ =	sdelay $0x1  }
0x41e: {  	v5 =	vadd.s32 v0, v5;
	_ =	sdelay $0x3  }
0x41f: {  	s18 =	simm.s32 $0x9C80;
	v4 =	vperm.xlane v4, v3  }
0x420: {  	[tilespmem:s18], [sflag:$0x1] =	stream.indirect_vreg.gather [hbm4b:s4+s2], $0x80, v5, vm0, $0xb8;
	[tilespmem:$0x18C80] =	vst v63  }
0x421: {  	v4 =	vadd.s32 v0, v4;
	s18 =	simm.s32 $0xA480  }
0x422: {  	[tilespmem:s18], [sflag:$0x1] =	stream.indirect_vreg.gather [hbm4b:s5+s2], $0x80, v5, vm0, $0xb8;
	[tilespmem:$0x18C80] =	vst v63  }
0x423: {  	s18 =	simm.s32 $0xAC80  }
0x424: {  	[tilespmem:s18], [sflag:$0x1] =	stream.indirect_vreg.gather [hbm4b:s6+s2], $0x80, v5, vm0, $0xb8;
	[tilespmem:$0x18C80] =	vst v63  }
0x425: {  	s18 =	simm.s32 $0xB480  }
0x426: {  	[tilespmem:s18], [sflag:$0x1] =	stream.indirect_vreg.gather [hbm4b:s4+s2], $0x80, v4, vm0, $0xb8;
	[tilespmem:$0x18C80] =	vst v63  }
0x427: {  	s18 =	simm.s32 $0xBC80  }
0x428: {  	[tilespmem:s18], [sflag:$0x1] =	stream.indirect_vreg.gather [hbm4b:s5+s2], $0x80, v4, vm0, $0xb8;
	[tilespmem:$0x18C80] =	vst v63  }
0x429: {  	s18 =	simm.s32 $0xC480  }
0x42a: {  	[tilespmem:s18], [sflag:$0x1] =	stream.indirect_vreg.gather [hbm4b:s6+s2], $0x80, v4, vm0, $0xb8;
	[tilespmem:$0x18C80] =	vst v63  }
0x42b: {  	_ =	swait.ge [sflag:s17], $0xC000  }
0x42c: {  	[sflag:s17] =	ssyncset.done $0x0  }
0x42d: {  	s18 =	rddreg [dreg:$0x8];
	[sflag:s17] =	ssyncadd.s32 $0xFFFF4000  }
0x42e: {  	[hbm4b:s18+s2] =	stream.linear.scatter [tilespmem:s3], [sflag:$0x4], $0xC000, $0x38;
	[tilespmem:$0x18C80] =	vst v63  }
0x42f: {  	_ =	swait.ge [sflag:s0], $0xC000  }
0x430: {  	[sflag:s0] =	ssyncset.done $0x0  }
0x431: {  	[sflag:s0] =	ssyncadd.s32 $0xFFFF4000  }
0x432: {  	v9 =	vld [tilespmem:$0x140];
	_ =	sdelay $0x4  }
0x433: {  	v10 =	vshrl.u32 v9, $0x3  }
0x434: {  	v5 =	vmul.u32 $0x30, v10  }
0x435: {  	v4 =	vand.u32 $0x7, v9  }
0x436: {  	v4 =	vor.u32 v4, v5  }
0x437: {  	v5 =	vperm.xlane v4, v2;
	_ =	sdelay $0x1  }
0x438: {  	v5 =	vadd.s32 v0, v5;
	_ =	sdelay $0x3  }
0x439: {  	v4 =	vperm.xlane v4, v3  }
0x43a: {  	[tilespmem:s3], [sflag:$0x2] =	stream.indirect_vreg.gather [hbm4b:s4+s2], $0x80, v5, vm0, $0xb8;
	[tilespmem:$0x18C80] =	vst v63  }
0x43b: {  	s8 =	simm.s32 $0xD480;
	v4 =	vadd.s32 v0, v4  }
0x43c: {  	[tilespmem:s8], [sflag:$0x2] =	stream.indirect_vreg.gather [hbm4b:s5+s2], $0x80, v5, vm0, $0xb8;
	[tilespmem:$0x18C80] =	vst v63  }
0x43d: {  	s10 =	simm.s32 $0xDC80  }
0x43e: {  	[tilespmem:s10], [sflag:$0x2] =	stream.indirect_vreg.gather [hbm4b:s6+s2], $0x80, v5, vm0, $0xb8;
	[tilespmem:$0x18C80] =	vst v63  }
0x43f: {  	s11 =	simm.s32 $0xE480  }
0x440: {  	[tilespmem:s11], [sflag:$0x2] =	stream.indirect_vreg.gather [hbm4b:s4+s2], $0x80, v4, vm0, $0xb8;
	[tilespmem:$0x18C80] =	vst v63  }
0x441: {  	s13 =	simm.s32 $0xEC80  }
0x442: {  	[tilespmem:s13], [sflag:$0x2] =	stream.indirect_vreg.gather [hbm4b:s5+s2], $0x80, v4, vm0, $0xb8;
	[tilespmem:$0x18C80] =	vst v63  }
0x443: {  	s31 =	simm.s32 $0xF480  }
0x444: {  	[tilespmem:s31], [sflag:$0x2] =	stream.indirect_vreg.gather [hbm4b:s6+s2], $0x80, v4, vm0, $0xb8;
	[tilespmem:$0x18C80] =	vst v63  }
0x445: {  	v4 =	vld [tilespmem:$0x150];
	_ =	sdelay $0x4  }
0x446: {  	v11 =	vshrl.u32 v4, $0x3  }
0x447: {  	v5 =	vmul.u32 $0x30, v11  }
0x448: {  	v4 =	vand.u32 $0x7, v4  }
0x449: {  	v4 =	vor.u32 v4, v5  }
0x44a: {  	v5 =	vperm.xlane v4, v2;
	_ =	sdelay $0x1  }
0x44b: {  	v5 =	vadd.s32 v0, v5;
	_ =	sdelay $0x3  }
0x44c: {  	s1 =	simm.s32 $0xFC80;
	v4 =	vperm.xlane v4, v3  }
0x44d: {  	[tilespmem:s1], [sflag:$0x2] =	stream.indirect_vreg.gather [hbm4b:s4+s2], $0x80, v5, vm0, $0xb8;
	[tilespmem:$0x18C80] =	vst v63  }
0x44e: {  	s14 =	simm.s32 $0x10480;
	v4 =	vadd.s32 v0, v4  }
0x44f: {  	[tilespmem:s14], [sflag:$0x2] =	stream.indirect_vreg.gather [hbm4b:s5+s2], $0x80, v5, vm0, $0xb8;
	[tilespmem:$0x18C80] =	vst v63  }
0x450: {  	s19 =	simm.s32 $0x10C80  }
0x451: {  	[tilespmem:s19], [sflag:$0x2] =	stream.indirect_vreg.gather [hbm4b:s6+s2], $0x80, v5, vm0, $0xb8;
	[tilespmem:$0x18C80] =	vst v63  }
0x452: {  	s20 =	simm.s32 $0x11480  }
0x453: {  	[tilespmem:s20], [sflag:$0x2] =	stream.indirect_vreg.gather [hbm4b:s4+s2], $0x80, v4, vm0, $0xb8;
	[tilespmem:$0x18C80] =	vst v63  }
0x454: {  	s21 =	simm.s32 $0x11C80  }
0x455: {  	[tilespmem:s21], [sflag:$0x2] =	stream.indirect_vreg.gather [hbm4b:s5+s2], $0x80, v4, vm0, $0xb8;
	[tilespmem:$0x18C80] =	vst v63  }
0x456: {  	s7 =	simm.s32 $0x12480  }
0x457: {  	[tilespmem:s7], [sflag:$0x2] =	stream.indirect_vreg.gather [hbm4b:s6+s2], $0x80, v4, vm0, $0xb8;
	[tilespmem:$0x18C80] =	vst v63  }
0x458: {  	v4 =	vld [tilespmem:$0x160];
	_ =	sdelay $0x4  }
0x459: {  	v12 =	vshrl.u32 v4, $0x3  }
0x45a: {  	v5 =	vmul.u32 $0x30, v12  }
0x45b: {  	v4 =	vand.u32 $0x7, v4  }
0x45c: {  	v4 =	vor.u32 v4, v5  }
0x45d: {  	v5 =	vperm.xlane v4, v2;
	_ =	sdelay $0x1  }
0x45e: {  	v5 =	vadd.s32 v0, v5;
	_ =	sdelay $0x3  }
0x45f: {  	s18 =	simm.s32 $0x12C80;
	v4 =	vperm.xlane v4, v3  }
0x460: {  	[tilespmem:s18], [sflag:$0x2] =	stream.indirect_vreg.gather [hbm4b:s4+s2], $0x80, v5, vm0, $0xb8;
	[tilespmem:$0x18C80] =	vst v63  }
0x461: {  	s22 =	simm.s32 $0x13480;
	v4 =	vadd.s32 v0, v4  }
0x462: {  	[tilespmem:s22], [sflag:$0x2] =	stream.indirect_vreg.gather [hbm4b:s5+s2], $0x80, v5, vm0, $0xb8;
	[tilespmem:$0x18C80] =	vst v63  }
0x463: {  	s23 =	simm.s32 $0x13C80  }
0x464: {  	[tilespmem:s23], [sflag:$0x2] =	stream.indirect_vreg.gather [hbm4b:s6+s2], $0x80, v5, vm0, $0xb8;
	[tilespmem:$0x18C80] =	vst v63  }
0x465: {  	s24 =	simm.s32 $0x14480  }
0x466: {  	[tilespmem:s24], [sflag:$0x2] =	stream.indirect_vreg.gather [hbm4b:s4+s2], $0x80, v4, vm0, $0xb8;
	[tilespmem:$0x18C80] =	vst v63  }
0x467: {  	s25 =	simm.s32 $0x14C80  }
0x468: {  	[tilespmem:s25], [sflag:$0x2] =	stream.indirect_vreg.gather [hbm4b:s5+s2], $0x80, v4, vm0, $0xb8;
	[tilespmem:$0x18C80] =	vst v63  }
0x469: {  	s25 =	simm.s32 $0x15480  }
0x46a: {  	[tilespmem:s25], [sflag:$0x2] =	stream.indirect_vreg.gather [hbm4b:s6+s2], $0x80, v4, vm0, $0xb8;
	[tilespmem:$0x18C80] =	vst v63  }
0x46b: {  	v4 =	vld [tilespmem:$0x170];
	_ =	sdelay $0x4  }
0x46c: {  	v13 =	vshrl.u32 v4, $0x3  }
0x46d: {  	v5 =	vmul.u32 $0x30, v13  }
0x46e: {  	v4 =	vand.u32 $0x7, v4  }
0x46f: {  	v4 =	vor.u32 v4, v5  }
0x470: {  	v5 =	vperm.xlane v4, v2;
	_ =	sdelay $0x1  }
0x471: {  	v5 =	vadd.s32 v0, v5;
	_ =	sdelay $0x3  }
0x472: {  	s25 =	simm.s32 $0x15C80;
	v4 =	vperm.xlane v4, v3  }
0x473: {  	[tilespmem:s25], [sflag:$0x2] =	stream.indirect_vreg.gather [hbm4b:s4+s2], $0x80, v5, vm0, $0xb8;
	[tilespmem:$0x18C80] =	vst v63  }
0x474: {  	s26 =	simm.s32 $0x16480;
	v4 =	vadd.s32 v0, v4  }
0x475: {  	[tilespmem:s26], [sflag:$0x2] =	stream.indirect_vreg.gather [hbm4b:s5+s2], $0x80, v5, vm0, $0xb8;
	[tilespmem:$0x18C80] =	vst v63  }
0x476: {  	s28 =	simm.s32 $0x16C80  }
0x477: {  	[tilespmem:s28], [sflag:$0x2] =	stream.indirect_vreg.gather [hbm4b:s6+s2], $0x80, v5, vm0, $0xb8;
	[tilespmem:$0x18C80] =	vst v63  }
0x478: {  	s29 =	simm.s32 $0x17480  }
0x479: {  	[tilespmem:s29], [sflag:$0x2] =	stream.indirect_vreg.gather [hbm4b:s4+s2], $0x80, v4, vm0, $0xb8;
	[tilespmem:$0x18C80] =	vst v63  }
0x47a: {  	s30 =	simm.s32 $0x17C80  }
0x47b: {  	[tilespmem:s30], [sflag:$0x2] =	stream.indirect_vreg.gather [hbm4b:s5+s2], $0x80, v4, vm0, $0xb8;
	[tilespmem:$0x18C80] =	vst v63  }
0x47c: {  	s30 =	simm.s32 $0x18480  }
0x47d: {  	[tilespmem:s30], [sflag:$0x2] =	stream.indirect_vreg.gather [hbm4b:s6+s2], $0x80, v4, vm0, $0xb8;
	[tilespmem:$0x18C80] =	vst v63  }
0x47e: {  	_ =	swait.ge [sflag:s15], $0xC000  }
0x47f: {  	[sflag:s15] =	ssyncset.done $0x0  }
0x480: {  	s18 =	rddreg [dreg:$0x9];
	[sflag:s15] =	ssyncadd.s32 $0xFFFF4000  }
0x481: {  	[hbm4b:s18+s2] =	stream.linear.scatter [tilespmem:s12], [sflag:$0x3], $0xC000, $0x38;
	[tilespmem:$0x18C80] =	vst v63  }
0x482: {  	_ =	swait.ge [sflag:s16], $0xC000  }
0x483: {  	[sflag:s16] =	ssyncset.done $0x0  }
0x484: {  	[sflag:s16] =	ssyncadd.s32 $0xFFFF4000  }
0x485: {  	v14 =	vld [tilespmem:$0x180];
	_ =	sdelay $0x4  }
0x486: {  	v15 =	vshrl.u32 v14, $0x3  }
0x487: {  	v5 =	vmul.u32 $0x30, v15  }
0x488: {  	v4 =	vand.u32 $0x7, v14  }
0x489: {  	v4 =	vor.u32 v4, v5  }
0x48a: {  	v5 =	vperm.xlane v4, v2;
	_ =	sdelay $0x1  }
0x48b: {  	v5 =	vadd.s32 v0, v5;
	_ =	sdelay $0x3  }
0x48c: {  	v4 =	vperm.xlane v4, v3  }
0x48d: {  	[tilespmem:s12], [sflag:$0x1] =	stream.indirect_vreg.gather [hbm4b:s4+s2], $0x80, v5, vm0, $0xb8;
	[tilespmem:$0x18C80] =	vst v63  }
0x48e: {  	s18 =	simm.s32 $0x1480;
	v4 =	vadd.s32 v0, v4  }
0x48f: {  	[tilespmem:s18], [sflag:$0x1] =	stream.indirect_vreg.gather [hbm4b:s5+s2], $0x80, v5, vm0, $0xb8;
	[tilespmem:$0x18C80] =	vst v63  }
0x490: {  	s18 =	simm.s32 $0x1C80  }
0x491: {  	[tilespmem:s18], [sflag:$0x1] =	stream.indirect_vreg.gather [hbm4b:s6+s2], $0x80, v5, vm0, $0xb8;
	[tilespmem:$0x18C80] =	vst v63  }
0x492: {  	s18 =	simm.s32 $0x2480  }
0x493: {  	[tilespmem:s18], [sflag:$0x1] =	stream.indirect_vreg.gather [hbm4b:s4+s2], $0x80, v4, vm0, $0xb8;
	[tilespmem:$0x18C80] =	vst v63  }
0x494: {  	s18 =	simm.s32 $0x2C80  }
0x495: {  	[tilespmem:s18], [sflag:$0x1] =	stream.indirect_vreg.gather [hbm4b:s5+s2], $0x80, v4, vm0, $0xb8;
	[tilespmem:$0x18C80] =	vst v63  }
0x496: {  	s18 =	simm.s32 $0x3480  }
0x497: {  	[tilespmem:s18], [sflag:$0x1] =	stream.indirect_vreg.gather [hbm4b:s6+s2], $0x80, v4, vm0, $0xb8;
	[tilespmem:$0x18C80] =	vst v63  }
0x498: {  	v4 =	vld [tilespmem:$0x190];
	_ =	sdelay $0x4  }
0x499: {  	v16 =	vshrl.u32 v4, $0x3  }
0x49a: {  	v5 =	vmul.u32 $0x30, v16  }
0x49b: {  	v4 =	vand.u32 $0x7, v4  }
0x49c: {  	v4 =	vor.u32 v4, v5  }
0x49d: {  	v5 =	vperm.xlane v4, v2;
	_ =	sdelay $0x1  }
0x49e: {  	v5 =	vadd.s32 v0, v5;
	_ =	sdelay $0x3  }
0x49f: {  	s18 =	simm.s32 $0x3C80;
	v4 =	vperm.xlane v4, v3  }
0x4a0: {  	[tilespmem:s18], [sflag:$0x1] =	stream.indirect_vreg.gather [hbm4b:s4+s2], $0x80, v5, vm0, $0xb8;
	[tilespmem:$0x18C80] =	vst v63  }
0x4a1: {  	v4 =	vadd.s32 v0, v4;
	s18 =	simm.s32 $0x4480  }
0x4a2: {  	[tilespmem:s18], [sflag:$0x1] =	stream.indirect_vreg.gather [hbm4b:s5+s2], $0x80, v5, vm0, $0xb8;
	[tilespmem:$0x18C80] =	vst v63  }
0x4a3: {  	s18 =	simm.s32 $0x4C80  }
0x4a4: {  	[tilespmem:s18], [sflag:$0x1] =	stream.indirect_vreg.gather [hbm4b:s6+s2], $0x80, v5, vm0, $0xb8;
	[tilespmem:$0x18C80] =	vst v63  }
0x4a5: {  	s18 =	simm.s32 $0x5480  }
0x4a6: {  	[tilespmem:s18], [sflag:$0x1] =	stream.indirect_vreg.gather [hbm4b:s4+s2], $0x80, v4, vm0, $0xb8;
	[tilespmem:$0x18C80] =	vst v63  }
0x4a7: {  	s18 =	simm.s32 $0x5C80  }
0x4a8: {  	[tilespmem:s18], [sflag:$0x1] =	stream.indirect_vreg.gather [hbm4b:s5+s2], $0x80, v4, vm0, $0xb8;
	[tilespmem:$0x18C80] =	vst v63  }
0x4a9: {  	s18 =	simm.s32 $0x6480  }
0x4aa: {  	[tilespmem:s18], [sflag:$0x1] =	stream.indirect_vreg.gather [hbm4b:s6+s2], $0x80, v4, vm0, $0xb8;
	[tilespmem:$0x18C80] =	vst v63  }
0x4ab: {  	v4 =	vld [tilespmem:$0x1A0];
	_ =	sdelay $0x4  }
0x4ac: {  	v17 =	vshrl.u32 v4, $0x3  }
0x4ad: {  	v5 =	vmul.u32 $0x30, v17  }
0x4ae: {  	v4 =	vand.u32 $0x7, v4  }
0x4af: {  	v4 =	vor.u32 v4, v5  }
0x4b0: {  	v5 =	vperm.xlane v4, v2;
	_ =	sdelay $0x1  }
0x4b1: {  	v5 =	vadd.s32 v0, v5;
	_ =	sdelay $0x3  }
0x4b2: {  	s18 =	simm.s32 $0x6C80;
	v4 =	vperm.xlane v4, v3  }
0x4b3: {  	[tilespmem:s18], [sflag:$0x1] =	stream.indirect_vreg.gather [hbm4b:s4+s2], $0x80, v5, vm0, $0xb8;
	[tilespmem:$0x18C80] =	vst v63  }
0x4b4: {  	v4 =	vadd.s32 v0, v4;
	s18 =	simm.s32 $0x7480  }
0x4b5: {  	[tilespmem:s18], [sflag:$0x1] =	stream.indirect_vreg.gather [hbm4b:s5+s2], $0x80, v5, vm0, $0xb8;
	[tilespmem:$0x18C80] =	vst v63  }
0x4b6: {  	s18 =	simm.s32 $0x7C80  }
0x4b7: {  	[tilespmem:s18], [sflag:$0x1] =	stream.indirect_vreg.gather [hbm4b:s6+s2], $0x80, v5, vm0, $0xb8;
	[tilespmem:$0x18C80] =	vst v63  }
0x4b8: {  	s18 =	simm.s32 $0x8480  }
0x4b9: {  	[tilespmem:s18], [sflag:$0x1] =	stream.indirect_vreg.gather [hbm4b:s4+s2], $0x80, v4, vm0, $0xb8;
	[tilespmem:$0x18C80] =	vst v63  }
0x4ba: {  	s18 =	simm.s32 $0x8C80  }
0x4bb: {  	[tilespmem:s18], [sflag:$0x1] =	stream.indirect_vreg.gather [hbm4b:s5+s2], $0x80, v4, vm0, $0xb8;
	[tilespmem:$0x18C80] =	vst v63  }
0x4bc: {  	s18 =	simm.s32 $0x9480  }
0x4bd: {  	[tilespmem:s18], [sflag:$0x1] =	stream.indirect_vreg.gather [hbm4b:s6+s2], $0x80, v4, vm0, $0xb8;
	[tilespmem:$0x18C80] =	vst v63  }
0x4be: {  	v4 =	vld [tilespmem:$0x1B0];
	_ =	sdelay $0x4  }
0x4bf: {  	v18 =	vshrl.u32 v4, $0x3  }
0x4c0: {  	v5 =	vmul.u32 $0x30, v18  }
0x4c1: {  	v4 =	vand.u32 $0x7, v4  }
0x4c2: {  	v4 =	vor.u32 v4, v5  }
0x4c3: {  	v5 =	vperm.xlane v4, v2;
	_ =	sdelay $0x1  }
0x4c4: {  	v5 =	vadd.s32 v0, v5;
	_ =	sdelay $0x3  }
0x4c5: {  	s18 =	simm.s32 $0x9C80;
	v4 =	vperm.xlane v4, v3  }
0x4c6: {  	[tilespmem:s18], [sflag:$0x1] =	stream.indirect_vreg.gather [hbm4b:s4+s2], $0x80, v5, vm0, $0xb8;
	[tilespmem:$0x18C80] =	vst v63  }
0x4c7: {  	v4 =	vadd.s32 v0, v4;
	s18 =	simm.s32 $0xA480  }
0x4c8: {  	[tilespmem:s18], [sflag:$0x1] =	stream.indirect_vreg.gather [hbm4b:s5+s2], $0x80, v5, vm0, $0xb8;
	[tilespmem:$0x18C80] =	vst v63  }
0x4c9: {  	s18 =	simm.s32 $0xAC80  }
0x4ca: {  	[tilespmem:s18], [sflag:$0x1] =	stream.indirect_vreg.gather [hbm4b:s6+s2], $0x80, v5, vm0, $0xb8;
	[tilespmem:$0x18C80] =	vst v63  }
0x4cb: {  	s18 =	simm.s32 $0xB480  }
0x4cc: {  	[tilespmem:s18], [sflag:$0x1] =	stream.indirect_vreg.gather [hbm4b:s4+s2], $0x80, v4, vm0, $0xb8;
	[tilespmem:$0x18C80] =	vst v63  }
0x4cd: {  	s18 =	simm.s32 $0xBC80  }
0x4ce: {  	[tilespmem:s18], [sflag:$0x1] =	stream.indirect_vreg.gather [hbm4b:s5+s2], $0x80, v4, vm0, $0xb8;
	[tilespmem:$0x18C80] =	vst v63  }
0x4cf: {  	s18 =	simm.s32 $0xC480  }
0x4d0: {  	[tilespmem:s18], [sflag:$0x1] =	stream.indirect_vreg.gather [hbm4b:s6+s2], $0x80, v4, vm0, $0xb8;
	[tilespmem:$0x18C80] =	vst v63  }
0x4d1: {  	_ =	swait.ge [sflag:s17], $0xC000  }
0x4d2: {  	[sflag:s17] =	ssyncset.done $0x0  }
0x4d3: {  	s18 =	rddreg [dreg:$0xa];
	[sflag:s17] =	ssyncadd.s32 $0xFFFF4000  }
0x4d4: {  	[hbm4b:s18+s2] =	stream.linear.scatter [tilespmem:s3], [sflag:$0x4], $0xC000, $0x38;
	[tilespmem:$0x18C80] =	vst v63  }
0x4d5: {  	_ =	swait.ge [sflag:s0], $0xC000  }
0x4d6: {  	[sflag:s0] =	ssyncset.done $0x0  }
0x4d7: {  	[sflag:s0] =	ssyncadd.s32 $0xFFFF4000  }
0x4d8: {  	v19 =	vld [tilespmem:$0x1C0];
	_ =	sdelay $0x4  }
0x4d9: {  	v20 =	vshrl.u32 v19, $0x3  }
0x4da: {  	v5 =	vmul.u32 $0x30, v20  }
0x4db: {  	v4 =	vand.u32 $0x7, v19  }
0x4dc: {  	v4 =	vor.u32 v4, v5  }
0x4dd: {  	v5 =	vperm.xlane v4, v2;
	_ =	sdelay $0x1  }
0x4de: {  	v5 =	vadd.s32 v0, v5;
	_ =	sdelay $0x3  }
0x4df: {  	v4 =	vperm.xlane v4, v3  }
0x4e0: {  	[tilespmem:s3], [sflag:$0x2] =	stream.indirect_vreg.gather [hbm4b:s4+s2], $0x80, v5, vm0, $0xb8;
	[tilespmem:$0x18C80] =	vst v63  }
0x4e1: {  	s8 =	simm.s32 $0xD480;
	v4 =	vadd.s32 v0, v4  }
0x4e2: {  	[tilespmem:s8], [sflag:$0x2] =	stream.indirect_vreg.gather [hbm4b:s5+s2], $0x80, v5, vm0, $0xb8;
	[tilespmem:$0x18C80] =	vst v63  }
0x4e3: {  	s10 =	simm.s32 $0xDC80  }
0x4e4: {  	[tilespmem:s10], [sflag:$0x2] =	stream.indirect_vreg.gather [hbm4b:s6+s2], $0x80, v5, vm0, $0xb8;
	[tilespmem:$0x18C80] =	vst v63  }
0x4e5: {  	s11 =	simm.s32 $0xE480  }
0x4e6: {  	[tilespmem:s11], [sflag:$0x2] =	stream.indirect_vreg.gather [hbm4b:s4+s2], $0x80, v4, vm0, $0xb8;
	[tilespmem:$0x18C80] =	vst v63  }
0x4e7: {  	s13 =	simm.s32 $0xEC80  }
0x4e8: {  	[tilespmem:s13], [sflag:$0x2] =	stream.indirect_vreg.gather [hbm4b:s5+s2], $0x80, v4, vm0, $0xb8;
	[tilespmem:$0x18C80] =	vst v63  }
0x4e9: {  	s31 =	simm.s32 $0xF480  }
0x4ea: {  	[tilespmem:s31], [sflag:$0x2] =	stream.indirect_vreg.gather [hbm4b:s6+s2], $0x80, v4, vm0, $0xb8;
	[tilespmem:$0x18C80] =	vst v63  }
0x4eb: {  	v4 =	vld [tilespmem:$0x1D0];
	_ =	sdelay $0x4  }
0x4ec: {  	v21 =	vshrl.u32 v4, $0x3  }
0x4ed: {  	v5 =	vmul.u32 $0x30, v21  }
0x4ee: {  	v4 =	vand.u32 $0x7, v4  }
0x4ef: {  	v4 =	vor.u32 v4, v5  }
0x4f0: {  	v5 =	vperm.xlane v4, v2;
	_ =	sdelay $0x1  }
0x4f1: {  	v5 =	vadd.s32 v0, v5;
	_ =	sdelay $0x3  }
0x4f2: {  	s1 =	simm.s32 $0xFC80;
	v4 =	vperm.xlane v4, v3  }
0x4f3: {  	[tilespmem:s1], [sflag:$0x2] =	stream.indirect_vreg.gather [hbm4b:s4+s2], $0x80, v5, vm0, $0xb8;
	[tilespmem:$0x18C80] =	vst v63  }
0x4f4: {  	s14 =	simm.s32 $0x10480;
	v4 =	vadd.s32 v0, v4  }
0x4f5: {  	[tilespmem:s14], [sflag:$0x2] =	stream.indirect_vreg.gather [hbm4b:s5+s2], $0x80, v5, vm0, $0xb8;
	[tilespmem:$0x18C80] =	vst v63  }
0x4f6: {  	s19 =	simm.s32 $0x10C80  }
0x4f7: {  	[tilespmem:s19], [sflag:$0x2] =	stream.indirect_vreg.gather [hbm4b:s6+s2], $0x80, v5, vm0, $0xb8;
	[tilespmem:$0x18C80] =	vst v63  }
0x4f8: {  	s20 =	simm.s32 $0x11480  }
0x4f9: {  	[tilespmem:s20], [sflag:$0x2] =	stream.indirect_vreg.gather [hbm4b:s4+s2], $0x80, v4, vm0, $0xb8;
	[tilespmem:$0x18C80] =	vst v63  }
0x4fa: {  	s21 =	simm.s32 $0x11C80  }
0x4fb: {  	[tilespmem:s21], [sflag:$0x2] =	stream.indirect_vreg.gather [hbm4b:s5+s2], $0x80, v4, vm0, $0xb8;
	[tilespmem:$0x18C80] =	vst v63  }
0x4fc: {  	s18 =	simm.s32 $0x12480  }
0x4fd: {  	[tilespmem:s18], [sflag:$0x2] =	stream.indirect_vreg.gather [hbm4b:s6+s2], $0x80, v4, vm0, $0xb8;
	[tilespmem:$0x18C80] =	vst v63  }
0x4fe: {  	v4 =	vld [tilespmem:$0x1E0];
	_ =	sdelay $0x4  }
0x4ff: {  	v22 =	vshrl.u32 v4, $0x3  }
0x500: {  	v5 =	vmul.u32 $0x30, v22  }
0x501: {  	v4 =	vand.u32 $0x7, v4  }
0x502: {  	v4 =	vor.u32 v4, v5  }
0x503: {  	v5 =	vperm.xlane v4, v2;
	_ =	sdelay $0x1  }
0x504: {  	v5 =	vadd.s32 v0, v5;
	_ =	sdelay $0x3  }
0x505: {  	s18 =	simm.s32 $0x12C80;
	v4 =	vperm.xlane v4, v3  }
0x506: {  	[tilespmem:s18], [sflag:$0x2] =	stream.indirect_vreg.gather [hbm4b:s4+s2], $0x80, v5, vm0, $0xb8;
	[tilespmem:$0x18C80] =	vst v63  }
0x507: {  	s7 =	simm.s32 $0x13480;
	v4 =	vadd.s32 v0, v4  }
0x508: {  	[tilespmem:s7], [sflag:$0x2] =	stream.indirect_vreg.gather [hbm4b:s5+s2], $0x80, v5, vm0, $0xb8;
	[tilespmem:$0x18C80] =	vst v63  }
0x509: {  	s22 =	simm.s32 $0x13C80  }
0x50a: {  	[tilespmem:s22], [sflag:$0x2] =	stream.indirect_vreg.gather [hbm4b:s6+s2], $0x80, v5, vm0, $0xb8;
	[tilespmem:$0x18C80] =	vst v63  }
0x50b: {  	s23 =	simm.s32 $0x14480  }
0x50c: {  	[tilespmem:s23], [sflag:$0x2] =	stream.indirect_vreg.gather [hbm4b:s4+s2], $0x80, v4, vm0, $0xb8;
	[tilespmem:$0x18C80] =	vst v63  }
0x50d: {  	s24 =	simm.s32 $0x14C80  }
0x50e: {  	[tilespmem:s24], [sflag:$0x2] =	stream.indirect_vreg.gather [hbm4b:s5+s2], $0x80, v4, vm0, $0xb8;
	[tilespmem:$0x18C80] =	vst v63  }
0x50f: {  	s18 =	simm.s32 $0x15480  }
0x510: {  	[tilespmem:s18], [sflag:$0x2] =	stream.indirect_vreg.gather [hbm4b:s6+s2], $0x80, v4, vm0, $0xb8;
	[tilespmem:$0x18C80] =	vst v63  }
0x511: {  	v4 =	vld [tilespmem:$0x1F0];
	_ =	sdelay $0x4  }
0x512: {  	v23 =	vshrl.u32 v4, $0x3  }
0x513: {  	v5 =	vmul.u32 $0x30, v23  }
0x514: {  	v4 =	vand.u32 $0x7, v4  }
0x515: {  	v4 =	vor.u32 v4, v5  }
0x516: {  	v5 =	vperm.xlane v4, v2;
	_ =	sdelay $0x1  }
0x517: {  	v5 =	vadd.s32 v0, v5;
	_ =	sdelay $0x3  }
0x518: {  	s18 =	simm.s32 $0x15C80;
	v4 =	vperm.xlane v4, v3  }
0x519: {  	[tilespmem:s18], [sflag:$0x2] =	stream.indirect_vreg.gather [hbm4b:s4+s2], $0x80, v5, vm0, $0xb8;
	[tilespmem:$0x18C80] =	vst v63  }
0x51a: {  	s25 =	simm.s32 $0x16480;
	v4 =	vadd.s32 v0, v4  }
0x51b: {  	[tilespmem:s25], [sflag:$0x2] =	stream.indirect_vreg.gather [hbm4b:s5+s2], $0x80, v5, vm0, $0xb8;
	[tilespmem:$0x18C80] =	vst v63  }
0x51c: {  	s26 =	simm.s32 $0x16C80  }
0x51d: {  	[tilespmem:s26], [sflag:$0x2] =	stream.indirect_vreg.gather [hbm4b:s6+s2], $0x80, v5, vm0, $0xb8;
	[tilespmem:$0x18C80] =	vst v63  }
0x51e: {  	s28 =	simm.s32 $0x17480  }
0x51f: {  	[tilespmem:s28], [sflag:$0x2] =	stream.indirect_vreg.gather [hbm4b:s4+s2], $0x80, v4, vm0, $0xb8;
	[tilespmem:$0x18C80] =	vst v63  }
0x520: {  	s29 =	simm.s32 $0x17C80  }
0x521: {  	[tilespmem:s29], [sflag:$0x2] =	stream.indirect_vreg.gather [hbm4b:s5+s2], $0x80, v4, vm0, $0xb8;
	[tilespmem:$0x18C80] =	vst v63  }
0x522: {  	s30 =	simm.s32 $0x18480  }
0x523: {  	[tilespmem:s30], [sflag:$0x2] =	stream.indirect_vreg.gather [hbm4b:s6+s2], $0x80, v4, vm0, $0xb8;
	[tilespmem:$0x18C80] =	vst v63  }
0x524: {  	_ =	swait.ge [sflag:s15], $0xC000  }
0x525: {  	[sflag:s15] =	ssyncset.done $0x0  }
0x526: {  	s18 =	rddreg [dreg:$0xb];
	[sflag:s15] =	ssyncadd.s32 $0xFFFF4000  }
0x527: {  	[hbm4b:s18+s2] =	stream.linear.scatter [tilespmem:s12], [sflag:$0x3], $0xC000, $0x38;
	[tilespmem:$0x18C80] =	vst v63  }
0x528: {  	_ =	swait.ge [sflag:s16], $0xC000  }
0x529: {  	[sflag:s16] =	ssyncset.done $0x0  }
0x52a: {  	[sflag:s16] =	ssyncadd.s32 $0xFFFF4000  }
0x52b: {  	v24 =	vld [tilespmem:$0x200];
	_ =	sdelay $0x4  }
0x52c: {  	v25 =	vshrl.u32 v24, $0x3  }
0x52d: {  	v5 =	vmul.u32 $0x30, v25  }
0x52e: {  	v4 =	vand.u32 $0x7, v24  }
0x52f: {  	v4 =	vor.u32 v4, v5  }
0x530: {  	v5 =	vperm.xlane v4, v2;
	_ =	sdelay $0x1  }
0x531: {  	v5 =	vadd.s32 v0, v5;
	_ =	sdelay $0x3  }
0x532: {  	v4 =	vperm.xlane v4, v3  }
0x533: {  	[tilespmem:s12], [sflag:$0x1] =	stream.indirect_vreg.gather [hbm4b:s4+s2], $0x80, v5, vm0, $0xb8;
	[tilespmem:$0x18C80] =	vst v63  }
0x534: {  	s18 =	simm.s32 $0x1480;
	v4 =	vadd.s32 v0, v4  }
0x535: {  	[tilespmem:s18], [sflag:$0x1] =	stream.indirect_vreg.gather [hbm4b:s5+s2], $0x80, v5, vm0, $0xb8;
	[tilespmem:$0x18C80] =	vst v63  }
0x536: {  	s18 =	simm.s32 $0x1C80  }
0x537: {  	[tilespmem:s18], [sflag:$0x1] =	stream.indirect_vreg.gather [hbm4b:s6+s2], $0x80, v5, vm0, $0xb8;
	[tilespmem:$0x18C80] =	vst v63  }
0x538: {  	s18 =	simm.s32 $0x2480  }
0x539: {  	[tilespmem:s18], [sflag:$0x1] =	stream.indirect_vreg.gather [hbm4b:s4+s2], $0x80, v4, vm0, $0xb8;
	[tilespmem:$0x18C80] =	vst v63  }
0x53a: {  	s18 =	simm.s32 $0x2C80  }
0x53b: {  	[tilespmem:s18], [sflag:$0x1] =	stream.indirect_vreg.gather [hbm4b:s5+s2], $0x80, v4, vm0, $0xb8;
	[tilespmem:$0x18C80] =	vst v63  }
0x53c: {  	s18 =	simm.s32 $0x3480  }
0x53d: {  	[tilespmem:s18], [sflag:$0x1] =	stream.indirect_vreg.gather [hbm4b:s6+s2], $0x80, v4, vm0, $0xb8;
	[tilespmem:$0x18C80] =	vst v63  }
0x53e: {  	v4 =	vld [tilespmem:$0x210];
	_ =	sdelay $0x4  }
0x53f: {  	v26 =	vshrl.u32 v4, $0x3  }
0x540: {  	v5 =	vmul.u32 $0x30, v26  }
0x541: {  	v4 =	vand.u32 $0x7, v4  }
0x542: {  	v4 =	vor.u32 v4, v5  }
0x543: {  	v5 =	vperm.xlane v4, v2;
	_ =	sdelay $0x1  }
0x544: {  	v5 =	vadd.s32 v0, v5;
	_ =	sdelay $0x3  }
0x545: {  	s18 =	simm.s32 $0x3C80;
	v4 =	vperm.xlane v4, v3  }
0x546: {  	[tilespmem:s18], [sflag:$0x1] =	stream.indirect_vreg.gather [hbm4b:s4+s2], $0x80, v5, vm0, $0xb8;
	[tilespmem:$0x18C80] =	vst v63  }
0x547: {  	v4 =	vadd.s32 v0, v4;
	s18 =	simm.s32 $0x4480  }
0x548: {  	[tilespmem:s18], [sflag:$0x1] =	stream.indirect_vreg.gather [hbm4b:s5+s2], $0x80, v5, vm0, $0xb8;
	[tilespmem:$0x18C80] =	vst v63  }
0x549: {  	s18 =	simm.s32 $0x4C80  }
0x54a: {  	[tilespmem:s18], [sflag:$0x1] =	stream.indirect_vreg.gather [hbm4b:s6+s2], $0x80, v5, vm0, $0xb8;
	[tilespmem:$0x18C80] =	vst v63  }
0x54b: {  	s18 =	simm.s32 $0x5480  }
0x54c: {  	[tilespmem:s18], [sflag:$0x1] =	stream.indirect_vreg.gather [hbm4b:s4+s2], $0x80, v4, vm0, $0xb8;
	[tilespmem:$0x18C80] =	vst v63  }
0x54d: {  	s18 =	simm.s32 $0x5C80  }
0x54e: {  	[tilespmem:s18], [sflag:$0x1] =	stream.indirect_vreg.gather [hbm4b:s5+s2], $0x80, v4, vm0, $0xb8;
	[tilespmem:$0x18C80] =	vst v63  }
0x54f: {  	s18 =	simm.s32 $0x6480  }
0x550: {  	[tilespmem:s18], [sflag:$0x1] =	stream.indirect_vreg.gather [hbm4b:s6+s2], $0x80, v4, vm0, $0xb8;
	[tilespmem:$0x18C80] =	vst v63  }
0x551: {  	v4 =	vld [tilespmem:$0x220];
	_ =	sdelay $0x4  }
0x552: {  	v27 =	vshrl.u32 v4, $0x3  }
0x553: {  	v5 =	vmul.u32 $0x30, v27  }
0x554: {  	v4 =	vand.u32 $0x7, v4  }
0x555: {  	v4 =	vor.u32 v4, v5  }
0x556: {  	v5 =	vperm.xlane v4, v2;
	_ =	sdelay $0x1  }
0x557: {  	v5 =	vadd.s32 v0, v5;
	_ =	sdelay $0x3  }
0x558: {  	s18 =	simm.s32 $0x6C80;
	v4 =	vperm.xlane v4, v3  }
0x559: {  	[tilespmem:s18], [sflag:$0x1] =	stream.indirect_vreg.gather [hbm4b:s4+s2], $0x80, v5, vm0, $0xb8;
	[tilespmem:$0x18C80] =	vst v63  }
0x55a: {  	v4 =	vadd.s32 v0, v4;
	s18 =	simm.s32 $0x7480  }
0x55b: {  	[tilespmem:s18], [sflag:$0x1] =	stream.indirect_vreg.gather [hbm4b:s5+s2], $0x80, v5, vm0, $0xb8;
	[tilespmem:$0x18C80] =	vst v63  }
0x55c: {  	s18 =	simm.s32 $0x7C80  }
0x55d: {  	[tilespmem:s18], [sflag:$0x1] =	stream.indirect_vreg.gather [hbm4b:s6+s2], $0x80, v5, vm0, $0xb8;
	[tilespmem:$0x18C80] =	vst v63  }
0x55e: {  	s18 =	simm.s32 $0x8480  }
0x55f: {  	[tilespmem:s18], [sflag:$0x1] =	stream.indirect_vreg.gather [hbm4b:s4+s2], $0x80, v4, vm0, $0xb8;
	[tilespmem:$0x18C80] =	vst v63  }
0x560: {  	s18 =	simm.s32 $0x8C80  }
0x561: {  	[tilespmem:s18], [sflag:$0x1] =	stream.indirect_vreg.gather [hbm4b:s5+s2], $0x80, v4, vm0, $0xb8;
	[tilespmem:$0x18C80] =	vst v63  }
0x562: {  	s18 =	simm.s32 $0x9480  }
0x563: {  	[tilespmem:s18], [sflag:$0x1] =	stream.indirect_vreg.gather [hbm4b:s6+s2], $0x80, v4, vm0, $0xb8;
	[tilespmem:$0x18C80] =	vst v63  }
0x564: {  	v4 =	vld [tilespmem:$0x230];
	_ =	sdelay $0x4  }
0x565: {  	v28 =	vshrl.u32 v4, $0x3  }
0x566: {  	v5 =	vmul.u32 $0x30, v28  }
0x567: {  	v4 =	vand.u32 $0x7, v4  }
0x568: {  	v4 =	vor.u32 v4, v5  }
0x569: {  	v5 =	vperm.xlane v4, v2;
	_ =	sdelay $0x1  }
0x56a: {  	v5 =	vadd.s32 v0, v5;
	_ =	sdelay $0x3  }
0x56b: {  	s18 =	simm.s32 $0x9C80;
	v4 =	vperm.xlane v4, v3  }
0x56c: {  	[tilespmem:s18], [sflag:$0x1] =	stream.indirect_vreg.gather [hbm4b:s4+s2], $0x80, v5, vm0, $0xb8;
	[tilespmem:$0x18C80] =	vst v63  }
0x56d: {  	v4 =	vadd.s32 v0, v4;
	s18 =	simm.s32 $0xA480  }
0x56e: {  	[tilespmem:s18], [sflag:$0x1] =	stream.indirect_vreg.gather [hbm4b:s5+s2], $0x80, v5, vm0, $0xb8;
	[tilespmem:$0x18C80] =	vst v63  }
0x56f: {  	s18 =	simm.s32 $0xAC80  }
0x570: {  	[tilespmem:s18], [sflag:$0x1] =	stream.indirect_vreg.gather [hbm4b:s6+s2], $0x80, v5, vm0, $0xb8;
	[tilespmem:$0x18C80] =	vst v63  }
0x571: {  	s18 =	simm.s32 $0xB480  }
0x572: {  	[tilespmem:s18], [sflag:$0x1] =	stream.indirect_vreg.gather [hbm4b:s4+s2], $0x80, v4, vm0, $0xb8;
	[tilespmem:$0x18C80] =	vst v63  }
0x573: {  	s18 =	simm.s32 $0xBC80  }
0x574: {  	[tilespmem:s18], [sflag:$0x1] =	stream.indirect_vreg.gather [hbm4b:s5+s2], $0x80, v4, vm0, $0xb8;
	[tilespmem:$0x18C80] =	vst v63  }
0x575: {  	s18 =	simm.s32 $0xC480  }
0x576: {  	[tilespmem:s18], [sflag:$0x1] =	stream.indirect_vreg.gather [hbm4b:s6+s2], $0x80, v4, vm0, $0xb8;
	[tilespmem:$0x18C80] =	vst v63  }
0x577: {  	_ =	swait.ge [sflag:s17], $0xC000  }
0x578: {  	[sflag:s17] =	ssyncset.done $0x0  }
0x579: {  	s18 =	rddreg [dreg:$0xc];
	[sflag:s17] =	ssyncadd.s32 $0xFFFF4000  }
0x57a: {  	[hbm4b:s18+s2] =	stream.linear.scatter [tilespmem:s3], [sflag:$0x4], $0xC000, $0x38;
	[tilespmem:$0x18C80] =	vst v63  }
0x57b: {  	_ =	swait.ge [sflag:s0], $0xC000  }
0x57c: {  	[sflag:s0] =	ssyncset.done $0x0  }
0x57d: {  	[sflag:s0] =	ssyncadd.s32 $0xFFFF4000  }
0x57e: {  	v29 =	vld [tilespmem:$0x240];
	_ =	sdelay $0x4  }
0x57f: {  	v30 =	vshrl.u32 v29, $0x3  }
0x580: {  	v5 =	vmul.u32 $0x30, v30  }
0x581: {  	v4 =	vand.u32 $0x7, v29  }
0x582: {  	v4 =	vor.u32 v4, v5  }
0x583: {  	v5 =	vperm.xlane v4, v2;
	_ =	sdelay $0x1  }
0x584: {  	v5 =	vadd.s32 v0, v5;
	_ =	sdelay $0x3  }
0x585: {  	v4 =	vperm.xlane v4, v3  }
0x586: {  	[tilespmem:s3], [sflag:$0x2] =	stream.indirect_vreg.gather [hbm4b:s4+s2], $0x80, v5, vm0, $0xb8;
	[tilespmem:$0x18C80] =	vst v63  }
0x587: {  	s8 =	simm.s32 $0xD480;
	v4 =	vadd.s32 v0, v4  }
0x588: {  	[tilespmem:s8], [sflag:$0x2] =	stream.indirect_vreg.gather [hbm4b:s5+s2], $0x80, v5, vm0, $0xb8;
	[tilespmem:$0x18C80] =	vst v63  }
0x589: {  	s10 =	simm.s32 $0xDC80  }
0x58a: {  	[tilespmem:s10], [sflag:$0x2] =	stream.indirect_vreg.gather [hbm4b:s6+s2], $0x80, v5, vm0, $0xb8;
	[tilespmem:$0x18C80] =	vst v63  }
0x58b: {  	s11 =	simm.s32 $0xE480  }
0x58c: {  	[tilespmem:s11], [sflag:$0x2] =	stream.indirect_vreg.gather [hbm4b:s4+s2], $0x80, v4, vm0, $0xb8;
	[tilespmem:$0x18C80] =	vst v63  }
0x58d: {  	s13 =	simm.s32 $0xEC80  }
0x58e: {  	[tilespmem:s13], [sflag:$0x2] =	stream.indirect_vreg.gather [hbm4b:s5+s2], $0x80, v4, vm0, $0xb8;
	[tilespmem:$0x18C80] =	vst v63  }
0x58f: {  	s31 =	simm.s32 $0xF480  }
0x590: {  	[tilespmem:s31], [sflag:$0x2] =	stream.indirect_vreg.gather [hbm4b:s6+s2], $0x80, v4, vm0, $0xb8;
	[tilespmem:$0x18C80] =	vst v63  }
0x591: {  	v4 =	vld [tilespmem:$0x250];
	_ =	sdelay $0x4  }
0x592: {  	v31 =	vshrl.u32 v4, $0x3  }
0x593: {  	v5 =	vmul.u32 $0x30, v31  }
0x594: {  	v4 =	vand.u32 $0x7, v4  }
0x595: {  	v4 =	vor.u32 v4, v5  }
0x596: {  	v5 =	vperm.xlane v4, v2;
	_ =	sdelay $0x1  }
0x597: {  	v5 =	vadd.s32 v0, v5;
	_ =	sdelay $0x3  }
0x598: {  	s1 =	simm.s32 $0xFC80;
	v4 =	vperm.xlane v4, v3  }
0x599: {  	[tilespmem:s1], [sflag:$0x2] =	stream.indirect_vreg.gather [hbm4b:s4+s2], $0x80, v5, vm0, $0xb8;
	[tilespmem:$0x18C80] =	vst v63  }
0x59a: {  	s14 =	simm.s32 $0x10480;
	v4 =	vadd.s32 v0, v4  }
0x59b: {  	[tilespmem:s14], [sflag:$0x2] =	stream.indirect_vreg.gather [hbm4b:s5+s2], $0x80, v5, vm0, $0xb8;
	[tilespmem:$0x18C80] =	vst v63  }
0x59c: {  	s19 =	simm.s32 $0x10C80  }
0x59d: {  	[tilespmem:s19], [sflag:$0x2] =	stream.indirect_vreg.gather [hbm4b:s6+s2], $0x80, v5, vm0, $0xb8;
	[tilespmem:$0x18C80] =	vst v63  }
0x59e: {  	s20 =	simm.s32 $0x11480  }
0x59f: {  	[tilespmem:s20], [sflag:$0x2] =	stream.indirect_vreg.gather [hbm4b:s4+s2], $0x80, v4, vm0, $0xb8;
	[tilespmem:$0x18C80] =	vst v63  }
0x5a0: {  	s21 =	simm.s32 $0x11C80  }
0x5a1: {  	[tilespmem:s21], [sflag:$0x2] =	stream.indirect_vreg.gather [hbm4b:s5+s2], $0x80, v4, vm0, $0xb8;
	[tilespmem:$0x18C80] =	vst v63  }
0x5a2: {  	s18 =	simm.s32 $0x12480  }
0x5a3: {  	[tilespmem:s18], [sflag:$0x2] =	stream.indirect_vreg.gather [hbm4b:s6+s2], $0x80, v4, vm0, $0xb8;
	[tilespmem:$0x18C80] =	vst v63  }
0x5a4: {  	v4 =	vld [tilespmem:$0x260];
	_ =	sdelay $0x4  }
0x5a5: {  	v32 =	vshrl.u32 v4, $0x3  }
0x5a6: {  	v5 =	vmul.u32 $0x30, v32  }
0x5a7: {  	v4 =	vand.u32 $0x7, v4  }
0x5a8: {  	v4 =	vor.u32 v4, v5  }
0x5a9: {  	v5 =	vperm.xlane v4, v2;
	_ =	sdelay $0x1  }
0x5aa: {  	v5 =	vadd.s32 v0, v5;
	_ =	sdelay $0x3  }
0x5ab: {  	s18 =	simm.s32 $0x12C80;
	v4 =	vperm.xlane v4, v3  }
0x5ac: {  	[tilespmem:s18], [sflag:$0x2] =	stream.indirect_vreg.gather [hbm4b:s4+s2], $0x80, v5, vm0, $0xb8;
	[tilespmem:$0x18C80] =	vst v63  }
0x5ad: {  	s7 =	simm.s32 $0x13480;
	v4 =	vadd.s32 v0, v4  }
0x5ae: {  	[tilespmem:s7], [sflag:$0x2] =	stream.indirect_vreg.gather [hbm4b:s5+s2], $0x80, v5, vm0, $0xb8;
	[tilespmem:$0x18C80] =	vst v63  }
0x5af: {  	s22 =	simm.s32 $0x13C80  }
0x5b0: {  	[tilespmem:s22], [sflag:$0x2] =	stream.indirect_vreg.gather [hbm4b:s6+s2], $0x80, v5, vm0, $0xb8;
	[tilespmem:$0x18C80] =	vst v63  }
0x5b1: {  	s23 =	simm.s32 $0x14480  }
0x5b2: {  	[tilespmem:s23], [sflag:$0x2] =	stream.indirect_vreg.gather [hbm4b:s4+s2], $0x80, v4, vm0, $0xb8;
	[tilespmem:$0x18C80] =	vst v63  }
0x5b3: {  	s24 =	simm.s32 $0x14C80  }
0x5b4: {  	[tilespmem:s24], [sflag:$0x2] =	stream.indirect_vreg.gather [hbm4b:s5+s2], $0x80, v4, vm0, $0xb8;
	[tilespmem:$0x18C80] =	vst v63  }
0x5b5: {  	s24 =	simm.s32 $0x15480  }
0x5b6: {  	[tilespmem:s24], [sflag:$0x2] =	stream.indirect_vreg.gather [hbm4b:s6+s2], $0x80, v4, vm0, $0xb8;
	[tilespmem:$0x18C80] =	vst v63  }
0x5b7: {  	v4 =	vld [tilespmem:$0x270];
	_ =	sdelay $0x4  }
0x5b8: {  	v33 =	vshrl.u32 v4, $0x3  }
0x5b9: {  	v5 =	vmul.u32 $0x30, v33  }
0x5ba: {  	v4 =	vand.u32 $0x7, v4  }
0x5bb: {  	v4 =	vor.u32 v4, v5  }
0x5bc: {  	v5 =	vperm.xlane v4, v2;
	_ =	sdelay $0x1  }
0x5bd: {  	v5 =	vadd.s32 v0, v5;
	_ =	sdelay $0x3  }
0x5be: {  	s24 =	simm.s32 $0x15C80;
	v4 =	vperm.xlane v4, v3  }
0x5bf: {  	[tilespmem:s24], [sflag:$0x2] =	stream.indirect_vreg.gather [hbm4b:s4+s2], $0x80, v5, vm0, $0xb8;
	[tilespmem:$0x18C80] =	vst v63  }
0x5c0: {  	s25 =	simm.s32 $0x16480;
	v4 =	vadd.s32 v0, v4  }
0x5c1: {  	[tilespmem:s25], [sflag:$0x2] =	stream.indirect_vreg.gather [hbm4b:s5+s2], $0x80, v5, vm0, $0xb8;
	[tilespmem:$0x18C80] =	vst v63  }
0x5c2: {  	s26 =	simm.s32 $0x16C80  }
0x5c3: {  	[tilespmem:s26], [sflag:$0x2] =	stream.indirect_vreg.gather [hbm4b:s6+s2], $0x80, v5, vm0, $0xb8;
	[tilespmem:$0x18C80] =	vst v63  }
0x5c4: {  	s28 =	simm.s32 $0x17480  }
0x5c5: {  	[tilespmem:s28], [sflag:$0x2] =	stream.indirect_vreg.gather [hbm4b:s4+s2], $0x80, v4, vm0, $0xb8;
	[tilespmem:$0x18C80] =	vst v63  }
0x5c6: {  	s29 =	simm.s32 $0x17C80  }
0x5c7: {  	[tilespmem:s29], [sflag:$0x2] =	stream.indirect_vreg.gather [hbm4b:s5+s2], $0x80, v4, vm0, $0xb8;
	[tilespmem:$0x18C80] =	vst v63  }
0x5c8: {  	s30 =	simm.s32 $0x18480  }
0x5c9: {  	[tilespmem:s30], [sflag:$0x2] =	stream.indirect_vreg.gather [hbm4b:s6+s2], $0x80, v4, vm0, $0xb8;
	[tilespmem:$0x18C80] =	vst v63  }
0x5ca: {  	_ =	swait.ge [sflag:s15], $0xC000  }
0x5cb: {  	[sflag:s15] =	ssyncset.done $0x0  }
0x5cc: {  	s30 =	rddreg [dreg:$0xd];
	[sflag:s15] =	ssyncadd.s32 $0xFFFF4000  }
0x5cd: {  	[hbm4b:s30+s2] =	stream.linear.scatter [tilespmem:s12], [sflag:$0x3], $0xC000, $0x38;
	[tilespmem:$0x18C80] =	vst v63  }
0x5ce: {  	_ =	swait.ge [sflag:s16], $0xC000  }
0x5cf: {  	[sflag:s16] =	ssyncset.done $0x0  }
0x5d0: {  	[sflag:s16] =	ssyncadd.s32 $0xFFFF4000  }
0x5d1: {  	v34 =	vld [tilespmem:$0x280];
	_ =	sdelay $0x4  }
0x5d2: {  	v35 =	vshrl.u32 v34, $0x3  }
0x5d3: {  	v5 =	vmul.u32 $0x30, v35  }
0x5d4: {  	v4 =	vand.u32 $0x7, v34  }
0x5d5: {  	v4 =	vor.u32 v4, v5  }
0x5d6: {  	v5 =	vperm.xlane v4, v2;
	_ =	sdelay $0x1  }
0x5d7: {  	v5 =	vadd.s32 v0, v5;
	_ =	sdelay $0x3  }
0x5d8: {  	v4 =	vperm.xlane v4, v3  }
0x5d9: {  	[tilespmem:s12], [sflag:$0x1] =	stream.indirect_vreg.gather [hbm4b:s4+s2], $0x80, v5, vm0, $0xb8;
	[tilespmem:$0x18C80] =	vst v63  }
0x5da: {  	s30 =	simm.s32 $0x1480;
	v4 =	vadd.s32 v0, v4  }
0x5db: {  	[tilespmem:s30], [sflag:$0x1] =	stream.indirect_vreg.gather [hbm4b:s5+s2], $0x80, v5, vm0, $0xb8;
	[tilespmem:$0x18C80] =	vst v63  }
0x5dc: {  	s30 =	simm.s32 $0x1C80  }
0x5dd: {  	[tilespmem:s30], [sflag:$0x1] =	stream.indirect_vreg.gather [hbm4b:s6+s2], $0x80, v5, vm0, $0xb8;
	[tilespmem:$0x18C80] =	vst v63  }
0x5de: {  	s30 =	simm.s32 $0x2480  }
0x5df: {  	[tilespmem:s30], [sflag:$0x1] =	stream.indirect_vreg.gather [hbm4b:s4+s2], $0x80, v4, vm0, $0xb8;
	[tilespmem:$0x18C80] =	vst v63  }
0x5e0: {  	s30 =	simm.s32 $0x2C80  }
0x5e1: {  	[tilespmem:s30], [sflag:$0x1] =	stream.indirect_vreg.gather [hbm4b:s5+s2], $0x80, v4, vm0, $0xb8;
	[tilespmem:$0x18C80] =	vst v63  }
0x5e2: {  	s30 =	simm.s32 $0x3480  }
0x5e3: {  	[tilespmem:s30], [sflag:$0x1] =	stream.indirect_vreg.gather [hbm4b:s6+s2], $0x80, v4, vm0, $0xb8;
	[tilespmem:$0x18C80] =	vst v63  }
0x5e4: {  	v4 =	vld [tilespmem:$0x290];
	_ =	sdelay $0x4  }
0x5e5: {  	v36 =	vshrl.u32 v4, $0x3  }
0x5e6: {  	v5 =	vmul.u32 $0x30, v36  }
0x5e7: {  	v4 =	vand.u32 $0x7, v4  }
0x5e8: {  	v4 =	vor.u32 v4, v5  }
0x5e9: {  	v5 =	vperm.xlane v4, v2;
	_ =	sdelay $0x1  }
0x5ea: {  	v5 =	vadd.s32 v0, v5;
	_ =	sdelay $0x3  }
0x5eb: {  	s30 =	simm.s32 $0x3C80;
	v4 =	vperm.xlane v4, v3  }
0x5ec: {  	[tilespmem:s30], [sflag:$0x1] =	stream.indirect_vreg.gather [hbm4b:s4+s2], $0x80, v5, vm0, $0xb8;
	[tilespmem:$0x18C80] =	vst v63  }
0x5ed: {  	v4 =	vadd.s32 v0, v4;
	s30 =	simm.s32 $0x4480  }
0x5ee: {  	[tilespmem:s30], [sflag:$0x1] =	stream.indirect_vreg.gather [hbm4b:s5+s2], $0x80, v5, vm0, $0xb8;
	[tilespmem:$0x18C80] =	vst v63  }
0x5ef: {  	s30 =	simm.s32 $0x4C80  }
0x5f0: {  	[tilespmem:s30], [sflag:$0x1] =	stream.indirect_vreg.gather [hbm4b:s6+s2], $0x80, v5, vm0, $0xb8;
	[tilespmem:$0x18C80] =	vst v63  }
0x5f1: {  	s30 =	simm.s32 $0x5480  }
0x5f2: {  	[tilespmem:s30], [sflag:$0x1] =	stream.indirect_vreg.gather [hbm4b:s4+s2], $0x80, v4, vm0, $0xb8;
	[tilespmem:$0x18C80] =	vst v63  }
0x5f3: {  	s30 =	simm.s32 $0x5C80  }
0x5f4: {  	[tilespmem:s30], [sflag:$0x1] =	stream.indirect_vreg.gather [hbm4b:s5+s2], $0x80, v4, vm0, $0xb8;
	[tilespmem:$0x18C80] =	vst v63  }
0x5f5: {  	s30 =	simm.s32 $0x6480  }
0x5f6: {  	[tilespmem:s30], [sflag:$0x1] =	stream.indirect_vreg.gather [hbm4b:s6+s2], $0x80, v4, vm0, $0xb8;
	[tilespmem:$0x18C80] =	vst v63  }
0x5f7: {  	v4 =	vld [tilespmem:$0x2A0];
	_ =	sdelay $0x4  }
0x5f8: {  	v37 =	vshrl.u32 v4, $0x3  }
0x5f9: {  	v5 =	vmul.u32 $0x30, v37  }
0x5fa: {  	v4 =	vand.u32 $0x7, v4  }
0x5fb: {  	v4 =	vor.u32 v4, v5  }
0x5fc: {  	v5 =	vperm.xlane v4, v2;
	_ =	sdelay $0x1  }
0x5fd: {  	v5 =	vadd.s32 v0, v5;
	_ =	sdelay $0x3  }
0x5fe: {  	s30 =	simm.s32 $0x6C80;
	v4 =	vperm.xlane v4, v3  }
0x5ff: {  	[tilespmem:s30], [sflag:$0x1] =	stream.indirect_vreg.gather [hbm4b:s4+s2], $0x80, v5, vm0, $0xb8;
	[tilespmem:$0x18C80] =	vst v63  }
0x600: {  	v4 =	vadd.s32 v0, v4;
	s30 =	simm.s32 $0x7480  }
0x601: {  	[tilespmem:s30], [sflag:$0x1] =	stream.indirect_vreg.gather [hbm4b:s5+s2], $0x80, v5, vm0, $0xb8;
	[tilespmem:$0x18C80] =	vst v63  }
0x602: {  	s30 =	simm.s32 $0x7C80  }
0x603: {  	[tilespmem:s30], [sflag:$0x1] =	stream.indirect_vreg.gather [hbm4b:s6+s2], $0x80, v5, vm0, $0xb8;
	[tilespmem:$0x18C80] =	vst v63  }
0x604: {  	s30 =	simm.s32 $0x8480  }
0x605: {  	[tilespmem:s30], [sflag:$0x1] =	stream.indirect_vreg.gather [hbm4b:s4+s2], $0x80, v4, vm0, $0xb8;
	[tilespmem:$0x18C80] =	vst v63  }
0x606: {  	s30 =	simm.s32 $0x8C80  }
0x607: {  	[tilespmem:s30], [sflag:$0x1] =	stream.indirect_vreg.gather [hbm4b:s5+s2], $0x80, v4, vm0, $0xb8;
	[tilespmem:$0x18C80] =	vst v63  }
0x608: {  	s30 =	simm.s32 $0x9480  }
0x609: {  	[tilespmem:s30], [sflag:$0x1] =	stream.indirect_vreg.gather [hbm4b:s6+s2], $0x80, v4, vm0, $0xb8;
	[tilespmem:$0x18C80] =	vst v63  }
0x60a: {  	v4 =	vld [tilespmem:$0x2B0];
	_ =	sdelay $0x4  }
0x60b: {  	v38 =	vshrl.u32 v4, $0x3  }
0x60c: {  	v5 =	vmul.u32 $0x30, v38  }
0x60d: {  	v4 =	vand.u32 $0x7, v4  }
0x60e: {  	v4 =	vor.u32 v4, v5  }
0x60f: {  	v5 =	vperm.xlane v4, v2;
	_ =	sdelay $0x1  }
0x610: {  	v5 =	vadd.s32 v0, v5;
	_ =	sdelay $0x3  }
0x611: {  	s30 =	simm.s32 $0x9C80;
	v4 =	vperm.xlane v4, v3  }
0x612: {  	[tilespmem:s30], [sflag:$0x1] =	stream.indirect_vreg.gather [hbm4b:s4+s2], $0x80, v5, vm0, $0xb8;
	[tilespmem:$0x18C80] =	vst v63  }
0x613: {  	v4 =	vadd.s32 v0, v4;
	s30 =	simm.s32 $0xA480  }
0x614: {  	[tilespmem:s30], [sflag:$0x1] =	stream.indirect_vreg.gather [hbm4b:s5+s2], $0x80, v5, vm0, $0xb8;
	[tilespmem:$0x18C80] =	vst v63  }
0x615: {  	s30 =	simm.s32 $0xAC80  }
0x616: {  	[tilespmem:s30], [sflag:$0x1] =	stream.indirect_vreg.gather [hbm4b:s6+s2], $0x80, v5, vm0, $0xb8;
	[tilespmem:$0x18C80] =	vst v63  }
0x617: {  	s30 =	simm.s32 $0xB480  }
0x618: {  	[tilespmem:s30], [sflag:$0x1] =	stream.indirect_vreg.gather [hbm4b:s4+s2], $0x80, v4, vm0, $0xb8;
	[tilespmem:$0x18C80] =	vst v63  }
0x619: {  	s30 =	simm.s32 $0xBC80  }
0x61a: {  	[tilespmem:s30], [sflag:$0x1] =	stream.indirect_vreg.gather [hbm4b:s5+s2], $0x80, v4, vm0, $0xb8;
	[tilespmem:$0x18C80] =	vst v63  }
0x61b: {  	s30 =	simm.s32 $0xC480  }
0x61c: {  	[tilespmem:s30], [sflag:$0x1] =	stream.indirect_vreg.gather [hbm4b:s6+s2], $0x80, v4, vm0, $0xb8;
	[tilespmem:$0x18C80] =	vst v63  }
0x61d: {  	_ =	swait.ge [sflag:s17], $0xC000  }
0x61e: {  	[sflag:s17] =	ssyncset.done $0x0  }
0x61f: {  	s30 =	rddreg [dreg:$0xe];
	[sflag:s17] =	ssyncadd.s32 $0xFFFF4000  }
0x620: {  	[hbm4b:s30+s2] =	stream.linear.scatter [tilespmem:s3], [sflag:$0x4], $0xC000, $0x38;
	[tilespmem:$0x18C80] =	vst v63  }
0x621: {  	_ =	swait.ge [sflag:s0], $0xC000  }
0x622: {  	[sflag:s0] =	ssyncset.done $0x0  }
0x623: {  	[sflag:s0] =	ssyncadd.s32 $0xFFFF4000  }
0x624: {  	v39 =	vld [tilespmem:$0x2C0];
	_ =	sdelay $0x4  }
0x625: {  	v40 =	vshrl.u32 v39, $0x3  }
0x626: {  	v5 =	vmul.u32 $0x30, v40  }
0x627: {  	v4 =	vand.u32 $0x7, v39  }
0x628: {  	v4 =	vor.u32 v4, v5  }
0x629: {  	v5 =	vperm.xlane v4, v2;
	_ =	sdelay $0x1  }
0x62a: {  	v5 =	vadd.s32 v0, v5;
	_ =	sdelay $0x3  }
0x62b: {  	v4 =	vperm.xlane v4, v3  }
0x62c: {  	[tilespmem:s3], [sflag:$0x2] =	stream.indirect_vreg.gather [hbm4b:s4+s2], $0x80, v5, vm0, $0xb8;
	[tilespmem:$0x18C80] =	vst v63  }
0x62d: {  	s8 =	simm.s32 $0xD480;
	v4 =	vadd.s32 v0, v4  }
0x62e: {  	[tilespmem:s8], [sflag:$0x2] =	stream.indirect_vreg.gather [hbm4b:s5+s2], $0x80, v5, vm0, $0xb8;
	[tilespmem:$0x18C80] =	vst v63  }
0x62f: {  	s30 =	simm.s32 $0xDC80  }
0x630: {  	[tilespmem:s30], [sflag:$0x2] =	stream.indirect_vreg.gather [hbm4b:s6+s2], $0x80, v5, vm0, $0xb8;
	[tilespmem:$0x18C80] =	vst v63  }
0x631: {  	s11 =	simm.s32 $0xE480  }
0x632: {  	[tilespmem:s11], [sflag:$0x2] =	stream.indirect_vreg.gather [hbm4b:s4+s2], $0x80, v4, vm0, $0xb8;
	[tilespmem:$0x18C80] =	vst v63  }
0x633: {  	s13 =	simm.s32 $0xEC80  }
0x634: {  	[tilespmem:s13], [sflag:$0x2] =	stream.indirect_vreg.gather [hbm4b:s5+s2], $0x80, v4, vm0, $0xb8;
	[tilespmem:$0x18C80] =	vst v63  }
0x635: {  	s31 =	simm.s32 $0xF480  }
0x636: {  	[tilespmem:s31], [sflag:$0x2] =	stream.indirect_vreg.gather [hbm4b:s6+s2], $0x80, v4, vm0, $0xb8;
	[tilespmem:$0x18C80] =	vst v63  }
0x637: {  	v4 =	vld [tilespmem:$0x2D0];
	_ =	sdelay $0x4  }
0x638: {  	v41 =	vshrl.u32 v4, $0x3  }
0x639: {  	v5 =	vmul.u32 $0x30, v41  }
0x63a: {  	v4 =	vand.u32 $0x7, v4  }
0x63b: {  	v4 =	vor.u32 v4, v5  }
0x63c: {  	v5 =	vperm.xlane v4, v2;
	_ =	sdelay $0x1  }
0x63d: {  	v5 =	vadd.s32 v0, v5;
	_ =	sdelay $0x3  }
0x63e: {  	s1 =	simm.s32 $0xFC80;
	v4 =	vperm.xlane v4, v3  }
0x63f: {  	[tilespmem:s1], [sflag:$0x2] =	stream.indirect_vreg.gather [hbm4b:s4+s2], $0x80, v5, vm0, $0xb8;
	[tilespmem:$0x18C80] =	vst v63  }
0x640: {  	s14 =	simm.s32 $0x10480;
	v4 =	vadd.s32 v0, v4  }
0x641: {  	[tilespmem:s14], [sflag:$0x2] =	stream.indirect_vreg.gather [hbm4b:s5+s2], $0x80, v5, vm0, $0xb8;
	[tilespmem:$0x18C80] =	vst v63  }
0x642: {  	s19 =	simm.s32 $0x10C80  }
0x643: {  	[tilespmem:s19], [sflag:$0x2] =	stream.indirect_vreg.gather [hbm4b:s6+s2], $0x80, v5, vm0, $0xb8;
	[tilespmem:$0x18C80] =	vst v63  }
0x644: {  	s20 =	simm.s32 $0x11480  }
0x645: {  	[tilespmem:s20], [sflag:$0x2] =	stream.indirect_vreg.gather [hbm4b:s4+s2], $0x80, v4, vm0, $0xb8;
	[tilespmem:$0x18C80] =	vst v63  }
0x646: {  	s21 =	simm.s32 $0x11C80  }
0x647: {  	[tilespmem:s21], [sflag:$0x2] =	stream.indirect_vreg.gather [hbm4b:s5+s2], $0x80, v4, vm0, $0xb8;
	[tilespmem:$0x18C80] =	vst v63  }
0x648: {  	s18 =	simm.s32 $0x12480  }
0x649: {  	[tilespmem:s18], [sflag:$0x2] =	stream.indirect_vreg.gather [hbm4b:s6+s2], $0x80, v4, vm0, $0xb8;
	[tilespmem:$0x18C80] =	vst v63  }
0x64a: {  	v4 =	vld [tilespmem:$0x2E0];
	_ =	sdelay $0x4  }
0x64b: {  	v42 =	vshrl.u32 v4, $0x3  }
0x64c: {  	v5 =	vmul.u32 $0x30, v42  }
0x64d: {  	v4 =	vand.u32 $0x7, v4  }
0x64e: {  	v4 =	vor.u32 v4, v5  }
0x64f: {  	v5 =	vperm.xlane v4, v2;
	_ =	sdelay $0x1  }
0x650: {  	v5 =	vadd.s32 v0, v5;
	_ =	sdelay $0x3  }
0x651: {  	s19 =	simm.s32 $0x12C80;
	v4 =	vperm.xlane v4, v3  }
0x652: {  	[tilespmem:s19], [sflag:$0x2] =	stream.indirect_vreg.gather [hbm4b:s4+s2], $0x80, v5, vm0, $0xb8;
	[tilespmem:$0x18C80] =	vst v63  }
0x653: {  	s10 =	simm.s32 $0x13480;
	v4 =	vadd.s32 v0, v4  }
0x654: {  	[tilespmem:s10], [sflag:$0x2] =	stream.indirect_vreg.gather [hbm4b:s5+s2], $0x80, v5, vm0, $0xb8;
	[tilespmem:$0x18C80] =	vst v63  }
0x655: {  	s7 =	simm.s32 $0x13C80  }
0x656: {  	[tilespmem:s7], [sflag:$0x2] =	stream.indirect_vreg.gather [hbm4b:s6+s2], $0x80, v5, vm0, $0xb8;
	[tilespmem:$0x18C80] =	vst v63  }
0x657: {  	s22 =	simm.s32 $0x14480  }
0x658: {  	[tilespmem:s22], [sflag:$0x2] =	stream.indirect_vreg.gather [hbm4b:s4+s2], $0x80, v4, vm0, $0xb8;
	[tilespmem:$0x18C80] =	vst v63  }
0x659: {  	s23 =	simm.s32 $0x14C80  }
0x65a: {  	[tilespmem:s23], [sflag:$0x2] =	stream.indirect_vreg.gather [hbm4b:s5+s2], $0x80, v4, vm0, $0xb8;
	[tilespmem:$0x18C80] =	vst v63  }
0x65b: {  	s10 =	simm.s32 $0x15480  }
0x65c: {  	[tilespmem:s10], [sflag:$0x2] =	stream.indirect_vreg.gather [hbm4b:s6+s2], $0x80, v4, vm0, $0xb8;
	[tilespmem:$0x18C80] =	vst v63  }
0x65d: {  	v4 =	vld [tilespmem:$0x2F0];
	_ =	sdelay $0x4  }
0x65e: {  	v43 =	vshrl.u32 v4, $0x3  }
0x65f: {  	v5 =	vmul.u32 $0x30, v43  }
0x660: {  	v4 =	vand.u32 $0x7, v4  }
0x661: {  	v4 =	vor.u32 v4, v5  }
0x662: {  	v5 =	vperm.xlane v4, v2;
	_ =	sdelay $0x1  }
0x663: {  	v5 =	vadd.s32 v0, v5;
	_ =	sdelay $0x3  }
0x664: {  	s13 =	simm.s32 $0x15C80;
	v4 =	vperm.xlane v4, v3  }
0x665: {  	[tilespmem:s13], [sflag:$0x2] =	stream.indirect_vreg.gather [hbm4b:s4+s2], $0x80, v5, vm0, $0xb8;
	[tilespmem:$0x18C80] =	vst v63  }
0x666: {  	s24 =	simm.s32 $0x16480;
	v4 =	vadd.s32 v0, v4  }
0x667: {  	[tilespmem:s24], [sflag:$0x2] =	stream.indirect_vreg.gather [hbm4b:s5+s2], $0x80, v5, vm0, $0xb8;
	[tilespmem:$0x18C80] =	vst v63  }
0x668: {  	s25 =	simm.s32 $0x16C80  }
0x669: {  	[tilespmem:s25], [sflag:$0x2] =	stream.indirect_vreg.gather [hbm4b:s6+s2], $0x80, v5, vm0, $0xb8;
	[tilespmem:$0x18C80] =	vst v63  }
0x66a: {  	s26 =	simm.s32 $0x17480  }
0x66b: {  	[tilespmem:s26], [sflag:$0x2] =	stream.indirect_vreg.gather [hbm4b:s4+s2], $0x80, v4, vm0, $0xb8;
	[tilespmem:$0x18C80] =	vst v63  }
0x66c: {  	s28 =	simm.s32 $0x17C80  }
0x66d: {  	[tilespmem:s28], [sflag:$0x2] =	stream.indirect_vreg.gather [hbm4b:s5+s2], $0x80, v4, vm0, $0xb8;
	[tilespmem:$0x18C80] =	vst v63  }
0x66e: {  	s29 =	simm.s32 $0x18480  }
0x66f: {  	[tilespmem:s29], [sflag:$0x2] =	stream.indirect_vreg.gather [hbm4b:s6+s2], $0x80, v4, vm0, $0xb8;
	[tilespmem:$0x18C80] =	vst v63  }
0x670: {  	_ =	swait.ge [sflag:s15], $0xC000  }
0x671: {  	[sflag:s15] =	ssyncset.done $0x0  }
0x672: {  	s14 =	rddreg [dreg:$0xf];
	[sflag:s15] =	ssyncadd.s32 $0xFFFF4000  }
0x673: {  	[hbm4b:s14+s2] =	stream.linear.scatter [tilespmem:s12], [sflag:$0x3], $0xC000, $0x38;
	[tilespmem:$0x18C80] =	vst v63  }
0x674: {  	_ =	swait.ge [sflag:s16], $0xC000  }
0x675: {  	[sflag:s16] =	ssyncset.done $0x0  }
0x676: {  	[sflag:s16] =	ssyncadd.s32 $0xFFFF4000  }
0x677: {  	v44 =	vld [tilespmem:$0x300];
	_ =	sdelay $0x4  }
0x678: {  	v45 =	vshrl.u32 v44, $0x3  }
0x679: {  	v5 =	vmul.u32 $0x30, v45  }
0x67a: {  	v4 =	vand.u32 $0x7, v44  }
0x67b: {  	v4 =	vor.u32 v4, v5  }
0x67c: {  	v5 =	vperm.xlane v4, v2;
	_ =	sdelay $0x1  }
0x67d: {  	v5 =	vadd.s32 v0, v5;
	_ =	sdelay $0x3  }
0x67e: {  	v4 =	vperm.xlane v4, v3  }
0x67f: {  	[tilespmem:s12], [sflag:$0x1] =	stream.indirect_vreg.gather [hbm4b:s4+s2], $0x80, v5, vm0, $0xb8;
	[tilespmem:$0x18C80] =	vst v63  }
0x680: {  	s18 =	simm.s32 $0x1480;
	v4 =	vadd.s32 v0, v4  }
0x681: {  	[tilespmem:s18], [sflag:$0x1] =	stream.indirect_vreg.gather [hbm4b:s5+s2], $0x80, v5, vm0, $0xb8;
	[tilespmem:$0x18C80] =	vst v63  }
0x682: {  	s19 =	simm.s32 $0x1C80  }
0x683: {  	[tilespmem:s19], [sflag:$0x1] =	stream.indirect_vreg.gather [hbm4b:s6+s2], $0x80, v5, vm0, $0xb8;
	[tilespmem:$0x18C80] =	vst v63  }
0x684: {  	s29 =	simm.s32 $0x2480  }
0x685: {  	[tilespmem:s29], [sflag:$0x1] =	stream.indirect_vreg.gather [hbm4b:s4+s2], $0x80, v4, vm0, $0xb8;
	[tilespmem:$0x18C80] =	vst v63  }
0x686: {  	s10 =	simm.s32 $0x2C80  }
0x687: {  	[tilespmem:s10], [sflag:$0x1] =	stream.indirect_vreg.gather [hbm4b:s5+s2], $0x80, v4, vm0, $0xb8;
	[tilespmem:$0x18C80] =	vst v63  }
0x688: {  	s13 =	simm.s32 $0x3480  }
0x689: {  	[tilespmem:s13], [sflag:$0x1] =	stream.indirect_vreg.gather [hbm4b:s6+s2], $0x80, v4, vm0, $0xb8;
	[tilespmem:$0x18C80] =	vst v63  }
0x68a: {  	v4 =	vld [tilespmem:$0x310];
	_ =	sdelay $0x4  }
0x68b: {  	v46 =	vshrl.u32 v4, $0x3  }
0x68c: {  	v5 =	vmul.u32 $0x30, v46  }
0x68d: {  	v4 =	vand.u32 $0x7, v4  }
0x68e: {  	v4 =	vor.u32 v4, v5  }
0x68f: {  	v5 =	vperm.xlane v4, v2;
	_ =	sdelay $0x1  }
0x690: {  	v5 =	vadd.s32 v0, v5;
	_ =	sdelay $0x3  }
0x691: {  	s14 =	simm.s32 $0x3C80;
	v4 =	vperm.xlane v4, v3  }
0x692: {  	[tilespmem:s14], [sflag:$0x1] =	stream.indirect_vreg.gather [hbm4b:s4+s2], $0x80, v5, vm0, $0xb8;
	[tilespmem:$0x18C80] =	vst v63  }
0x693: {  	s18 =	simm.s32 $0x4480;
	v4 =	vadd.s32 v0, v4  }
0x694: {  	[tilespmem:s18], [sflag:$0x1] =	stream.indirect_vreg.gather [hbm4b:s5+s2], $0x80, v5, vm0, $0xb8;
	[tilespmem:$0x18C80] =	vst v63  }
0x695: {  	s19 =	simm.s32 $0x4C80  }
0x696: {  	[tilespmem:s19], [sflag:$0x1] =	stream.indirect_vreg.gather [hbm4b:s6+s2], $0x80, v5, vm0, $0xb8;
	[tilespmem:$0x18C80] =	vst v63  }
0x697: {  	s29 =	simm.s32 $0x5480  }
0x698: {  	[tilespmem:s29], [sflag:$0x1] =	stream.indirect_vreg.gather [hbm4b:s4+s2], $0x80, v4, vm0, $0xb8;
	[tilespmem:$0x18C80] =	vst v63  }
0x699: {  	s10 =	simm.s32 $0x5C80  }
0x69a: {  	[tilespmem:s10], [sflag:$0x1] =	stream.indirect_vreg.gather [hbm4b:s5+s2], $0x80, v4, vm0, $0xb8;
	[tilespmem:$0x18C80] =	vst v63  }
0x69b: {  	s13 =	simm.s32 $0x6480  }
0x69c: {  	[tilespmem:s13], [sflag:$0x1] =	stream.indirect_vreg.gather [hbm4b:s6+s2], $0x80, v4, vm0, $0xb8;
	[tilespmem:$0x18C80] =	vst v63  }
0x69d: {  	v4 =	vld [tilespmem:$0x320];
	_ =	sdelay $0x4  }
0x69e: {  	v47 =	vshrl.u32 v4, $0x3  }
0x69f: {  	v5 =	vmul.u32 $0x30, v47  }
0x6a0: {  	v4 =	vand.u32 $0x7, v4  }
0x6a1: {  	v4 =	vor.u32 v4, v5  }
0x6a2: {  	v5 =	vperm.xlane v4, v2;
	_ =	sdelay $0x1  }
0x6a3: {  	v5 =	vadd.s32 v0, v5;
	_ =	sdelay $0x3  }
0x6a4: {  	s14 =	simm.s32 $0x6C80;
	v4 =	vperm.xlane v4, v3  }
0x6a5: {  	[tilespmem:s14], [sflag:$0x1] =	stream.indirect_vreg.gather [hbm4b:s4+s2], $0x80, v5, vm0, $0xb8;
	[tilespmem:$0x18C80] =	vst v63  }
0x6a6: {  	s18 =	simm.s32 $0x7480;
	v4 =	vadd.s32 v0, v4  }
0x6a7: {  	[tilespmem:s18], [sflag:$0x1] =	stream.indirect_vreg.gather [hbm4b:s5+s2], $0x80, v5, vm0, $0xb8;
	[tilespmem:$0x18C80] =	vst v63  }
0x6a8: {  	s19 =	simm.s32 $0x7C80  }
0x6a9: {  	[tilespmem:s19], [sflag:$0x1] =	stream.indirect_vreg.gather [hbm4b:s6+s2], $0x80, v5, vm0, $0xb8;
	[tilespmem:$0x18C80] =	vst v63  }
0x6aa: {  	s29 =	simm.s32 $0x8480  }
0x6ab: {  	[tilespmem:s29], [sflag:$0x1] =	stream.indirect_vreg.gather [hbm4b:s4+s2], $0x80, v4, vm0, $0xb8;
	[tilespmem:$0x18C80] =	vst v63  }
0x6ac: {  	s10 =	simm.s32 $0x8C80  }
0x6ad: {  	[tilespmem:s10], [sflag:$0x1] =	stream.indirect_vreg.gather [hbm4b:s5+s2], $0x80, v4, vm0, $0xb8;
	[tilespmem:$0x18C80] =	vst v63  }
0x6ae: {  	s13 =	simm.s32 $0x9480  }
0x6af: {  	[tilespmem:s13], [sflag:$0x1] =	stream.indirect_vreg.gather [hbm4b:s6+s2], $0x80, v4, vm0, $0xb8;
	[tilespmem:$0x18C80] =	vst v63  }
0x6b0: {  	v4 =	vld [tilespmem:$0x330];
	_ =	sdelay $0x4  }
0x6b1: {  	v48 =	vshrl.u32 v4, $0x3  }
0x6b2: {  	v5 =	vmul.u32 $0x30, v48  }
0x6b3: {  	v4 =	vand.u32 $0x7, v4  }
0x6b4: {  	v4 =	vor.u32 v4, v5  }
0x6b5: {  	v5 =	vperm.xlane v4, v2;
	_ =	sdelay $0x1  }
0x6b6: {  	v5 =	vadd.s32 v0, v5;
	_ =	sdelay $0x3  }
0x6b7: {  	s14 =	simm.s32 $0x9C80;
	v4 =	vperm.xlane v4, v3  }
0x6b8: {  	[tilespmem:s14], [sflag:$0x1] =	stream.indirect_vreg.gather [hbm4b:s4+s2], $0x80, v5, vm0, $0xb8;
	[tilespmem:$0x18C80] =	vst v63  }
0x6b9: {  	s18 =	simm.s32 $0xA480;
	v4 =	vadd.s32 v0, v4  }
0x6ba: {  	[tilespmem:s18], [sflag:$0x1] =	stream.indirect_vreg.gather [hbm4b:s5+s2], $0x80, v5, vm0, $0xb8;
	[tilespmem:$0x18C80] =	vst v63  }
0x6bb: {  	s19 =	simm.s32 $0xAC80  }
0x6bc: {  	[tilespmem:s19], [sflag:$0x1] =	stream.indirect_vreg.gather [hbm4b:s6+s2], $0x80, v5, vm0, $0xb8;
	[tilespmem:$0x18C80] =	vst v63  }
0x6bd: {  	s29 =	simm.s32 $0xB480  }
0x6be: {  	[tilespmem:s29], [sflag:$0x1] =	stream.indirect_vreg.gather [hbm4b:s4+s2], $0x80, v4, vm0, $0xb8;
	[tilespmem:$0x18C80] =	vst v63  }
0x6bf: {  	s10 =	simm.s32 $0xBC80  }
0x6c0: {  	[tilespmem:s10], [sflag:$0x1] =	stream.indirect_vreg.gather [hbm4b:s5+s2], $0x80, v4, vm0, $0xb8;
	[tilespmem:$0x18C80] =	vst v63  }
0x6c1: {  	s13 =	simm.s32 $0xC480  }
0x6c2: {  	[tilespmem:s13], [sflag:$0x1] =	stream.indirect_vreg.gather [hbm4b:s6+s2], $0x80, v4, vm0, $0xb8;
	[tilespmem:$0x18C80] =	vst v63  }
0x6c3: {  	_ =	swait.ge [sflag:s17], $0xC000  }
0x6c4: {  	[sflag:s17] =	ssyncset.done $0x0  }
0x6c5: {  	s14 =	rddreg [dreg:$0x10];
	[sflag:s17] =	ssyncadd.s32 $0xFFFF4000  }
0x6c6: {  	[hbm4b:s14+s2] =	stream.linear.scatter [tilespmem:s3], [sflag:$0x4], $0xC000, $0x38;
	[tilespmem:$0x18C80] =	vst v63  }
0x6c7: {  	_ =	swait.ge [sflag:s0], $0xC000  }
0x6c8: {  	[sflag:s0] =	ssyncset.done $0x0  }
0x6c9: {  	[sflag:s0] =	ssyncadd.s32 $0xFFFF4000  }
0x6ca: {  	v49 =	vld [tilespmem:$0x340];
	_ =	sdelay $0x4  }
0x6cb: {  	v50 =	vshrl.u32 v49, $0x3  }
0x6cc: {  	v5 =	vmul.u32 $0x30, v50  }
0x6cd: {  	v4 =	vand.u32 $0x7, v49  }
0x6ce: {  	v4 =	vor.u32 v4, v5  }
0x6cf: {  	v5 =	vperm.xlane v4, v2;
	_ =	sdelay $0x1  }
0x6d0: {  	v5 =	vadd.s32 v0, v5;
	_ =	sdelay $0x3  }
0x6d1: {  	v4 =	vperm.xlane v4, v3  }
0x6d2: {  	[tilespmem:s3], [sflag:$0x2] =	stream.indirect_vreg.gather [hbm4b:s4+s2], $0x80, v5, vm0, $0xb8;
	[tilespmem:$0x18C80] =	vst v63  }
0x6d3: {  	s8 =	simm.s32 $0xD480;
	v4 =	vadd.s32 v0, v4  }
0x6d4: {  	[tilespmem:s8], [sflag:$0x2] =	stream.indirect_vreg.gather [hbm4b:s5+s2], $0x80, v5, vm0, $0xb8;
	[tilespmem:$0x18C80] =	vst v63  }
0x6d5: {  	s30 =	simm.s32 $0xDC80  }
0x6d6: {  	[tilespmem:s30], [sflag:$0x2] =	stream.indirect_vreg.gather [hbm4b:s6+s2], $0x80, v5, vm0, $0xb8;
	[tilespmem:$0x18C80] =	vst v63  }
0x6d7: {  	s18 =	simm.s32 $0xE480  }
0x6d8: {  	[tilespmem:s18], [sflag:$0x2] =	stream.indirect_vreg.gather [hbm4b:s4+s2], $0x80, v4, vm0, $0xb8;
	[tilespmem:$0x18C80] =	vst v63  }
0x6d9: {  	s19 =	simm.s32 $0xEC80  }
0x6da: {  	[tilespmem:s19], [sflag:$0x2] =	stream.indirect_vreg.gather [hbm4b:s5+s2], $0x80, v4, vm0, $0xb8;
	[tilespmem:$0x18C80] =	vst v63  }
0x6db: {  	s30 =	simm.s32 $0xF480  }
0x6dc: {  	[tilespmem:s30], [sflag:$0x2] =	stream.indirect_vreg.gather [hbm4b:s6+s2], $0x80, v4, vm0, $0xb8;
	[tilespmem:$0x18C80] =	vst v63  }
0x6dd: {  	v4 =	vld [tilespmem:$0x350];
	_ =	sdelay $0x4  }
0x6de: {  	v51 =	vshrl.u32 v4, $0x3  }
0x6df: {  	v5 =	vmul.u32 $0x30, v51  }
0x6e0: {  	v4 =	vand.u32 $0x7, v4  }
0x6e1: {  	v4 =	vor.u32 v4, v5  }
0x6e2: {  	v5 =	vperm.xlane v4, v2;
	_ =	sdelay $0x1  }
0x6e3: {  	v5 =	vadd.s32 v0, v5;
	_ =	sdelay $0x3  }
0x6e4: {  	s1 =	simm.s32 $0xFC80;
	v4 =	vperm.xlane v4, v3  }
0x6e5: {  	[tilespmem:s1], [sflag:$0x2] =	stream.indirect_vreg.gather [hbm4b:s4+s2], $0x80, v5, vm0, $0xb8;
	[tilespmem:$0x18C80] =	vst v63  }
0x6e6: {  	s31 =	simm.s32 $0x10480;
	v4 =	vadd.s32 v0, v4  }
0x6e7: {  	[tilespmem:s31], [sflag:$0x2] =	stream.indirect_vreg.gather [hbm4b:s5+s2], $0x80, v5, vm0, $0xb8;
	[tilespmem:$0x18C80] =	vst v63  }
0x6e8: {  	s31 =	simm.s32 $0x10C80  }
0x6e9: {  	[tilespmem:s31], [sflag:$0x2] =	stream.indirect_vreg.gather [hbm4b:s6+s2], $0x80, v5, vm0, $0xb8;
	[tilespmem:$0x18C80] =	vst v63  }
0x6ea: {  	s20 =	simm.s32 $0x11480  }
0x6eb: {  	[tilespmem:s20], [sflag:$0x2] =	stream.indirect_vreg.gather [hbm4b:s4+s2], $0x80, v4, vm0, $0xb8;
	[tilespmem:$0x18C80] =	vst v63  }
0x6ec: {  	s21 =	simm.s32 $0x11C80  }
0x6ed: {  	[tilespmem:s21], [sflag:$0x2] =	stream.indirect_vreg.gather [hbm4b:s5+s2], $0x80, v4, vm0, $0xb8;
	[tilespmem:$0x18C80] =	vst v63  }
0x6ee: {  	s18 =	simm.s32 $0x12480  }
0x6ef: {  	[tilespmem:s18], [sflag:$0x2] =	stream.indirect_vreg.gather [hbm4b:s6+s2], $0x80, v4, vm0, $0xb8;
	[tilespmem:$0x18C80] =	vst v63  }
0x6f0: {  	v4 =	vld [tilespmem:$0x360];
	_ =	sdelay $0x4  }
0x6f1: {  	v52 =	vshrl.u32 v4, $0x3  }
0x6f2: {  	v5 =	vmul.u32 $0x30, v52  }
0x6f3: {  	v4 =	vand.u32 $0x7, v4  }
0x6f4: {  	v4 =	vor.u32 v4, v5  }
0x6f5: {  	v5 =	vperm.xlane v4, v2;
	_ =	sdelay $0x1  }
0x6f6: {  	v5 =	vadd.s32 v0, v5;
	_ =	sdelay $0x3  }
0x6f7: {  	s30 =	simm.s32 $0x12C80;
	v4 =	vperm.xlane v4, v3  }
0x6f8: {  	[tilespmem:s30], [sflag:$0x2] =	stream.indirect_vreg.gather [hbm4b:s4+s2], $0x80, v5, vm0, $0xb8;
	[tilespmem:$0x18C80] =	vst v63  }
0x6f9: {  	s11 =	simm.s32 $0x13480;
	v4 =	vadd.s32 v0, v4  }
0x6fa: {  	[tilespmem:s11], [sflag:$0x2] =	stream.indirect_vreg.gather [hbm4b:s5+s2], $0x80, v5, vm0, $0xb8;
	[tilespmem:$0x18C80] =	vst v63  }
0x6fb: {  	s11 =	simm.s32 $0x13C80  }
0x6fc: {  	[tilespmem:s11], [sflag:$0x2] =	stream.indirect_vreg.gather [hbm4b:s6+s2], $0x80, v5, vm0, $0xb8;
	[tilespmem:$0x18C80] =	vst v63  }
0x6fd: {  	s22 =	simm.s32 $0x14480  }
0x6fe: {  	[tilespmem:s22], [sflag:$0x2] =	stream.indirect_vreg.gather [hbm4b:s4+s2], $0x80, v4, vm0, $0xb8;
	[tilespmem:$0x18C80] =	vst v63  }
0x6ff: {  	s23 =	simm.s32 $0x14C80  }
0x700: {  	[tilespmem:s23], [sflag:$0x2] =	stream.indirect_vreg.gather [hbm4b:s5+s2], $0x80, v4, vm0, $0xb8;
	[tilespmem:$0x18C80] =	vst v63  }
0x701: {  	s18 =	simm.s32 $0x15480  }
0x702: {  	[tilespmem:s18], [sflag:$0x2] =	stream.indirect_vreg.gather [hbm4b:s6+s2], $0x80, v4, vm0, $0xb8;
	[tilespmem:$0x18C80] =	vst v63  }
0x703: {  	v4 =	vld [tilespmem:$0x370];
	_ =	sdelay $0x4  }
0x704: {  	v53 =	vshrl.u32 v4, $0x3  }
0x705: {  	v5 =	vmul.u32 $0x30, v53  }
0x706: {  	v4 =	vand.u32 $0x7, v4  }
0x707: {  	v4 =	vor.u32 v4, v5  }
0x708: {  	v5 =	vperm.xlane v4, v2;
	_ =	sdelay $0x1  }
0x709: {  	v5 =	vadd.s32 v0, v5;
	_ =	sdelay $0x3  }
0x70a: {  	s18 =	simm.s32 $0x15C80;
	v4 =	vperm.xlane v4, v3  }
0x70b: {  	[tilespmem:s18], [sflag:$0x2] =	stream.indirect_vreg.gather [hbm4b:s4+s2], $0x80, v5, vm0, $0xb8;
	[tilespmem:$0x18C80] =	vst v63  }
0x70c: {  	s24 =	simm.s32 $0x16480;
	v4 =	vadd.s32 v0, v4  }
0x70d: {  	[tilespmem:s24], [sflag:$0x2] =	stream.indirect_vreg.gather [hbm4b:s5+s2], $0x80, v5, vm0, $0xb8;
	[tilespmem:$0x18C80] =	vst v63  }
0x70e: {  	s25 =	simm.s32 $0x16C80  }
0x70f: {  	[tilespmem:s25], [sflag:$0x2] =	stream.indirect_vreg.gather [hbm4b:s6+s2], $0x80, v5, vm0, $0xb8;
	[tilespmem:$0x18C80] =	vst v63  }
0x710: {  	s26 =	simm.s32 $0x17480  }
0x711: {  	[tilespmem:s26], [sflag:$0x2] =	stream.indirect_vreg.gather [hbm4b:s4+s2], $0x80, v4, vm0, $0xb8;
	[tilespmem:$0x18C80] =	vst v63  }
0x712: {  	s28 =	simm.s32 $0x17C80  }
0x713: {  	[tilespmem:s28], [sflag:$0x2] =	stream.indirect_vreg.gather [hbm4b:s5+s2], $0x80, v4, vm0, $0xb8;
	[tilespmem:$0x18C80] =	vst v63  }
0x714: {  	s18 =	simm.s32 $0x18480  }
0x715: {  	[tilespmem:s18], [sflag:$0x2] =	stream.indirect_vreg.gather [hbm4b:s6+s2], $0x80, v4, vm0, $0xb8;
	[tilespmem:$0x18C80] =	vst v63  }
0x716: {  	_ =	swait.ge [sflag:s15], $0xC000  }
0x717: {  	[sflag:s15] =	ssyncset.done $0x0  }
0x718: {  	s1 =	rddreg [dreg:$0x11];
	[sflag:s15] =	ssyncadd.s32 $0xFFFF4000  }
0x719: {  	[hbm4b:s1+s2] =	stream.linear.scatter [tilespmem:s12], [sflag:$0x3], $0xC000, $0x38;
	[tilespmem:$0x18C80] =	vst v63  }
0x71a: {  	_ =	swait.ge [sflag:s16], $0xC000  }
0x71b: {  	[sflag:s16] =	ssyncset.done $0x0  }
0x71c: {  	[sflag:s16] =	ssyncadd.s32 $0xFFFF4000  }
0x71d: {  	v54 =	vld [tilespmem:$0x380];
	_ =	sdelay $0x4  }
0x71e: {  	v55 =	vshrl.u32 v54, $0x3  }
0x71f: {  	v5 =	vmul.u32 $0x30, v55  }
0x720: {  	v4 =	vand.u32 $0x7, v54  }
0x721: {  	v4 =	vor.u32 v4, v5  }
0x722: {  	v5 =	vperm.xlane v4, v2;
	_ =	sdelay $0x1  }
0x723: {  	v5 =	vadd.s32 v0, v5;
	_ =	sdelay $0x3  }
0x724: {  	v4 =	vperm.xlane v4, v3  }
0x725: {  	[tilespmem:s12], [sflag:$0x1] =	stream.indirect_vreg.gather [hbm4b:s4+s2], $0x80, v5, vm0, $0xb8;
	[tilespmem:$0x18C80] =	vst v63  }
0x726: {  	s18 =	simm.s32 $0x1480;
	v4 =	vadd.s32 v0, v4  }
0x727: {  	[tilespmem:s18], [sflag:$0x1] =	stream.indirect_vreg.gather [hbm4b:s5+s2], $0x80, v5, vm0, $0xb8;
	[tilespmem:$0x18C80] =	vst v63  }
0x728: {  	s18 =	simm.s32 $0x1C80  }
0x729: {  	[tilespmem:s18], [sflag:$0x1] =	stream.indirect_vreg.gather [hbm4b:s6+s2], $0x80, v5, vm0, $0xb8;
	[tilespmem:$0x18C80] =	vst v63  }
0x72a: {  	s18 =	simm.s32 $0x2480  }
0x72b: {  	[tilespmem:s18], [sflag:$0x1] =	stream.indirect_vreg.gather [hbm4b:s4+s2], $0x80, v4, vm0, $0xb8;
	[tilespmem:$0x18C80] =	vst v63  }
0x72c: {  	s18 =	simm.s32 $0x2C80  }
0x72d: {  	[tilespmem:s18], [sflag:$0x1] =	stream.indirect_vreg.gather [hbm4b:s5+s2], $0x80, v4, vm0, $0xb8;
	[tilespmem:$0x18C80] =	vst v63  }
0x72e: {  	s18 =	simm.s32 $0x3480  }
0x72f: {  	[tilespmem:s18], [sflag:$0x1] =	stream.indirect_vreg.gather [hbm4b:s6+s2], $0x80, v4, vm0, $0xb8;
	[tilespmem:$0x18C80] =	vst v63  }
0x730: {  	v4 =	vld [tilespmem:$0x390];
	_ =	sdelay $0x4  }
0x731: {  	v56 =	vshrl.u32 v4, $0x3  }
0x732: {  	v5 =	vmul.u32 $0x30, v56  }
0x733: {  	v4 =	vand.u32 $0x7, v4  }
0x734: {  	v4 =	vor.u32 v4, v5  }
0x735: {  	v5 =	vperm.xlane v4, v2;
	_ =	sdelay $0x1  }
0x736: {  	v5 =	vadd.s32 v0, v5;
	_ =	sdelay $0x3  }
0x737: {  	s18 =	simm.s32 $0x3C80;
	v4 =	vperm.xlane v4, v3  }
0x738: {  	[tilespmem:s18], [sflag:$0x1] =	stream.indirect_vreg.gather [hbm4b:s4+s2], $0x80, v5, vm0, $0xb8;
	[tilespmem:$0x18C80] =	vst v63  }
0x739: {  	v4 =	vadd.s32 v0, v4;
	s18 =	simm.s32 $0x4480  }
0x73a: {  	[tilespmem:s18], [sflag:$0x1] =	stream.indirect_vreg.gather [hbm4b:s5+s2], $0x80, v5, vm0, $0xb8;
	[tilespmem:$0x18C80] =	vst v63  }
0x73b: {  	s18 =	simm.s32 $0x4C80  }
0x73c: {  	[tilespmem:s18], [sflag:$0x1] =	stream.indirect_vreg.gather [hbm4b:s6+s2], $0x80, v5, vm0, $0xb8;
	[tilespmem:$0x18C80] =	vst v63  }
0x73d: {  	s18 =	simm.s32 $0x5480  }
0x73e: {  	[tilespmem:s18], [sflag:$0x1] =	stream.indirect_vreg.gather [hbm4b:s4+s2], $0x80, v4, vm0, $0xb8;
	[tilespmem:$0x18C80] =	vst v63  }
0x73f: {  	s18 =	simm.s32 $0x5C80  }
0x740: {  	[tilespmem:s18], [sflag:$0x1] =	stream.indirect_vreg.gather [hbm4b:s5+s2], $0x80, v4, vm0, $0xb8;
	[tilespmem:$0x18C80] =	vst v63  }
0x741: {  	s18 =	simm.s32 $0x6480  }
0x742: {  	[tilespmem:s18], [sflag:$0x1] =	stream.indirect_vreg.gather [hbm4b:s6+s2], $0x80, v4, vm0, $0xb8;
	[tilespmem:$0x18C80] =	vst v63  }
0x743: {  	v4 =	vld [tilespmem:$0x3A0];
	_ =	sdelay $0x4  }
0x744: {  	v57 =	vshrl.u32 v4, $0x3  }
0x745: {  	v5 =	vmul.u32 $0x30, v57  }
0x746: {  	v4 =	vand.u32 $0x7, v4  }
0x747: {  	v4 =	vor.u32 v4, v5  }
0x748: {  	v5 =	vperm.xlane v4, v2;
	_ =	sdelay $0x1  }
0x749: {  	v5 =	vadd.s32 v0, v5;
	_ =	sdelay $0x3  }
0x74a: {  	s18 =	simm.s32 $0x6C80;
	v4 =	vperm.xlane v4, v3  }
0x74b: {  	[tilespmem:s18], [sflag:$0x1] =	stream.indirect_vreg.gather [hbm4b:s4+s2], $0x80, v5, vm0, $0xb8;
	[tilespmem:$0x18C80] =	vst v63  }
0x74c: {  	v4 =	vadd.s32 v0, v4;
	s18 =	simm.s32 $0x7480  }
0x74d: {  	[tilespmem:s18], [sflag:$0x1] =	stream.indirect_vreg.gather [hbm4b:s5+s2], $0x80, v5, vm0, $0xb8;
	[tilespmem:$0x18C80] =	vst v63  }
0x74e: {  	s18 =	simm.s32 $0x7C80  }
0x74f: {  	[tilespmem:s18], [sflag:$0x1] =	stream.indirect_vreg.gather [hbm4b:s6+s2], $0x80, v5, vm0, $0xb8;
	[tilespmem:$0x18C80] =	vst v63  }
0x750: {  	s18 =	simm.s32 $0x8480  }
0x751: {  	[tilespmem:s18], [sflag:$0x1] =	stream.indirect_vreg.gather [hbm4b:s4+s2], $0x80, v4, vm0, $0xb8;
	[tilespmem:$0x18C80] =	vst v63  }
0x752: {  	s18 =	simm.s32 $0x8C80  }
0x753: {  	[tilespmem:s18], [sflag:$0x1] =	stream.indirect_vreg.gather [hbm4b:s5+s2], $0x80, v4, vm0, $0xb8;
	[tilespmem:$0x18C80] =	vst v63  }
0x754: {  	s18 =	simm.s32 $0x9480  }
0x755: {  	[tilespmem:s18], [sflag:$0x1] =	stream.indirect_vreg.gather [hbm4b:s6+s2], $0x80, v4, vm0, $0xb8;
	[tilespmem:$0x18C80] =	vst v63  }
0x756: {  	v4 =	vld [tilespmem:$0x3B0];
	_ =	sdelay $0x4  }
0x757: {  	v58 =	vshrl.u32 v4, $0x3  }
0x758: {  	v5 =	vmul.u32 $0x30, v58  }
0x759: {  	v4 =	vand.u32 $0x7, v4  }
0x75a: {  	v4 =	vor.u32 v4, v5  }
0x75b: {  	v5 =	vperm.xlane v4, v2;
	_ =	sdelay $0x1  }
0x75c: {  	v5 =	vadd.s32 v0, v5;
	_ =	sdelay $0x3  }
0x75d: {  	s18 =	simm.s32 $0x9C80;
	v4 =	vperm.xlane v4, v3  }
0x75e: {  	[tilespmem:s18], [sflag:$0x1] =	stream.indirect_vreg.gather [hbm4b:s4+s2], $0x80, v5, vm0, $0xb8;
	[tilespmem:$0x18C80] =	vst v63  }
0x75f: {  	v4 =	vadd.s32 v0, v4;
	s18 =	simm.s32 $0xA480  }
0x760: {  	[tilespmem:s18], [sflag:$0x1] =	stream.indirect_vreg.gather [hbm4b:s5+s2], $0x80, v5, vm0, $0xb8;
	[tilespmem:$0x18C80] =	vst v63  }
0x761: {  	s18 =	simm.s32 $0xAC80  }
0x762: {  	[tilespmem:s18], [sflag:$0x1] =	stream.indirect_vreg.gather [hbm4b:s6+s2], $0x80, v5, vm0, $0xb8;
	[tilespmem:$0x18C80] =	vst v63  }
0x763: {  	s18 =	simm.s32 $0xB480  }
0x764: {  	[tilespmem:s18], [sflag:$0x1] =	stream.indirect_vreg.gather [hbm4b:s4+s2], $0x80, v4, vm0, $0xb8;
	[tilespmem:$0x18C80] =	vst v63  }
0x765: {  	s18 =	simm.s32 $0xBC80  }
0x766: {  	[tilespmem:s18], [sflag:$0x1] =	stream.indirect_vreg.gather [hbm4b:s5+s2], $0x80, v4, vm0, $0xb8;
	[tilespmem:$0x18C80] =	vst v63  }
0x767: {  	s10 =	simm.s32 $0xC480  }
0x768: {  	[tilespmem:s10], [sflag:$0x1] =	stream.indirect_vreg.gather [hbm4b:s6+s2], $0x80, v4, vm0, $0xb8;
	[tilespmem:$0x18C80] =	vst v63  }
0x769: {  	s1 =	rddreg [dreg:$0x17];
	_ =	swait.ge [sflag:s17], $0xC000  }
0x76a: {  	[sflag:s17] =	ssyncset.done $0x0  }
0x76b: {  	s10 =	rddreg [dreg:$0x12];
	[sflag:s17] =	ssyncadd.s32 $0xFFFF4000  }
0x76c: {  	[hbm4b:s10+s2] =	stream.linear.scatter [tilespmem:s3], [sflag:$0x4], $0xC000, $0x38;
	[tilespmem:$0x18C80] =	vst v63  }
0x76d: {  	_ =	swait.ge [sflag:s0], $0xC000  }
0x76e: {  	[sflag:s0] =	ssyncset.done $0x0  }
0x76f: {  	[sflag:s0] =	ssyncadd.s32 $0xFFFF4000  }
0x770: {  	v59 =	vld [tilespmem:$0x3C0];
	_ =	sdelay $0x4  }
0x771: {  	v60 =	vshrl.u32 v59, $0x3  }
0x772: {  	v5 =	vmul.u32 $0x30, v60  }
0x773: {  	v4 =	vand.u32 $0x7, v59  }
0x774: {  	v4 =	vor.u32 v4, v5  }
0x775: {  	v5 =	vperm.xlane v4, v2;
	_ =	sdelay $0x1  }
0x776: {  	v5 =	vadd.s32 v0, v5;
	_ =	sdelay $0x3  }
0x777: {  	v4 =	vperm.xlane v4, v3  }
0x778: {  	[tilespmem:s3], [sflag:$0x2] =	stream.indirect_vreg.gather [hbm4b:s4+s2], $0x80, v5, vm0, $0xb8;
	[tilespmem:$0x18C80] =	vst v63  }
0x779: {  	s29 =	simm.s32 $0xD480;
	v4 =	vadd.s32 v0, v4  }
0x77a: {  	[tilespmem:s29], [sflag:$0x2] =	stream.indirect_vreg.gather [hbm4b:s5+s2], $0x80, v5, vm0, $0xb8;
	[tilespmem:$0x18C80] =	vst v63  }
0x77b: {  	s7 =	simm.s32 $0xDC80  }
0x77c: {  	[tilespmem:s7], [sflag:$0x2] =	stream.indirect_vreg.gather [hbm4b:s6+s2], $0x80, v5, vm0, $0xb8;
	[tilespmem:$0x18C80] =	vst v63  }
0x77d: {  	s13 =	simm.s32 $0xE480  }
0x77e: {  	[tilespmem:s13], [sflag:$0x2] =	stream.indirect_vreg.gather [hbm4b:s4+s2], $0x80, v4, vm0, $0xb8;
	[tilespmem:$0x18C80] =	vst v63  }
0x77f: {  	s14 =	simm.s32 $0xEC80  }
0x780: {  	[tilespmem:s14], [sflag:$0x2] =	stream.indirect_vreg.gather [hbm4b:s5+s2], $0x80, v4, vm0, $0xb8;
	[tilespmem:$0x18C80] =	vst v63  }
0x781: {  	s18 =	simm.s32 $0xF480  }
0x782: {  	[tilespmem:s18], [sflag:$0x2] =	stream.indirect_vreg.gather [hbm4b:s6+s2], $0x80, v4, vm0, $0xb8;
	[tilespmem:$0x18C80] =	vst v63  }
0x783: {  	v4 =	vld [tilespmem:$0x3D0];
	_ =	sdelay $0x4  }
0x784: {  	v61 =	vshrl.u32 v4, $0x3  }
0x785: {  	v5 =	vmul.u32 $0x30, v61  }
0x786: {  	v4 =	vand.u32 $0x7, v4  }
0x787: {  	v4 =	vor.u32 v4, v5  }
0x788: {  	v5 =	vperm.xlane v4, v2;
	_ =	sdelay $0x1  }
0x789: {  	v5 =	vadd.s32 v0, v5;
	_ =	sdelay $0x3  }
0x78a: {  	s8 =	simm.s32 $0xFC80;
	v4 =	vperm.xlane v4, v3  }
0x78b: {  	[tilespmem:s8], [sflag:$0x2] =	stream.indirect_vreg.gather [hbm4b:s4+s2], $0x80, v5, vm0, $0xb8;
	[tilespmem:$0x18C80] =	vst v63  }
0x78c: {  	s19 =	simm.s32 $0x10480;
	v4 =	vadd.s32 v0, v4  }
0x78d: {  	[tilespmem:s19], [sflag:$0x2] =	stream.indirect_vreg.gather [hbm4b:s5+s2], $0x80, v5, vm0, $0xb8;
	[tilespmem:$0x18C80] =	vst v63  }
0x78e: {  	s31 =	simm.s32 $0x10C80  }
0x78f: {  	[tilespmem:s31], [sflag:$0x2] =	stream.indirect_vreg.gather [hbm4b:s6+s2], $0x80, v5, vm0, $0xb8;
	[tilespmem:$0x18C80] =	vst v63  }
0x790: {  	s20 =	simm.s32 $0x11480  }
0x791: {  	[tilespmem:s20], [sflag:$0x2] =	stream.indirect_vreg.gather [hbm4b:s4+s2], $0x80, v4, vm0, $0xb8;
	[tilespmem:$0x18C80] =	vst v63  }
0x792: {  	s21 =	simm.s32 $0x11C80  }
0x793: {  	[tilespmem:s21], [sflag:$0x2] =	stream.indirect_vreg.gather [hbm4b:s5+s2], $0x80, v4, vm0, $0xb8;
	[tilespmem:$0x18C80] =	vst v63  }
0x794: {  	s20 =	simm.s32 $0x12480  }
0x795: {  	[tilespmem:s20], [sflag:$0x2] =	stream.indirect_vreg.gather [hbm4b:s6+s2], $0x80, v4, vm0, $0xb8;
	[tilespmem:$0x18C80] =	vst v63  }
0x796: {  	v4 =	vld [tilespmem:$0x3E0];
	_ =	sdelay $0x4  }
0x797: {  	v62 =	vshrl.u32 v4, $0x3  }
0x798: {  	v5 =	vmul.u32 $0x30, v62  }
0x799: {  	v4 =	vand.u32 $0x7, v4  }
0x79a: {  	v4 =	vor.u32 v4, v5  }
0x79b: {  	v5 =	vperm.xlane v4, v2;
	_ =	sdelay $0x1  }
0x79c: {  	v5 =	vadd.s32 v0, v5;
	_ =	sdelay $0x3  }
0x79d: {  	s21 =	simm.s32 $0x12C80;
	v4 =	vperm.xlane v4, v3  }
0x79e: {  	[tilespmem:s21], [sflag:$0x2] =	stream.indirect_vreg.gather [hbm4b:s4+s2], $0x80, v5, vm0, $0xb8;
	[tilespmem:$0x18C80] =	vst v63  }
0x79f: {  	s30 =	simm.s32 $0x13480;
	v4 =	vadd.s32 v0, v4  }
0x7a0: {  	[tilespmem:s30], [sflag:$0x2] =	stream.indirect_vreg.gather [hbm4b:s5+s2], $0x80, v5, vm0, $0xb8;
	[tilespmem:$0x18C80] =	vst v63  }
0x7a1: {  	s11 =	simm.s32 $0x13C80  }
0x7a2: {  	[tilespmem:s11], [sflag:$0x2] =	stream.indirect_vreg.gather [hbm4b:s6+s2], $0x80, v5, vm0, $0xb8;
	[tilespmem:$0x18C80] =	vst v63  }
0x7a3: {  	s22 =	simm.s32 $0x14480  }
0x7a4: {  	[tilespmem:s22], [sflag:$0x2] =	stream.indirect_vreg.gather [hbm4b:s4+s2], $0x80, v4, vm0, $0xb8;
	[tilespmem:$0x18C80] =	vst v63  }
0x7a5: {  	s23 =	simm.s32 $0x14C80  }
0x7a6: {  	[tilespmem:s23], [sflag:$0x2] =	stream.indirect_vreg.gather [hbm4b:s5+s2], $0x80, v4, vm0, $0xb8;
	[tilespmem:$0x18C80] =	vst v63  }
0x7a7: {  	s22 =	simm.s32 $0x15480  }
0x7a8: {  	[tilespmem:s22], [sflag:$0x2] =	stream.indirect_vreg.gather [hbm4b:s6+s2], $0x80, v4, vm0, $0xb8;
	[tilespmem:$0x18C80] =	vst v63  }
0x7a9: {  	v4 =	vld [tilespmem:$0x3F0];
	_ =	sdelay $0x4  }
0x7aa: {  	v63 =	vshrl.u32 v4, $0x3  }
0x7ab: {  	v5 =	vmul.u32 $0x30, v63  }
0x7ac: {  	v4 =	vand.u32 $0x7, v4  }
0x7ad: {  	v4 =	vor.u32 v4, v5  }
0x7ae: {  	v2 =	vperm.xlane v4, v2;
	_ =	sdelay $0x1  }
0x7af: {  	v2 =	vadd.s32 v0, v2;
	_ =	sdelay $0x3  }
0x7b0: {  	s23 =	simm.s32 $0x15C80;
	v3 =	vperm.xlane v4, v3  }
0x7b1: {  	[tilespmem:s23], [sflag:$0x2] =	stream.indirect_vreg.gather [hbm4b:s4+s2], $0x80, v2, vm0, $0xb8;
	[tilespmem:$0x18C80] =	vst v63  }
0x7b2: {  	s24 =	simm.s32 $0x16480;
	v0 =	vadd.s32 v0, v3  }
0x7b3: {  	[tilespmem:s24], [sflag:$0x2] =	stream.indirect_vreg.gather [hbm4b:s5+s2], $0x80, v2, vm0, $0xb8;
	[tilespmem:$0x18C80] =	vst v63  }
0x7b4: {  	s25 =	simm.s32 $0x16C80  }
0x7b5: {  	[tilespmem:s25], [sflag:$0x2] =	stream.indirect_vreg.gather [hbm4b:s6+s2], $0x80, v2, vm0, $0xb8;
	[tilespmem:$0x18C80] =	vst v63  }
0x7b6: {  	s26 =	simm.s32 $0x17480  }
0x7b7: {  	[tilespmem:s26], [sflag:$0x2] =	stream.indirect_vreg.gather [hbm4b:s4+s2], $0x80, v0, vm0, $0xb8;
	[tilespmem:$0x18C80] =	vst v63  }
0x7b8: {  	s28 =	simm.s32 $0x17C80  }
0x7b9: {  	[tilespmem:s28], [sflag:$0x2] =	stream.indirect_vreg.gather [hbm4b:s5+s2], $0x80, v0, vm0, $0xb8;
	[tilespmem:$0x18C80] =	vst v63  }
0x7ba: {  	s29 =	simm.s32 $0x18480  }
0x7bb: {  	[tilespmem:s29], [sflag:$0x2] =	stream.indirect_vreg.gather [hbm4b:s6+s2], $0x80, v0, vm0, $0xb8;
	[tilespmem:$0x18C80] =	vst v63  }
0x7bc: {  	_ =	swait.ge [sflag:s15], $0xC000  }
0x7bd: {  	[sflag:s15] =	ssyncset.done $0x0  }
0x7be: {  	s30 =	rddreg [dreg:$0x13];
	[sflag:s15] =	ssyncadd.s32 $0xFFFF4000  }
0x7bf: {  	[hbm4b:s30+s2] =	stream.linear.scatter [tilespmem:s12], [sflag:$0x3], $0xC000, $0x38;
	[tilespmem:$0x18C80] =	vst v63  }
0x7c0: {  	_ =	swait.ge [sflag:s16], $0xC000  }
0x7c1: {  	[sflag:s16] =	ssyncset.done $0x0  }
0x7c2: {  	[sflag:s16] =	ssyncadd.s32 $0xFFFF4000  }
0x7c3: {  	_ =	swait.ge [sflag:s17], $0xC000  }
0x7c4: {  	p0 =	sne.s32 s1, $0x1;
	[sflag:s17] =	ssyncset.done $0x0  }
.Ltmp0:
0x7c5: {  	s31 =	rddreg [dreg:$0x14];
	[sflag:s17] =	ssyncadd.s32 $0xFFFF4000;
	(pc) =	sbr.rel @p0 .LBB2_1-.Ltmp0, $4  }
0x7c6: {  	[hbm4b:s31+s2] =	stream.linear.scatter [tilespmem:s3], [sflag:$0x4], $0xC000, $0x38;
	[tilespmem:$0x18C80] =	vst v63  }
0x7c7: {  	_ =	swait.ge [sflag:s0], $0xC000  }
0x7c8: {  	[sflag:s0] =	ssyncset.done $0x0  }
0x7c9: {  	s1 =	sadd.s32 $0xFFFFFFFF, s1;
	[sflag:s0] =	ssyncadd.s32 $0xFFFF4000  }
0x7ca: {  	_ =	sfence.sel $0x180000  }
0x7cb: {  	[bflag:$0x0] =	sbarrier.arrive $0xFFFF  }
0x7cc: {  	_ =	strace $0x90000047  }
0x7cd: {  	s0 =	stileid.u32;
	[bflag:$0x2] =	sbarrier.arrive $0xFFFF  }
0x7ce: {  	p0 =	sne.s32 s0, $0x0;
	s0 =	rddreg [dreg:$0x2]  }
0x7cf: {  	s0 =	sadd.s32 @!p0 $0x100000, s0  }
0x7d0: {  	[sflag:s0] =	ssyncadd.tile.s32 @!p0 $0x1;
	_ =	shalt  }
.Lfunc_end2:
_tile_overlayer_lowered:
.L_overlay_start_2:
0x7d1: {  	(tag) =	ssettag $0x2  }
0x7d2: {  	s0 =	rddreg [dreg:$0x0];
	s2 =	stileid.u32  }
0x7d3: {  	s1 =	rddreg [dreg:$0x1];
	p0 =	sne.s32 s2, $0x0  }
0x7d4: {  	s3 =	rddreg [dreg:$0x2];
	[bflag:$0x3] =	sbarrier.arrive $0xFFFF;
	s2 =	simm.s32 @!p0 $0x1C05  }
0x7d5: {  	[timem:s3], [sflag:s2] =	dma.local @!p0 [hbm:s0], s1  }
0x7d6: {  	s0 =	simm.s32 @!p0 $0x5  }
0x7d7: {  	_ =	swait.ge @!p0 [sflag:s0], s1  }
0x7d8: {  	s1 =	ssub.s32 @!p0 $0x0, s1;
	[sflag:s0] =	ssyncset.done @!p0 $0x0  }
0x7d9: {  	[sflag:s0] =	ssyncadd.s32 @!p0 s1  }
0x7da: {  	[bflag:$0x3] =	sbarrier.arrive $0xFFFF  }
0x7db: {  	_ =	shalt  }

</sc_bundles>
